<compile_context>
chip_gen: v7x
topology: tpu7x:2x2x1
jax: 0.10.2.dev20260603
libtpu: 0.0.44.dev20260713+nightly
codegen_flags: <defaults>
</compile_context>

<pallas_src>
import functools

import jax
import jax.numpy as jnp
from jax import lax
from jax.experimental import pallas as pl
from jax.experimental.pallas import tpu as pltpu
from jax.experimental.pallas import tpu_sc as plsc

BATCH = 16384
RANK = 64
PAIR = 128
NUM_CORES = 2
NUM_SUBCORES = 16
NUM_WORKERS = NUM_CORES * NUM_SUBCORES
B_PER_W = BATCH // NUM_WORKERS
PASS_ROWS = 256
LANES = 16

BLK = 32768
QBLK = BLK // 4
BLK_SHIFT = 15
Q_SHIFT = 13
Q_MASK = QBLK - 1

NUM_U = 100001
NUM_V = 1000001

_HI_MASK = -65536


def _pack_body(src_ref, out_ref):
    x = src_ref[...]
    xi = lax.bitcast_convert_type(x, jnp.int32) + 32768
    lo = (xi[:32, :] >> 16) & 65535
    hi = xi[32:, :] & _HI_MASK
    w = lax.bitcast_convert_type(lo | hi, jnp.float32)
    y = jnp.concatenate(
        [w[:, :QBLK], w[:, QBLK:2 * QBLK],
         w[:, 2 * QBLK:3 * QBLK], w[:, 3 * QBLK:]], axis=0)
    out_ref[...] = y.T


def _tc_pack(tableT):
    k, n = tableT.shape
    grid = (n + BLK - 1) // BLK
    return pl.pallas_call(
        _pack_body,
        grid=(grid,),
        in_specs=[pl.BlockSpec((k, BLK), lambda g: (0, g))],
        out_specs=pl.BlockSpec((QBLK, PAIR), lambda g: (g, 0)),
        out_shape=jax.ShapeDtypeStruct((grid * QBLK, PAIR), jnp.float32),
    )(tableT)


def _sc_body(users_hbm, items_hbm, pred_hbm, u2_hbm, v2_hbm, out_hbm,
             uidxA, uidxB, iidxA, iidxB, ucol, icol, urows, vrows,
             pvec, outv, accv, sem_u, sem_v):
    wid = lax.axis_index("s") * NUM_CORES + lax.axis_index("c")
    base = wid * B_PER_W

    pltpu.sync_copy(users_hbm.at[pl.ds(base, PASS_ROWS)], uidxA)
    pltpu.sync_copy(users_hbm.at[pl.ds(base + PASS_ROWS, PASS_ROWS)], uidxB)
    pltpu.sync_copy(items_hbm.at[pl.ds(base, PASS_ROWS)], iidxA)
    pltpu.sync_copy(items_hbm.at[pl.ds(base + PASS_ROWS, PASS_ROWS)], iidxB)
    pltpu.sync_copy(pred_hbm, pvec)

    def make_fix(idx_ref, col_ref, col_off):
        def fix(i, carry):
            r = idx_ref[pl.ds(i * LANES, LANES)]
            slot = ((r >> BLK_SHIFT) << Q_SHIFT) + (r & Q_MASK)
            quarter = (r >> Q_SHIFT) & 3
            idx_ref[pl.ds(i * LANES, LANES)] = slot
            col_ref[pl.ds(col_off + i * LANES, LANES)] = quarter * 32
            return carry
        return fix

    n_fix = PASS_ROWS // LANES
    lax.fori_loop(0, n_fix, make_fix(uidxA, ucol, 0), 0)
    lax.fori_loop(0, n_fix, make_fix(uidxB, ucol, PASS_ROWS), 0)
    lax.fori_loop(0, n_fix, make_fix(iidxA, icol, 0), 0)
    lax.fori_loop(0, n_fix, make_fix(iidxB, icol, PASS_ROWS), 0)

    pe = [pvec[pl.ds(0, LANES)], pvec[pl.ds(LANES, LANES)]]
    po = [pvec[pl.ds(2 * LANES, LANES)], pvec[pl.ds(3 * LANES, LANES)]]

    lane_ids = lax.iota(jnp.int32, LANES)
    col_base = lane_ids * LANES
    wchunks = [lane_ids, lane_ids + LANES]

    def unpack(wv):
        wi = plsc.bitcast(wv, jnp.int32)
        ev = plsc.bitcast(wi << 16, jnp.float32)
        od = plsc.bitcast(wi & _HI_MASK, jnp.float32)
        return ev, od

    def do_pass(pbase, uref, iref):
        cu = pltpu.async_copy(u2_hbm.at[uref], urows, sem_u)
        cv = pltpu.async_copy(v2_hbm.at[iref], vrows, sem_v)
        cu.wait()
        cv.wait()

        def group(g, carry):
            b0 = g * LANES
            for j in range(LANES):
                b = b0 + j
                bsplat = jnp.full((LANES,), b, jnp.int32)
                uco = plsc.load_gather(ucol, [bsplat + pbase])
                ico = plsc.load_gather(icol, [bsplat + pbase])
                acc = jnp.zeros((LANES,), jnp.float32)
                for c in range(2):
                    wu = plsc.load_gather(urows, [bsplat, uco + wchunks[c]])
                    wv = plsc.load_gather(vrows, [bsplat, ico + wchunks[c]])
                    ue, uo = unpack(wu)
                    ve, vo = unpack(wv)
                    acc += ue * ve * pe[c]
                    acc += uo * vo * po[c]
                accv[pl.ds(j * LANES, LANES)] = acc
            vec = plsc.load_gather(accv, [col_base])
            for k in range(1, LANES):
                vec += plsc.load_gather(accv, [col_base + k])
            outv[pl.ds(pbase + b0, LANES)] = vec
            return carry

        lax.fori_loop(0, PASS_ROWS // LANES, group, 0)

    do_pass(0, uidxA, iidxA)
    do_pass(PASS_ROWS, uidxB, iidxB)

    pltpu.sync_copy(outv, out_hbm.at[pl.ds(base, B_PER_W)])


@functools.partial(
    pl.kernel,
    mesh=plsc.VectorSubcoreMesh(core_axis_name="c", subcore_axis_name="s"),
    out_type=jax.ShapeDtypeStruct((BATCH,), jnp.float32),
    compiler_params=pltpu.CompilerParams(
        needs_layout_passes=False, use_tc_tiling_on_sc=True),
    scratch_types=[
        pltpu.VMEM((PASS_ROWS,), jnp.int32),
        pltpu.VMEM((PASS_ROWS,), jnp.int32),
        pltpu.VMEM((PASS_ROWS,), jnp.int32),
        pltpu.VMEM((PASS_ROWS,), jnp.int32),
        pltpu.VMEM((B_PER_W,), jnp.int32),
        pltpu.VMEM((B_PER_W,), jnp.int32),
        pltpu.VMEM((PASS_ROWS, PAIR), jnp.float32),
        pltpu.VMEM((PASS_ROWS, PAIR), jnp.float32),
        pltpu.VMEM((RANK,), jnp.float32),
        pltpu.VMEM((B_PER_W,), jnp.float32),
        pltpu.VMEM((LANES * LANES,), jnp.float32),
        pltpu.SemaphoreType.DMA,
        pltpu.SemaphoreType.DMA,
    ],
)
def _sc_kernel(users_hbm, items_hbm, pred_hbm, u2_hbm, v2_hbm, out_hbm,
               uidxA, uidxB, iidxA, iidxB, ucol, icol, urows, vrows,
               pvec, outv, accv, sem_u, sem_v):
    _sc_body(users_hbm, items_hbm, pred_hbm, u2_hbm, v2_hbm, out_hbm,
             uidxA, uidxB, iidxA, iidxB, ucol, icol, urows, vrows,
             pvec, outv, accv, sem_u, sem_v)


def kernel(users, items, embed_U, embed_V, predict_layer):
    pred = predict_layer.reshape(RANK)
    u2 = _tc_pack(embed_U.T)
    v2 = _tc_pack(embed_V.T)
    return _sc_kernel(users, items, pred, u2, v2)

# --- scband reference (transcript-rebuilt; emitter-appended) ---
"""Pipeline reference for scband-model-class-790273982930 (READ-ONLY COPY).

The authoritative reference and input builder live on the scoring server;
editing this copy changes nothing except your own understanding.
"""

import jax, jax.numpy as jnp
import numpy as np

NUM_USERS = 100000
NUM_ITEMS = 1000000
RANK = 64
BATCH = 16384


def setup_inputs(seed: int = 0) -> dict:
    key = jax.random.key(seed)
    k1, k2, k3, k4 = jax.random.split(key, 4)
    users = jax.random.randint(k1, (BATCH,), 0, NUM_USERS + 1, dtype=jnp.int64 if jax.config.jax_enable_x64 else jnp.int32).astype(jnp.int32)
    items = jax.random.randint(k2, (BATCH,), 0, NUM_ITEMS + 1, dtype=jnp.int32)
    embed_U = jax.random.normal(k3, (NUM_USERS + 1, RANK), dtype=jnp.float32) * 0.01
    embed_V = jax.random.normal(k4, (NUM_ITEMS + 1, RANK), dtype=jnp.float32) * 0.01
    predict_layer = jnp.ones((RANK, 1), dtype=jnp.float32)
    return {"users": users, "items": items, "embed_U": embed_U, "embed_V": embed_V, "predict_layer": predict_layer}


def reference(users, items, embed_U, embed_V, predict_layer):
    # embedding lookups (gather)
    embed_user = jnp.take(embed_U, users, axis=0)   # [B, rank]
    embed_item = jnp.take(embed_V, items, axis=0)   # [B, rank]
    output_GMF = embed_user * embed_item            # [B, rank]
    prediction = jnp.matmul(output_GMF, predict_layer)  # [B, 1]
    return prediction.reshape(-1)

if __name__ == "__main__":
    import jax
    _d = setup_inputs()
    print(jax.jit(kernel)(*tuple(_d.values())))

</pallas_src>

<mosaic_0001>
#map = affine_map<(d0, d1) -> (0)>
#map1 = affine_map<(d0, d1) -> (0, 0)>
module attributes {stable_mosaic.version = 14 : i64} {
  func.func @_sc_kernel(%arg0: i32, %arg1: i32, %arg2: memref<16384xi32, #tpu.memory_space<hbm>>, %arg3: memref<16384xi32, #tpu.memory_space<hbm>>, %arg4: memref<64xf32, #tpu.memory_space<hbm>>, %arg5: memref<32768x128xf32, #tpu.memory_space<hbm>>, %arg6: memref<253952x128xf32, #tpu.memory_space<hbm>>, %arg7: memref<16384xf32, #tpu.memory_space<hbm>>, %arg8: memref<256xi32, #tpu.memory_space<vmem>>, %arg9: memref<256xi32, #tpu.memory_space<vmem>>, %arg10: memref<256xi32, #tpu.memory_space<vmem>>, %arg11: memref<256xi32, #tpu.memory_space<vmem>>, %arg12: memref<512xi32, #tpu.memory_space<vmem>>, %arg13: memref<512xi32, #tpu.memory_space<vmem>>, %arg14: memref<256x128xf32, #tpu.memory_space<vmem>>, %arg15: memref<256x128xf32, #tpu.memory_space<vmem>>, %arg16: memref<64xf32, #tpu.memory_space<vmem>>, %arg17: memref<512xf32, #tpu.memory_space<vmem>>, %arg18: memref<256xf32, #tpu.memory_space<vmem>>, %arg19: memref<!tpu.dma_semaphore, #tpu.memory_space<semaphore_mem>>, %arg20: memref<!tpu.dma_semaphore, #tpu.memory_space<semaphore_mem>>) attributes {dimension_semantics = [#tpu.dimension_semantics<core_parallel>, #tpu.dimension_semantics<subcore_parallel>], iteration_bounds = array<i64: 2, 16>, scalar_prefetch = 0 : i64, scratch_operands = 13 : i64, tpu.core_type = #tpu.core_type<sc_vector_subcore>, window_params = [{transform_indices = #map}, {transform_indices = #map}, {transform_indices = #map}, {transform_indices = #map1}, {transform_indices = #map1}, {transform_indices = #map}]} {
    %mul3A = arith.constant 2 : i32
    %mul3A_0 = arith.muli %arg1, %mul3A : i32
    %add3A = arith.addi %mul3A_0, %arg0 : i32
    %mul3A_1 = arith.constant 512 : i32
    %mul3A_2 = arith.muli %add3A, %mul3A_1 : i32
    "tpu.region"() ({
      %run_scoped3A = tpu.sem_alloc : memref<!tpu.dma_semaphore, #tpu.memory_space<semaphore_mem>>
      %dma_start3A_77 = tpu.memref_slice %arg2[%mul3A_2] : memref<16384xi32, #tpu.memory_space<hbm>> -> memref<256xi32, #tpu.memory_space<hbm>>
      %dma_start3A_78 = tpu.memref_slice %arg2[%mul3A_2] : memref<16384xi32, #tpu.memory_space<hbm>> -> memref<256xi32, #tpu.memory_space<hbm>>
      tpu.enqueue_dma source(%dma_start3A_78 : memref<256xi32, #tpu.memory_space<hbm>>) target(%arg8 : memref<256xi32, #tpu.memory_space<vmem>>) target_semaphore(%run_scoped3A : memref<!tpu.dma_semaphore, #tpu.memory_space<semaphore_mem>>)
      %dma_wait3A_79 = tpu.memref_slice %arg2[%mul3A_2] : memref<16384xi32, #tpu.memory_space<hbm>> -> memref<256xi32, #tpu.memory_space<hbm>>
      %dma_wait3A_80 = tpu.memref_slice %arg2[%mul3A_2] : memref<16384xi32, #tpu.memory_space<hbm>> -> memref<256xi32, #tpu.memory_space<hbm>>
      tpu.wait_dma2 semaphore(%run_scoped3A : memref<!tpu.dma_semaphore, #tpu.memory_space<semaphore_mem>>) src(%dma_wait3A_80 : memref<256xi32, #tpu.memory_space<hbm>>) dst(%arg8 : memref<256xi32, #tpu.memory_space<vmem>>)
      tpu.yield
    }) : () -> ()
    %add3A_3 = arith.constant 256 : i32
    %add3A_4 = arith.addi %mul3A_2, %add3A_3 : i32
    "tpu.region"() ({
      %run_scoped3A = tpu.sem_alloc : memref<!tpu.dma_semaphore, #tpu.memory_space<semaphore_mem>>
      %dma_start3A_77 = tpu.memref_slice %arg2[%add3A_4] : memref<16384xi32, #tpu.memory_space<hbm>> -> memref<256xi32, #tpu.memory_space<hbm>>
      %dma_start3A_78 = tpu.memref_slice %arg2[%add3A_4] : memref<16384xi32, #tpu.memory_space<hbm>> -> memref<256xi32, #tpu.memory_space<hbm>>
      tpu.enqueue_dma source(%dma_start3A_78 : memref<256xi32, #tpu.memory_space<hbm>>) target(%arg9 : memref<256xi32, #tpu.memory_space<vmem>>) target_semaphore(%run_scoped3A : memref<!tpu.dma_semaphore, #tpu.memory_space<semaphore_mem>>)
      %dma_wait3A_79 = tpu.memref_slice %arg2[%add3A_4] : memref<16384xi32, #tpu.memory_space<hbm>> -> memref<256xi32, #tpu.memory_space<hbm>>
      %dma_wait3A_80 = tpu.memref_slice %arg2[%add3A_4] : memref<16384xi32, #tpu.memory_space<hbm>> -> memref<256xi32, #tpu.memory_space<hbm>>
      tpu.wait_dma2 semaphore(%run_scoped3A : memref<!tpu.dma_semaphore, #tpu.memory_space<semaphore_mem>>) src(%dma_wait3A_80 : memref<256xi32, #tpu.memory_space<hbm>>) dst(%arg9 : memref<256xi32, #tpu.memory_space<vmem>>)
      tpu.yield
    }) : () -> ()
    "tpu.region"() ({
      %run_scoped3A = tpu.sem_alloc : memref<!tpu.dma_semaphore, #tpu.memory_space<semaphore_mem>>
      %dma_start3A_77 = tpu.memref_slice %arg3[%mul3A_2] : memref<16384xi32, #tpu.memory_space<hbm>> -> memref<256xi32, #tpu.memory_space<hbm>>
      %dma_start3A_78 = tpu.memref_slice %arg3[%mul3A_2] : memref<16384xi32, #tpu.memory_space<hbm>> -> memref<256xi32, #tpu.memory_space<hbm>>
      tpu.enqueue_dma source(%dma_start3A_78 : memref<256xi32, #tpu.memory_space<hbm>>) target(%arg10 : memref<256xi32, #tpu.memory_space<vmem>>) target_semaphore(%run_scoped3A : memref<!tpu.dma_semaphore, #tpu.memory_space<semaphore_mem>>)
      %dma_wait3A_79 = tpu.memref_slice %arg3[%mul3A_2] : memref<16384xi32, #tpu.memory_space<hbm>> -> memref<256xi32, #tpu.memory_space<hbm>>
      %dma_wait3A_80 = tpu.memref_slice %arg3[%mul3A_2] : memref<16384xi32, #tpu.memory_space<hbm>> -> memref<256xi32, #tpu.memory_space<hbm>>
      tpu.wait_dma2 semaphore(%run_scoped3A : memref<!tpu.dma_semaphore, #tpu.memory_space<semaphore_mem>>) src(%dma_wait3A_80 : memref<256xi32, #tpu.memory_space<hbm>>) dst(%arg10 : memref<256xi32, #tpu.memory_space<vmem>>)
      tpu.yield
    }) : () -> ()
    %add3A_5 = arith.constant 256 : i32
    %add3A_6 = arith.addi %mul3A_2, %add3A_5 : i32
    "tpu.region"() ({
      %run_scoped3A = tpu.sem_alloc : memref<!tpu.dma_semaphore, #tpu.memory_space<semaphore_mem>>
      %dma_start3A_77 = tpu.memref_slice %arg3[%add3A_6] : memref<16384xi32, #tpu.memory_space<hbm>> -> memref<256xi32, #tpu.memory_space<hbm>>
      %dma_start3A_78 = tpu.memref_slice %arg3[%add3A_6] : memref<16384xi32, #tpu.memory_space<hbm>> -> memref<256xi32, #tpu.memory_space<hbm>>
      tpu.enqueue_dma source(%dma_start3A_78 : memref<256xi32, #tpu.memory_space<hbm>>) target(%arg11 : memref<256xi32, #tpu.memory_space<vmem>>) target_semaphore(%run_scoped3A : memref<!tpu.dma_semaphore, #tpu.memory_space<semaphore_mem>>)
      %dma_wait3A_79 = tpu.memref_slice %arg3[%add3A_6] : memref<16384xi32, #tpu.memory_space<hbm>> -> memref<256xi32, #tpu.memory_space<hbm>>
      %dma_wait3A_80 = tpu.memref_slice %arg3[%add3A_6] : memref<16384xi32, #tpu.memory_space<hbm>> -> memref<256xi32, #tpu.memory_space<hbm>>
      tpu.wait_dma2 semaphore(%run_scoped3A : memref<!tpu.dma_semaphore, #tpu.memory_space<semaphore_mem>>) src(%dma_wait3A_80 : memref<256xi32, #tpu.memory_space<hbm>>) dst(%arg11 : memref<256xi32, #tpu.memory_space<vmem>>)
      tpu.yield
    }) : () -> ()
    "tpu.region"() ({
      %run_scoped3A = tpu.sem_alloc : memref<!tpu.dma_semaphore, #tpu.memory_space<semaphore_mem>>
      tpu.enqueue_dma source(%arg4 : memref<64xf32, #tpu.memory_space<hbm>>) target(%arg16 : memref<64xf32, #tpu.memory_space<vmem>>) target_semaphore(%run_scoped3A : memref<!tpu.dma_semaphore, #tpu.memory_space<semaphore_mem>>)
      tpu.wait_dma2 semaphore(%run_scoped3A : memref<!tpu.dma_semaphore, #tpu.memory_space<semaphore_mem>>) src(%arg4 : memref<64xf32, #tpu.memory_space<hbm>>) dst(%arg16 : memref<64xf32, #tpu.memory_space<vmem>>)
      tpu.yield
    }) : () -> ()
    %scan3A = arith.constant 0 : i32
    %scan3A_7 = arith.constant 0 : i32
    %scan3A_8 = arith.constant 16 : i32
    %scan3A_9 = arith.addi %scan3A_7, %scan3A_8 : i32
    %scan3A_10 = arith.constant 1 : i32
    scf.for %scan3A_77 = %scan3A_7 to %scan3A_9 step %scan3A_10  : i32 {
      %mul3A_78 = arith.constant 16 : i32
      %mul3A_79 = arith.muli %scan3A_77, %mul3A_78 : i32
      %get3A_80 = arith.index_cast %mul3A_79 : i32 to index
      %get3A_81 = tpu.vector_load %arg8[%get3A_80] {strides = array<i32>} : memref<256xi32, #tpu.memory_space<vmem>>, vector<16xi32>,
      %shift_right_arithmetic3A = arith.constant 15 : i32
      %shift_right_arithmetic3A_82 = vector.broadcast %shift_right_arithmetic3A : i32 to vector<16xi32>
      %shift_right_arithmetic3A_83 = arith.shrsi %get3A_81, %shift_right_arithmetic3A_82 : vector<16xi32>
      %shift_left3A = arith.constant 13 : i32
      %shift_left3A_84 = vector.broadcast %shift_left3A : i32 to vector<16xi32>
      %shift_left3A_85 = arith.shli %shift_right_arithmetic3A_83, %shift_left3A_84 : vector<16xi32>
      %and3A = arith.constant 8191 : i32
      %and3A_86 = vector.broadcast %and3A : i32 to vector<16xi32>
      %and3A_87 = arith.andi %get3A_81, %and3A_86 : vector<16xi32>
      %add3A_88 = arith.addi %shift_left3A_85, %and3A_87 : vector<16xi32>
      %shift_right_arithmetic3A_89 = arith.constant 13 : i32
      %shift_right_arithmetic3A_90 = vector.broadcast %shift_right_arithmetic3A_89 : i32 to vector<16xi32>
      %shift_right_arithmetic3A_91 = arith.shrsi %get3A_81, %shift_right_arithmetic3A_90 : vector<16xi32>
      %and3A_92 = arith.constant 3 : i32
      %and3A_93 = vector.broadcast %and3A_92 : i32 to vector<16xi32>
      %and3A_94 = arith.andi %shift_right_arithmetic3A_91, %and3A_93 : vector<16xi32>
      %mul3A_95 = arith.constant 16 : i32
      %mul3A_96 = arith.muli %scan3A_77, %mul3A_95 : i32
      %swap3A = arith.index_cast %mul3A_96 : i32 to index
      %swap3A_97 = tpu.vector_load %arg8[%swap3A] {strides = array<i32>} : memref<256xi32, #tpu.memory_space<vmem>>, vector<16xi32>,
      tpu.vector_store %arg8[%swap3A], %add3A_88 {strides = array<i32>} : memref<256xi32, #tpu.memory_space<vmem>>, vector<16xi32>,
      %mul3A_98 = arith.constant 32 : i32
      %mul3A_99 = vector.broadcast %mul3A_98 : i32 to vector<16xi32>
      %mul3A_100 = arith.muli %and3A_94, %mul3A_99 : vector<16xi32>
      %mul3A_101 = arith.constant 16 : i32
      %mul3A_102 = arith.muli %scan3A_77, %mul3A_101 : i32
      %add3A_103 = arith.constant 0 : i32
      %add3A_104 = arith.addi %add3A_103, %mul3A_102 : i32
      %swap3A_105 = arith.index_cast %add3A_104 : i32 to index
      %swap3A_106 = tpu.vector_load %arg12[%swap3A_105] {strides = array<i32>} : memref<512xi32, #tpu.memory_space<vmem>>, vector<16xi32>,
      tpu.vector_store %arg12[%swap3A_105], %mul3A_100 {strides = array<i32>} : memref<512xi32, #tpu.memory_space<vmem>>, vector<16xi32>,
    }
    %scan3A_11 = arith.constant 16 : i32
    %scan3A_12 = arith.constant 0 : i32
    %scan3A_13 = arith.constant 0 : i32
    %scan3A_14 = arith.constant 16 : i32
    %scan3A_15 = arith.addi %scan3A_13, %scan3A_14 : i32
    %scan3A_16 = arith.constant 1 : i32
    scf.for %scan3A_77 = %scan3A_13 to %scan3A_15 step %scan3A_16  : i32 {
      %mul3A_78 = arith.constant 16 : i32
      %mul3A_79 = arith.muli %scan3A_77, %mul3A_78 : i32
      %get3A_80 = arith.index_cast %mul3A_79 : i32 to index
      %get3A_81 = tpu.vector_load %arg9[%get3A_80] {strides = array<i32>} : memref<256xi32, #tpu.memory_space<vmem>>, vector<16xi32>,
      %shift_right_arithmetic3A = arith.constant 15 : i32
      %shift_right_arithmetic3A_82 = vector.broadcast %shift_right_arithmetic3A : i32 to vector<16xi32>
      %shift_right_arithmetic3A_83 = arith.shrsi %get3A_81, %shift_right_arithmetic3A_82 : vector<16xi32>
      %shift_left3A = arith.constant 13 : i32
      %shift_left3A_84 = vector.broadcast %shift_left3A : i32 to vector<16xi32>
      %shift_left3A_85 = arith.shli %shift_right_arithmetic3A_83, %shift_left3A_84 : vector<16xi32>
      %and3A = arith.constant 8191 : i32
      %and3A_86 = vector.broadcast %and3A : i32 to vector<16xi32>
      %and3A_87 = arith.andi %get3A_81, %and3A_86 : vector<16xi32>
      %add3A_88 = arith.addi %shift_left3A_85, %and3A_87 : vector<16xi32>
      %shift_right_arithmetic3A_89 = arith.constant 13 : i32
      %shift_right_arithmetic3A_90 = vector.broadcast %shift_right_arithmetic3A_89 : i32 to vector<16xi32>
      %shift_right_arithmetic3A_91 = arith.shrsi %get3A_81, %shift_right_arithmetic3A_90 : vector<16xi32>
      %and3A_92 = arith.constant 3 : i32
      %and3A_93 = vector.broadcast %and3A_92 : i32 to vector<16xi32>
      %and3A_94 = arith.andi %shift_right_arithmetic3A_91, %and3A_93 : vector<16xi32>
      %mul3A_95 = arith.constant 16 : i32
      %mul3A_96 = arith.muli %scan3A_77, %mul3A_95 : i32
      %swap3A = arith.index_cast %mul3A_96 : i32 to index
      %swap3A_97 = tpu.vector_load %arg9[%swap3A] {strides = array<i32>} : memref<256xi32, #tpu.memory_space<vmem>>, vector<16xi32>,
      tpu.vector_store %arg9[%swap3A], %add3A_88 {strides = array<i32>} : memref<256xi32, #tpu.memory_space<vmem>>, vector<16xi32>,
      %mul3A_98 = arith.constant 32 : i32
      %mul3A_99 = vector.broadcast %mul3A_98 : i32 to vector<16xi32>
      %mul3A_100 = arith.muli %and3A_94, %mul3A_99 : vector<16xi32>
      %mul3A_101 = arith.constant 16 : i32
      %mul3A_102 = arith.muli %scan3A_77, %mul3A_101 : i32
      %add3A_103 = arith.constant 256 : i32
      %add3A_104 = arith.addi %add3A_103, %mul3A_102 : i32
      %swap3A_105 = arith.index_cast %add3A_104 : i32 to index
      %swap3A_106 = tpu.vector_load %arg12[%swap3A_105] {strides = array<i32>} : memref<512xi32, #tpu.memory_space<vmem>>, vector<16xi32>,
      tpu.vector_store %arg12[%swap3A_105], %mul3A_100 {strides = array<i32>} : memref<512xi32, #tpu.memory_space<vmem>>, vector<16xi32>,
    }
    %scan3A_17 = arith.constant 16 : i32
    %scan3A_18 = arith.constant 0 : i32
    %scan3A_19 = arith.constant 0 : i32
    %scan3A_20 = arith.constant 16 : i32
    %scan3A_21 = arith.addi %scan3A_19, %scan3A_20 : i32
    %scan3A_22 = arith.constant 1 : i32
    scf.for %scan3A_77 = %scan3A_19 to %scan3A_21 step %scan3A_22  : i32 {
      %mul3A_78 = arith.constant 16 : i32
      %mul3A_79 = arith.muli %scan3A_77, %mul3A_78 : i32
      %get3A_80 = arith.index_cast %mul3A_79 : i32 to index
      %get3A_81 = tpu.vector_load %arg10[%get3A_80] {strides = array<i32>} : memref<256xi32, #tpu.memory_space<vmem>>, vector<16xi32>,
      %shift_right_arithmetic3A = arith.constant 15 : i32
      %shift_right_arithmetic3A_82 = vector.broadcast %shift_right_arithmetic3A : i32 to vector<16xi32>
      %shift_right_arithmetic3A_83 = arith.shrsi %get3A_81, %shift_right_arithmetic3A_82 : vector<16xi32>
      %shift_left3A = arith.constant 13 : i32
      %shift_left3A_84 = vector.broadcast %shift_left3A : i32 to vector<16xi32>
      %shift_left3A_85 = arith.shli %shift_right_arithmetic3A_83, %shift_left3A_84 : vector<16xi32>
      %and3A = arith.constant 8191 : i32
      %and3A_86 = vector.broadcast %and3A : i32 to vector<16xi32>
      %and3A_87 = arith.andi %get3A_81, %and3A_86 : vector<16xi32>
      %add3A_88 = arith.addi %shift_left3A_85, %and3A_87 : vector<16xi32>
      %shift_right_arithmetic3A_89 = arith.constant 13 : i32
      %shift_right_arithmetic3A_90 = vector.broadcast %shift_right_arithmetic3A_89 : i32 to vector<16xi32>
      %shift_right_arithmetic3A_91 = arith.shrsi %get3A_81, %shift_right_arithmetic3A_90 : vector<16xi32>
      %and3A_92 = arith.constant 3 : i32
      %and3A_93 = vector.broadcast %and3A_92 : i32 to vector<16xi32>
      %and3A_94 = arith.andi %shift_right_arithmetic3A_91, %and3A_93 : vector<16xi32>
      %mul3A_95 = arith.constant 16 : i32
      %mul3A_96 = arith.muli %scan3A_77, %mul3A_95 : i32
      %swap3A = arith.index_cast %mul3A_96 : i32 to index
      %swap3A_97 = tpu.vector_load %arg10[%swap3A] {strides = array<i32>} : memref<256xi32, #tpu.memory_space<vmem>>, vector<16xi32>,
      tpu.vector_store %arg10[%swap3A], %add3A_88 {strides = array<i32>} : memref<256xi32, #tpu.memory_space<vmem>>, vector<16xi32>,
      %mul3A_98 = arith.constant 32 : i32
      %mul3A_99 = vector.broadcast %mul3A_98 : i32 to vector<16xi32>
      %mul3A_100 = arith.muli %and3A_94, %mul3A_99 : vector<16xi32>
      %mul3A_101 = arith.constant 16 : i32
      %mul3A_102 = arith.muli %scan3A_77, %mul3A_101 : i32
      %add3A_103 = arith.constant 0 : i32
      %add3A_104 = arith.addi %add3A_103, %mul3A_102 : i32
      %swap3A_105 = arith.index_cast %add3A_104 : i32 to index
      %swap3A_106 = tpu.vector_load %arg13[%swap3A_105] {strides = array<i32>} : memref<512xi32, #tpu.memory_space<vmem>>, vector<16xi32>,
      tpu.vector_store %arg13[%swap3A_105], %mul3A_100 {strides = array<i32>} : memref<512xi32, #tpu.memory_space<vmem>>, vector<16xi32>,
    }
    %scan3A_23 = arith.constant 16 : i32
    %scan3A_24 = arith.constant 0 : i32
    %scan3A_25 = arith.constant 0 : i32
    %scan3A_26 = arith.constant 16 : i32
    %scan3A_27 = arith.addi %scan3A_25, %scan3A_26 : i32
    %scan3A_28 = arith.constant 1 : i32
    scf.for %scan3A_77 = %scan3A_25 to %scan3A_27 step %scan3A_28  : i32 {
      %mul3A_78 = arith.constant 16 : i32
      %mul3A_79 = arith.muli %scan3A_77, %mul3A_78 : i32
      %get3A_80 = arith.index_cast %mul3A_79 : i32 to index
      %get3A_81 = tpu.vector_load %arg11[%get3A_80] {strides = array<i32>} : memref<256xi32, #tpu.memory_space<vmem>>, vector<16xi32>,
      %shift_right_arithmetic3A = arith.constant 15 : i32
      %shift_right_arithmetic3A_82 = vector.broadcast %shift_right_arithmetic3A : i32 to vector<16xi32>
      %shift_right_arithmetic3A_83 = arith.shrsi %get3A_81, %shift_right_arithmetic3A_82 : vector<16xi32>
      %shift_left3A = arith.constant 13 : i32
      %shift_left3A_84 = vector.broadcast %shift_left3A : i32 to vector<16xi32>
      %shift_left3A_85 = arith.shli %shift_right_arithmetic3A_83, %shift_left3A_84 : vector<16xi32>
      %and3A = arith.constant 8191 : i32
      %and3A_86 = vector.broadcast %and3A : i32 to vector<16xi32>
      %and3A_87 = arith.andi %get3A_81, %and3A_86 : vector<16xi32>
      %add3A_88 = arith.addi %shift_left3A_85, %and3A_87 : vector<16xi32>
      %shift_right_arithmetic3A_89 = arith.constant 13 : i32
      %shift_right_arithmetic3A_90 = vector.broadcast %shift_right_arithmetic3A_89 : i32 to vector<16xi32>
      %shift_right_arithmetic3A_91 = arith.shrsi %get3A_81, %shift_right_arithmetic3A_90 : vector<16xi32>
      %and3A_92 = arith.constant 3 : i32
      %and3A_93 = vector.broadcast %and3A_92 : i32 to vector<16xi32>
      %and3A_94 = arith.andi %shift_right_arithmetic3A_91, %and3A_93 : vector<16xi32>
      %mul3A_95 = arith.constant 16 : i32
      %mul3A_96 = arith.muli %scan3A_77, %mul3A_95 : i32
      %swap3A = arith.index_cast %mul3A_96 : i32 to index
      %swap3A_97 = tpu.vector_load %arg11[%swap3A] {strides = array<i32>} : memref<256xi32, #tpu.memory_space<vmem>>, vector<16xi32>,
      tpu.vector_store %arg11[%swap3A], %add3A_88 {strides = array<i32>} : memref<256xi32, #tpu.memory_space<vmem>>, vector<16xi32>,
      %mul3A_98 = arith.constant 32 : i32
      %mul3A_99 = vector.broadcast %mul3A_98 : i32 to vector<16xi32>
      %mul3A_100 = arith.muli %and3A_94, %mul3A_99 : vector<16xi32>
      %mul3A_101 = arith.constant 16 : i32
      %mul3A_102 = arith.muli %scan3A_77, %mul3A_101 : i32
      %add3A_103 = arith.constant 256 : i32
      %add3A_104 = arith.addi %add3A_103, %mul3A_102 : i32
      %swap3A_105 = arith.index_cast %add3A_104 : i32 to index
      %swap3A_106 = tpu.vector_load %arg13[%swap3A_105] {strides = array<i32>} : memref<512xi32, #tpu.memory_space<vmem>>, vector<16xi32>,
      tpu.vector_store %arg13[%swap3A_105], %mul3A_100 {strides = array<i32>} : memref<512xi32, #tpu.memory_space<vmem>>, vector<16xi32>,
    }
    %scan3A_29 = arith.constant 16 : i32
    %get3A = arith.constant 0 : index
    %get3A_30 = tpu.vector_load %arg16[%get3A] {strides = array<i32>} : memref<64xf32, #tpu.memory_space<vmem>>, vector<16xf32>,
    %get3A_31 = arith.constant 16 : index
    %get3A_32 = tpu.vector_load %arg16[%get3A_31] {strides = array<i32>} : memref<64xf32, #tpu.memory_space<vmem>>, vector<16xf32>,
    %get3A_33 = arith.constant 32 : index
    %get3A_34 = tpu.vector_load %arg16[%get3A_33] {strides = array<i32>} : memref<64xf32, #tpu.memory_space<vmem>>, vector<16xf32>,
    %get3A_35 = arith.constant 48 : index
    %get3A_36 = tpu.vector_load %arg16[%get3A_35] {strides = array<i32>} : memref<64xf32, #tpu.memory_space<vmem>>, vector<16xf32>,
    %iota3A = tpu.iota {dimensions = array<i32: 0>} : vector<16xi32>
    %mul3A_37 = arith.constant 16 : i32
    %mul3A_38 = vector.broadcast %mul3A_37 : i32 to vector<16xi32>
    %mul3A_39 = arith.muli %iota3A, %mul3A_38 : vector<16xi32>
    %add3A_40 = arith.constant 16 : i32
    %add3A_41 = vector.broadcast %add3A_40 : i32 to vector<16xi32>
    %add3A_42 = arith.addi %iota3A, %add3A_41 : vector<16xi32>
    %dma_start3A = arith.constant 0 : i32
    %dma_start3A_43 = arith.constant 0 : i32
    %dma_start3A_44 = tpu.memref_slice %arg5[%dma_start3A, %dma_start3A_43] : memref<32768x128xf32, #tpu.memory_space<hbm>> -> memref<32768x128xf32, #tpu.memory_space<hbm>>
    tpu.enqueue_indirect_dma source(%dma_start3A_44 : memref<32768x128xf32, #tpu.memory_space<hbm>>) target(%arg14 : memref<256x128xf32, #tpu.memory_space<vmem>>) offsets(%arg8 : memref<256xi32, #tpu.memory_space<vmem>>) semaphore(%arg19 : memref<!tpu.dma_semaphore, #tpu.memory_space<semaphore_mem>>)
    %dma_start3A_45 = arith.constant 0 : i32
    %dma_start3A_46 = arith.constant 0 : i32
    %dma_start3A_47 = tpu.memref_slice %arg6[%dma_start3A_45, %dma_start3A_46] : memref<253952x128xf32, #tpu.memory_space<hbm>> -> memref<253952x128xf32, #tpu.memory_space<hbm>>
    tpu.enqueue_indirect_dma source(%dma_start3A_47 : memref<253952x128xf32, #tpu.memory_space<hbm>>) target(%arg15 : memref<256x128xf32, #tpu.memory_space<vmem>>) offsets(%arg10 : memref<256xi32, #tpu.memory_space<vmem>>) semaphore(%arg20 : memref<!tpu.dma_semaphore, #tpu.memory_space<semaphore_mem>>)
    %dma_wait3A = arith.constant 0 : i32
    %dma_wait3A_48 = arith.constant 0 : i32
    %dma_wait3A_49 = tpu.memref_slice %arg5[%dma_wait3A, %dma_wait3A_48] : memref<32768x128xf32, #tpu.memory_space<hbm>> -> memref<32768x128xf32, #tpu.memory_space<hbm>>
    tpu.wait_indirect_dma semaphore(%arg19 : memref<!tpu.dma_semaphore, #tpu.memory_space<semaphore_mem>>) src(%dma_wait3A_49 : memref<32768x128xf32, #tpu.memory_space<hbm>>) dst(%arg14 : memref<256x128xf32, #tpu.memory_space<vmem>>)
    %dma_wait3A_50 = arith.constant 0 : i32
    %dma_wait3A_51 = arith.constant 0 : i32
    %dma_wait3A_52 = tpu.memref_slice %arg6[%dma_wait3A_50, %dma_wait3A_51] : memref<253952x128xf32, #tpu.memory_space<hbm>> -> memref<253952x128xf32, #tpu.memory_space<hbm>>
    tpu.wait_indirect_dma semaphore(%arg20 : memref<!tpu.dma_semaphore, #tpu.memory_space<semaphore_mem>>) src(%dma_wait3A_52 : memref<253952x128xf32, #tpu.memory_space<hbm>>) dst(%arg15 : memref<256x128xf32, #tpu.memory_space<vmem>>)
    %scan3A_53 = arith.constant 0 : i32
    %scan3A_54 = arith.constant 0 : i32
    %scan3A_55 = arith.constant 16 : i32
    %scan3A_56 = arith.addi %scan3A_54, %scan3A_55 : i32
    %scan3A_57 = arith.constant 1 : i32
    scf.for %scan3A_77 = %scan3A_54 to %scan3A_56 step %scan3A_57  : i32 {
      %mul3A_78 = arith.constant 16 : i32
      %mul3A_79 = arith.muli %scan3A_77, %mul3A_78 : i32
      %add3A_80 = arith.constant 0 : i32
      %add3A_81 = arith.addi %mul3A_79, %add3A_80 : i32
      %broadcast_in_dim3A = vector.broadcast %add3A_81 : i32 to vector<16xi32>
      %add3A_82 = arith.constant 0 : i32
      %add3A_83 = vector.broadcast %add3A_82 : i32 to vector<16xi32>
      %add3A_84 = arith.addi %broadcast_in_dim3A, %add3A_83 : vector<16xi32>
      %gather3A = tpu.vector_load_idx %arg12[%add3A_84] : memref<512xi32, #tpu.memory_space<vmem>>[vector<16xi32>], vector<16xi32>,
      %add3A_85 = arith.constant 0 : i32
      %add3A_86 = vector.broadcast %add3A_85 : i32 to vector<16xi32>
      %add3A_87 = arith.addi %broadcast_in_dim3A, %add3A_86 : vector<16xi32>
      %gather3A_88 = tpu.vector_load_idx %arg13[%add3A_87] : memref<512xi32, #tpu.memory_space<vmem>>[vector<16xi32>], vector<16xi32>,
      %broadcast_in_dim3A_89 = arith.constant 0.000000e+00 : f32
      %broadcast_in_dim3A_90 = vector.broadcast %broadcast_in_dim3A_89 : f32 to vector<16xf32>
      %add3A_91 = arith.addi %gather3A, %iota3A : vector<16xi32>
      %gather3A_92 = tpu.vector_load_idx %arg14[%broadcast_in_dim3A, %add3A_91] : memref<256x128xf32, #tpu.memory_space<vmem>>[vector<16xi32>, vector<16xi32>], vector<16xf32>,
      %add3A_93 = arith.addi %gather3A_88, %iota3A : vector<16xi32>
      %gather3A_94 = tpu.vector_load_idx %arg15[%broadcast_in_dim3A, %add3A_93] : memref<256x128xf32, #tpu.memory_space<vmem>>[vector<16xi32>, vector<16xi32>], vector<16xf32>,
      %bitcast3A = vector.bitcast %gather3A_92 : vector<16xf32> to vector<16xi32>
      %shift_left3A = arith.constant 16 : i32
      %shift_left3A_95 = vector.broadcast %shift_left3A : i32 to vector<16xi32>
      %shift_left3A_96 = arith.shli %bitcast3A, %shift_left3A_95 : vector<16xi32>
      %bitcast3A_97 = vector.bitcast %shift_left3A_96 : vector<16xi32> to vector<16xf32>
      %and3A = arith.constant -65536 : i32
      %and3A_98 = vector.broadcast %and3A : i32 to vector<16xi32>
      %and3A_99 = arith.andi %bitcast3A, %and3A_98 : vector<16xi32>
      %bitcast3A_100 = vector.bitcast %and3A_99 : vector<16xi32> to vector<16xf32>
      %bitcast3A_101 = vector.bitcast %gather3A_94 : vector<16xf32> to vector<16xi32>
      %shift_left3A_102 = arith.constant 16 : i32
      %shift_left3A_103 = vector.broadcast %shift_left3A_102 : i32 to vector<16xi32>
      %shift_left3A_104 = arith.shli %bitcast3A_101, %shift_left3A_103 : vector<16xi32>
      %bitcast3A_105 = vector.bitcast %shift_left3A_104 : vector<16xi32> to vector<16xf32>
      %and3A_106 = arith.constant -65536 : i32
      %and3A_107 = vector.broadcast %and3A_106 : i32 to vector<16xi32>
      %and3A_108 = arith.andi %bitcast3A_101, %and3A_107 : vector<16xi32>
      %bitcast3A_109 = vector.bitcast %and3A_108 : vector<16xi32> to vector<16xf32>
      %mul3A_110 = arith.mulf %bitcast3A_97, %bitcast3A_105 : vector<16xf32>
      %mul3A_111 = arith.mulf %mul3A_110, %get3A_30 : vector<16xf32>
      %add3A_112 = arith.addf %broadcast_in_dim3A_90, %mul3A_111 : vector<16xf32>
      %mul3A_113 = arith.mulf %bitcast3A_100, %bitcast3A_109 : vector<16xf32>
      %mul3A_114 = arith.mulf %mul3A_113, %get3A_34 : vector<16xf32>
      %add3A_115 = arith.addf %add3A_112, %mul3A_114 : vector<16xf32>
      %add3A_116 = arith.addi %gather3A, %add3A_42 : vector<16xi32>
      %gather3A_117 = tpu.vector_load_idx %arg14[%broadcast_in_dim3A, %add3A_116] : memref<256x128xf32, #tpu.memory_space<vmem>>[vector<16xi32>, vector<16xi32>], vector<16xf32>,
      %add3A_118 = arith.addi %gather3A_88, %add3A_42 : vector<16xi32>
      %gather3A_119 = tpu.vector_load_idx %arg15[%broadcast_in_dim3A, %add3A_118] : memref<256x128xf32, #tpu.memory_space<vmem>>[vector<16xi32>, vector<16xi32>], vector<16xf32>,
      %bitcast3A_120 = vector.bitcast %gather3A_117 : vector<16xf32> to vector<16xi32>
      %shift_left3A_121 = arith.constant 16 : i32
      %shift_left3A_122 = vector.broadcast %shift_left3A_121 : i32 to vector<16xi32>
      %shift_left3A_123 = arith.shli %bitcast3A_120, %shift_left3A_122 : vector<16xi32>
      %bitcast3A_124 = vector.bitcast %shift_left3A_123 : vector<16xi32> to vector<16xf32>
      %and3A_125 = arith.constant -65536 : i32
      %and3A_126 = vector.broadcast %and3A_125 : i32 to vector<16xi32>
      %and3A_127 = arith.andi %bitcast3A_120, %and3A_126 : vector<16xi32>
      %bitcast3A_128 = vector.bitcast %and3A_127 : vector<16xi32> to vector<16xf32>
      %bitcast3A_129 = vector.bitcast %gather3A_119 : vector<16xf32> to vector<16xi32>
      %shift_left3A_130 = arith.constant 16 : i32
      %shift_left3A_131 = vector.broadcast %shift_left3A_130 : i32 to vector<16xi32>
      %shift_left3A_132 = arith.shli %bitcast3A_129, %shift_left3A_131 : vector<16xi32>
      %bitcast3A_133 = vector.bitcast %shift_left3A_132 : vector<16xi32> to vector<16xf32>
      %and3A_134 = arith.constant -65536 : i32
      %and3A_135 = vector.broadcast %and3A_134 : i32 to vector<16xi32>
      %and3A_136 = arith.andi %bitcast3A_129, %and3A_135 : vector<16xi32>
      %bitcast3A_137 = vector.bitcast %and3A_136 : vector<16xi32> to vector<16xf32>
      %mul3A_138 = arith.mulf %bitcast3A_124, %bitcast3A_133 : vector<16xf32>
      %mul3A_139 = arith.mulf %mul3A_138, %get3A_32 : vector<16xf32>
      %add3A_140 = arith.addf %add3A_115, %mul3A_139 : vector<16xf32>
      %mul3A_141 = arith.mulf %bitcast3A_128, %bitcast3A_137 : vector<16xf32>
      %mul3A_142 = arith.mulf %mul3A_141, %get3A_36 : vector<16xf32>
      %add3A_143 = arith.addf %add3A_140, %mul3A_142 : vector<16xf32>
      %swap3A = arith.constant 0 : index
      %swap3A_144 = tpu.vector_load %arg18[%swap3A] {strides = array<i32>} : memref<256xf32, #tpu.memory_space<vmem>>, vector<16xf32>,
      tpu.vector_store %arg18[%swap3A], %add3A_143 {strides = array<i32>} : memref<256xf32, #tpu.memory_space<vmem>>, vector<16xf32>,
      %add3A_145 = arith.constant 1 : i32
      %add3A_146 = arith.addi %mul3A_79, %add3A_145 : i32
      %broadcast_in_dim3A_147 = vector.broadcast %add3A_146 : i32 to vector<16xi32>
      %add3A_148 = arith.constant 0 : i32
      %add3A_149 = vector.broadcast %add3A_148 : i32 to vector<16xi32>
      %add3A_150 = arith.addi %broadcast_in_dim3A_147, %add3A_149 : vector<16xi32>
      %gather3A_151 = tpu.vector_load_idx %arg12[%add3A_150] : memref<512xi32, #tpu.memory_space<vmem>>[vector<16xi32>], vector<16xi32>,
      %add3A_152 = arith.constant 0 : i32
      %add3A_153 = vector.broadcast %add3A_152 : i32 to vector<16xi32>
      %add3A_154 = arith.addi %broadcast_in_dim3A_147, %add3A_153 : vector<16xi32>
      %gather3A_155 = tpu.vector_load_idx %arg13[%add3A_154] : memref<512xi32, #tpu.memory_space<vmem>>[vector<16xi32>], vector<16xi32>,
      %broadcast_in_dim3A_156 = arith.constant 0.000000e+00 : f32
      %broadcast_in_dim3A_157 = vector.broadcast %broadcast_in_dim3A_156 : f32 to vector<16xf32>
      %add3A_158 = arith.addi %gather3A_151, %iota3A : vector<16xi32>
      %gather3A_159 = tpu.vector_load_idx %arg14[%broadcast_in_dim3A_147, %add3A_158] : memref<256x128xf32, #tpu.memory_space<vmem>>[vector<16xi32>, vector<16xi32>], vector<16xf32>,
      %add3A_160 = arith.addi %gather3A_155, %iota3A : vector<16xi32>
      %gather3A_161 = tpu.vector_load_idx %arg15[%broadcast_in_dim3A_147, %add3A_160] : memref<256x128xf32, #tpu.memory_space<vmem>>[vector<16xi32>, vector<16xi32>], vector<16xf32>,
      %bitcast3A_162 = vector.bitcast %gather3A_159 : vector<16xf32> to vector<16xi32>
      %shift_left3A_163 = arith.constant 16 : i32
      %shift_left3A_164 = vector.broadcast %shift_left3A_163 : i32 to vector<16xi32>
      %shift_left3A_165 = arith.shli %bitcast3A_162, %shift_left3A_164 : vector<16xi32>
      %bitcast3A_166 = vector.bitcast %shift_left3A_165 : vector<16xi32> to vector<16xf32>
      %and3A_167 = arith.constant -65536 : i32
      %and3A_168 = vector.broadcast %and3A_167 : i32 to vector<16xi32>
      %and3A_169 = arith.andi %bitcast3A_162, %and3A_168 : vector<16xi32>
      %bitcast3A_170 = vector.bitcast %and3A_169 : vector<16xi32> to vector<16xf32>
      %bitcast3A_171 = vector.bitcast %gather3A_161 : vector<16xf32> to vector<16xi32>
      %shift_left3A_172 = arith.constant 16 : i32
      %shift_left3A_173 = vector.broadcast %shift_left3A_172 : i32 to vector<16xi32>
      %shift_left3A_174 = arith.shli %bitcast3A_171, %shift_left3A_173 : vector<16xi32>
      %bitcast3A_175 = vector.bitcast %shift_left3A_174 : vector<16xi32> to vector<16xf32>
      %and3A_176 = arith.constant -65536 : i32
      %and3A_177 = vector.broadcast %and3A_176 : i32 to vector<16xi32>
      %and3A_178 = arith.andi %bitcast3A_171, %and3A_177 : vector<16xi32>
      %bitcast3A_179 = vector.bitcast %and3A_178 : vector<16xi32> to vector<16xf32>
      %mul3A_180 = arith.mulf %bitcast3A_166, %bitcast3A_175 : vector<16xf32>
      %mul3A_181 = arith.mulf %mul3A_180, %get3A_30 : vector<16xf32>
      %add3A_182 = arith.addf %broadcast_in_dim3A_157, %mul3A_181 : vector<16xf32>
      %mul3A_183 = arith.mulf %bitcast3A_170, %bitcast3A_179 : vector<16xf32>
      %mul3A_184 = arith.mulf %mul3A_183, %get3A_34 : vector<16xf32>
      %add3A_185 = arith.addf %add3A_182, %mul3A_184 : vector<16xf32>
      %add3A_186 = arith.addi %gather3A_151, %add3A_42 : vector<16xi32>
      %gather3A_187 = tpu.vector_load_idx %arg14[%broadcast_in_dim3A_147, %add3A_186] : memref<256x128xf32, #tpu.memory_space<vmem>>[vector<16xi32>, vector<16xi32>], vector<16xf32>,
      %add3A_188 = arith.addi %gather3A_155, %add3A_42 : vector<16xi32>
      %gather3A_189 = tpu.vector_load_idx %arg15[%broadcast_in_dim3A_147, %add3A_188] : memref<256x128xf32, #tpu.memory_space<vmem>>[vector<16xi32>, vector<16xi32>], vector<16xf32>,
      %bitcast3A_190 = vector.bitcast %gather3A_187 : vector<16xf32> to vector<16xi32>
      %shift_left3A_191 = arith.constant 16 : i32
      %shift_left3A_192 = vector.broadcast %shift_left3A_191 : i32 to vector<16xi32>
      %shift_left3A_193 = arith.shli %bitcast3A_190, %shift_left3A_192 : vector<16xi32>
      %bitcast3A_194 = vector.bitcast %shift_left3A_193 : vector<16xi32> to vector<16xf32>
      %and3A_195 = arith.constant -65536 : i32
      %and3A_196 = vector.broadcast %and3A_195 : i32 to vector<16xi32>
      %and3A_197 = arith.andi %bitcast3A_190, %and3A_196 : vector<16xi32>
      %bitcast3A_198 = vector.bitcast %and3A_197 : vector<16xi32> to vector<16xf32>
      %bitcast3A_199 = vector.bitcast %gather3A_189 : vector<16xf32> to vector<16xi32>
      %shift_left3A_200 = arith.constant 16 : i32
      %shift_left3A_201 = vector.broadcast %shift_left3A_200 : i32 to vector<16xi32>
      %shift_left3A_202 = arith.shli %bitcast3A_199, %shift_left3A_201 : vector<16xi32>
      %bitcast3A_203 = vector.bitcast %shift_left3A_202 : vector<16xi32> to vector<16xf32>
      %and3A_204 = arith.constant -65536 : i32
      %and3A_205 = vector.broadcast %and3A_204 : i32 to vector<16xi32>
      %and3A_206 = arith.andi %bitcast3A_199, %and3A_205 : vector<16xi32>
      %bitcast3A_207 = vector.bitcast %and3A_206 : vector<16xi32> to vector<16xf32>
      %mul3A_208 = arith.mulf %bitcast3A_194, %bitcast3A_203 : vector<16xf32>
      %mul3A_209 = arith.mulf %mul3A_208, %get3A_32 : vector<16xf32>
      %add3A_210 = arith.addf %add3A_185, %mul3A_209 : vector<16xf32>
      %mul3A_211 = arith.mulf %bitcast3A_198, %bitcast3A_207 : vector<16xf32>
      %mul3A_212 = arith.mulf %mul3A_211, %get3A_36 : vector<16xf32>
      %add3A_213 = arith.addf %add3A_210, %mul3A_212 : vector<16xf32>
      %swap3A_214 = arith.constant 16 : index
      %swap3A_215 = tpu.vector_load %arg18[%swap3A_214] {strides = array<i32>} : memref<256xf32, #tpu.memory_space<vmem>>, vector<16xf32>,
      tpu.vector_store %arg18[%swap3A_214], %add3A_213 {strides = array<i32>} : memref<256xf32, #tpu.memory_space<vmem>>, vector<16xf32>,
      %add3A_216 = arith.constant 2 : i32
      %add3A_217 = arith.addi %mul3A_79, %add3A_216 : i32
      %broadcast_in_dim3A_218 = vector.broadcast %add3A_217 : i32 to vector<16xi32>
      %add3A_219 = arith.constant 0 : i32
      %add3A_220 = vector.broadcast %add3A_219 : i32 to vector<16xi32>
      %add3A_221 = arith.addi %broadcast_in_dim3A_218, %add3A_220 : vector<16xi32>
      %gather3A_222 = tpu.vector_load_idx %arg12[%add3A_221] : memref<512xi32, #tpu.memory_space<vmem>>[vector<16xi32>], vector<16xi32>,
      %add3A_223 = arith.constant 0 : i32
      %add3A_224 = vector.broadcast %add3A_223 : i32 to vector<16xi32>
      %add3A_225 = arith.addi %broadcast_in_dim3A_218, %add3A_224 : vector<16xi32>
      %gather3A_226 = tpu.vector_load_idx %arg13[%add3A_225] : memref<512xi32, #tpu.memory_space<vmem>>[vector<16xi32>], vector<16xi32>,
      %broadcast_in_dim3A_227 = arith.constant 0.000000e+00 : f32
      %broadcast_in_dim3A_228 = vector.broadcast %broadcast_in_dim3A_227 : f32 to vector<16xf32>
      %add3A_229 = arith.addi %gather3A_222, %iota3A : vector<16xi32>
      %gather3A_230 = tpu.vector_load_idx %arg14[%broadcast_in_dim3A_218, %add3A_229] : memref<256x128xf32, #tpu.memory_space<vmem>>[vector<16xi32>, vector<16xi32>], vector<16xf32>,
      %add3A_231 = arith.addi %gather3A_226, %iota3A : vector<16xi32>
      %gather3A_232 = tpu.vector_load_idx %arg15[%broadcast_in_dim3A_218, %add3A_231] : memref<256x128xf32, #tpu.memory_space<vmem>>[vector<16xi32>, vector<16xi32>], vector<16xf32>,
      %bitcast3A_233 = vector.bitcast %gather3A_230 : vector<16xf32> to vector<16xi32>
      %shift_left3A_234 = arith.constant 16 : i32
      %shift_left3A_235 = vector.broadcast %shift_left3A_234 : i32 to vector<16xi32>
      %shift_left3A_236 = arith.shli %bitcast3A_233, %shift_left3A_235 : vector<16xi32>
      %bitcast3A_237 = vector.bitcast %shift_left3A_236 : vector<16xi32> to vector<16xf32>
      %and3A_238 = arith.constant -65536 : i32
      %and3A_239 = vector.broadcast %and3A_238 : i32 to vector<16xi32>
      %and3A_240 = arith.andi %bitcast3A_233, %and3A_239 : vector<16xi32>
      %bitcast3A_241 = vector.bitcast %and3A_240 : vector<16xi32> to vector<16xf32>
      %bitcast3A_242 = vector.bitcast %gather3A_232 : vector<16xf32> to vector<16xi32>
      %shift_left3A_243 = arith.constant 16 : i32
      %shift_left3A_244 = vector.broadcast %shift_left3A_243 : i32 to vector<16xi32>
      %shift_left3A_245 = arith.shli %bitcast3A_242, %shift_left3A_244 : vector<16xi32>
      %bitcast3A_246 = vector.bitcast %shift_left3A_245 : vector<16xi32> to vector<16xf32>
      %and3A_247 = arith.constant -65536 : i32
      %and3A_248 = vector.broadcast %and3A_247 : i32 to vector<16xi32>
      %and3A_249 = arith.andi %bitcast3A_242, %and3A_248 : vector<16xi32>
      %bitcast3A_250 = vector.bitcast %and3A_249 : vector<16xi32> to vector<16xf32>
      %mul3A_251 = arith.mulf %bitcast3A_237, %bitcast3A_246 : vector<16xf32>
      %mul3A_252 = arith.mulf %mul3A_251, %get3A_30 : vector<16xf32>
      %add3A_253 = arith.addf %broadcast_in_dim3A_228, %mul3A_252 : vector<16xf32>
      %mul3A_254 = arith.mulf %bitcast3A_241, %bitcast3A_250 : vector<16xf32>
      %mul3A_255 = arith.mulf %mul3A_254, %get3A_34 : vector<16xf32>
      %add3A_256 = arith.addf %add3A_253, %mul3A_255 : vector<16xf32>
      %add3A_257 = arith.addi %gather3A_222, %add3A_42 : vector<16xi32>
      %gather3A_258 = tpu.vector_load_idx %arg14[%broadcast_in_dim3A_218, %add3A_257] : memref<256x128xf32, #tpu.memory_space<vmem>>[vector<16xi32>, vector<16xi32>], vector<16xf32>,
      %add3A_259 = arith.addi %gather3A_226, %add3A_42 : vector<16xi32>
      %gather3A_260 = tpu.vector_load_idx %arg15[%broadcast_in_dim3A_218, %add3A_259] : memref<256x128xf32, #tpu.memory_space<vmem>>[vector<16xi32>, vector<16xi32>], vector<16xf32>,
      %bitcast3A_261 = vector.bitcast %gather3A_258 : vector<16xf32> to vector<16xi32>
      %shift_left3A_262 = arith.constant 16 : i32
      %shift_left3A_263 = vector.broadcast %shift_left3A_262 : i32 to vector<16xi32>
      %shift_left3A_264 = arith.shli %bitcast3A_261, %shift_left3A_263 : vector<16xi32>
      %bitcast3A_265 = vector.bitcast %shift_left3A_264 : vector<16xi32> to vector<16xf32>
      %and3A_266 = arith.constant -65536 : i32
      %and3A_267 = vector.broadcast %and3A_266 : i32 to vector<16xi32>
      %and3A_268 = arith.andi %bitcast3A_261, %and3A_267 : vector<16xi32>
      %bitcast3A_269 = vector.bitcast %and3A_268 : vector<16xi32> to vector<16xf32>
      %bitcast3A_270 = vector.bitcast %gather3A_260 : vector<16xf32> to vector<16xi32>
      %shift_left3A_271 = arith.constant 16 : i32
      %shift_left3A_272 = vector.broadcast %shift_left3A_271 : i32 to vector<16xi32>
      %shift_left3A_273 = arith.shli %bitcast3A_270, %shift_left3A_272 : vector<16xi32>
      %bitcast3A_274 = vector.bitcast %shift_left3A_273 : vector<16xi32> to vector<16xf32>
      %and3A_275 = arith.constant -65536 : i32
      %and3A_276 = vector.broadcast %and3A_275 : i32 to vector<16xi32>
      %and3A_277 = arith.andi %bitcast3A_270, %and3A_276 : vector<16xi32>
      %bitcast3A_278 = vector.bitcast %and3A_277 : vector<16xi32> to vector<16xf32>
      %mul3A_279 = arith.mulf %bitcast3A_265, %bitcast3A_274 : vector<16xf32>
      %mul3A_280 = arith.mulf %mul3A_279, %get3A_32 : vector<16xf32>
      %add3A_281 = arith.addf %add3A_256, %mul3A_280 : vector<16xf32>
      %mul3A_282 = arith.mulf %bitcast3A_269, %bitcast3A_278 : vector<16xf32>
      %mul3A_283 = arith.mulf %mul3A_282, %get3A_36 : vector<16xf32>
      %add3A_284 = arith.addf %add3A_281, %mul3A_283 : vector<16xf32>
      %swap3A_285 = arith.constant 32 : index
      %swap3A_286 = tpu.vector_load %arg18[%swap3A_285] {strides = array<i32>} : memref<256xf32, #tpu.memory_space<vmem>>, vector<16xf32>,
      tpu.vector_store %arg18[%swap3A_285], %add3A_284 {strides = array<i32>} : memref<256xf32, #tpu.memory_space<vmem>>, vector<16xf32>,
      %add3A_287 = arith.constant 3 : i32
      %add3A_288 = arith.addi %mul3A_79, %add3A_287 : i32
      %broadcast_in_dim3A_289 = vector.broadcast %add3A_288 : i32 to vector<16xi32>
      %add3A_290 = arith.constant 0 : i32
      %add3A_291 = vector.broadcast %add3A_290 : i32 to vector<16xi32>
      %add3A_292 = arith.addi %broadcast_in_dim3A_289, %add3A_291 : vector<16xi32>
      %gather3A_293 = tpu.vector_load_idx %arg12[%add3A_292] : memref<512xi32, #tpu.memory_space<vmem>>[vector<16xi32>], vector<16xi32>,
      %add3A_294 = arith.constant 0 : i32
      %add3A_295 = vector.broadcast %add3A_294 : i32 to vector<16xi32>
      %add3A_296 = arith.addi %broadcast_in_dim3A_289, %add3A_295 : vector<16xi32>
      %gather3A_297 = tpu.vector_load_idx %arg13[%add3A_296] : memref<512xi32, #tpu.memory_space<vmem>>[vector<16xi32>], vector<16xi32>,
      %broadcast_in_dim3A_298 = arith.constant 0.000000e+00 : f32
      %broadcast_in_dim3A_299 = vector.broadcast %broadcast_in_dim3A_298 : f32 to vector<16xf32>
      %add3A_300 = arith.addi %gather3A_293, %iota3A : vector<16xi32>
      %gather3A_301 = tpu.vector_load_idx %arg14[%broadcast_in_dim3A_289, %add3A_300] : memref<256x128xf32, #tpu.memory_space<vmem>>[vector<16xi32>, vector<16xi32>], vector<16xf32>,
      %add3A_302 = arith.addi %gather3A_297, %iota3A : vector<16xi32>
      %gather3A_303 = tpu.vector_load_idx %arg15[%broadcast_in_dim3A_289, %add3A_302] : memref<256x128xf32, #tpu.memory_space<vmem>>[vector<16xi32>, vector<16xi32>], vector<16xf32>,
      %bitcast3A_304 = vector.bitcast %gather3A_301 : vector<16xf32> to vector<16xi32>
      %shift_left3A_305 = arith.constant 16 : i32
      %shift_left3A_306 = vector.broadcast %shift_left3A_305 : i32 to vector<16xi32>
      %shift_left3A_307 = arith.shli %bitcast3A_304, %shift_left3A_306 : vector<16xi32>
      %bitcast3A_308 = vector.bitcast %shift_left3A_307 : vector<16xi32> to vector<16xf32>
      %and3A_309 = arith.constant -65536 : i32
      %and3A_310 = vector.broadcast %and3A_309 : i32 to vector<16xi32>
      %and3A_311 = arith.andi %bitcast3A_304, %and3A_310 : vector<16xi32>
      %bitcast3A_312 = vector.bitcast %and3A_311 : vector<16xi32> to vector<16xf32>
      %bitcast3A_313 = vector.bitcast %gather3A_303 : vector<16xf32> to vector<16xi32>
      %shift_left3A_314 = arith.constant 16 : i32
      %shift_left3A_315 = vector.broadcast %shift_left3A_314 : i32 to vector<16xi32>
      %shift_left3A_316 = arith.shli %bitcast3A_313, %shift_left3A_315 : vector<16xi32>
      %bitcast3A_317 = vector.bitcast %shift_left3A_316 : vector<16xi32> to vector<16xf32>
      %and3A_318 = arith.constant -65536 : i32
      %and3A_319 = vector.broadcast %and3A_318 : i32 to vector<16xi32>
      %and3A_320 = arith.andi %bitcast3A_313, %and3A_319 : vector<16xi32>
      %bitcast3A_321 = vector.bitcast %and3A_320 : vector<16xi32> to vector<16xf32>
      %mul3A_322 = arith.mulf %bitcast3A_308, %bitcast3A_317 : vector<16xf32>
      %mul3A_323 = arith.mulf %mul3A_322, %get3A_30 : vector<16xf32>
      %add3A_324 = arith.addf %broadcast_in_dim3A_299, %mul3A_323 : vector<16xf32>
      %mul3A_325 = arith.mulf %bitcast3A_312, %bitcast3A_321 : vector<16xf32>
      %mul3A_326 = arith.mulf %mul3A_325, %get3A_34 : vector<16xf32>
      %add3A_327 = arith.addf %add3A_324, %mul3A_326 : vector<16xf32>
      %add3A_328 = arith.addi %gather3A_293, %add3A_42 : vector<16xi32>
      %gather3A_329 = tpu.vector_load_idx %arg14[%broadcast_in_dim3A_289, %add3A_328] : memref<256x128xf32, #tpu.memory_space<vmem>>[vector<16xi32>, vector<16xi32>], vector<16xf32>,
      %add3A_330 = arith.addi %gather3A_297, %add3A_42 : vector<16xi32>
      %gather3A_331 = tpu.vector_load_idx %arg15[%broadcast_in_dim3A_289, %add3A_330] : memref<256x128xf32, #tpu.memory_space<vmem>>[vector<16xi32>, vector<16xi32>], vector<16xf32>,
      %bitcast3A_332 = vector.bitcast %gather3A_329 : vector<16xf32> to vector<16xi32>
      %shift_left3A_333 = arith.constant 16 : i32
      %shift_left3A_334 = vector.broadcast %shift_left3A_333 : i32 to vector<16xi32>
      %shift_left3A_335 = arith.shli %bitcast3A_332, %shift_left3A_334 : vector<16xi32>
      %bitcast3A_336 = vector.bitcast %shift_left3A_335 : vector<16xi32> to vector<16xf32>
      %and3A_337 = arith.constant -65536 : i32
      %and3A_338 = vector.broadcast %and3A_337 : i32 to vector<16xi32>
      %and3A_339 = arith.andi %bitcast3A_332, %and3A_338 : vector<16xi32>
      %bitcast3A_340 = vector.bitcast %and3A_339 : vector<16xi32> to vector<16xf32>
      %bitcast3A_341 = vector.bitcast %gather3A_331 : vector<16xf32> to vector<16xi32>
      %shift_left3A_342 = arith.constant 16 : i32
      %shift_left3A_343 = vector.broadcast %shift_left3A_342 : i32 to vector<16xi32>
      %shift_left3A_344 = arith.shli %bitcast3A_341, %shift_left3A_343 : vector<16xi32>
      %bitcast3A_345 = vector.bitcast %shift_left3A_344 : vector<16xi32> to vector<16xf32>
      %and3A_346 = arith.constant -65536 : i32
      %and3A_347 = vector.broadcast %and3A_346 : i32 to vector<16xi32>
      %and3A_348 = arith.andi %bitcast3A_341, %and3A_347 : vector<16xi32>
      %bitcast3A_349 = vector.bitcast %and3A_348 : vector<16xi32> to vector<16xf32>
      %mul3A_350 = arith.mulf %bitcast3A_336, %bitcast3A_345 : vector<16xf32>
      %mul3A_351 = arith.mulf %mul3A_350, %get3A_32 : vector<16xf32>
      %add3A_352 = arith.addf %add3A_327, %mul3A_351 : vector<16xf32>
      %mul3A_353 = arith.mulf %bitcast3A_340, %bitcast3A_349 : vector<16xf32>
      %mul3A_354 = arith.mulf %mul3A_353, %get3A_36 : vector<16xf32>
      %add3A_355 = arith.addf %add3A_352, %mul3A_354 : vector<16xf32>
      %swap3A_356 = arith.constant 48 : index
      %swap3A_357 = tpu.vector_load %arg18[%swap3A_356] {strides = array<i32>} : memref<256xf32, #tpu.memory_space<vmem>>, vector<16xf32>,
      tpu.vector_store %arg18[%swap3A_356], %add3A_355 {strides = array<i32>} : memref<256xf32, #tpu.memory_space<vmem>>, vector<16xf32>,
      %add3A_358 = arith.constant 4 : i32
      %add3A_359 = arith.addi %mul3A_79, %add3A_358 : i32
      %broadcast_in_dim3A_360 = vector.broadcast %add3A_359 : i32 to vector<16xi32>
      %add3A_361 = arith.constant 0 : i32
      %add3A_362 = vector.broadcast %add3A_361 : i32 to vector<16xi32>
      %add3A_363 = arith.addi %broadcast_in_dim3A_360, %add3A_362 : vector<16xi32>
      %gather3A_364 = tpu.vector_load_idx %arg12[%add3A_363] : memref<512xi32, #tpu.memory_space<vmem>>[vector<16xi32>], vector<16xi32>,
      %add3A_365 = arith.constant 0 : i32
      %add3A_366 = vector.broadcast %add3A_365 : i32 to vector<16xi32>
      %add3A_367 = arith.addi %broadcast_in_dim3A_360, %add3A_366 : vector<16xi32>
      %gather3A_368 = tpu.vector_load_idx %arg13[%add3A_367] : memref<512xi32, #tpu.memory_space<vmem>>[vector<16xi32>], vector<16xi32>,
      %broadcast_in_dim3A_369 = arith.constant 0.000000e+00 : f32
      %broadcast_in_dim3A_370 = vector.broadcast %broadcast_in_dim3A_369 : f32 to vector<16xf32>
      %add3A_371 = arith.addi %gather3A_364, %iota3A : vector<16xi32>
      %gather3A_372 = tpu.vector_load_idx %arg14[%broadcast_in_dim3A_360, %add3A_371] : memref<256x128xf32, #tpu.memory_space<vmem>>[vector<16xi32>, vector<16xi32>], vector<16xf32>,
      %add3A_373 = arith.addi %gather3A_368, %iota3A : vector<16xi32>
      %gather3A_374 = tpu.vector_load_idx %arg15[%broadcast_in_dim3A_360, %add3A_373] : memref<256x128xf32, #tpu.memory_space<vmem>>[vector<16xi32>, vector<16xi32>], vector<16xf32>,
      %bitcast3A_375 = vector.bitcast %gather3A_372 : vector<16xf32> to vector<16xi32>
      %shift_left3A_376 = arith.constant 16 : i32
      %shift_left3A_377 = vector.broadcast %shift_left3A_376 : i32 to vector<16xi32>
      %shift_left3A_378 = arith.shli %bitcast3A_375, %shift_left3A_377 : vector<16xi32>
      %bitcast3A_379 = vector.bitcast %shift_left3A_378 : vector<16xi32> to vector<16xf32>
      %and3A_380 = arith.constant -65536 : i32
      %and3A_381 = vector.broadcast %and3A_380 : i32 to vector<16xi32>
      %and3A_382 = arith.andi %bitcast3A_375, %and3A_381 : vector<16xi32>
      %bitcast3A_383 = vector.bitcast %and3A_382 : vector<16xi32> to vector<16xf32>
      %bitcast3A_384 = vector.bitcast %gather3A_374 : vector<16xf32> to vector<16xi32>
      %shift_left3A_385 = arith.constant 16 : i32
      %shift_left3A_386 = vector.broadcast %shift_left3A_385 : i32 to vector<16xi32>
      %shift_left3A_387 = arith.shli %bitcast3A_384, %shift_left3A_386 : vector<16xi32>
      %bitcast3A_388 = vector.bitcast %shift_left3A_387 : vector<16xi32> to vector<16xf32>
      %and3A_389 = arith.constant -65536 : i32
      %and3A_390 = vector.broadcast %and3A_389 : i32 to vector<16xi32>
      %and3A_391 = arith.andi %bitcast3A_384, %and3A_390 : vector<16xi32>
      %bitcast3A_392 = vector.bitcast %and3A_391 : vector<16xi32> to vector<16xf32>
      %mul3A_393 = arith.mulf %bitcast3A_379, %bitcast3A_388 : vector<16xf32>
      %mul3A_394 = arith.mulf %mul3A_393, %get3A_30 : vector<16xf32>
      %add3A_395 = arith.addf %broadcast_in_dim3A_370, %mul3A_394 : vector<16xf32>
      %mul3A_396 = arith.mulf %bitcast3A_383, %bitcast3A_392 : vector<16xf32>
      %mul3A_397 = arith.mulf %mul3A_396, %get3A_34 : vector<16xf32>
      %add3A_398 = arith.addf %add3A_395, %mul3A_397 : vector<16xf32>
      %add3A_399 = arith.addi %gather3A_364, %add3A_42 : vector<16xi32>
      %gather3A_400 = tpu.vector_load_idx %arg14[%broadcast_in_dim3A_360, %add3A_399] : memref<256x128xf32, #tpu.memory_space<vmem>>[vector<16xi32>, vector<16xi32>], vector<16xf32>,
      %add3A_401 = arith.addi %gather3A_368, %add3A_42 : vector<16xi32>
      %gather3A_402 = tpu.vector_load_idx %arg15[%broadcast_in_dim3A_360, %add3A_401] : memref<256x128xf32, #tpu.memory_space<vmem>>[vector<16xi32>, vector<16xi32>], vector<16xf32>,
      %bitcast3A_403 = vector.bitcast %gather3A_400 : vector<16xf32> to vector<16xi32>
      %shift_left3A_404 = arith.constant 16 : i32
      %shift_left3A_405 = vector.broadcast %shift_left3A_404 : i32 to vector<16xi32>
      %shift_left3A_406 = arith.shli %bitcast3A_403, %shift_left3A_405 : vector<16xi32>
      %bitcast3A_407 = vector.bitcast %shift_left3A_406 : vector<16xi32> to vector<16xf32>
      %and3A_408 = arith.constant -65536 : i32
      %and3A_409 = vector.broadcast %and3A_408 : i32 to vector<16xi32>
      %and3A_410 = arith.andi %bitcast3A_403, %and3A_409 : vector<16xi32>
      %bitcast3A_411 = vector.bitcast %and3A_410 : vector<16xi32> to vector<16xf32>
      %bitcast3A_412 = vector.bitcast %gather3A_402 : vector<16xf32> to vector<16xi32>
      %shift_left3A_413 = arith.constant 16 : i32
      %shift_left3A_414 = vector.broadcast %shift_left3A_413 : i32 to vector<16xi32>
      %shift_left3A_415 = arith.shli %bitcast3A_412, %shift_left3A_414 : vector<16xi32>
      %bitcast3A_416 = vector.bitcast %shift_left3A_415 : vector<16xi32> to vector<16xf32>
      %and3A_417 = arith.constant -65536 : i32
      %and3A_418 = vector.broadcast %and3A_417 : i32 to vector<16xi32>
      %and3A_419 = arith.andi %bitcast3A_412, %and3A_418 : vector<16xi32>
      %bitcast3A_420 = vector.bitcast %and3A_419 : vector<16xi32> to vector<16xf32>
      %mul3A_421 = arith.mulf %bitcast3A_407, %bitcast3A_416 : vector<16xf32>
      %mul3A_422 = arith.mulf %mul3A_421, %get3A_32 : vector<16xf32>
      %add3A_423 = arith.addf %add3A_398, %mul3A_422 : vector<16xf32>
      %mul3A_424 = arith.mulf %bitcast3A_411, %bitcast3A_420 : vector<16xf32>
      %mul3A_425 = arith.mulf %mul3A_424, %get3A_36 : vector<16xf32>
      %add3A_426 = arith.addf %add3A_423, %mul3A_425 : vector<16xf32>
      %swap3A_427 = arith.constant 64 : index
      %swap3A_428 = tpu.vector_load %arg18[%swap3A_427] {strides = array<i32>} : memref<256xf32, #tpu.memory_space<vmem>>, vector<16xf32>,
      tpu.vector_store %arg18[%swap3A_427], %add3A_426 {strides = array<i32>} : memref<256xf32, #tpu.memory_space<vmem>>, vector<16xf32>,
      %add3A_429 = arith.constant 5 : i32
      %add3A_430 = arith.addi %mul3A_79, %add3A_429 : i32
      %broadcast_in_dim3A_431 = vector.broadcast %add3A_430 : i32 to vector<16xi32>
      %add3A_432 = arith.constant 0 : i32
      %add3A_433 = vector.broadcast %add3A_432 : i32 to vector<16xi32>
      %add3A_434 = arith.addi %broadcast_in_dim3A_431, %add3A_433 : vector<16xi32>
      %gather3A_435 = tpu.vector_load_idx %arg12[%add3A_434] : memref<512xi32, #tpu.memory_space<vmem>>[vector<16xi32>], vector<16xi32>,
      %add3A_436 = arith.constant 0 : i32
      %add3A_437 = vector.broadcast %add3A_436 : i32 to vector<16xi32>
      %add3A_438 = arith.addi %broadcast_in_dim3A_431, %add3A_437 : vector<16xi32>
      %gather3A_439 = tpu.vector_load_idx %arg13[%add3A_438] : memref<512xi32, #tpu.memory_space<vmem>>[vector<16xi32>], vector<16xi32>,
      %broadcast_in_dim3A_440 = arith.constant 0.000000e+00 : f32
      %broadcast_in_dim3A_441 = vector.broadcast %broadcast_in_dim3A_440 : f32 to vector<16xf32>
      %add3A_442 = arith.addi %gather3A_435, %iota3A : vector<16xi32>
      %gather3A_443 = tpu.vector_load_idx %arg14[%broadcast_in_dim3A_431, %add3A_442] : memref<256x128xf32, #tpu.memory_space<vmem>>[vector<16xi32>, vector<16xi32>], vector<16xf32>,
      %add3A_444 = arith.addi %gather3A_439, %iota3A : vector<16xi32>
      %gather3A_445 = tpu.vector_load_idx %arg15[%broadcast_in_dim3A_431, %add3A_444] : memref<256x128xf32, #tpu.memory_space<vmem>>[vector<16xi32>, vector<16xi32>], vector<16xf32>,
      %bitcast3A_446 = vector.bitcast %gather3A_443 : vector<16xf32> to vector<16xi32>
      %shift_left3A_447 = arith.constant 16 : i32
      %shift_left3A_448 = vector.broadcast %shift_left3A_447 : i32 to vector<16xi32>
      %shift_left3A_449 = arith.shli %bitcast3A_446, %shift_left3A_448 : vector<16xi32>
      %bitcast3A_450 = vector.bitcast %shift_left3A_449 : vector<16xi32> to vector<16xf32>
      %and3A_451 = arith.constant -65536 : i32
      %and3A_452 = vector.broadcast %and3A_451 : i32 to vector<16xi32>
      %and3A_453 = arith.andi %bitcast3A_446, %and3A_452 : vector<16xi32>
      %bitcast3A_454 = vector.bitcast %and3A_453 : vector<16xi32> to vector<16xf32>
      %bitcast3A_455 = vector.bitcast %gather3A_445 : vector<16xf32> to vector<16xi32>
      %shift_left3A_456 = arith.constant 16 : i32
      %shift_left3A_457 = vector.broadcast %shift_left3A_456 : i32 to vector<16xi32>
      %shift_left3A_458 = arith.shli %bitcast3A_455, %shift_left3A_457 : vector<16xi32>
      %bitcast3A_459 = vector.bitcast %shift_left3A_458 : vector<16xi32> to vector<16xf32>
      %and3A_460 = arith.constant -65536 : i32
      %and3A_461 = vector.broadcast %and3A_460 : i32 to vector<16xi32>
      %and3A_462 = arith.andi %bitcast3A_455, %and3A_461 : vector<16xi32>
      %bitcast3A_463 = vector.bitcast %and3A_462 : vector<16xi32> to vector<16xf32>
      %mul3A_464 = arith.mulf %bitcast3A_450, %bitcast3A_459 : vector<16xf32>
      %mul3A_465 = arith.mulf %mul3A_464, %get3A_30 : vector<16xf32>
      %add3A_466 = arith.addf %broadcast_in_dim3A_441, %mul3A_465 : vector<16xf32>
      %mul3A_467 = arith.mulf %bitcast3A_454, %bitcast3A_463 : vector<16xf32>
      %mul3A_468 = arith.mulf %mul3A_467, %get3A_34 : vector<16xf32>
      %add3A_469 = arith.addf %add3A_466, %mul3A_468 : vector<16xf32>
      %add3A_470 = arith.addi %gather3A_435, %add3A_42 : vector<16xi32>
      %gather3A_471 = tpu.vector_load_idx %arg14[%broadcast_in_dim3A_431, %add3A_470] : memref<256x128xf32, #tpu.memory_space<vmem>>[vector<16xi32>, vector<16xi32>], vector<16xf32>,
      %add3A_472 = arith.addi %gather3A_439, %add3A_42 : vector<16xi32>
      %gather3A_473 = tpu.vector_load_idx %arg15[%broadcast_in_dim3A_431, %add3A_472] : memref<256x128xf32, #tpu.memory_space<vmem>>[vector<16xi32>, vector<16xi32>], vector<16xf32>,
      %bitcast3A_474 = vector.bitcast %gather3A_471 : vector<16xf32> to vector<16xi32>
      %shift_left3A_475 = arith.constant 16 : i32
      %shift_left3A_476 = vector.broadcast %shift_left3A_475 : i32 to vector<16xi32>
      %shift_left3A_477 = arith.shli %bitcast3A_474, %shift_left3A_476 : vector<16xi32>
      %bitcast3A_478 = vector.bitcast %shift_left3A_477 : vector<16xi32> to vector<16xf32>
      %and3A_479 = arith.constant -65536 : i32
      %and3A_480 = vector.broadcast %and3A_479 : i32 to vector<16xi32>
      %and3A_481 = arith.andi %bitcast3A_474, %and3A_480 : vector<16xi32>
      %bitcast3A_482 = vector.bitcast %and3A_481 : vector<16xi32> to vector<16xf32>
      %bitcast3A_483 = vector.bitcast %gather3A_473 : vector<16xf32> to vector<16xi32>
      %shift_left3A_484 = arith.constant 16 : i32
      %shift_left3A_485 = vector.broadcast %shift_left3A_484 : i32 to vector<16xi32>
      %shift_left3A_486 = arith.shli %bitcast3A_483, %shift_left3A_485 : vector<16xi32>
      %bitcast3A_487 = vector.bitcast %shift_left3A_486 : vector<16xi32> to vector<16xf32>
      %and3A_488 = arith.constant -65536 : i32
      %and3A_489 = vector.broadcast %and3A_488 : i32 to vector<16xi32>
      %and3A_490 = arith.andi %bitcast3A_483, %and3A_489 : vector<16xi32>
      %bitcast3A_491 = vector.bitcast %and3A_490 : vector<16xi32> to vector<16xf32>
      %mul3A_492 = arith.mulf %bitcast3A_478, %bitcast3A_487 : vector<16xf32>
      %mul3A_493 = arith.mulf %mul3A_492, %get3A_32 : vector<16xf32>
      %add3A_494 = arith.addf %add3A_469, %mul3A_493 : vector<16xf32>
      %mul3A_495 = arith.mulf %bitcast3A_482, %bitcast3A_491 : vector<16xf32>
      %mul3A_496 = arith.mulf %mul3A_495, %get3A_36 : vector<16xf32>
      %add3A_497 = arith.addf %add3A_494, %mul3A_496 : vector<16xf32>
      %swap3A_498 = arith.constant 80 : index
      %swap3A_499 = tpu.vector_load %arg18[%swap3A_498] {strides = array<i32>} : memref<256xf32, #tpu.memory_space<vmem>>, vector<16xf32>,
      tpu.vector_store %arg18[%swap3A_498], %add3A_497 {strides = array<i32>} : memref<256xf32, #tpu.memory_space<vmem>>, vector<16xf32>,
      %add3A_500 = arith.constant 6 : i32
      %add3A_501 = arith.addi %mul3A_79, %add3A_500 : i32
      %broadcast_in_dim3A_502 = vector.broadcast %add3A_501 : i32 to vector<16xi32>
      %add3A_503 = arith.constant 0 : i32
      %add3A_504 = vector.broadcast %add3A_503 : i32 to vector<16xi32>
      %add3A_505 = arith.addi %broadcast_in_dim3A_502, %add3A_504 : vector<16xi32>
      %gather3A_506 = tpu.vector_load_idx %arg12[%add3A_505] : memref<512xi32, #tpu.memory_space<vmem>>[vector<16xi32>], vector<16xi32>,
      %add3A_507 = arith.constant 0 : i32
      %add3A_508 = vector.broadcast %add3A_507 : i32 to vector<16xi32>
      %add3A_509 = arith.addi %broadcast_in_dim3A_502, %add3A_508 : vector<16xi32>
      %gather3A_510 = tpu.vector_load_idx %arg13[%add3A_509] : memref<512xi32, #tpu.memory_space<vmem>>[vector<16xi32>], vector<16xi32>,
      %broadcast_in_dim3A_511 = arith.constant 0.000000e+00 : f32
      %broadcast_in_dim3A_512 = vector.broadcast %broadcast_in_dim3A_511 : f32 to vector<16xf32>
      %add3A_513 = arith.addi %gather3A_506, %iota3A : vector<16xi32>
      %gather3A_514 = tpu.vector_load_idx %arg14[%broadcast_in_dim3A_502, %add3A_513] : memref<256x128xf32, #tpu.memory_space<vmem>>[vector<16xi32>, vector<16xi32>], vector<16xf32>,
      %add3A_515 = arith.addi %gather3A_510, %iota3A : vector<16xi32>
      %gather3A_516 = tpu.vector_load_idx %arg15[%broadcast_in_dim3A_502, %add3A_515] : memref<256x128xf32, #tpu.memory_space<vmem>>[vector<16xi32>, vector<16xi32>], vector<16xf32>,
      %bitcast3A_517 = vector.bitcast %gather3A_514 : vector<16xf32> to vector<16xi32>
      %shift_left3A_518 = arith.constant 16 : i32
      %shift_left3A_519 = vector.broadcast %shift_left3A_518 : i32 to vector<16xi32>
      %shift_left3A_520 = arith.shli %bitcast3A_517, %shift_left3A_519 : vector<16xi32>
      %bitcast3A_521 = vector.bitcast %shift_left3A_520 : vector<16xi32> to vector<16xf32>
      %and3A_522 = arith.constant -65536 : i32
      %and3A_523 = vector.broadcast %and3A_522 : i32 to vector<16xi32>
      %and3A_524 = arith.andi %bitcast3A_517, %and3A_523 : vector<16xi32>
      %bitcast3A_525 = vector.bitcast %and3A_524 : vector<16xi32> to vector<16xf32>
      %bitcast3A_526 = vector.bitcast %gather3A_516 : vector<16xf32> to vector<16xi32>
      %shift_left3A_527 = arith.constant 16 : i32
      %shift_left3A_528 = vector.broadcast %shift_left3A_527 : i32 to vector<16xi32>
      %shift_left3A_529 = arith.shli %bitcast3A_526, %shift_left3A_528 : vector<16xi32>
      %bitcast3A_530 = vector.bitcast %shift_left3A_529 : vector<16xi32> to vector<16xf32>
      %and3A_531 = arith.constant -65536 : i32
      %and3A_532 = vector.broadcast %and3A_531 : i32 to vector<16xi32>
      %and3A_533 = arith.andi %bitcast3A_526, %and3A_532 : vector<16xi32>
      %bitcast3A_534 = vector.bitcast %and3A_533 : vector<16xi32> to vector<16xf32>
      %mul3A_535 = arith.mulf %bitcast3A_521, %bitcast3A_530 : vector<16xf32>
      %mul3A_536 = arith.mulf %mul3A_535, %get3A_30 : vector<16xf32>
      %add3A_537 = arith.addf %broadcast_in_dim3A_512, %mul3A_536 : vector<16xf32>
      %mul3A_538 = arith.mulf %bitcast3A_525, %bitcast3A_534 : vector<16xf32>
      %mul3A_539 = arith.mulf %mul3A_538, %get3A_34 : vector<16xf32>
      %add3A_540 = arith.addf %add3A_537, %mul3A_539 : vector<16xf32>
      %add3A_541 = arith.addi %gather3A_506, %add3A_42 : vector<16xi32>
      %gather3A_542 = tpu.vector_load_idx %arg14[%broadcast_in_dim3A_502, %add3A_541] : memref<256x128xf32, #tpu.memory_space<vmem>>[vector<16xi32>, vector<16xi32>], vector<16xf32>,
      %add3A_543 = arith.addi %gather3A_510, %add3A_42 : vector<16xi32>
      %gather3A_544 = tpu.vector_load_idx %arg15[%broadcast_in_dim3A_502, %add3A_543] : memref<256x128xf32, #tpu.memory_space<vmem>>[vector<16xi32>, vector<16xi32>], vector<16xf32>,
      %bitcast3A_545 = vector.bitcast %gather3A_542 : vector<16xf32> to vector<16xi32>
      %shift_left3A_546 = arith.constant 16 : i32
      %shift_left3A_547 = vector.broadcast %shift_left3A_546 : i32 to vector<16xi32>
      %shift_left3A_548 = arith.shli %bitcast3A_545, %shift_left3A_547 : vector<16xi32>
      %bitcast3A_549 = vector.bitcast %shift_left3A_548 : vector<16xi32> to vector<16xf32>
      %and3A_550 = arith.constant -65536 : i32
      %and3A_551 = vector.broadcast %and3A_550 : i32 to vector<16xi32>
      %and3A_552 = arith.andi %bitcast3A_545, %and3A_551 : vector<16xi32>
      %bitcast3A_553 = vector.bitcast %and3A_552 : vector<16xi32> to vector<16xf32>
      %bitcast3A_554 = vector.bitcast %gather3A_544 : vector<16xf32> to vector<16xi32>
      %shift_left3A_555 = arith.constant 16 : i32
      %shift_left3A_556 = vector.broadcast %shift_left3A_555 : i32 to vector<16xi32>
      %shift_left3A_557 = arith.shli %bitcast3A_554, %shift_left3A_556 : vector<16xi32>
      %bitcast3A_558 = vector.bitcast %shift_left3A_557 : vector<16xi32> to vector<16xf32>
      %and3A_559 = arith.constant -65536 : i32
      %and3A_560 = vector.broadcast %and3A_559 : i32 to vector<16xi32>
      %and3A_561 = arith.andi %bitcast3A_554, %and3A_560 : vector<16xi32>
      %bitcast3A_562 = vector.bitcast %and3A_561 : vector<16xi32> to vector<16xf32>
      %mul3A_563 = arith.mulf %bitcast3A_549, %bitcast3A_558 : vector<16xf32>
      %mul3A_564 = arith.mulf %mul3A_563, %get3A_32 : vector<16xf32>
      %add3A_565 = arith.addf %add3A_540, %mul3A_564 : vector<16xf32>
      %mul3A_566 = arith.mulf %bitcast3A_553, %bitcast3A_562 : vector<16xf32>
      %mul3A_567 = arith.mulf %mul3A_566, %get3A_36 : vector<16xf32>
      %add3A_568 = arith.addf %add3A_565, %mul3A_567 : vector<16xf32>
      %swap3A_569 = arith.constant 96 : index
      %swap3A_570 = tpu.vector_load %arg18[%swap3A_569] {strides = array<i32>} : memref<256xf32, #tpu.memory_space<vmem>>, vector<16xf32>,
      tpu.vector_store %arg18[%swap3A_569], %add3A_568 {strides = array<i32>} : memref<256xf32, #tpu.memory_space<vmem>>, vector<16xf32>,
      %add3A_571 = arith.constant 7 : i32
      %add3A_572 = arith.addi %mul3A_79, %add3A_571 : i32
      %broadcast_in_dim3A_573 = vector.broadcast %add3A_572 : i32 to vector<16xi32>
      %add3A_574 = arith.constant 0 : i32
      %add3A_575 = vector.broadcast %add3A_574 : i32 to vector<16xi32>
      %add3A_576 = arith.addi %broadcast_in_dim3A_573, %add3A_575 : vector<16xi32>
      %gather3A_577 = tpu.vector_load_idx %arg12[%add3A_576] : memref<512xi32, #tpu.memory_space<vmem>>[vector<16xi32>], vector<16xi32>,
      %add3A_578 = arith.constant 0 : i32
      %add3A_579 = vector.broadcast %add3A_578 : i32 to vector<16xi32>
      %add3A_580 = arith.addi %broadcast_in_dim3A_573, %add3A_579 : vector<16xi32>
      %gather3A_581 = tpu.vector_load_idx %arg13[%add3A_580] : memref<512xi32, #tpu.memory_space<vmem>>[vector<16xi32>], vector<16xi32>,
      %broadcast_in_dim3A_582 = arith.constant 0.000000e+00 : f32
      %broadcast_in_dim3A_583 = vector.broadcast %broadcast_in_dim3A_582 : f32 to vector<16xf32>
      %add3A_584 = arith.addi %gather3A_577, %iota3A : vector<16xi32>
      %gather3A_585 = tpu.vector_load_idx %arg14[%broadcast_in_dim3A_573, %add3A_584] : memref<256x128xf32, #tpu.memory_space<vmem>>[vector<16xi32>, vector<16xi32>], vector<16xf32>,
      %add3A_586 = arith.addi %gather3A_581, %iota3A : vector<16xi32>
      %gather3A_587 = tpu.vector_load_idx %arg15[%broadcast_in_dim3A_573, %add3A_586] : memref<256x128xf32, #tpu.memory_space<vmem>>[vector<16xi32>, vector<16xi32>], vector<16xf32>,
      %bitcast3A_588 = vector.bitcast %gather3A_585 : vector<16xf32> to vector<16xi32>
      %shift_left3A_589 = arith.constant 16 : i32
      %shift_left3A_590 = vector.broadcast %shift_left3A_589 : i32 to vector<16xi32>
      %shift_left3A_591 = arith.shli %bitcast3A_588, %shift_left3A_590 : vector<16xi32>
      %bitcast3A_592 = vector.bitcast %shift_left3A_591 : vector<16xi32> to vector<16xf32>
      %and3A_593 = arith.constant -65536 : i32
      %and3A_594 = vector.broadcast %and3A_593 : i32 to vector<16xi32>
      %and3A_595 = arith.andi %bitcast3A_588, %and3A_594 : vector<16xi32>
      %bitcast3A_596 = vector.bitcast %and3A_595 : vector<16xi32> to vector<16xf32>
      %bitcast3A_597 = vector.bitcast %gather3A_587 : vector<16xf32> to vector<16xi32>
      %shift_left3A_598 = arith.constant 16 : i32
      %shift_left3A_599 = vector.broadcast %shift_left3A_598 : i32 to vector<16xi32>
      %shift_left3A_600 = arith.shli %bitcast3A_597, %shift_left3A_599 : vector<16xi32>
      %bitcast3A_601 = vector.bitcast %shift_left3A_600 : vector<16xi32> to vector<16xf32>
      %and3A_602 = arith.constant -65536 : i32
      %and3A_603 = vector.broadcast %and3A_602 : i32 to vector<16xi32>
      %and3A_604 = arith.andi %bitcast3A_597, %and3A_603 : vector<16xi32>
      %bitcast3A_605 = vector.bitcast %and3A_604 : vector<16xi32> to vector<16xf32>
      %mul3A_606 = arith.mulf %bitcast3A_592, %bitcast3A_601 : vector<16xf32>
      %mul3A_607 = arith.mulf %mul3A_606, %get3A_30 : vector<16xf32>
      %add3A_608 = arith.addf %broadcast_in_dim3A_583, %mul3A_607 : vector<16xf32>
      %mul3A_609 = arith.mulf %bitcast3A_596, %bitcast3A_605 : vector<16xf32>
      %mul3A_610 = arith.mulf %mul3A_609, %get3A_34 : vector<16xf32>
      %add3A_611 = arith.addf %add3A_608, %mul3A_610 : vector<16xf32>
      %add3A_612 = arith.addi %gather3A_577, %add3A_42 : vector<16xi32>
      %gather3A_613 = tpu.vector_load_idx %arg14[%broadcast_in_dim3A_573, %add3A_612] : memref<256x128xf32, #tpu.memory_space<vmem>>[vector<16xi32>, vector<16xi32>], vector<16xf32>,
      %add3A_614 = arith.addi %gather3A_581, %add3A_42 : vector<16xi32>
      %gather3A_615 = tpu.vector_load_idx %arg15[%broadcast_in_dim3A_573, %add3A_614] : memref<256x128xf32, #tpu.memory_space<vmem>>[vector<16xi32>, vector<16xi32>], vector<16xf32>,
      %bitcast3A_616 = vector.bitcast %gather3A_613 : vector<16xf32> to vector<16xi32>
      %shift_left3A_617 = arith.constant 16 : i32
      %shift_left3A_618 = vector.broadcast %shift_left3A_617 : i32 to vector<16xi32>
      %shift_left3A_619 = arith.shli %bitcast3A_616, %shift_left3A_618 : vector<16xi32>
      %bitcast3A_620 = vector.bitcast %shift_left3A_619 : vector<16xi32> to vector<16xf32>
      %and3A_621 = arith.constant -65536 : i32
      %and3A_622 = vector.broadcast %and3A_621 : i32 to vector<16xi32>
      %and3A_623 = arith.andi %bitcast3A_616, %and3A_622 : vector<16xi32>
      %bitcast3A_624 = vector.bitcast %and3A_623 : vector<16xi32> to vector<16xf32>
      %bitcast3A_625 = vector.bitcast %gather3A_615 : vector<16xf32> to vector<16xi32>
      %shift_left3A_626 = arith.constant 16 : i32
      %shift_left3A_627 = vector.broadcast %shift_left3A_626 : i32 to vector<16xi32>
      %shift_left3A_628 = arith.shli %bitcast3A_625, %shift_left3A_627 : vector<16xi32>
      %bitcast3A_629 = vector.bitcast %shift_left3A_628 : vector<16xi32> to vector<16xf32>
      %and3A_630 = arith.constant -65536 : i32
      %and3A_631 = vector.broadcast %and3A_630 : i32 to vector<16xi32>
      %and3A_632 = arith.andi %bitcast3A_625, %and3A_631 : vector<16xi32>
      %bitcast3A_633 = vector.bitcast %and3A_632 : vector<16xi32> to vector<16xf32>
      %mul3A_634 = arith.mulf %bitcast3A_620, %bitcast3A_629 : vector<16xf32>
      %mul3A_635 = arith.mulf %mul3A_634, %get3A_32 : vector<16xf32>
      %add3A_636 = arith.addf %add3A_611, %mul3A_635 : vector<16xf32>
      %mul3A_637 = arith.mulf %bitcast3A_624, %bitcast3A_633 : vector<16xf32>
      %mul3A_638 = arith.mulf %mul3A_637, %get3A_36 : vector<16xf32>
      %add3A_639 = arith.addf %add3A_636, %mul3A_638 : vector<16xf32>
      %swap3A_640 = arith.constant 112 : index
      %swap3A_641 = tpu.vector_load %arg18[%swap3A_640] {strides = array<i32>} : memref<256xf32, #tpu.memory_space<vmem>>, vector<16xf32>,
      tpu.vector_store %arg18[%swap3A_640], %add3A_639 {strides = array<i32>} : memref<256xf32, #tpu.memory_space<vmem>>, vector<16xf32>,
      %add3A_642 = arith.constant 8 : i32
      %add3A_643 = arith.addi %mul3A_79, %add3A_642 : i32
      %broadcast_in_dim3A_644 = vector.broadcast %add3A_643 : i32 to vector<16xi32>
      %add3A_645 = arith.constant 0 : i32
      %add3A_646 = vector.broadcast %add3A_645 : i32 to vector<16xi32>
      %add3A_647 = arith.addi %broadcast_in_dim3A_644, %add3A_646 : vector<16xi32>
      %gather3A_648 = tpu.vector_load_idx %arg12[%add3A_647] : memref<512xi32, #tpu.memory_space<vmem>>[vector<16xi32>], vector<16xi32>,
      %add3A_649 = arith.constant 0 : i32
      %add3A_650 = vector.broadcast %add3A_649 : i32 to vector<16xi32>
      %add3A_651 = arith.addi %broadcast_in_dim3A_644, %add3A_650 : vector<16xi32>
      %gather3A_652 = tpu.vector_load_idx %arg13[%add3A_651] : memref<512xi32, #tpu.memory_space<vmem>>[vector<16xi32>], vector<16xi32>,
      %broadcast_in_dim3A_653 = arith.constant 0.000000e+00 : f32
      %broadcast_in_dim3A_654 = vector.broadcast %broadcast_in_dim3A_653 : f32 to vector<16xf32>
      %add3A_655 = arith.addi %gather3A_648, %iota3A : vector<16xi32>
      %gather3A_656 = tpu.vector_load_idx %arg14[%broadcast_in_dim3A_644, %add3A_655] : memref<256x128xf32, #tpu.memory_space<vmem>>[vector<16xi32>, vector<16xi32>], vector<16xf32>,
      %add3A_657 = arith.addi %gather3A_652, %iota3A : vector<16xi32>
      %gather3A_658 = tpu.vector_load_idx %arg15[%broadcast_in_dim3A_644, %add3A_657] : memref<256x128xf32, #tpu.memory_space<vmem>>[vector<16xi32>, vector<16xi32>], vector<16xf32>,
      %bitcast3A_659 = vector.bitcast %gather3A_656 : vector<16xf32> to vector<16xi32>
      %shift_left3A_660 = arith.constant 16 : i32
      %shift_left3A_661 = vector.broadcast %shift_left3A_660 : i32 to vector<16xi32>
      %shift_left3A_662 = arith.shli %bitcast3A_659, %shift_left3A_661 : vector<16xi32>
      %bitcast3A_663 = vector.bitcast %shift_left3A_662 : vector<16xi32> to vector<16xf32>
      %and3A_664 = arith.constant -65536 : i32
      %and3A_665 = vector.broadcast %and3A_664 : i32 to vector<16xi32>
      %and3A_666 = arith.andi %bitcast3A_659, %and3A_665 : vector<16xi32>
      %bitcast3A_667 = vector.bitcast %and3A_666 : vector<16xi32> to vector<16xf32>
      %bitcast3A_668 = vector.bitcast %gather3A_658 : vector<16xf32> to vector<16xi32>
      %shift_left3A_669 = arith.constant 16 : i32
      %shift_left3A_670 = vector.broadcast %shift_left3A_669 : i32 to vector<16xi32>
      %shift_left3A_671 = arith.shli %bitcast3A_668, %shift_left3A_670 : vector<16xi32>
      %bitcast3A_672 = vector.bitcast %shift_left3A_671 : vector<16xi32> to vector<16xf32>
      %and3A_673 = arith.constant -65536 : i32
      %and3A_674 = vector.broadcast %and3A_673 : i32 to vector<16xi32>
      %and3A_675 = arith.andi %bitcast3A_668, %and3A_674 : vector<16xi32>
      %bitcast3A_676 = vector.bitcast %and3A_675 : vector<16xi32> to vector<16xf32>
      %mul3A_677 = arith.mulf %bitcast3A_663, %bitcast3A_672 : vector<16xf32>
      %mul3A_678 = arith.mulf %mul3A_677, %get3A_30 : vector<16xf32>
      %add3A_679 = arith.addf %broadcast_in_dim3A_654, %mul3A_678 : vector<16xf32>
      %mul3A_680 = arith.mulf %bitcast3A_667, %bitcast3A_676 : vector<16xf32>
      %mul3A_681 = arith.mulf %mul3A_680, %get3A_34 : vector<16xf32>
      %add3A_682 = arith.addf %add3A_679, %mul3A_681 : vector<16xf32>
      %add3A_683 = arith.addi %gather3A_648, %add3A_42 : vector<16xi32>
      %gather3A_684 = tpu.vector_load_idx %arg14[%broadcast_in_dim3A_644, %add3A_683] : memref<256x128xf32, #tpu.memory_space<vmem>>[vector<16xi32>, vector<16xi32>], vector<16xf32>,
      %add3A_685 = arith.addi %gather3A_652, %add3A_42 : vector<16xi32>
      %gather3A_686 = tpu.vector_load_idx %arg15[%broadcast_in_dim3A_644, %add3A_685] : memref<256x128xf32, #tpu.memory_space<vmem>>[vector<16xi32>, vector<16xi32>], vector<16xf32>,
      %bitcast3A_687 = vector.bitcast %gather3A_684 : vector<16xf32> to vector<16xi32>
      %shift_left3A_688 = arith.constant 16 : i32
      %shift_left3A_689 = vector.broadcast %shift_left3A_688 : i32 to vector<16xi32>
      %shift_left3A_690 = arith.shli %bitcast3A_687, %shift_left3A_689 : vector<16xi32>
      %bitcast3A_691 = vector.bitcast %shift_left3A_690 : vector<16xi32> to vector<16xf32>
      %and3A_692 = arith.constant -65536 : i32
      %and3A_693 = vector.broadcast %and3A_692 : i32 to vector<16xi32>
      %and3A_694 = arith.andi %bitcast3A_687, %and3A_693 : vector<16xi32>
      %bitcast3A_695 = vector.bitcast %and3A_694 : vector<16xi32> to vector<16xf32>
      %bitcast3A_696 = vector.bitcast %gather3A_686 : vector<16xf32> to vector<16xi32>
      %shift_left3A_697 = arith.constant 16 : i32
      %shift_left3A_698 = vector.broadcast %shift_left3A_697 : i32 to vector<16xi32>
      %shift_left3A_699 = arith.shli %bitcast3A_696, %shift_left3A_698 : vector<16xi32>
      %bitcast3A_700 = vector.bitcast %shift_left3A_699 : vector<16xi32> to vector<16xf32>
      %and3A_701 = arith.constant -65536 : i32
      %and3A_702 = vector.broadcast %and3A_701 : i32 to vector<16xi32>
      %and3A_703 = arith.andi %bitcast3A_696, %and3A_702 : vector<16xi32>
      %bitcast3A_704 = vector.bitcast %and3A_703 : vector<16xi32> to vector<16xf32>
      %mul3A_705 = arith.mulf %bitcast3A_691, %bitcast3A_700 : vector<16xf32>
      %mul3A_706 = arith.mulf %mul3A_705, %get3A_32 : vector<16xf32>
      %add3A_707 = arith.addf %add3A_682, %mul3A_706 : vector<16xf32>
      %mul3A_708 = arith.mulf %bitcast3A_695, %bitcast3A_704 : vector<16xf32>
      %mul3A_709 = arith.mulf %mul3A_708, %get3A_36 : vector<16xf32>
      %add3A_710 = arith.addf %add3A_707, %mul3A_709 : vector<16xf32>
      %swap3A_711 = arith.constant 128 : index
      %swap3A_712 = tpu.vector_load %arg18[%swap3A_711] {strides = array<i32>} : memref<256xf32, #tpu.memory_space<vmem>>, vector<16xf32>,
      tpu.vector_store %arg18[%swap3A_711], %add3A_710 {strides = array<i32>} : memref<256xf32, #tpu.memory_space<vmem>>, vector<16xf32>,
      %add3A_713 = arith.constant 9 : i32
      %add3A_714 = arith.addi %mul3A_79, %add3A_713 : i32
      %broadcast_in_dim3A_715 = vector.broadcast %add3A_714 : i32 to vector<16xi32>
      %add3A_716 = arith.constant 0 : i32
      %add3A_717 = vector.broadcast %add3A_716 : i32 to vector<16xi32>
      %add3A_718 = arith.addi %broadcast_in_dim3A_715, %add3A_717 : vector<16xi32>
      %gather3A_719 = tpu.vector_load_idx %arg12[%add3A_718] : memref<512xi32, #tpu.memory_space<vmem>>[vector<16xi32>], vector<16xi32>,
      %add3A_720 = arith.constant 0 : i32
      %add3A_721 = vector.broadcast %add3A_720 : i32 to vector<16xi32>
      %add3A_722 = arith.addi %broadcast_in_dim3A_715, %add3A_721 : vector<16xi32>
      %gather3A_723 = tpu.vector_load_idx %arg13[%add3A_722] : memref<512xi32, #tpu.memory_space<vmem>>[vector<16xi32>], vector<16xi32>,
      %broadcast_in_dim3A_724 = arith.constant 0.000000e+00 : f32
      %broadcast_in_dim3A_725 = vector.broadcast %broadcast_in_dim3A_724 : f32 to vector<16xf32>
      %add3A_726 = arith.addi %gather3A_719, %iota3A : vector<16xi32>
      %gather3A_727 = tpu.vector_load_idx %arg14[%broadcast_in_dim3A_715, %add3A_726] : memref<256x128xf32, #tpu.memory_space<vmem>>[vector<16xi32>, vector<16xi32>], vector<16xf32>,
      %add3A_728 = arith.addi %gather3A_723, %iota3A : vector<16xi32>
      %gather3A_729 = tpu.vector_load_idx %arg15[%broadcast_in_dim3A_715, %add3A_728] : memref<256x128xf32, #tpu.memory_space<vmem>>[vector<16xi32>, vector<16xi32>], vector<16xf32>,
      %bitcast3A_730 = vector.bitcast %gather3A_727 : vector<16xf32> to vector<16xi32>
      %shift_left3A_731 = arith.constant 16 : i32
      %shift_left3A_732 = vector.broadcast %shift_left3A_731 : i32 to vector<16xi32>
      %shift_left3A_733 = arith.shli %bitcast3A_730, %shift_left3A_732 : vector<16xi32>
      %bitcast3A_734 = vector.bitcast %shift_left3A_733 : vector<16xi32> to vector<16xf32>
      %and3A_735 = arith.constant -65536 : i32
      %and3A_736 = vector.broadcast %and3A_735 : i32 to vector<16xi32>
      %and3A_737 = arith.andi %bitcast3A_730, %and3A_736 : vector<16xi32>
      %bitcast3A_738 = vector.bitcast %and3A_737 : vector<16xi32> to vector<16xf32>
      %bitcast3A_739 = vector.bitcast %gather3A_729 : vector<16xf32> to vector<16xi32>
      %shift_left3A_740 = arith.constant 16 : i32
      %shift_left3A_741 = vector.broadcast %shift_left3A_740 : i32 to vector<16xi32>
      %shift_left3A_742 = arith.shli %bitcast3A_739, %shift_left3A_741 : vector<16xi32>
      %bitcast3A_743 = vector.bitcast %shift_left3A_742 : vector<16xi32> to vector<16xf32>
      %and3A_744 = arith.constant -65536 : i32
      %and3A_745 = vector.broadcast %and3A_744 : i32 to vector<16xi32>
      %and3A_746 = arith.andi %bitcast3A_739, %and3A_745 : vector<16xi32>
      %bitcast3A_747 = vector.bitcast %and3A_746 : vector<16xi32> to vector<16xf32>
      %mul3A_748 = arith.mulf %bitcast3A_734, %bitcast3A_743 : vector<16xf32>
      %mul3A_749 = arith.mulf %mul3A_748, %get3A_30 : vector<16xf32>
      %add3A_750 = arith.addf %broadcast_in_dim3A_725, %mul3A_749 : vector<16xf32>
      %mul3A_751 = arith.mulf %bitcast3A_738, %bitcast3A_747 : vector<16xf32>
      %mul3A_752 = arith.mulf %mul3A_751, %get3A_34 : vector<16xf32>
      %add3A_753 = arith.addf %add3A_750, %mul3A_752 : vector<16xf32>
      %add3A_754 = arith.addi %gather3A_719, %add3A_42 : vector<16xi32>
      %gather3A_755 = tpu.vector_load_idx %arg14[%broadcast_in_dim3A_715, %add3A_754] : memref<256x128xf32, #tpu.memory_space<vmem>>[vector<16xi32>, vector<16xi32>], vector<16xf32>,
      %add3A_756 = arith.addi %gather3A_723, %add3A_42 : vector<16xi32>
      %gather3A_757 = tpu.vector_load_idx %arg15[%broadcast_in_dim3A_715, %add3A_756] : memref<256x128xf32, #tpu.memory_space<vmem>>[vector<16xi32>, vector<16xi32>], vector<16xf32>,
      %bitcast3A_758 = vector.bitcast %gather3A_755 : vector<16xf32> to vector<16xi32>
      %shift_left3A_759 = arith.constant 16 : i32
      %shift_left3A_760 = vector.broadcast %shift_left3A_759 : i32 to vector<16xi32>
      %shift_left3A_761 = arith.shli %bitcast3A_758, %shift_left3A_760 : vector<16xi32>
      %bitcast3A_762 = vector.bitcast %shift_left3A_761 : vector<16xi32> to vector<16xf32>
      %and3A_763 = arith.constant -65536 : i32
      %and3A_764 = vector.broadcast %and3A_763 : i32 to vector<16xi32>
      %and3A_765 = arith.andi %bitcast3A_758, %and3A_764 : vector<16xi32>
      %bitcast3A_766 = vector.bitcast %and3A_765 : vector<16xi32> to vector<16xf32>
      %bitcast3A_767 = vector.bitcast %gather3A_757 : vector<16xf32> to vector<16xi32>
      %shift_left3A_768 = arith.constant 16 : i32
      %shift_left3A_769 = vector.broadcast %shift_left3A_768 : i32 to vector<16xi32>
      %shift_left3A_770 = arith.shli %bitcast3A_767, %shift_left3A_769 : vector<16xi32>
      %bitcast3A_771 = vector.bitcast %shift_left3A_770 : vector<16xi32> to vector<16xf32>
      %and3A_772 = arith.constant -65536 : i32
      %and3A_773 = vector.broadcast %and3A_772 : i32 to vector<16xi32>
      %and3A_774 = arith.andi %bitcast3A_767, %and3A_773 : vector<16xi32>
      %bitcast3A_775 = vector.bitcast %and3A_774 : vector<16xi32> to vector<16xf32>
      %mul3A_776 = arith.mulf %bitcast3A_762, %bitcast3A_771 : vector<16xf32>
      %mul3A_777 = arith.mulf %mul3A_776, %get3A_32 : vector<16xf32>
      %add3A_778 = arith.addf %add3A_753, %mul3A_777 : vector<16xf32>
      %mul3A_779 = arith.mulf %bitcast3A_766, %bitcast3A_775 : vector<16xf32>
      %mul3A_780 = arith.mulf %mul3A_779, %get3A_36 : vector<16xf32>
      %add3A_781 = arith.addf %add3A_778, %mul3A_780 : vector<16xf32>
      %swap3A_782 = arith.constant 144 : index
      %swap3A_783 = tpu.vector_load %arg18[%swap3A_782] {strides = array<i32>} : memref<256xf32, #tpu.memory_space<vmem>>, vector<16xf32>,
      tpu.vector_store %arg18[%swap3A_782], %add3A_781 {strides = array<i32>} : memref<256xf32, #tpu.memory_space<vmem>>, vector<16xf32>,
      %add3A_784 = arith.constant 10 : i32
      %add3A_785 = arith.addi %mul3A_79, %add3A_784 : i32
      %broadcast_in_dim3A_786 = vector.broadcast %add3A_785 : i32 to vector<16xi32>
      %add3A_787 = arith.constant 0 : i32
      %add3A_788 = vector.broadcast %add3A_787 : i32 to vector<16xi32>
      %add3A_789 = arith.addi %broadcast_in_dim3A_786, %add3A_788 : vector<16xi32>
      %gather3A_790 = tpu.vector_load_idx %arg12[%add3A_789] : memref<512xi32, #tpu.memory_space<vmem>>[vector<16xi32>], vector<16xi32>,
      %add3A_791 = arith.constant 0 : i32
      %add3A_792 = vector.broadcast %add3A_791 : i32 to vector<16xi32>
      %add3A_793 = arith.addi %broadcast_in_dim3A_786, %add3A_792 : vector<16xi32>
      %gather3A_794 = tpu.vector_load_idx %arg13[%add3A_793] : memref<512xi32, #tpu.memory_space<vmem>>[vector<16xi32>], vector<16xi32>,
      %broadcast_in_dim3A_795 = arith.constant 0.000000e+00 : f32
      %broadcast_in_dim3A_796 = vector.broadcast %broadcast_in_dim3A_795 : f32 to vector<16xf32>
      %add3A_797 = arith.addi %gather3A_790, %iota3A : vector<16xi32>
      %gather3A_798 = tpu.vector_load_idx %arg14[%broadcast_in_dim3A_786, %add3A_797] : memref<256x128xf32, #tpu.memory_space<vmem>>[vector<16xi32>, vector<16xi32>], vector<16xf32>,
      %add3A_799 = arith.addi %gather3A_794, %iota3A : vector<16xi32>
      %gather3A_800 = tpu.vector_load_idx %arg15[%broadcast_in_dim3A_786, %add3A_799] : memref<256x128xf32, #tpu.memory_space<vmem>>[vector<16xi32>, vector<16xi32>], vector<16xf32>,
      %bitcast3A_801 = vector.bitcast %gather3A_798 : vector<16xf32> to vector<16xi32>
      %shift_left3A_802 = arith.constant 16 : i32
      %shift_left3A_803 = vector.broadcast %shift_left3A_802 : i32 to vector<16xi32>
      %shift_left3A_804 = arith.shli %bitcast3A_801, %shift_left3A_803 : vector<16xi32>
      %bitcast3A_805 = vector.bitcast %shift_left3A_804 : vector<16xi32> to vector<16xf32>
      %and3A_806 = arith.constant -65536 : i32
      %and3A_807 = vector.broadcast %and3A_806 : i32 to vector<16xi32>
      %and3A_808 = arith.andi %bitcast3A_801, %and3A_807 : vector<16xi32>
      %bitcast3A_809 = vector.bitcast %and3A_808 : vector<16xi32> to vector<16xf32>
      %bitcast3A_810 = vector.bitcast %gather3A_800 : vector<16xf32> to vector<16xi32>
      %shift_left3A_811 = arith.constant 16 : i32
      %shift_left3A_812 = vector.broadcast %shift_left3A_811 : i32 to vector<16xi32>
      %shift_left3A_813 = arith.shli %bitcast3A_810, %shift_left3A_812 : vector<16xi32>
      %bitcast3A_814 = vector.bitcast %shift_left3A_813 : vector<16xi32> to vector<16xf32>
      %and3A_815 = arith.constant -65536 : i32
      %and3A_816 = vector.broadcast %and3A_815 : i32 to vector<16xi32>
      %and3A_817 = arith.andi %bitcast3A_810, %and3A_816 : vector<16xi32>
      %bitcast3A_818 = vector.bitcast %and3A_817 : vector<16xi32> to vector<16xf32>
      %mul3A_819 = arith.mulf %bitcast3A_805, %bitcast3A_814 : vector<16xf32>
      %mul3A_820 = arith.mulf %mul3A_819, %get3A_30 : vector<16xf32>
      %add3A_821 = arith.addf %broadcast_in_dim3A_796, %mul3A_820 : vector<16xf32>
      %mul3A_822 = arith.mulf %bitcast3A_809, %bitcast3A_818 : vector<16xf32>
      %mul3A_823 = arith.mulf %mul3A_822, %get3A_34 : vector<16xf32>
      %add3A_824 = arith.addf %add3A_821, %mul3A_823 : vector<16xf32>
      %add3A_825 = arith.addi %gather3A_790, %add3A_42 : vector<16xi32>
      %gather3A_826 = tpu.vector_load_idx %arg14[%broadcast_in_dim3A_786, %add3A_825] : memref<256x128xf32, #tpu.memory_space<vmem>>[vector<16xi32>, vector<16xi32>], vector<16xf32>,
      %add3A_827 = arith.addi %gather3A_794, %add3A_42 : vector<16xi32>
      %gather3A_828 = tpu.vector_load_idx %arg15[%broadcast_in_dim3A_786, %add3A_827] : memref<256x128xf32, #tpu.memory_space<vmem>>[vector<16xi32>, vector<16xi32>], vector<16xf32>,
      %bitcast3A_829 = vector.bitcast %gather3A_826 : vector<16xf32> to vector<16xi32>
      %shift_left3A_830 = arith.constant 16 : i32
      %shift_left3A_831 = vector.broadcast %shift_left3A_830 : i32 to vector<16xi32>
      %shift_left3A_832 = arith.shli %bitcast3A_829, %shift_left3A_831 : vector<16xi32>
      %bitcast3A_833 = vector.bitcast %shift_left3A_832 : vector<16xi32> to vector<16xf32>
      %and3A_834 = arith.constant -65536 : i32
      %and3A_835 = vector.broadcast %and3A_834 : i32 to vector<16xi32>
      %and3A_836 = arith.andi %bitcast3A_829, %and3A_835 : vector<16xi32>
      %bitcast3A_837 = vector.bitcast %and3A_836 : vector<16xi32> to vector<16xf32>
      %bitcast3A_838 = vector.bitcast %gather3A_828 : vector<16xf32> to vector<16xi32>
      %shift_left3A_839 = arith.constant 16 : i32
      %shift_left3A_840 = vector.broadcast %shift_left3A_839 : i32 to vector<16xi32>
      %shift_left3A_841 = arith.shli %bitcast3A_838, %shift_left3A_840 : vector<16xi32>
      %bitcast3A_842 = vector.bitcast %shift_left3A_841 : vector<16xi32> to vector<16xf32>
      %and3A_843 = arith.constant -65536 : i32
      %and3A_844 = vector.broadcast %and3A_843 : i32 to vector<16xi32>
      %and3A_845 = arith.andi %bitcast3A_838, %and3A_844 : vector<16xi32>
      %bitcast3A_846 = vector.bitcast %and3A_845 : vector<16xi32> to vector<16xf32>
      %mul3A_847 = arith.mulf %bitcast3A_833, %bitcast3A_842 : vector<16xf32>
      %mul3A_848 = arith.mulf %mul3A_847, %get3A_32 : vector<16xf32>
      %add3A_849 = arith.addf %add3A_824, %mul3A_848 : vector<16xf32>
      %mul3A_850 = arith.mulf %bitcast3A_837, %bitcast3A_846 : vector<16xf32>
      %mul3A_851 = arith.mulf %mul3A_850, %get3A_36 : vector<16xf32>
      %add3A_852 = arith.addf %add3A_849, %mul3A_851 : vector<16xf32>
      %swap3A_853 = arith.constant 160 : index
      %swap3A_854 = tpu.vector_load %arg18[%swap3A_853] {strides = array<i32>} : memref<256xf32, #tpu.memory_space<vmem>>, vector<16xf32>,
      tpu.vector_store %arg18[%swap3A_853], %add3A_852 {strides = array<i32>} : memref<256xf32, #tpu.memory_space<vmem>>, vector<16xf32>,
      %add3A_855 = arith.constant 11 : i32
      %add3A_856 = arith.addi %mul3A_79, %add3A_855 : i32
      %broadcast_in_dim3A_857 = vector.broadcast %add3A_856 : i32 to vector<16xi32>
      %add3A_858 = arith.constant 0 : i32
      %add3A_859 = vector.broadcast %add3A_858 : i32 to vector<16xi32>
      %add3A_860 = arith.addi %broadcast_in_dim3A_857, %add3A_859 : vector<16xi32>
      %gather3A_861 = tpu.vector_load_idx %arg12[%add3A_860] : memref<512xi32, #tpu.memory_space<vmem>>[vector<16xi32>], vector<16xi32>,
      %add3A_862 = arith.constant 0 : i32
      %add3A_863 = vector.broadcast %add3A_862 : i32 to vector<16xi32>
      %add3A_864 = arith.addi %broadcast_in_dim3A_857, %add3A_863 : vector<16xi32>
      %gather3A_865 = tpu.vector_load_idx %arg13[%add3A_864] : memref<512xi32, #tpu.memory_space<vmem>>[vector<16xi32>], vector<16xi32>,
      %broadcast_in_dim3A_866 = arith.constant 0.000000e+00 : f32
      %broadcast_in_dim3A_867 = vector.broadcast %broadcast_in_dim3A_866 : f32 to vector<16xf32>
      %add3A_868 = arith.addi %gather3A_861, %iota3A : vector<16xi32>
      %gather3A_869 = tpu.vector_load_idx %arg14[%broadcast_in_dim3A_857, %add3A_868] : memref<256x128xf32, #tpu.memory_space<vmem>>[vector<16xi32>, vector<16xi32>], vector<16xf32>,
      %add3A_870 = arith.addi %gather3A_865, %iota3A : vector<16xi32>
      %gather3A_871 = tpu.vector_load_idx %arg15[%broadcast_in_dim3A_857, %add3A_870] : memref<256x128xf32, #tpu.memory_space<vmem>>[vector<16xi32>, vector<16xi32>], vector<16xf32>,
      %bitcast3A_872 = vector.bitcast %gather3A_869 : vector<16xf32> to vector<16xi32>
      %shift_left3A_873 = arith.constant 16 : i32
      %shift_left3A_874 = vector.broadcast %shift_left3A_873 : i32 to vector<16xi32>
      %shift_left3A_875 = arith.shli %bitcast3A_872, %shift_left3A_874 : vector<16xi32>
      %bitcast3A_876 = vector.bitcast %shift_left3A_875 : vector<16xi32> to vector<16xf32>
      %and3A_877 = arith.constant -65536 : i32
      %and3A_878 = vector.broadcast %and3A_877 : i32 to vector<16xi32>
      %and3A_879 = arith.andi %bitcast3A_872, %and3A_878 : vector<16xi32>
      %bitcast3A_880 = vector.bitcast %and3A_879 : vector<16xi32> to vector<16xf32>
      %bitcast3A_881 = vector.bitcast %gather3A_871 : vector<16xf32> to vector<16xi32>
      %shift_left3A_882 = arith.constant 16 : i32
      %shift_left3A_883 = vector.broadcast %shift_left3A_882 : i32 to vector<16xi32>
      %shift_left3A_884 = arith.shli %bitcast3A_881, %shift_left3A_883 : vector<16xi32>
      %bitcast3A_885 = vector.bitcast %shift_left3A_884 : vector<16xi32> to vector<16xf32>
      %and3A_886 = arith.constant -65536 : i32
      %and3A_887 = vector.broadcast %and3A_886 : i32 to vector<16xi32>
      %and3A_888 = arith.andi %bitcast3A_881, %and3A_887 : vector<16xi32>
      %bitcast3A_889 = vector.bitcast %and3A_888 : vector<16xi32> to vector<16xf32>
      %mul3A_890 = arith.mulf %bitcast3A_876, %bitcast3A_885 : vector<16xf32>
      %mul3A_891 = arith.mulf %mul3A_890, %get3A_30 : vector<16xf32>
      %add3A_892 = arith.addf %broadcast_in_dim3A_867, %mul3A_891 : vector<16xf32>
      %mul3A_893 = arith.mulf %bitcast3A_880, %bitcast3A_889 : vector<16xf32>
      %mul3A_894 = arith.mulf %mul3A_893, %get3A_34 : vector<16xf32>
      %add3A_895 = arith.addf %add3A_892, %mul3A_894 : vector<16xf32>
      %add3A_896 = arith.addi %gather3A_861, %add3A_42 : vector<16xi32>
      %gather3A_897 = tpu.vector_load_idx %arg14[%broadcast_in_dim3A_857, %add3A_896] : memref<256x128xf32, #tpu.memory_space<vmem>>[vector<16xi32>, vector<16xi32>], vector<16xf32>,
      %add3A_898 = arith.addi %gather3A_865, %add3A_42 : vector<16xi32>
      %gather3A_899 = tpu.vector_load_idx %arg15[%broadcast_in_dim3A_857, %add3A_898] : memref<256x128xf32, #tpu.memory_space<vmem>>[vector<16xi32>, vector<16xi32>], vector<16xf32>,
      %bitcast3A_900 = vector.bitcast %gather3A_897 : vector<16xf32> to vector<16xi32>
      %shift_left3A_901 = arith.constant 16 : i32
      %shift_left3A_902 = vector.broadcast %shift_left3A_901 : i32 to vector<16xi32>
      %shift_left3A_903 = arith.shli %bitcast3A_900, %shift_left3A_902 : vector<16xi32>
      %bitcast3A_904 = vector.bitcast %shift_left3A_903 : vector<16xi32> to vector<16xf32>
      %and3A_905 = arith.constant -65536 : i32
      %and3A_906 = vector.broadcast %and3A_905 : i32 to vector<16xi32>
      %and3A_907 = arith.andi %bitcast3A_900, %and3A_906 : vector<16xi32>
      %bitcast3A_908 = vector.bitcast %and3A_907 : vector<16xi32> to vector<16xf32>
      %bitcast3A_909 = vector.bitcast %gather3A_899 : vector<16xf32> to vector<16xi32>
      %shift_left3A_910 = arith.constant 16 : i32
      %shift_left3A_911 = vector.broadcast %shift_left3A_910 : i32 to vector<16xi32>
      %shift_left3A_912 = arith.shli %bitcast3A_909, %shift_left3A_911 : vector<16xi32>
      %bitcast3A_913 = vector.bitcast %shift_left3A_912 : vector<16xi32> to vector<16xf32>
      %and3A_914 = arith.constant -65536 : i32
      %and3A_915 = vector.broadcast %and3A_914 : i32 to vector<16xi32>
      %and3A_916 = arith.andi %bitcast3A_909, %and3A_915 : vector<16xi32>
      %bitcast3A_917 = vector.bitcast %and3A_916 : vector<16xi32> to vector<16xf32>
      %mul3A_918 = arith.mulf %bitcast3A_904, %bitcast3A_913 : vector<16xf32>
      %mul3A_919 = arith.mulf %mul3A_918, %get3A_32 : vector<16xf32>
      %add3A_920 = arith.addf %add3A_895, %mul3A_919 : vector<16xf32>
      %mul3A_921 = arith.mulf %bitcast3A_908, %bitcast3A_917 : vector<16xf32>
      %mul3A_922 = arith.mulf %mul3A_921, %get3A_36 : vector<16xf32>
      %add3A_923 = arith.addf %add3A_920, %mul3A_922 : vector<16xf32>
      %swap3A_924 = arith.constant 176 : index
      %swap3A_925 = tpu.vector_load %arg18[%swap3A_924] {strides = array<i32>} : memref<256xf32, #tpu.memory_space<vmem>>, vector<16xf32>,
      tpu.vector_store %arg18[%swap3A_924], %add3A_923 {strides = array<i32>} : memref<256xf32, #tpu.memory_space<vmem>>, vector<16xf32>,
      %add3A_926 = arith.constant 12 : i32
      %add3A_927 = arith.addi %mul3A_79, %add3A_926 : i32
      %broadcast_in_dim3A_928 = vector.broadcast %add3A_927 : i32 to vector<16xi32>
      %add3A_929 = arith.constant 0 : i32
      %add3A_930 = vector.broadcast %add3A_929 : i32 to vector<16xi32>
      %add3A_931 = arith.addi %broadcast_in_dim3A_928, %add3A_930 : vector<16xi32>
      %gather3A_932 = tpu.vector_load_idx %arg12[%add3A_931] : memref<512xi32, #tpu.memory_space<vmem>>[vector<16xi32>], vector<16xi32>,
      %add3A_933 = arith.constant 0 : i32
      %add3A_934 = vector.broadcast %add3A_933 : i32 to vector<16xi32>
      %add3A_935 = arith.addi %broadcast_in_dim3A_928, %add3A_934 : vector<16xi32>
      %gather3A_936 = tpu.vector_load_idx %arg13[%add3A_935] : memref<512xi32, #tpu.memory_space<vmem>>[vector<16xi32>], vector<16xi32>,
      %broadcast_in_dim3A_937 = arith.constant 0.000000e+00 : f32
      %broadcast_in_dim3A_938 = vector.broadcast %broadcast_in_dim3A_937 : f32 to vector<16xf32>
      %add3A_939 = arith.addi %gather3A_932, %iota3A : vector<16xi32>
      %gather3A_940 = tpu.vector_load_idx %arg14[%broadcast_in_dim3A_928, %add3A_939] : memref<256x128xf32, #tpu.memory_space<vmem>>[vector<16xi32>, vector<16xi32>], vector<16xf32>,
      %add3A_941 = arith.addi %gather3A_936, %iota3A : vector<16xi32>
      %gather3A_942 = tpu.vector_load_idx %arg15[%broadcast_in_dim3A_928, %add3A_941] : memref<256x128xf32, #tpu.memory_space<vmem>>[vector<16xi32>, vector<16xi32>], vector<16xf32>,
      %bitcast3A_943 = vector.bitcast %gather3A_940 : vector<16xf32> to vector<16xi32>
      %shift_left3A_944 = arith.constant 16 : i32
      %shift_left3A_945 = vector.broadcast %shift_left3A_944 : i32 to vector<16xi32>
      %shift_left3A_946 = arith.shli %bitcast3A_943, %shift_left3A_945 : vector<16xi32>
      %bitcast3A_947 = vector.bitcast %shift_left3A_946 : vector<16xi32> to vector<16xf32>
      %and3A_948 = arith.constant -65536 : i32
      %and3A_949 = vector.broadcast %and3A_948 : i32 to vector<16xi32>
      %and3A_950 = arith.andi %bitcast3A_943, %and3A_949 : vector<16xi32>
      %bitcast3A_951 = vector.bitcast %and3A_950 : vector<16xi32> to vector<16xf32>
      %bitcast3A_952 = vector.bitcast %gather3A_942 : vector<16xf32> to vector<16xi32>
      %shift_left3A_953 = arith.constant 16 : i32
      %shift_left3A_954 = vector.broadcast %shift_left3A_953 : i32 to vector<16xi32>
      %shift_left3A_955 = arith.shli %bitcast3A_952, %shift_left3A_954 : vector<16xi32>
      %bitcast3A_956 = vector.bitcast %shift_left3A_955 : vector<16xi32> to vector<16xf32>
      %and3A_957 = arith.constant -65536 : i32
      %and3A_958 = vector.broadcast %and3A_957 : i32 to vector<16xi32>
      %and3A_959 = arith.andi %bitcast3A_952, %and3A_958 : vector<16xi32>
      %bitcast3A_960 = vector.bitcast %and3A_959 : vector<16xi32> to vector<16xf32>
      %mul3A_961 = arith.mulf %bitcast3A_947, %bitcast3A_956 : vector<16xf32>
      %mul3A_962 = arith.mulf %mul3A_961, %get3A_30 : vector<16xf32>
      %add3A_963 = arith.addf %broadcast_in_dim3A_938, %mul3A_962 : vector<16xf32>
      %mul3A_964 = arith.mulf %bitcast3A_951, %bitcast3A_960 : vector<16xf32>
      %mul3A_965 = arith.mulf %mul3A_964, %get3A_34 : vector<16xf32>
      %add3A_966 = arith.addf %add3A_963, %mul3A_965 : vector<16xf32>
      %add3A_967 = arith.addi %gather3A_932, %add3A_42 : vector<16xi32>
      %gather3A_968 = tpu.vector_load_idx %arg14[%broadcast_in_dim3A_928, %add3A_967] : memref<256x128xf32, #tpu.memory_space<vmem>>[vector<16xi32>, vector<16xi32>], vector<16xf32>,
      %add3A_969 = arith.addi %gather3A_936, %add3A_42 : vector<16xi32>
      %gather3A_970 = tpu.vector_load_idx %arg15[%broadcast_in_dim3A_928, %add3A_969] : memref<256x128xf32, #tpu.memory_space<vmem>>[vector<16xi32>, vector<16xi32>], vector<16xf32>,
      %bitcast3A_971 = vector.bitcast %gather3A_968 : vector<16xf32> to vector<16xi32>
      %shift_left3A_972 = arith.constant 16 : i32
      %shift_left3A_973 = vector.broadcast %shift_left3A_972 : i32 to vector<16xi32>
      %shift_left3A_974 = arith.shli %bitcast3A_971, %shift_left3A_973 : vector<16xi32>
      %bitcast3A_975 = vector.bitcast %shift_left3A_974 : vector<16xi32> to vector<16xf32>
      %and3A_976 = arith.constant -65536 : i32
      %and3A_977 = vector.broadcast %and3A_976 : i32 to vector<16xi32>
      %and3A_978 = arith.andi %bitcast3A_971, %and3A_977 : vector<16xi32>
      %bitcast3A_979 = vector.bitcast %and3A_978 : vector<16xi32> to vector<16xf32>
      %bitcast3A_980 = vector.bitcast %gather3A_970 : vector<16xf32> to vector<16xi32>
      %shift_left3A_981 = arith.constant 16 : i32
      %shift_left3A_982 = vector.broadcast %shift_left3A_981 : i32 to vector<16xi32>
      %shift_left3A_983 = arith.shli %bitcast3A_980, %shift_left3A_982 : vector<16xi32>
      %bitcast3A_984 = vector.bitcast %shift_left3A_983 : vector<16xi32> to vector<16xf32>
      %and3A_985 = arith.constant -65536 : i32
      %and3A_986 = vector.broadcast %and3A_985 : i32 to vector<16xi32>
      %and3A_987 = arith.andi %bitcast3A_980, %and3A_986 : vector<16xi32>
      %bitcast3A_988 = vector.bitcast %and3A_987 : vector<16xi32> to vector<16xf32>
      %mul3A_989 = arith.mulf %bitcast3A_975, %bitcast3A_984 : vector<16xf32>
      %mul3A_990 = arith.mulf %mul3A_989, %get3A_32 : vector<16xf32>
      %add3A_991 = arith.addf %add3A_966, %mul3A_990 : vector<16xf32>
      %mul3A_992 = arith.mulf %bitcast3A_979, %bitcast3A_988 : vector<16xf32>
      %mul3A_993 = arith.mulf %mul3A_992, %get3A_36 : vector<16xf32>
      %add3A_994 = arith.addf %add3A_991, %mul3A_993 : vector<16xf32>
      %swap3A_995 = arith.constant 192 : index
      %swap3A_996 = tpu.vector_load %arg18[%swap3A_995] {strides = array<i32>} : memref<256xf32, #tpu.memory_space<vmem>>, vector<16xf32>,
      tpu.vector_store %arg18[%swap3A_995], %add3A_994 {strides = array<i32>} : memref<256xf32, #tpu.memory_space<vmem>>, vector<16xf32>,
      %add3A_997 = arith.constant 13 : i32
      %add3A_998 = arith.addi %mul3A_79, %add3A_997 : i32
      %broadcast_in_dim3A_999 = vector.broadcast %add3A_998 : i32 to vector<16xi32>
      %add3A_1000 = arith.constant 0 : i32
      %add3A_1001 = vector.broadcast %add3A_1000 : i32 to vector<16xi32>
      %add3A_1002 = arith.addi %broadcast_in_dim3A_999, %add3A_1001 : vector<16xi32>
      %gather3A_1003 = tpu.vector_load_idx %arg12[%add3A_1002] : memref<512xi32, #tpu.memory_space<vmem>>[vector<16xi32>], vector<16xi32>,
      %add3A_1004 = arith.constant 0 : i32
      %add3A_1005 = vector.broadcast %add3A_1004 : i32 to vector<16xi32>
      %add3A_1006 = arith.addi %broadcast_in_dim3A_999, %add3A_1005 : vector<16xi32>
      %gather3A_1007 = tpu.vector_load_idx %arg13[%add3A_1006] : memref<512xi32, #tpu.memory_space<vmem>>[vector<16xi32>], vector<16xi32>,
      %broadcast_in_dim3A_1008 = arith.constant 0.000000e+00 : f32
      %broadcast_in_dim3A_1009 = vector.broadcast %broadcast_in_dim3A_1008 : f32 to vector<16xf32>
      %add3A_1010 = arith.addi %gather3A_1003, %iota3A : vector<16xi32>
      %gather3A_1011 = tpu.vector_load_idx %arg14[%broadcast_in_dim3A_999, %add3A_1010] : memref<256x128xf32, #tpu.memory_space<vmem>>[vector<16xi32>, vector<16xi32>], vector<16xf32>,
      %add3A_1012 = arith.addi %gather3A_1007, %iota3A : vector<16xi32>
      %gather3A_1013 = tpu.vector_load_idx %arg15[%broadcast_in_dim3A_999, %add3A_1012] : memref<256x128xf32, #tpu.memory_space<vmem>>[vector<16xi32>, vector<16xi32>], vector<16xf32>,
      %bitcast3A_1014 = vector.bitcast %gather3A_1011 : vector<16xf32> to vector<16xi32>
      %shift_left3A_1015 = arith.constant 16 : i32
      %shift_left3A_1016 = vector.broadcast %shift_left3A_1015 : i32 to vector<16xi32>
      %shift_left3A_1017 = arith.shli %bitcast3A_1014, %shift_left3A_1016 : vector<16xi32>
      %bitcast3A_1018 = vector.bitcast %shift_left3A_1017 : vector<16xi32> to vector<16xf32>
      %and3A_1019 = arith.constant -65536 : i32
      %and3A_1020 = vector.broadcast %and3A_1019 : i32 to vector<16xi32>
      %and3A_1021 = arith.andi %bitcast3A_1014, %and3A_1020 : vector<16xi32>
      %bitcast3A_1022 = vector.bitcast %and3A_1021 : vector<16xi32> to vector<16xf32>
      %bitcast3A_1023 = vector.bitcast %gather3A_1013 : vector<16xf32> to vector<16xi32>
      %shift_left3A_1024 = arith.constant 16 : i32
      %shift_left3A_1025 = vector.broadcast %shift_left3A_1024 : i32 to vector<16xi32>
      %shift_left3A_1026 = arith.shli %bitcast3A_1023, %shift_left3A_1025 : vector<16xi32>
      %bitcast3A_1027 = vector.bitcast %shift_left3A_1026 : vector<16xi32> to vector<16xf32>
      %and3A_1028 = arith.constant -65536 : i32
      %and3A_1029 = vector.broadcast %and3A_1028 : i32 to vector<16xi32>
      %and3A_1030 = arith.andi %bitcast3A_1023, %and3A_1029 : vector<16xi32>
      %bitcast3A_1031 = vector.bitcast %and3A_1030 : vector<16xi32> to vector<16xf32>
      %mul3A_1032 = arith.mulf %bitcast3A_1018, %bitcast3A_1027 : vector<16xf32>
      %mul3A_1033 = arith.mulf %mul3A_1032, %get3A_30 : vector<16xf32>
      %add3A_1034 = arith.addf %broadcast_in_dim3A_1009, %mul3A_1033 : vector<16xf32>
      %mul3A_1035 = arith.mulf %bitcast3A_1022, %bitcast3A_1031 : vector<16xf32>
      %mul3A_1036 = arith.mulf %mul3A_1035, %get3A_34 : vector<16xf32>
      %add3A_1037 = arith.addf %add3A_1034, %mul3A_1036 : vector<16xf32>
      %add3A_1038 = arith.addi %gather3A_1003, %add3A_42 : vector<16xi32>
      %gather3A_1039 = tpu.vector_load_idx %arg14[%broadcast_in_dim3A_999, %add3A_1038] : memref<256x128xf32, #tpu.memory_space<vmem>>[vector<16xi32>, vector<16xi32>], vector<16xf32>,
      %add3A_1040 = arith.addi %gather3A_1007, %add3A_42 : vector<16xi32>
      %gather3A_1041 = tpu.vector_load_idx %arg15[%broadcast_in_dim3A_999, %add3A_1040] : memref<256x128xf32, #tpu.memory_space<vmem>>[vector<16xi32>, vector<16xi32>], vector<16xf32>,
      %bitcast3A_1042 = vector.bitcast %gather3A_1039 : vector<16xf32> to vector<16xi32>
      %shift_left3A_1043 = arith.constant 16 : i32
      %shift_left3A_1044 = vector.broadcast %shift_left3A_1043 : i32 to vector<16xi32>
      %shift_left3A_1045 = arith.shli %bitcast3A_1042, %shift_left3A_1044 : vector<16xi32>
      %bitcast3A_1046 = vector.bitcast %shift_left3A_1045 : vector<16xi32> to vector<16xf32>
      %and3A_1047 = arith.constant -65536 : i32
      %and3A_1048 = vector.broadcast %and3A_1047 : i32 to vector<16xi32>
      %and3A_1049 = arith.andi %bitcast3A_1042, %and3A_1048 : vector<16xi32>
      %bitcast3A_1050 = vector.bitcast %and3A_1049 : vector<16xi32> to vector<16xf32>
      %bitcast3A_1051 = vector.bitcast %gather3A_1041 : vector<16xf32> to vector<16xi32>
      %shift_left3A_1052 = arith.constant 16 : i32
      %shift_left3A_1053 = vector.broadcast %shift_left3A_1052 : i32 to vector<16xi32>
      %shift_left3A_1054 = arith.shli %bitcast3A_1051, %shift_left3A_1053 : vector<16xi32>
      %bitcast3A_1055 = vector.bitcast %shift_left3A_1054 : vector<16xi32> to vector<16xf32>
      %and3A_1056 = arith.constant -65536 : i32
      %and3A_1057 = vector.broadcast %and3A_1056 : i32 to vector<16xi32>
      %and3A_1058 = arith.andi %bitcast3A_1051, %and3A_1057 : vector<16xi32>
      %bitcast3A_1059 = vector.bitcast %and3A_1058 : vector<16xi32> to vector<16xf32>
      %mul3A_1060 = arith.mulf %bitcast3A_1046, %bitcast3A_1055 : vector<16xf32>
      %mul3A_1061 = arith.mulf %mul3A_1060, %get3A_32 : vector<16xf32>
      %add3A_1062 = arith.addf %add3A_1037, %mul3A_1061 : vector<16xf32>
      %mul3A_1063 = arith.mulf %bitcast3A_1050, %bitcast3A_1059 : vector<16xf32>
      %mul3A_1064 = arith.mulf %mul3A_1063, %get3A_36 : vector<16xf32>
      %add3A_1065 = arith.addf %add3A_1062, %mul3A_1064 : vector<16xf32>
      %swap3A_1066 = arith.constant 208 : index
      %swap3A_1067 = tpu.vector_load %arg18[%swap3A_1066] {strides = array<i32>} : memref<256xf32, #tpu.memory_space<vmem>>, vector<16xf32>,
      tpu.vector_store %arg18[%swap3A_1066], %add3A_1065 {strides = array<i32>} : memref<256xf32, #tpu.memory_space<vmem>>, vector<16xf32>,
      %add3A_1068 = arith.constant 14 : i32
      %add3A_1069 = arith.addi %mul3A_79, %add3A_1068 : i32
      %broadcast_in_dim3A_1070 = vector.broadcast %add3A_1069 : i32 to vector<16xi32>
      %add3A_1071 = arith.constant 0 : i32
      %add3A_1072 = vector.broadcast %add3A_1071 : i32 to vector<16xi32>
      %add3A_1073 = arith.addi %broadcast_in_dim3A_1070, %add3A_1072 : vector<16xi32>
      %gather3A_1074 = tpu.vector_load_idx %arg12[%add3A_1073] : memref<512xi32, #tpu.memory_space<vmem>>[vector<16xi32>], vector<16xi32>,
      %add3A_1075 = arith.constant 0 : i32
      %add3A_1076 = vector.broadcast %add3A_1075 : i32 to vector<16xi32>
      %add3A_1077 = arith.addi %broadcast_in_dim3A_1070, %add3A_1076 : vector<16xi32>
      %gather3A_1078 = tpu.vector_load_idx %arg13[%add3A_1077] : memref<512xi32, #tpu.memory_space<vmem>>[vector<16xi32>], vector<16xi32>,
      %broadcast_in_dim3A_1079 = arith.constant 0.000000e+00 : f32
      %broadcast_in_dim3A_1080 = vector.broadcast %broadcast_in_dim3A_1079 : f32 to vector<16xf32>
      %add3A_1081 = arith.addi %gather3A_1074, %iota3A : vector<16xi32>
      %gather3A_1082 = tpu.vector_load_idx %arg14[%broadcast_in_dim3A_1070, %add3A_1081] : memref<256x128xf32, #tpu.memory_space<vmem>>[vector<16xi32>, vector<16xi32>], vector<16xf32>,
      %add3A_1083 = arith.addi %gather3A_1078, %iota3A : vector<16xi32>
      %gather3A_1084 = tpu.vector_load_idx %arg15[%broadcast_in_dim3A_1070, %add3A_1083] : memref<256x128xf32, #tpu.memory_space<vmem>>[vector<16xi32>, vector<16xi32>], vector<16xf32>,
      %bitcast3A_1085 = vector.bitcast %gather3A_1082 : vector<16xf32> to vector<16xi32>
      %shift_left3A_1086 = arith.constant 16 : i32
      %shift_left3A_1087 = vector.broadcast %shift_left3A_1086 : i32 to vector<16xi32>
      %shift_left3A_1088 = arith.shli %bitcast3A_1085, %shift_left3A_1087 : vector<16xi32>
      %bitcast3A_1089 = vector.bitcast %shift_left3A_1088 : vector<16xi32> to vector<16xf32>
      %and3A_1090 = arith.constant -65536 : i32
      %and3A_1091 = vector.broadcast %and3A_1090 : i32 to vector<16xi32>
      %and3A_1092 = arith.andi %bitcast3A_1085, %and3A_1091 : vector<16xi32>
      %bitcast3A_1093 = vector.bitcast %and3A_1092 : vector<16xi32> to vector<16xf32>
      %bitcast3A_1094 = vector.bitcast %gather3A_1084 : vector<16xf32> to vector<16xi32>
      %shift_left3A_1095 = arith.constant 16 : i32
      %shift_left3A_1096 = vector.broadcast %shift_left3A_1095 : i32 to vector<16xi32>
      %shift_left3A_1097 = arith.shli %bitcast3A_1094, %shift_left3A_1096 : vector<16xi32>
      %bitcast3A_1098 = vector.bitcast %shift_left3A_1097 : vector<16xi32> to vector<16xf32>
      %and3A_1099 = arith.constant -65536 : i32
      %and3A_1100 = vector.broadcast %and3A_1099 : i32 to vector<16xi32>
      %and3A_1101 = arith.andi %bitcast3A_1094, %and3A_1100 : vector<16xi32>
      %bitcast3A_1102 = vector.bitcast %and3A_1101 : vector<16xi32> to vector<16xf32>
      %mul3A_1103 = arith.mulf %bitcast3A_1089, %bitcast3A_1098 : vector<16xf32>
      %mul3A_1104 = arith.mulf %mul3A_1103, %get3A_30 : vector<16xf32>
      %add3A_1105 = arith.addf %broadcast_in_dim3A_1080, %mul3A_1104 : vector<16xf32>
      %mul3A_1106 = arith.mulf %bitcast3A_1093, %bitcast3A_1102 : vector<16xf32>
      %mul3A_1107 = arith.mulf %mul3A_1106, %get3A_34 : vector<16xf32>
      %add3A_1108 = arith.addf %add3A_1105, %mul3A_1107 : vector<16xf32>
      %add3A_1109 = arith.addi %gather3A_1074, %add3A_42 : vector<16xi32>
      %gather3A_1110 = tpu.vector_load_idx %arg14[%broadcast_in_dim3A_1070, %add3A_1109] : memref<256x128xf32, #tpu.memory_space<vmem>>[vector<16xi32>, vector<16xi32>], vector<16xf32>,
      %add3A_1111 = arith.addi %gather3A_1078, %add3A_42 : vector<16xi32>
      %gather3A_1112 = tpu.vector_load_idx %arg15[%broadcast_in_dim3A_1070, %add3A_1111] : memref<256x128xf32, #tpu.memory_space<vmem>>[vector<16xi32>, vector<16xi32>], vector<16xf32>,
      %bitcast3A_1113 = vector.bitcast %gather3A_1110 : vector<16xf32> to vector<16xi32>
      %shift_left3A_1114 = arith.constant 16 : i32
      %shift_left3A_1115 = vector.broadcast %shift_left3A_1114 : i32 to vector<16xi32>
      %shift_left3A_1116 = arith.shli %bitcast3A_1113, %shift_left3A_1115 : vector<16xi32>
      %bitcast3A_1117 = vector.bitcast %shift_left3A_1116 : vector<16xi32> to vector<16xf32>
      %and3A_1118 = arith.constant -65536 : i32
      %and3A_1119 = vector.broadcast %and3A_1118 : i32 to vector<16xi32>
      %and3A_1120 = arith.andi %bitcast3A_1113, %and3A_1119 : vector<16xi32>
      %bitcast3A_1121 = vector.bitcast %and3A_1120 : vector<16xi32> to vector<16xf32>
      %bitcast3A_1122 = vector.bitcast %gather3A_1112 : vector<16xf32> to vector<16xi32>
      %shift_left3A_1123 = arith.constant 16 : i32
      %shift_left3A_1124 = vector.broadcast %shift_left3A_1123 : i32 to vector<16xi32>
      %shift_left3A_1125 = arith.shli %bitcast3A_1122, %shift_left3A_1124 : vector<16xi32>
      %bitcast3A_1126 = vector.bitcast %shift_left3A_1125 : vector<16xi32> to vector<16xf32>
      %and3A_1127 = arith.constant -65536 : i32
      %and3A_1128 = vector.broadcast %and3A_1127 : i32 to vector<16xi32>
      %and3A_1129 = arith.andi %bitcast3A_1122, %and3A_1128 : vector<16xi32>
      %bitcast3A_1130 = vector.bitcast %and3A_1129 : vector<16xi32> to vector<16xf32>
      %mul3A_1131 = arith.mulf %bitcast3A_1117, %bitcast3A_1126 : vector<16xf32>
      %mul3A_1132 = arith.mulf %mul3A_1131, %get3A_32 : vector<16xf32>
      %add3A_1133 = arith.addf %add3A_1108, %mul3A_1132 : vector<16xf32>
      %mul3A_1134 = arith.mulf %bitcast3A_1121, %bitcast3A_1130 : vector<16xf32>
      %mul3A_1135 = arith.mulf %mul3A_1134, %get3A_36 : vector<16xf32>
      %add3A_1136 = arith.addf %add3A_1133, %mul3A_1135 : vector<16xf32>
      %swap3A_1137 = arith.constant 224 : index
      %swap3A_1138 = tpu.vector_load %arg18[%swap3A_1137] {strides = array<i32>} : memref<256xf32, #tpu.memory_space<vmem>>, vector<16xf32>,
      tpu.vector_store %arg18[%swap3A_1137], %add3A_1136 {strides = array<i32>} : memref<256xf32, #tpu.memory_space<vmem>>, vector<16xf32>,
      %add3A_1139 = arith.constant 15 : i32
      %add3A_1140 = arith.addi %mul3A_79, %add3A_1139 : i32
      %broadcast_in_dim3A_1141 = vector.broadcast %add3A_1140 : i32 to vector<16xi32>
      %add3A_1142 = arith.constant 0 : i32
      %add3A_1143 = vector.broadcast %add3A_1142 : i32 to vector<16xi32>
      %add3A_1144 = arith.addi %broadcast_in_dim3A_1141, %add3A_1143 : vector<16xi32>
      %gather3A_1145 = tpu.vector_load_idx %arg12[%add3A_1144] : memref<512xi32, #tpu.memory_space<vmem>>[vector<16xi32>], vector<16xi32>,
      %add3A_1146 = arith.constant 0 : i32
      %add3A_1147 = vector.broadcast %add3A_1146 : i32 to vector<16xi32>
      %add3A_1148 = arith.addi %broadcast_in_dim3A_1141, %add3A_1147 : vector<16xi32>
      %gather3A_1149 = tpu.vector_load_idx %arg13[%add3A_1148] : memref<512xi32, #tpu.memory_space<vmem>>[vector<16xi32>], vector<16xi32>,
      %broadcast_in_dim3A_1150 = arith.constant 0.000000e+00 : f32
      %broadcast_in_dim3A_1151 = vector.broadcast %broadcast_in_dim3A_1150 : f32 to vector<16xf32>
      %add3A_1152 = arith.addi %gather3A_1145, %iota3A : vector<16xi32>
      %gather3A_1153 = tpu.vector_load_idx %arg14[%broadcast_in_dim3A_1141, %add3A_1152] : memref<256x128xf32, #tpu.memory_space<vmem>>[vector<16xi32>, vector<16xi32>], vector<16xf32>,
      %add3A_1154 = arith.addi %gather3A_1149, %iota3A : vector<16xi32>
      %gather3A_1155 = tpu.vector_load_idx %arg15[%broadcast_in_dim3A_1141, %add3A_1154] : memref<256x128xf32, #tpu.memory_space<vmem>>[vector<16xi32>, vector<16xi32>], vector<16xf32>,
      %bitcast3A_1156 = vector.bitcast %gather3A_1153 : vector<16xf32> to vector<16xi32>
      %shift_left3A_1157 = arith.constant 16 : i32
      %shift_left3A_1158 = vector.broadcast %shift_left3A_1157 : i32 to vector<16xi32>
      %shift_left3A_1159 = arith.shli %bitcast3A_1156, %shift_left3A_1158 : vector<16xi32>
      %bitcast3A_1160 = vector.bitcast %shift_left3A_1159 : vector<16xi32> to vector<16xf32>
      %and3A_1161 = arith.constant -65536 : i32
      %and3A_1162 = vector.broadcast %and3A_1161 : i32 to vector<16xi32>
      %and3A_1163 = arith.andi %bitcast3A_1156, %and3A_1162 : vector<16xi32>
      %bitcast3A_1164 = vector.bitcast %and3A_1163 : vector<16xi32> to vector<16xf32>
      %bitcast3A_1165 = vector.bitcast %gather3A_1155 : vector<16xf32> to vector<16xi32>
      %shift_left3A_1166 = arith.constant 16 : i32
      %shift_left3A_1167 = vector.broadcast %shift_left3A_1166 : i32 to vector<16xi32>
      %shift_left3A_1168 = arith.shli %bitcast3A_1165, %shift_left3A_1167 : vector<16xi32>
      %bitcast3A_1169 = vector.bitcast %shift_left3A_1168 : vector<16xi32> to vector<16xf32>
      %and3A_1170 = arith.constant -65536 : i32
      %and3A_1171 = vector.broadcast %and3A_1170 : i32 to vector<16xi32>
      %and3A_1172 = arith.andi %bitcast3A_1165, %and3A_1171 : vector<16xi32>
      %bitcast3A_1173 = vector.bitcast %and3A_1172 : vector<16xi32> to vector<16xf32>
      %mul3A_1174 = arith.mulf %bitcast3A_1160, %bitcast3A_1169 : vector<16xf32>
      %mul3A_1175 = arith.mulf %mul3A_1174, %get3A_30 : vector<16xf32>
      %add3A_1176 = arith.addf %broadcast_in_dim3A_1151, %mul3A_1175 : vector<16xf32>
      %mul3A_1177 = arith.mulf %bitcast3A_1164, %bitcast3A_1173 : vector<16xf32>
      %mul3A_1178 = arith.mulf %mul3A_1177, %get3A_34 : vector<16xf32>
      %add3A_1179 = arith.addf %add3A_1176, %mul3A_1178 : vector<16xf32>
      %add3A_1180 = arith.addi %gather3A_1145, %add3A_42 : vector<16xi32>
      %gather3A_1181 = tpu.vector_load_idx %arg14[%broadcast_in_dim3A_1141, %add3A_1180] : memref<256x128xf32, #tpu.memory_space<vmem>>[vector<16xi32>, vector<16xi32>], vector<16xf32>,
      %add3A_1182 = arith.addi %gather3A_1149, %add3A_42 : vector<16xi32>
      %gather3A_1183 = tpu.vector_load_idx %arg15[%broadcast_in_dim3A_1141, %add3A_1182] : memref<256x128xf32, #tpu.memory_space<vmem>>[vector<16xi32>, vector<16xi32>], vector<16xf32>,
      %bitcast3A_1184 = vector.bitcast %gather3A_1181 : vector<16xf32> to vector<16xi32>
      %shift_left3A_1185 = arith.constant 16 : i32
      %shift_left3A_1186 = vector.broadcast %shift_left3A_1185 : i32 to vector<16xi32>
      %shift_left3A_1187 = arith.shli %bitcast3A_1184, %shift_left3A_1186 : vector<16xi32>
      %bitcast3A_1188 = vector.bitcast %shift_left3A_1187 : vector<16xi32> to vector<16xf32>
      %and3A_1189 = arith.constant -65536 : i32
      %and3A_1190 = vector.broadcast %and3A_1189 : i32 to vector<16xi32>
      %and3A_1191 = arith.andi %bitcast3A_1184, %and3A_1190 : vector<16xi32>
      %bitcast3A_1192 = vector.bitcast %and3A_1191 : vector<16xi32> to vector<16xf32>
      %bitcast3A_1193 = vector.bitcast %gather3A_1183 : vector<16xf32> to vector<16xi32>
      %shift_left3A_1194 = arith.constant 16 : i32
      %shift_left3A_1195 = vector.broadcast %shift_left3A_1194 : i32 to vector<16xi32>
      %shift_left3A_1196 = arith.shli %bitcast3A_1193, %shift_left3A_1195 : vector<16xi32>
      %bitcast3A_1197 = vector.bitcast %shift_left3A_1196 : vector<16xi32> to vector<16xf32>
      %and3A_1198 = arith.constant -65536 : i32
      %and3A_1199 = vector.broadcast %and3A_1198 : i32 to vector<16xi32>
      %and3A_1200 = arith.andi %bitcast3A_1193, %and3A_1199 : vector<16xi32>
      %bitcast3A_1201 = vector.bitcast %and3A_1200 : vector<16xi32> to vector<16xf32>
      %mul3A_1202 = arith.mulf %bitcast3A_1188, %bitcast3A_1197 : vector<16xf32>
      %mul3A_1203 = arith.mulf %mul3A_1202, %get3A_32 : vector<16xf32>
      %add3A_1204 = arith.addf %add3A_1179, %mul3A_1203 : vector<16xf32>
      %mul3A_1205 = arith.mulf %bitcast3A_1192, %bitcast3A_1201 : vector<16xf32>
      %mul3A_1206 = arith.mulf %mul3A_1205, %get3A_36 : vector<16xf32>
      %add3A_1207 = arith.addf %add3A_1204, %mul3A_1206 : vector<16xf32>
      %swap3A_1208 = arith.constant 240 : index
      %swap3A_1209 = tpu.vector_load %arg18[%swap3A_1208] {strides = array<i32>} : memref<256xf32, #tpu.memory_space<vmem>>, vector<16xf32>,
      tpu.vector_store %arg18[%swap3A_1208], %add3A_1207 {strides = array<i32>} : memref<256xf32, #tpu.memory_space<vmem>>, vector<16xf32>,
      %gather3A_1210 = tpu.vector_load_idx %arg18[%mul3A_39] : memref<256xf32, #tpu.memory_space<vmem>>[vector<16xi32>], vector<16xf32>,
      %add3A_1211 = arith.constant 1 : i32
      %add3A_1212 = vector.broadcast %add3A_1211 : i32 to vector<16xi32>
      %add3A_1213 = arith.addi %mul3A_39, %add3A_1212 : vector<16xi32>
      %gather3A_1214 = tpu.vector_load_idx %arg18[%add3A_1213] : memref<256xf32, #tpu.memory_space<vmem>>[vector<16xi32>], vector<16xf32>,
      %add3A_1215 = arith.addf %gather3A_1210, %gather3A_1214 : vector<16xf32>
      %add3A_1216 = arith.constant 2 : i32
      %add3A_1217 = vector.broadcast %add3A_1216 : i32 to vector<16xi32>
      %add3A_1218 = arith.addi %mul3A_39, %add3A_1217 : vector<16xi32>
      %gather3A_1219 = tpu.vector_load_idx %arg18[%add3A_1218] : memref<256xf32, #tpu.memory_space<vmem>>[vector<16xi32>], vector<16xf32>,
      %add3A_1220 = arith.addf %add3A_1215, %gather3A_1219 : vector<16xf32>
      %add3A_1221 = arith.constant 3 : i32
      %add3A_1222 = vector.broadcast %add3A_1221 : i32 to vector<16xi32>
      %add3A_1223 = arith.addi %mul3A_39, %add3A_1222 : vector<16xi32>
      %gather3A_1224 = tpu.vector_load_idx %arg18[%add3A_1223] : memref<256xf32, #tpu.memory_space<vmem>>[vector<16xi32>], vector<16xf32>,
      %add3A_1225 = arith.addf %add3A_1220, %gather3A_1224 : vector<16xf32>
      %add3A_1226 = arith.constant 4 : i32
      %add3A_1227 = vector.broadcast %add3A_1226 : i32 to vector<16xi32>
      %add3A_1228 = arith.addi %mul3A_39, %add3A_1227 : vector<16xi32>
      %gather3A_1229 = tpu.vector_load_idx %arg18[%add3A_1228] : memref<256xf32, #tpu.memory_space<vmem>>[vector<16xi32>], vector<16xf32>,
      %add3A_1230 = arith.addf %add3A_1225, %gather3A_1229 : vector<16xf32>
      %add3A_1231 = arith.constant 5 : i32
      %add3A_1232 = vector.broadcast %add3A_1231 : i32 to vector<16xi32>
      %add3A_1233 = arith.addi %mul3A_39, %add3A_1232 : vector<16xi32>
      %gather3A_1234 = tpu.vector_load_idx %arg18[%add3A_1233] : memref<256xf32, #tpu.memory_space<vmem>>[vector<16xi32>], vector<16xf32>,
      %add3A_1235 = arith.addf %add3A_1230, %gather3A_1234 : vector<16xf32>
      %add3A_1236 = arith.constant 6 : i32
      %add3A_1237 = vector.broadcast %add3A_1236 : i32 to vector<16xi32>
      %add3A_1238 = arith.addi %mul3A_39, %add3A_1237 : vector<16xi32>
      %gather3A_1239 = tpu.vector_load_idx %arg18[%add3A_1238] : memref<256xf32, #tpu.memory_space<vmem>>[vector<16xi32>], vector<16xf32>,
      %add3A_1240 = arith.addf %add3A_1235, %gather3A_1239 : vector<16xf32>
      %add3A_1241 = arith.constant 7 : i32
      %add3A_1242 = vector.broadcast %add3A_1241 : i32 to vector<16xi32>
      %add3A_1243 = arith.addi %mul3A_39, %add3A_1242 : vector<16xi32>
      %gather3A_1244 = tpu.vector_load_idx %arg18[%add3A_1243] : memref<256xf32, #tpu.memory_space<vmem>>[vector<16xi32>], vector<16xf32>,
      %add3A_1245 = arith.addf %add3A_1240, %gather3A_1244 : vector<16xf32>
      %add3A_1246 = arith.constant 8 : i32
      %add3A_1247 = vector.broadcast %add3A_1246 : i32 to vector<16xi32>
      %add3A_1248 = arith.addi %mul3A_39, %add3A_1247 : vector<16xi32>
      %gather3A_1249 = tpu.vector_load_idx %arg18[%add3A_1248] : memref<256xf32, #tpu.memory_space<vmem>>[vector<16xi32>], vector<16xf32>,
      %add3A_1250 = arith.addf %add3A_1245, %gather3A_1249 : vector<16xf32>
      %add3A_1251 = arith.constant 9 : i32
      %add3A_1252 = vector.broadcast %add3A_1251 : i32 to vector<16xi32>
      %add3A_1253 = arith.addi %mul3A_39, %add3A_1252 : vector<16xi32>
      %gather3A_1254 = tpu.vector_load_idx %arg18[%add3A_1253] : memref<256xf32, #tpu.memory_space<vmem>>[vector<16xi32>], vector<16xf32>,
      %add3A_1255 = arith.addf %add3A_1250, %gather3A_1254 : vector<16xf32>
      %add3A_1256 = arith.constant 10 : i32
      %add3A_1257 = vector.broadcast %add3A_1256 : i32 to vector<16xi32>
      %add3A_1258 = arith.addi %mul3A_39, %add3A_1257 : vector<16xi32>
      %gather3A_1259 = tpu.vector_load_idx %arg18[%add3A_1258] : memref<256xf32, #tpu.memory_space<vmem>>[vector<16xi32>], vector<16xf32>,
      %add3A_1260 = arith.addf %add3A_1255, %gather3A_1259 : vector<16xf32>
      %add3A_1261 = arith.constant 11 : i32
      %add3A_1262 = vector.broadcast %add3A_1261 : i32 to vector<16xi32>
      %add3A_1263 = arith.addi %mul3A_39, %add3A_1262 : vector<16xi32>
      %gather3A_1264 = tpu.vector_load_idx %arg18[%add3A_1263] : memref<256xf32, #tpu.memory_space<vmem>>[vector<16xi32>], vector<16xf32>,
      %add3A_1265 = arith.addf %add3A_1260, %gather3A_1264 : vector<16xf32>
      %add3A_1266 = arith.constant 12 : i32
      %add3A_1267 = vector.broadcast %add3A_1266 : i32 to vector<16xi32>
      %add3A_1268 = arith.addi %mul3A_39, %add3A_1267 : vector<16xi32>
      %gather3A_1269 = tpu.vector_load_idx %arg18[%add3A_1268] : memref<256xf32, #tpu.memory_space<vmem>>[vector<16xi32>], vector<16xf32>,
      %add3A_1270 = arith.addf %add3A_1265, %gather3A_1269 : vector<16xf32>
      %add3A_1271 = arith.constant 13 : i32
      %add3A_1272 = vector.broadcast %add3A_1271 : i32 to vector<16xi32>
      %add3A_1273 = arith.addi %mul3A_39, %add3A_1272 : vector<16xi32>
      %gather3A_1274 = tpu.vector_load_idx %arg18[%add3A_1273] : memref<256xf32, #tpu.memory_space<vmem>>[vector<16xi32>], vector<16xf32>,
      %add3A_1275 = arith.addf %add3A_1270, %gather3A_1274 : vector<16xf32>
      %add3A_1276 = arith.constant 14 : i32
      %add3A_1277 = vector.broadcast %add3A_1276 : i32 to vector<16xi32>
      %add3A_1278 = arith.addi %mul3A_39, %add3A_1277 : vector<16xi32>
      %gather3A_1279 = tpu.vector_load_idx %arg18[%add3A_1278] : memref<256xf32, #tpu.memory_space<vmem>>[vector<16xi32>], vector<16xf32>,
      %add3A_1280 = arith.addf %add3A_1275, %gather3A_1279 : vector<16xf32>
      %add3A_1281 = arith.constant 15 : i32
      %add3A_1282 = vector.broadcast %add3A_1281 : i32 to vector<16xi32>
      %add3A_1283 = arith.addi %mul3A_39, %add3A_1282 : vector<16xi32>
      %gather3A_1284 = tpu.vector_load_idx %arg18[%add3A_1283] : memref<256xf32, #tpu.memory_space<vmem>>[vector<16xi32>], vector<16xf32>,
      %add3A_1285 = arith.addf %add3A_1280, %gather3A_1284 : vector<16xf32>
      %add3A_1286 = arith.constant 0 : i32
      %add3A_1287 = arith.addi %add3A_1286, %mul3A_79 : i32
      %swap3A_1288 = arith.index_cast %add3A_1287 : i32 to index
      %swap3A_1289 = tpu.vector_load %arg17[%swap3A_1288] {strides = array<i32>} : memref<512xf32, #tpu.memory_space<vmem>>, vector<16xf32>,
      tpu.vector_store %arg17[%swap3A_1288], %add3A_1285 {strides = array<i32>} : memref<512xf32, #tpu.memory_space<vmem>>, vector<16xf32>,
    }
    %scan3A_58 = arith.constant 16 : i32
    %dma_start3A_59 = arith.constant 0 : i32
    %dma_start3A_60 = arith.constant 0 : i32
    %dma_start3A_61 = tpu.memref_slice %arg5[%dma_start3A_59, %dma_start3A_60] : memref<32768x128xf32, #tpu.memory_space<hbm>> -> memref<32768x128xf32, #tpu.memory_space<hbm>>
    tpu.enqueue_indirect_dma source(%dma_start3A_61 : memref<32768x128xf32, #tpu.memory_space<hbm>>) target(%arg14 : memref<256x128xf32, #tpu.memory_space<vmem>>) offsets(%arg9 : memref<256xi32, #tpu.memory_space<vmem>>) semaphore(%arg19 : memref<!tpu.dma_semaphore, #tpu.memory_space<semaphore_mem>>)
    %dma_start3A_62 = arith.constant 0 : i32
    %dma_start3A_63 = arith.constant 0 : i32
    %dma_start3A_64 = tpu.memref_slice %arg6[%dma_start3A_62, %dma_start3A_63] : memref<253952x128xf32, #tpu.memory_space<hbm>> -> memref<253952x128xf32, #tpu.memory_space<hbm>>
    tpu.enqueue_indirect_dma source(%dma_start3A_64 : memref<253952x128xf32, #tpu.memory_space<hbm>>) target(%arg15 : memref<256x128xf32, #tpu.memory_space<vmem>>) offsets(%arg11 : memref<256xi32, #tpu.memory_space<vmem>>) semaphore(%arg20 : memref<!tpu.dma_semaphore, #tpu.memory_space<semaphore_mem>>)
    %dma_wait3A_65 = arith.constant 0 : i32
    %dma_wait3A_66 = arith.constant 0 : i32
    %dma_wait3A_67 = tpu.memref_slice %arg5[%dma_wait3A_65, %dma_wait3A_66] : memref<32768x128xf32, #tpu.memory_space<hbm>> -> memref<32768x128xf32, #tpu.memory_space<hbm>>
    tpu.wait_indirect_dma semaphore(%arg19 : memref<!tpu.dma_semaphore, #tpu.memory_space<semaphore_mem>>) src(%dma_wait3A_67 : memref<32768x128xf32, #tpu.memory_space<hbm>>) dst(%arg14 : memref<256x128xf32, #tpu.memory_space<vmem>>)
    %dma_wait3A_68 = arith.constant 0 : i32
    %dma_wait3A_69 = arith.constant 0 : i32
    %dma_wait3A_70 = tpu.memref_slice %arg6[%dma_wait3A_68, %dma_wait3A_69] : memref<253952x128xf32, #tpu.memory_space<hbm>> -> memref<253952x128xf32, #tpu.memory_space<hbm>>
    tpu.wait_indirect_dma semaphore(%arg20 : memref<!tpu.dma_semaphore, #tpu.memory_space<semaphore_mem>>) src(%dma_wait3A_70 : memref<253952x128xf32, #tpu.memory_space<hbm>>) dst(%arg15 : memref<256x128xf32, #tpu.memory_space<vmem>>)
    %scan3A_71 = arith.constant 0 : i32
    %scan3A_72 = arith.constant 0 : i32
    %scan3A_73 = arith.constant 16 : i32
    %scan3A_74 = arith.addi %scan3A_72, %scan3A_73 : i32
    %scan3A_75 = arith.constant 1 : i32
    scf.for %scan3A_77 = %scan3A_72 to %scan3A_74 step %scan3A_75  : i32 {
      %mul3A_78 = arith.constant 16 : i32
      %mul3A_79 = arith.muli %scan3A_77, %mul3A_78 : i32
      %add3A_80 = arith.constant 0 : i32
      %add3A_81 = arith.addi %mul3A_79, %add3A_80 : i32
      %broadcast_in_dim3A = vector.broadcast %add3A_81 : i32 to vector<16xi32>
      %add3A_82 = arith.constant 256 : i32
      %add3A_83 = vector.broadcast %add3A_82 : i32 to vector<16xi32>
      %add3A_84 = arith.addi %broadcast_in_dim3A, %add3A_83 : vector<16xi32>
      %gather3A = tpu.vector_load_idx %arg12[%add3A_84] : memref<512xi32, #tpu.memory_space<vmem>>[vector<16xi32>], vector<16xi32>,
      %add3A_85 = arith.constant 256 : i32
      %add3A_86 = vector.broadcast %add3A_85 : i32 to vector<16xi32>
      %add3A_87 = arith.addi %broadcast_in_dim3A, %add3A_86 : vector<16xi32>
      %gather3A_88 = tpu.vector_load_idx %arg13[%add3A_87] : memref<512xi32, #tpu.memory_space<vmem>>[vector<16xi32>], vector<16xi32>,
      %broadcast_in_dim3A_89 = arith.constant 0.000000e+00 : f32
      %broadcast_in_dim3A_90 = vector.broadcast %broadcast_in_dim3A_89 : f32 to vector<16xf32>
      %add3A_91 = arith.addi %gather3A, %iota3A : vector<16xi32>
      %gather3A_92 = tpu.vector_load_idx %arg14[%broadcast_in_dim3A, %add3A_91] : memref<256x128xf32, #tpu.memory_space<vmem>>[vector<16xi32>, vector<16xi32>], vector<16xf32>,
      %add3A_93 = arith.addi %gather3A_88, %iota3A : vector<16xi32>
      %gather3A_94 = tpu.vector_load_idx %arg15[%broadcast_in_dim3A, %add3A_93] : memref<256x128xf32, #tpu.memory_space<vmem>>[vector<16xi32>, vector<16xi32>], vector<16xf32>,
      %bitcast3A = vector.bitcast %gather3A_92 : vector<16xf32> to vector<16xi32>
      %shift_left3A = arith.constant 16 : i32
      %shift_left3A_95 = vector.broadcast %shift_left3A : i32 to vector<16xi32>
      %shift_left3A_96 = arith.shli %bitcast3A, %shift_left3A_95 : vector<16xi32>
      %bitcast3A_97 = vector.bitcast %shift_left3A_96 : vector<16xi32> to vector<16xf32>
      %and3A = arith.constant -65536 : i32
      %and3A_98 = vector.broadcast %and3A : i32 to vector<16xi32>
      %and3A_99 = arith.andi %bitcast3A, %and3A_98 : vector<16xi32>
      %bitcast3A_100 = vector.bitcast %and3A_99 : vector<16xi32> to vector<16xf32>
      %bitcast3A_101 = vector.bitcast %gather3A_94 : vector<16xf32> to vector<16xi32>
      %shift_left3A_102 = arith.constant 16 : i32
      %shift_left3A_103 = vector.broadcast %shift_left3A_102 : i32 to vector<16xi32>
      %shift_left3A_104 = arith.shli %bitcast3A_101, %shift_left3A_103 : vector<16xi32>
      %bitcast3A_105 = vector.bitcast %shift_left3A_104 : vector<16xi32> to vector<16xf32>
      %and3A_106 = arith.constant -65536 : i32
      %and3A_107 = vector.broadcast %and3A_106 : i32 to vector<16xi32>
      %and3A_108 = arith.andi %bitcast3A_101, %and3A_107 : vector<16xi32>
      %bitcast3A_109 = vector.bitcast %and3A_108 : vector<16xi32> to vector<16xf32>
      %mul3A_110 = arith.mulf %bitcast3A_97, %bitcast3A_105 : vector<16xf32>
      %mul3A_111 = arith.mulf %mul3A_110, %get3A_30 : vector<16xf32>
      %add3A_112 = arith.addf %broadcast_in_dim3A_90, %mul3A_111 : vector<16xf32>
      %mul3A_113 = arith.mulf %bitcast3A_100, %bitcast3A_109 : vector<16xf32>
      %mul3A_114 = arith.mulf %mul3A_113, %get3A_34 : vector<16xf32>
      %add3A_115 = arith.addf %add3A_112, %mul3A_114 : vector<16xf32>
      %add3A_116 = arith.addi %gather3A, %add3A_42 : vector<16xi32>
      %gather3A_117 = tpu.vector_load_idx %arg14[%broadcast_in_dim3A, %add3A_116] : memref<256x128xf32, #tpu.memory_space<vmem>>[vector<16xi32>, vector<16xi32>], vector<16xf32>,
      %add3A_118 = arith.addi %gather3A_88, %add3A_42 : vector<16xi32>
      %gather3A_119 = tpu.vector_load_idx %arg15[%broadcast_in_dim3A, %add3A_118] : memref<256x128xf32, #tpu.memory_space<vmem>>[vector<16xi32>, vector<16xi32>], vector<16xf32>,
      %bitcast3A_120 = vector.bitcast %gather3A_117 : vector<16xf32> to vector<16xi32>
      %shift_left3A_121 = arith.constant 16 : i32
      %shift_left3A_122 = vector.broadcast %shift_left3A_121 : i32 to vector<16xi32>
      %shift_left3A_123 = arith.shli %bitcast3A_120, %shift_left3A_122 : vector<16xi32>
      %bitcast3A_124 = vector.bitcast %shift_left3A_123 : vector<16xi32> to vector<16xf32>
      %and3A_125 = arith.constant -65536 : i32
      %and3A_126 = vector.broadcast %and3A_125 : i32 to vector<16xi32>
      %and3A_127 = arith.andi %bitcast3A_120, %and3A_126 : vector<16xi32>
      %bitcast3A_128 = vector.bitcast %and3A_127 : vector<16xi32> to vector<16xf32>
      %bitcast3A_129 = vector.bitcast %gather3A_119 : vector<16xf32> to vector<16xi32>
      %shift_left3A_130 = arith.constant 16 : i32
      %shift_left3A_131 = vector.broadcast %shift_left3A_130 : i32 to vector<16xi32>
      %shift_left3A_132 = arith.shli %bitcast3A_129, %shift_left3A_131 : vector<16xi32>
      %bitcast3A_133 = vector.bitcast %shift_left3A_132 : vector<16xi32> to vector<16xf32>
      %and3A_134 = arith.constant -65536 : i32
      %and3A_135 = vector.broadcast %and3A_134 : i32 to vector<16xi32>
      %and3A_136 = arith.andi %bitcast3A_129, %and3A_135 : vector<16xi32>
      %bitcast3A_137 = vector.bitcast %and3A_136 : vector<16xi32> to vector<16xf32>
      %mul3A_138 = arith.mulf %bitcast3A_124, %bitcast3A_133 : vector<16xf32>
      %mul3A_139 = arith.mulf %mul3A_138, %get3A_32 : vector<16xf32>
      %add3A_140 = arith.addf %add3A_115, %mul3A_139 : vector<16xf32>
      %mul3A_141 = arith.mulf %bitcast3A_128, %bitcast3A_137 : vector<16xf32>
      %mul3A_142 = arith.mulf %mul3A_141, %get3A_36 : vector<16xf32>
      %add3A_143 = arith.addf %add3A_140, %mul3A_142 : vector<16xf32>
      %swap3A = arith.constant 0 : index
      %swap3A_144 = tpu.vector_load %arg18[%swap3A] {strides = array<i32>} : memref<256xf32, #tpu.memory_space<vmem>>, vector<16xf32>,
      tpu.vector_store %arg18[%swap3A], %add3A_143 {strides = array<i32>} : memref<256xf32, #tpu.memory_space<vmem>>, vector<16xf32>,
      %add3A_145 = arith.constant 1 : i32
      %add3A_146 = arith.addi %mul3A_79, %add3A_145 : i32
      %broadcast_in_dim3A_147 = vector.broadcast %add3A_146 : i32 to vector<16xi32>
      %add3A_148 = arith.constant 256 : i32
      %add3A_149 = vector.broadcast %add3A_148 : i32 to vector<16xi32>
      %add3A_150 = arith.addi %broadcast_in_dim3A_147, %add3A_149 : vector<16xi32>
      %gather3A_151 = tpu.vector_load_idx %arg12[%add3A_150] : memref<512xi32, #tpu.memory_space<vmem>>[vector<16xi32>], vector<16xi32>,
      %add3A_152 = arith.constant 256 : i32
      %add3A_153 = vector.broadcast %add3A_152 : i32 to vector<16xi32>
      %add3A_154 = arith.addi %broadcast_in_dim3A_147, %add3A_153 : vector<16xi32>
      %gather3A_155 = tpu.vector_load_idx %arg13[%add3A_154] : memref<512xi32, #tpu.memory_space<vmem>>[vector<16xi32>], vector<16xi32>,
      %broadcast_in_dim3A_156 = arith.constant 0.000000e+00 : f32
      %broadcast_in_dim3A_157 = vector.broadcast %broadcast_in_dim3A_156 : f32 to vector<16xf32>
      %add3A_158 = arith.addi %gather3A_151, %iota3A : vector<16xi32>
      %gather3A_159 = tpu.vector_load_idx %arg14[%broadcast_in_dim3A_147, %add3A_158] : memref<256x128xf32, #tpu.memory_space<vmem>>[vector<16xi32>, vector<16xi32>], vector<16xf32>,
      %add3A_160 = arith.addi %gather3A_155, %iota3A : vector<16xi32>
      %gather3A_161 = tpu.vector_load_idx %arg15[%broadcast_in_dim3A_147, %add3A_160] : memref<256x128xf32, #tpu.memory_space<vmem>>[vector<16xi32>, vector<16xi32>], vector<16xf32>,
      %bitcast3A_162 = vector.bitcast %gather3A_159 : vector<16xf32> to vector<16xi32>
      %shift_left3A_163 = arith.constant 16 : i32
      %shift_left3A_164 = vector.broadcast %shift_left3A_163 : i32 to vector<16xi32>
      %shift_left3A_165 = arith.shli %bitcast3A_162, %shift_left3A_164 : vector<16xi32>
      %bitcast3A_166 = vector.bitcast %shift_left3A_165 : vector<16xi32> to vector<16xf32>
      %and3A_167 = arith.constant -65536 : i32
      %and3A_168 = vector.broadcast %and3A_167 : i32 to vector<16xi32>
      %and3A_169 = arith.andi %bitcast3A_162, %and3A_168 : vector<16xi32>
      %bitcast3A_170 = vector.bitcast %and3A_169 : vector<16xi32> to vector<16xf32>
      %bitcast3A_171 = vector.bitcast %gather3A_161 : vector<16xf32> to vector<16xi32>
      %shift_left3A_172 = arith.constant 16 : i32
      %shift_left3A_173 = vector.broadcast %shift_left3A_172 : i32 to vector<16xi32>
      %shift_left3A_174 = arith.shli %bitcast3A_171, %shift_left3A_173 : vector<16xi32>
      %bitcast3A_175 = vector.bitcast %shift_left3A_174 : vector<16xi32> to vector<16xf32>
      %and3A_176 = arith.constant -65536 : i32
      %and3A_177 = vector.broadcast %and3A_176 : i32 to vector<16xi32>
      %and3A_178 = arith.andi %bitcast3A_171, %and3A_177 : vector<16xi32>
      %bitcast3A_179 = vector.bitcast %and3A_178 : vector<16xi32> to vector<16xf32>
      %mul3A_180 = arith.mulf %bitcast3A_166, %bitcast3A_175 : vector<16xf32>
      %mul3A_181 = arith.mulf %mul3A_180, %get3A_30 : vector<16xf32>
      %add3A_182 = arith.addf %broadcast_in_dim3A_157, %mul3A_181 : vector<16xf32>
      %mul3A_183 = arith.mulf %bitcast3A_170, %bitcast3A_179 : vector<16xf32>
      %mul3A_184 = arith.mulf %mul3A_183, %get3A_34 : vector<16xf32>
      %add3A_185 = arith.addf %add3A_182, %mul3A_184 : vector<16xf32>
      %add3A_186 = arith.addi %gather3A_151, %add3A_42 : vector<16xi32>
      %gather3A_187 = tpu.vector_load_idx %arg14[%broadcast_in_dim3A_147, %add3A_186] : memref<256x128xf32, #tpu.memory_space<vmem>>[vector<16xi32>, vector<16xi32>], vector<16xf32>,
      %add3A_188 = arith.addi %gather3A_155, %add3A_42 : vector<16xi32>
      %gather3A_189 = tpu.vector_load_idx %arg15[%broadcast_in_dim3A_147, %add3A_188] : memref<256x128xf32, #tpu.memory_space<vmem>>[vector<16xi32>, vector<16xi32>], vector<16xf32>,
      %bitcast3A_190 = vector.bitcast %gather3A_187 : vector<16xf32> to vector<16xi32>
      %shift_left3A_191 = arith.constant 16 : i32
      %shift_left3A_192 = vector.broadcast %shift_left3A_191 : i32 to vector<16xi32>
      %shift_left3A_193 = arith.shli %bitcast3A_190, %shift_left3A_192 : vector<16xi32>
      %bitcast3A_194 = vector.bitcast %shift_left3A_193 : vector<16xi32> to vector<16xf32>
      %and3A_195 = arith.constant -65536 : i32
      %and3A_196 = vector.broadcast %and3A_195 : i32 to vector<16xi32>
      %and3A_197 = arith.andi %bitcast3A_190, %and3A_196 : vector<16xi32>
      %bitcast3A_198 = vector.bitcast %and3A_197 : vector<16xi32> to vector<16xf32>
      %bitcast3A_199 = vector.bitcast %gather3A_189 : vector<16xf32> to vector<16xi32>
      %shift_left3A_200 = arith.constant 16 : i32
      %shift_left3A_201 = vector.broadcast %shift_left3A_200 : i32 to vector<16xi32>
      %shift_left3A_202 = arith.shli %bitcast3A_199, %shift_left3A_201 : vector<16xi32>
      %bitcast3A_203 = vector.bitcast %shift_left3A_202 : vector<16xi32> to vector<16xf32>
      %and3A_204 = arith.constant -65536 : i32
      %and3A_205 = vector.broadcast %and3A_204 : i32 to vector<16xi32>
      %and3A_206 = arith.andi %bitcast3A_199, %and3A_205 : vector<16xi32>
      %bitcast3A_207 = vector.bitcast %and3A_206 : vector<16xi32> to vector<16xf32>
      %mul3A_208 = arith.mulf %bitcast3A_194, %bitcast3A_203 : vector<16xf32>
      %mul3A_209 = arith.mulf %mul3A_208, %get3A_32 : vector<16xf32>
      %add3A_210 = arith.addf %add3A_185, %mul3A_209 : vector<16xf32>
      %mul3A_211 = arith.mulf %bitcast3A_198, %bitcast3A_207 : vector<16xf32>
      %mul3A_212 = arith.mulf %mul3A_211, %get3A_36 : vector<16xf32>
      %add3A_213 = arith.addf %add3A_210, %mul3A_212 : vector<16xf32>
      %swap3A_214 = arith.constant 16 : index
      %swap3A_215 = tpu.vector_load %arg18[%swap3A_214] {strides = array<i32>} : memref<256xf32, #tpu.memory_space<vmem>>, vector<16xf32>,
      tpu.vector_store %arg18[%swap3A_214], %add3A_213 {strides = array<i32>} : memref<256xf32, #tpu.memory_space<vmem>>, vector<16xf32>,
      %add3A_216 = arith.constant 2 : i32
      %add3A_217 = arith.addi %mul3A_79, %add3A_216 : i32
      %broadcast_in_dim3A_218 = vector.broadcast %add3A_217 : i32 to vector<16xi32>
      %add3A_219 = arith.constant 256 : i32
      %add3A_220 = vector.broadcast %add3A_219 : i32 to vector<16xi32>
      %add3A_221 = arith.addi %broadcast_in_dim3A_218, %add3A_220 : vector<16xi32>
      %gather3A_222 = tpu.vector_load_idx %arg12[%add3A_221] : memref<512xi32, #tpu.memory_space<vmem>>[vector<16xi32>], vector<16xi32>,
      %add3A_223 = arith.constant 256 : i32
      %add3A_224 = vector.broadcast %add3A_223 : i32 to vector<16xi32>
      %add3A_225 = arith.addi %broadcast_in_dim3A_218, %add3A_224 : vector<16xi32>
      %gather3A_226 = tpu.vector_load_idx %arg13[%add3A_225] : memref<512xi32, #tpu.memory_space<vmem>>[vector<16xi32>], vector<16xi32>,
      %broadcast_in_dim3A_227 = arith.constant 0.000000e+00 : f32
      %broadcast_in_dim3A_228 = vector.broadcast %broadcast_in_dim3A_227 : f32 to vector<16xf32>
      %add3A_229 = arith.addi %gather3A_222, %iota3A : vector<16xi32>
      %gather3A_230 = tpu.vector_load_idx %arg14[%broadcast_in_dim3A_218, %add3A_229] : memref<256x128xf32, #tpu.memory_space<vmem>>[vector<16xi32>, vector<16xi32>], vector<16xf32>,
      %add3A_231 = arith.addi %gather3A_226, %iota3A : vector<16xi32>
      %gather3A_232 = tpu.vector_load_idx %arg15[%broadcast_in_dim3A_218, %add3A_231] : memref<256x128xf32, #tpu.memory_space<vmem>>[vector<16xi32>, vector<16xi32>], vector<16xf32>,
      %bitcast3A_233 = vector.bitcast %gather3A_230 : vector<16xf32> to vector<16xi32>
      %shift_left3A_234 = arith.constant 16 : i32
      %shift_left3A_235 = vector.broadcast %shift_left3A_234 : i32 to vector<16xi32>
      %shift_left3A_236 = arith.shli %bitcast3A_233, %shift_left3A_235 : vector<16xi32>
      %bitcast3A_237 = vector.bitcast %shift_left3A_236 : vector<16xi32> to vector<16xf32>
      %and3A_238 = arith.constant -65536 : i32
      %and3A_239 = vector.broadcast %and3A_238 : i32 to vector<16xi32>
      %and3A_240 = arith.andi %bitcast3A_233, %and3A_239 : vector<16xi32>
      %bitcast3A_241 = vector.bitcast %and3A_240 : vector<16xi32> to vector<16xf32>
      %bitcast3A_242 = vector.bitcast %gather3A_232 : vector<16xf32> to vector<16xi32>
      %shift_left3A_243 = arith.constant 16 : i32
      %shift_left3A_244 = vector.broadcast %shift_left3A_243 : i32 to vector<16xi32>
      %shift_left3A_245 = arith.shli %bitcast3A_242, %shift_left3A_244 : vector<16xi32>
      %bitcast3A_246 = vector.bitcast %shift_left3A_245 : vector<16xi32> to vector<16xf32>
      %and3A_247 = arith.constant -65536 : i32
      %and3A_248 = vector.broadcast %and3A_247 : i32 to vector<16xi32>
      %and3A_249 = arith.andi %bitcast3A_242, %and3A_248 : vector<16xi32>
      %bitcast3A_250 = vector.bitcast %and3A_249 : vector<16xi32> to vector<16xf32>
      %mul3A_251 = arith.mulf %bitcast3A_237, %bitcast3A_246 : vector<16xf32>
      %mul3A_252 = arith.mulf %mul3A_251, %get3A_30 : vector<16xf32>
      %add3A_253 = arith.addf %broadcast_in_dim3A_228, %mul3A_252 : vector<16xf32>
      %mul3A_254 = arith.mulf %bitcast3A_241, %bitcast3A_250 : vector<16xf32>
      %mul3A_255 = arith.mulf %mul3A_254, %get3A_34 : vector<16xf32>
      %add3A_256 = arith.addf %add3A_253, %mul3A_255 : vector<16xf32>
      %add3A_257 = arith.addi %gather3A_222, %add3A_42 : vector<16xi32>
      %gather3A_258 = tpu.vector_load_idx %arg14[%broadcast_in_dim3A_218, %add3A_257] : memref<256x128xf32, #tpu.memory_space<vmem>>[vector<16xi32>, vector<16xi32>], vector<16xf32>,
      %add3A_259 = arith.addi %gather3A_226, %add3A_42 : vector<16xi32>
      %gather3A_260 = tpu.vector_load_idx %arg15[%broadcast_in_dim3A_218, %add3A_259] : memref<256x128xf32, #tpu.memory_space<vmem>>[vector<16xi32>, vector<16xi32>], vector<16xf32>,
      %bitcast3A_261 = vector.bitcast %gather3A_258 : vector<16xf32> to vector<16xi32>
      %shift_left3A_262 = arith.constant 16 : i32
      %shift_left3A_263 = vector.broadcast %shift_left3A_262 : i32 to vector<16xi32>
      %shift_left3A_264 = arith.shli %bitcast3A_261, %shift_left3A_263 : vector<16xi32>
      %bitcast3A_265 = vector.bitcast %shift_left3A_264 : vector<16xi32> to vector<16xf32>
      %and3A_266 = arith.constant -65536 : i32
      %and3A_267 = vector.broadcast %and3A_266 : i32 to vector<16xi32>
      %and3A_268 = arith.andi %bitcast3A_261, %and3A_267 : vector<16xi32>
      %bitcast3A_269 = vector.bitcast %and3A_268 : vector<16xi32> to vector<16xf32>
      %bitcast3A_270 = vector.bitcast %gather3A_260 : vector<16xf32> to vector<16xi32>
      %shift_left3A_271 = arith.constant 16 : i32
      %shift_left3A_272 = vector.broadcast %shift_left3A_271 : i32 to vector<16xi32>
      %shift_left3A_273 = arith.shli %bitcast3A_270, %shift_left3A_272 : vector<16xi32>
      %bitcast3A_274 = vector.bitcast %shift_left3A_273 : vector<16xi32> to vector<16xf32>
      %and3A_275 = arith.constant -65536 : i32
      %and3A_276 = vector.broadcast %and3A_275 : i32 to vector<16xi32>
      %and3A_277 = arith.andi %bitcast3A_270, %and3A_276 : vector<16xi32>
      %bitcast3A_278 = vector.bitcast %and3A_277 : vector<16xi32> to vector<16xf32>
      %mul3A_279 = arith.mulf %bitcast3A_265, %bitcast3A_274 : vector<16xf32>
      %mul3A_280 = arith.mulf %mul3A_279, %get3A_32 : vector<16xf32>
      %add3A_281 = arith.addf %add3A_256, %mul3A_280 : vector<16xf32>
      %mul3A_282 = arith.mulf %bitcast3A_269, %bitcast3A_278 : vector<16xf32>
      %mul3A_283 = arith.mulf %mul3A_282, %get3A_36 : vector<16xf32>
      %add3A_284 = arith.addf %add3A_281, %mul3A_283 : vector<16xf32>
      %swap3A_285 = arith.constant 32 : index
      %swap3A_286 = tpu.vector_load %arg18[%swap3A_285] {strides = array<i32>} : memref<256xf32, #tpu.memory_space<vmem>>, vector<16xf32>,
      tpu.vector_store %arg18[%swap3A_285], %add3A_284 {strides = array<i32>} : memref<256xf32, #tpu.memory_space<vmem>>, vector<16xf32>,
      %add3A_287 = arith.constant 3 : i32
      %add3A_288 = arith.addi %mul3A_79, %add3A_287 : i32
      %broadcast_in_dim3A_289 = vector.broadcast %add3A_288 : i32 to vector<16xi32>
      %add3A_290 = arith.constant 256 : i32
      %add3A_291 = vector.broadcast %add3A_290 : i32 to vector<16xi32>
      %add3A_292 = arith.addi %broadcast_in_dim3A_289, %add3A_291 : vector<16xi32>
      %gather3A_293 = tpu.vector_load_idx %arg12[%add3A_292] : memref<512xi32, #tpu.memory_space<vmem>>[vector<16xi32>], vector<16xi32>,
      %add3A_294 = arith.constant 256 : i32
      %add3A_295 = vector.broadcast %add3A_294 : i32 to vector<16xi32>
      %add3A_296 = arith.addi %broadcast_in_dim3A_289, %add3A_295 : vector<16xi32>
      %gather3A_297 = tpu.vector_load_idx %arg13[%add3A_296] : memref<512xi32, #tpu.memory_space<vmem>>[vector<16xi32>], vector<16xi32>,
      %broadcast_in_dim3A_298 = arith.constant 0.000000e+00 : f32
      %broadcast_in_dim3A_299 = vector.broadcast %broadcast_in_dim3A_298 : f32 to vector<16xf32>
      %add3A_300 = arith.addi %gather3A_293, %iota3A : vector<16xi32>
      %gather3A_301 = tpu.vector_load_idx %arg14[%broadcast_in_dim3A_289, %add3A_300] : memref<256x128xf32, #tpu.memory_space<vmem>>[vector<16xi32>, vector<16xi32>], vector<16xf32>,
      %add3A_302 = arith.addi %gather3A_297, %iota3A : vector<16xi32>
      %gather3A_303 = tpu.vector_load_idx %arg15[%broadcast_in_dim3A_289, %add3A_302] : memref<256x128xf32, #tpu.memory_space<vmem>>[vector<16xi32>, vector<16xi32>], vector<16xf32>,
      %bitcast3A_304 = vector.bitcast %gather3A_301 : vector<16xf32> to vector<16xi32>
      %shift_left3A_305 = arith.constant 16 : i32
      %shift_left3A_306 = vector.broadcast %shift_left3A_305 : i32 to vector<16xi32>
      %shift_left3A_307 = arith.shli %bitcast3A_304, %shift_left3A_306 : vector<16xi32>
      %bitcast3A_308 = vector.bitcast %shift_left3A_307 : vector<16xi32> to vector<16xf32>
      %and3A_309 = arith.constant -65536 : i32
      %and3A_310 = vector.broadcast %and3A_309 : i32 to vector<16xi32>
      %and3A_311 = arith.andi %bitcast3A_304, %and3A_310 : vector<16xi32>
      %bitcast3A_312 = vector.bitcast %and3A_311 : vector<16xi32> to vector<16xf32>
      %bitcast3A_313 = vector.bitcast %gather3A_303 : vector<16xf32> to vector<16xi32>
      %shift_left3A_314 = arith.constant 16 : i32
      %shift_left3A_315 = vector.broadcast %shift_left3A_314 : i32 to vector<16xi32>
      %shift_left3A_316 = arith.shli %bitcast3A_313, %shift_left3A_315 : vector<16xi32>
      %bitcast3A_317 = vector.bitcast %shift_left3A_316 : vector<16xi32> to vector<16xf32>
      %and3A_318 = arith.constant -65536 : i32
      %and3A_319 = vector.broadcast %and3A_318 : i32 to vector<16xi32>
      %and3A_320 = arith.andi %bitcast3A_313, %and3A_319 : vector<16xi32>
      %bitcast3A_321 = vector.bitcast %and3A_320 : vector<16xi32> to vector<16xf32>
      %mul3A_322 = arith.mulf %bitcast3A_308, %bitcast3A_317 : vector<16xf32>
      %mul3A_323 = arith.mulf %mul3A_322, %get3A_30 : vector<16xf32>
      %add3A_324 = arith.addf %broadcast_in_dim3A_299, %mul3A_323 : vector<16xf32>
      %mul3A_325 = arith.mulf %bitcast3A_312, %bitcast3A_321 : vector<16xf32>
      %mul3A_326 = arith.mulf %mul3A_325, %get3A_34 : vector<16xf32>
      %add3A_327 = arith.addf %add3A_324, %mul3A_326 : vector<16xf32>
      %add3A_328 = arith.addi %gather3A_293, %add3A_42 : vector<16xi32>
      %gather3A_329 = tpu.vector_load_idx %arg14[%broadcast_in_dim3A_289, %add3A_328] : memref<256x128xf32, #tpu.memory_space<vmem>>[vector<16xi32>, vector<16xi32>], vector<16xf32>,
      %add3A_330 = arith.addi %gather3A_297, %add3A_42 : vector<16xi32>
      %gather3A_331 = tpu.vector_load_idx %arg15[%broadcast_in_dim3A_289, %add3A_330] : memref<256x128xf32, #tpu.memory_space<vmem>>[vector<16xi32>, vector<16xi32>], vector<16xf32>,
      %bitcast3A_332 = vector.bitcast %gather3A_329 : vector<16xf32> to vector<16xi32>
      %shift_left3A_333 = arith.constant 16 : i32
      %shift_left3A_334 = vector.broadcast %shift_left3A_333 : i32 to vector<16xi32>
      %shift_left3A_335 = arith.shli %bitcast3A_332, %shift_left3A_334 : vector<16xi32>
      %bitcast3A_336 = vector.bitcast %shift_left3A_335 : vector<16xi32> to vector<16xf32>
      %and3A_337 = arith.constant -65536 : i32
      %and3A_338 = vector.broadcast %and3A_337 : i32 to vector<16xi32>
      %and3A_339 = arith.andi %bitcast3A_332, %and3A_338 : vector<16xi32>
      %bitcast3A_340 = vector.bitcast %and3A_339 : vector<16xi32> to vector<16xf32>
      %bitcast3A_341 = vector.bitcast %gather3A_331 : vector<16xf32> to vector<16xi32>
      %shift_left3A_342 = arith.constant 16 : i32
      %shift_left3A_343 = vector.broadcast %shift_left3A_342 : i32 to vector<16xi32>
      %shift_left3A_344 = arith.shli %bitcast3A_341, %shift_left3A_343 : vector<16xi32>
      %bitcast3A_345 = vector.bitcast %shift_left3A_344 : vector<16xi32> to vector<16xf32>
      %and3A_346 = arith.constant -65536 : i32
      %and3A_347 = vector.broadcast %and3A_346 : i32 to vector<16xi32>
      %and3A_348 = arith.andi %bitcast3A_341, %and3A_347 : vector<16xi32>
      %bitcast3A_349 = vector.bitcast %and3A_348 : vector<16xi32> to vector<16xf32>
      %mul3A_350 = arith.mulf %bitcast3A_336, %bitcast3A_345 : vector<16xf32>
      %mul3A_351 = arith.mulf %mul3A_350, %get3A_32 : vector<16xf32>
      %add3A_352 = arith.addf %add3A_327, %mul3A_351 : vector<16xf32>
      %mul3A_353 = arith.mulf %bitcast3A_340, %bitcast3A_349 : vector<16xf32>
      %mul3A_354 = arith.mulf %mul3A_353, %get3A_36 : vector<16xf32>
      %add3A_355 = arith.addf %add3A_352, %mul3A_354 : vector<16xf32>
      %swap3A_356 = arith.constant 48 : index
      %swap3A_357 = tpu.vector_load %arg18[%swap3A_356] {strides = array<i32>} : memref<256xf32, #tpu.memory_space<vmem>>, vector<16xf32>,
      tpu.vector_store %arg18[%swap3A_356], %add3A_355 {strides = array<i32>} : memref<256xf32, #tpu.memory_space<vmem>>, vector<16xf32>,
      %add3A_358 = arith.constant 4 : i32
      %add3A_359 = arith.addi %mul3A_79, %add3A_358 : i32
      %broadcast_in_dim3A_360 = vector.broadcast %add3A_359 : i32 to vector<16xi32>
      %add3A_361 = arith.constant 256 : i32
      %add3A_362 = vector.broadcast %add3A_361 : i32 to vector<16xi32>
      %add3A_363 = arith.addi %broadcast_in_dim3A_360, %add3A_362 : vector<16xi32>
      %gather3A_364 = tpu.vector_load_idx %arg12[%add3A_363] : memref<512xi32, #tpu.memory_space<vmem>>[vector<16xi32>], vector<16xi32>,
      %add3A_365 = arith.constant 256 : i32
      %add3A_366 = vector.broadcast %add3A_365 : i32 to vector<16xi32>
      %add3A_367 = arith.addi %broadcast_in_dim3A_360, %add3A_366 : vector<16xi32>
      %gather3A_368 = tpu.vector_load_idx %arg13[%add3A_367] : memref<512xi32, #tpu.memory_space<vmem>>[vector<16xi32>], vector<16xi32>,
      %broadcast_in_dim3A_369 = arith.constant 0.000000e+00 : f32
      %broadcast_in_dim3A_370 = vector.broadcast %broadcast_in_dim3A_369 : f32 to vector<16xf32>
      %add3A_371 = arith.addi %gather3A_364, %iota3A : vector<16xi32>
      %gather3A_372 = tpu.vector_load_idx %arg14[%broadcast_in_dim3A_360, %add3A_371] : memref<256x128xf32, #tpu.memory_space<vmem>>[vector<16xi32>, vector<16xi32>], vector<16xf32>,
      %add3A_373 = arith.addi %gather3A_368, %iota3A : vector<16xi32>
      %gather3A_374 = tpu.vector_load_idx %arg15[%broadcast_in_dim3A_360, %add3A_373] : memref<256x128xf32, #tpu.memory_space<vmem>>[vector<16xi32>, vector<16xi32>], vector<16xf32>,
      %bitcast3A_375 = vector.bitcast %gather3A_372 : vector<16xf32> to vector<16xi32>
      %shift_left3A_376 = arith.constant 16 : i32
      %shift_left3A_377 = vector.broadcast %shift_left3A_376 : i32 to vector<16xi32>
      %shift_left3A_378 = arith.shli %bitcast3A_375, %shift_left3A_377 : vector<16xi32>
      %bitcast3A_379 = vector.bitcast %shift_left3A_378 : vector<16xi32> to vector<16xf32>
      %and3A_380 = arith.constant -65536 : i32
      %and3A_381 = vector.broadcast %and3A_380 : i32 to vector<16xi32>
      %and3A_382 = arith.andi %bitcast3A_375, %and3A_381 : vector<16xi32>
      %bitcast3A_383 = vector.bitcast %and3A_382 : vector<16xi32> to vector<16xf32>
      %bitcast3A_384 = vector.bitcast %gather3A_374 : vector<16xf32> to vector<16xi32>
      %shift_left3A_385 = arith.constant 16 : i32
      %shift_left3A_386 = vector.broadcast %shift_left3A_385 : i32 to vector<16xi32>
      %shift_left3A_387 = arith.shli %bitcast3A_384, %shift_left3A_386 : vector<16xi32>
      %bitcast3A_388 = vector.bitcast %shift_left3A_387 : vector<16xi32> to vector<16xf32>
      %and3A_389 = arith.constant -65536 : i32
      %and3A_390 = vector.broadcast %and3A_389 : i32 to vector<16xi32>
      %and3A_391 = arith.andi %bitcast3A_384, %and3A_390 : vector<16xi32>
      %bitcast3A_392 = vector.bitcast %and3A_391 : vector<16xi32> to vector<16xf32>
      %mul3A_393 = arith.mulf %bitcast3A_379, %bitcast3A_388 : vector<16xf32>
      %mul3A_394 = arith.mulf %mul3A_393, %get3A_30 : vector<16xf32>
      %add3A_395 = arith.addf %broadcast_in_dim3A_370, %mul3A_394 : vector<16xf32>
      %mul3A_396 = arith.mulf %bitcast3A_383, %bitcast3A_392 : vector<16xf32>
      %mul3A_397 = arith.mulf %mul3A_396, %get3A_34 : vector<16xf32>
      %add3A_398 = arith.addf %add3A_395, %mul3A_397 : vector<16xf32>
      %add3A_399 = arith.addi %gather3A_364, %add3A_42 : vector<16xi32>
      %gather3A_400 = tpu.vector_load_idx %arg14[%broadcast_in_dim3A_360, %add3A_399] : memref<256x128xf32, #tpu.memory_space<vmem>>[vector<16xi32>, vector<16xi32>], vector<16xf32>,
      %add3A_401 = arith.addi %gather3A_368, %add3A_42 : vector<16xi32>
      %gather3A_402 = tpu.vector_load_idx %arg15[%broadcast_in_dim3A_360, %add3A_401] : memref<256x128xf32, #tpu.memory_space<vmem>>[vector<16xi32>, vector<16xi32>], vector<16xf32>,
      %bitcast3A_403 = vector.bitcast %gather3A_400 : vector<16xf32> to vector<16xi32>
      %shift_left3A_404 = arith.constant 16 : i32
      %shift_left3A_405 = vector.broadcast %shift_left3A_404 : i32 to vector<16xi32>
      %shift_left3A_406 = arith.shli %bitcast3A_403, %shift_left3A_405 : vector<16xi32>
      %bitcast3A_407 = vector.bitcast %shift_left3A_406 : vector<16xi32> to vector<16xf32>
      %and3A_408 = arith.constant -65536 : i32
      %and3A_409 = vector.broadcast %and3A_408 : i32 to vector<16xi32>
      %and3A_410 = arith.andi %bitcast3A_403, %and3A_409 : vector<16xi32>
      %bitcast3A_411 = vector.bitcast %and3A_410 : vector<16xi32> to vector<16xf32>
      %bitcast3A_412 = vector.bitcast %gather3A_402 : vector<16xf32> to vector<16xi32>
      %shift_left3A_413 = arith.constant 16 : i32
      %shift_left3A_414 = vector.broadcast %shift_left3A_413 : i32 to vector<16xi32>
      %shift_left3A_415 = arith.shli %bitcast3A_412, %shift_left3A_414 : vector<16xi32>
      %bitcast3A_416 = vector.bitcast %shift_left3A_415 : vector<16xi32> to vector<16xf32>
      %and3A_417 = arith.constant -65536 : i32
      %and3A_418 = vector.broadcast %and3A_417 : i32 to vector<16xi32>
      %and3A_419 = arith.andi %bitcast3A_412, %and3A_418 : vector<16xi32>
      %bitcast3A_420 = vector.bitcast %and3A_419 : vector<16xi32> to vector<16xf32>
      %mul3A_421 = arith.mulf %bitcast3A_407, %bitcast3A_416 : vector<16xf32>
      %mul3A_422 = arith.mulf %mul3A_421, %get3A_32 : vector<16xf32>
      %add3A_423 = arith.addf %add3A_398, %mul3A_422 : vector<16xf32>
      %mul3A_424 = arith.mulf %bitcast3A_411, %bitcast3A_420 : vector<16xf32>
      %mul3A_425 = arith.mulf %mul3A_424, %get3A_36 : vector<16xf32>
      %add3A_426 = arith.addf %add3A_423, %mul3A_425 : vector<16xf32>
      %swap3A_427 = arith.constant 64 : index
      %swap3A_428 = tpu.vector_load %arg18[%swap3A_427] {strides = array<i32>} : memref<256xf32, #tpu.memory_space<vmem>>, vector<16xf32>,
      tpu.vector_store %arg18[%swap3A_427], %add3A_426 {strides = array<i32>} : memref<256xf32, #tpu.memory_space<vmem>>, vector<16xf32>,
      %add3A_429 = arith.constant 5 : i32
      %add3A_430 = arith.addi %mul3A_79, %add3A_429 : i32
      %broadcast_in_dim3A_431 = vector.broadcast %add3A_430 : i32 to vector<16xi32>
      %add3A_432 = arith.constant 256 : i32
      %add3A_433 = vector.broadcast %add3A_432 : i32 to vector<16xi32>
      %add3A_434 = arith.addi %broadcast_in_dim3A_431, %add3A_433 : vector<16xi32>
      %gather3A_435 = tpu.vector_load_idx %arg12[%add3A_434] : memref<512xi32, #tpu.memory_space<vmem>>[vector<16xi32>], vector<16xi32>,
      %add3A_436 = arith.constant 256 : i32
      %add3A_437 = vector.broadcast %add3A_436 : i32 to vector<16xi32>
      %add3A_438 = arith.addi %broadcast_in_dim3A_431, %add3A_437 : vector<16xi32>
      %gather3A_439 = tpu.vector_load_idx %arg13[%add3A_438] : memref<512xi32, #tpu.memory_space<vmem>>[vector<16xi32>], vector<16xi32>,
      %broadcast_in_dim3A_440 = arith.constant 0.000000e+00 : f32
      %broadcast_in_dim3A_441 = vector.broadcast %broadcast_in_dim3A_440 : f32 to vector<16xf32>
      %add3A_442 = arith.addi %gather3A_435, %iota3A : vector<16xi32>
      %gather3A_443 = tpu.vector_load_idx %arg14[%broadcast_in_dim3A_431, %add3A_442] : memref<256x128xf32, #tpu.memory_space<vmem>>[vector<16xi32>, vector<16xi32>], vector<16xf32>,
      %add3A_444 = arith.addi %gather3A_439, %iota3A : vector<16xi32>
      %gather3A_445 = tpu.vector_load_idx %arg15[%broadcast_in_dim3A_431, %add3A_444] : memref<256x128xf32, #tpu.memory_space<vmem>>[vector<16xi32>, vector<16xi32>], vector<16xf32>,
      %bitcast3A_446 = vector.bitcast %gather3A_443 : vector<16xf32> to vector<16xi32>
      %shift_left3A_447 = arith.constant 16 : i32
      %shift_left3A_448 = vector.broadcast %shift_left3A_447 : i32 to vector<16xi32>
      %shift_left3A_449 = arith.shli %bitcast3A_446, %shift_left3A_448 : vector<16xi32>
      %bitcast3A_450 = vector.bitcast %shift_left3A_449 : vector<16xi32> to vector<16xf32>
      %and3A_451 = arith.constant -65536 : i32
      %and3A_452 = vector.broadcast %and3A_451 : i32 to vector<16xi32>
      %and3A_453 = arith.andi %bitcast3A_446, %and3A_452 : vector<16xi32>
      %bitcast3A_454 = vector.bitcast %and3A_453 : vector<16xi32> to vector<16xf32>
      %bitcast3A_455 = vector.bitcast %gather3A_445 : vector<16xf32> to vector<16xi32>
      %shift_left3A_456 = arith.constant 16 : i32
      %shift_left3A_457 = vector.broadcast %shift_left3A_456 : i32 to vector<16xi32>
      %shift_left3A_458 = arith.shli %bitcast3A_455, %shift_left3A_457 : vector<16xi32>
      %bitcast3A_459 = vector.bitcast %shift_left3A_458 : vector<16xi32> to vector<16xf32>
      %and3A_460 = arith.constant -65536 : i32
      %and3A_461 = vector.broadcast %and3A_460 : i32 to vector<16xi32>
      %and3A_462 = arith.andi %bitcast3A_455, %and3A_461 : vector<16xi32>
      %bitcast3A_463 = vector.bitcast %and3A_462 : vector<16xi32> to vector<16xf32>
      %mul3A_464 = arith.mulf %bitcast3A_450, %bitcast3A_459 : vector<16xf32>
      %mul3A_465 = arith.mulf %mul3A_464, %get3A_30 : vector<16xf32>
      %add3A_466 = arith.addf %broadcast_in_dim3A_441, %mul3A_465 : vector<16xf32>
      %mul3A_467 = arith.mulf %bitcast3A_454, %bitcast3A_463 : vector<16xf32>
      %mul3A_468 = arith.mulf %mul3A_467, %get3A_34 : vector<16xf32>
      %add3A_469 = arith.addf %add3A_466, %mul3A_468 : vector<16xf32>
      %add3A_470 = arith.addi %gather3A_435, %add3A_42 : vector<16xi32>
      %gather3A_471 = tpu.vector_load_idx %arg14[%broadcast_in_dim3A_431, %add3A_470] : memref<256x128xf32, #tpu.memory_space<vmem>>[vector<16xi32>, vector<16xi32>], vector<16xf32>,
      %add3A_472 = arith.addi %gather3A_439, %add3A_42 : vector<16xi32>
      %gather3A_473 = tpu.vector_load_idx %arg15[%broadcast_in_dim3A_431, %add3A_472] : memref<256x128xf32, #tpu.memory_space<vmem>>[vector<16xi32>, vector<16xi32>], vector<16xf32>,
      %bitcast3A_474 = vector.bitcast %gather3A_471 : vector<16xf32> to vector<16xi32>
      %shift_left3A_475 = arith.constant 16 : i32
      %shift_left3A_476 = vector.broadcast %shift_left3A_475 : i32 to vector<16xi32>
      %shift_left3A_477 = arith.shli %bitcast3A_474, %shift_left3A_476 : vector<16xi32>
      %bitcast3A_478 = vector.bitcast %shift_left3A_477 : vector<16xi32> to vector<16xf32>
      %and3A_479 = arith.constant -65536 : i32
      %and3A_480 = vector.broadcast %and3A_479 : i32 to vector<16xi32>
      %and3A_481 = arith.andi %bitcast3A_474, %and3A_480 : vector<16xi32>
      %bitcast3A_482 = vector.bitcast %and3A_481 : vector<16xi32> to vector<16xf32>
      %bitcast3A_483 = vector.bitcast %gather3A_473 : vector<16xf32> to vector<16xi32>
      %shift_left3A_484 = arith.constant 16 : i32
      %shift_left3A_485 = vector.broadcast %shift_left3A_484 : i32 to vector<16xi32>
      %shift_left3A_486 = arith.shli %bitcast3A_483, %shift_left3A_485 : vector<16xi32>
      %bitcast3A_487 = vector.bitcast %shift_left3A_486 : vector<16xi32> to vector<16xf32>
      %and3A_488 = arith.constant -65536 : i32
      %and3A_489 = vector.broadcast %and3A_488 : i32 to vector<16xi32>
      %and3A_490 = arith.andi %bitcast3A_483, %and3A_489 : vector<16xi32>
      %bitcast3A_491 = vector.bitcast %and3A_490 : vector<16xi32> to vector<16xf32>
      %mul3A_492 = arith.mulf %bitcast3A_478, %bitcast3A_487 : vector<16xf32>
      %mul3A_493 = arith.mulf %mul3A_492, %get3A_32 : vector<16xf32>
      %add3A_494 = arith.addf %add3A_469, %mul3A_493 : vector<16xf32>
      %mul3A_495 = arith.mulf %bitcast3A_482, %bitcast3A_491 : vector<16xf32>
      %mul3A_496 = arith.mulf %mul3A_495, %get3A_36 : vector<16xf32>
      %add3A_497 = arith.addf %add3A_494, %mul3A_496 : vector<16xf32>
      %swap3A_498 = arith.constant 80 : index
      %swap3A_499 = tpu.vector_load %arg18[%swap3A_498] {strides = array<i32>} : memref<256xf32, #tpu.memory_space<vmem>>, vector<16xf32>,
      tpu.vector_store %arg18[%swap3A_498], %add3A_497 {strides = array<i32>} : memref<256xf32, #tpu.memory_space<vmem>>, vector<16xf32>,
      %add3A_500 = arith.constant 6 : i32
      %add3A_501 = arith.addi %mul3A_79, %add3A_500 : i32
      %broadcast_in_dim3A_502 = vector.broadcast %add3A_501 : i32 to vector<16xi32>
      %add3A_503 = arith.constant 256 : i32
      %add3A_504 = vector.broadcast %add3A_503 : i32 to vector<16xi32>
      %add3A_505 = arith.addi %broadcast_in_dim3A_502, %add3A_504 : vector<16xi32>
      %gather3A_506 = tpu.vector_load_idx %arg12[%add3A_505] : memref<512xi32, #tpu.memory_space<vmem>>[vector<16xi32>], vector<16xi32>,
      %add3A_507 = arith.constant 256 : i32
      %add3A_508 = vector.broadcast %add3A_507 : i32 to vector<16xi32>
      %add3A_509 = arith.addi %broadcast_in_dim3A_502, %add3A_508 : vector<16xi32>
      %gather3A_510 = tpu.vector_load_idx %arg13[%add3A_509] : memref<512xi32, #tpu.memory_space<vmem>>[vector<16xi32>], vector<16xi32>,
      %broadcast_in_dim3A_511 = arith.constant 0.000000e+00 : f32
      %broadcast_in_dim3A_512 = vector.broadcast %broadcast_in_dim3A_511 : f32 to vector<16xf32>
      %add3A_513 = arith.addi %gather3A_506, %iota3A : vector<16xi32>
      %gather3A_514 = tpu.vector_load_idx %arg14[%broadcast_in_dim3A_502, %add3A_513] : memref<256x128xf32, #tpu.memory_space<vmem>>[vector<16xi32>, vector<16xi32>], vector<16xf32>,
      %add3A_515 = arith.addi %gather3A_510, %iota3A : vector<16xi32>
      %gather3A_516 = tpu.vector_load_idx %arg15[%broadcast_in_dim3A_502, %add3A_515] : memref<256x128xf32, #tpu.memory_space<vmem>>[vector<16xi32>, vector<16xi32>], vector<16xf32>,
      %bitcast3A_517 = vector.bitcast %gather3A_514 : vector<16xf32> to vector<16xi32>
      %shift_left3A_518 = arith.constant 16 : i32
      %shift_left3A_519 = vector.broadcast %shift_left3A_518 : i32 to vector<16xi32>
      %shift_left3A_520 = arith.shli %bitcast3A_517, %shift_left3A_519 : vector<16xi32>
      %bitcast3A_521 = vector.bitcast %shift_left3A_520 : vector<16xi32> to vector<16xf32>
      %and3A_522 = arith.constant -65536 : i32
      %and3A_523 = vector.broadcast %and3A_522 : i32 to vector<16xi32>
      %and3A_524 = arith.andi %bitcast3A_517, %and3A_523 : vector<16xi32>
      %bitcast3A_525 = vector.bitcast %and3A_524 : vector<16xi32> to vector<16xf32>
      %bitcast3A_526 = vector.bitcast %gather3A_516 : vector<16xf32> to vector<16xi32>
      %shift_left3A_527 = arith.constant 16 : i32
      %shift_left3A_528 = vector.broadcast %shift_left3A_527 : i32 to vector<16xi32>
      %shift_left3A_529 = arith.shli %bitcast3A_526, %shift_left3A_528 : vector<16xi32>
      %bitcast3A_530 = vector.bitcast %shift_left3A_529 : vector<16xi32> to vector<16xf32>
      %and3A_531 = arith.constant -65536 : i32
      %and3A_532 = vector.broadcast %and3A_531 : i32 to vector<16xi32>
      %and3A_533 = arith.andi %bitcast3A_526, %and3A_532 : vector<16xi32>
      %bitcast3A_534 = vector.bitcast %and3A_533 : vector<16xi32> to vector<16xf32>
      %mul3A_535 = arith.mulf %bitcast3A_521, %bitcast3A_530 : vector<16xf32>
      %mul3A_536 = arith.mulf %mul3A_535, %get3A_30 : vector<16xf32>
      %add3A_537 = arith.addf %broadcast_in_dim3A_512, %mul3A_536 : vector<16xf32>
      %mul3A_538 = arith.mulf %bitcast3A_525, %bitcast3A_534 : vector<16xf32>
      %mul3A_539 = arith.mulf %mul3A_538, %get3A_34 : vector<16xf32>
      %add3A_540 = arith.addf %add3A_537, %mul3A_539 : vector<16xf32>
      %add3A_541 = arith.addi %gather3A_506, %add3A_42 : vector<16xi32>
      %gather3A_542 = tpu.vector_load_idx %arg14[%broadcast_in_dim3A_502, %add3A_541] : memref<256x128xf32, #tpu.memory_space<vmem>>[vector<16xi32>, vector<16xi32>], vector<16xf32>,
      %add3A_543 = arith.addi %gather3A_510, %add3A_42 : vector<16xi32>
      %gather3A_544 = tpu.vector_load_idx %arg15[%broadcast_in_dim3A_502, %add3A_543] : memref<256x128xf32, #tpu.memory_space<vmem>>[vector<16xi32>, vector<16xi32>], vector<16xf32>,
      %bitcast3A_545 = vector.bitcast %gather3A_542 : vector<16xf32> to vector<16xi32>
      %shift_left3A_546 = arith.constant 16 : i32
      %shift_left3A_547 = vector.broadcast %shift_left3A_546 : i32 to vector<16xi32>
      %shift_left3A_548 = arith.shli %bitcast3A_545, %shift_left3A_547 : vector<16xi32>
      %bitcast3A_549 = vector.bitcast %shift_left3A_548 : vector<16xi32> to vector<16xf32>
      %and3A_550 = arith.constant -65536 : i32
      %and3A_551 = vector.broadcast %and3A_550 : i32 to vector<16xi32>
      %and3A_552 = arith.andi %bitcast3A_545, %and3A_551 : vector<16xi32>
      %bitcast3A_553 = vector.bitcast %and3A_552 : vector<16xi32> to vector<16xf32>
      %bitcast3A_554 = vector.bitcast %gather3A_544 : vector<16xf32> to vector<16xi32>
      %shift_left3A_555 = arith.constant 16 : i32
      %shift_left3A_556 = vector.broadcast %shift_left3A_555 : i32 to vector<16xi32>
      %shift_left3A_557 = arith.shli %bitcast3A_554, %shift_left3A_556 : vector<16xi32>
      %bitcast3A_558 = vector.bitcast %shift_left3A_557 : vector<16xi32> to vector<16xf32>
      %and3A_559 = arith.constant -65536 : i32
      %and3A_560 = vector.broadcast %and3A_559 : i32 to vector<16xi32>
      %and3A_561 = arith.andi %bitcast3A_554, %and3A_560 : vector<16xi32>
      %bitcast3A_562 = vector.bitcast %and3A_561 : vector<16xi32> to vector<16xf32>
      %mul3A_563 = arith.mulf %bitcast3A_549, %bitcast3A_558 : vector<16xf32>
      %mul3A_564 = arith.mulf %mul3A_563, %get3A_32 : vector<16xf32>
      %add3A_565 = arith.addf %add3A_540, %mul3A_564 : vector<16xf32>
      %mul3A_566 = arith.mulf %bitcast3A_553, %bitcast3A_562 : vector<16xf32>
      %mul3A_567 = arith.mulf %mul3A_566, %get3A_36 : vector<16xf32>
      %add3A_568 = arith.addf %add3A_565, %mul3A_567 : vector<16xf32>
      %swap3A_569 = arith.constant 96 : index
      %swap3A_570 = tpu.vector_load %arg18[%swap3A_569] {strides = array<i32>} : memref<256xf32, #tpu.memory_space<vmem>>, vector<16xf32>,
      tpu.vector_store %arg18[%swap3A_569], %add3A_568 {strides = array<i32>} : memref<256xf32, #tpu.memory_space<vmem>>, vector<16xf32>,
      %add3A_571 = arith.constant 7 : i32
      %add3A_572 = arith.addi %mul3A_79, %add3A_571 : i32
      %broadcast_in_dim3A_573 = vector.broadcast %add3A_572 : i32 to vector<16xi32>
      %add3A_574 = arith.constant 256 : i32
      %add3A_575 = vector.broadcast %add3A_574 : i32 to vector<16xi32>
      %add3A_576 = arith.addi %broadcast_in_dim3A_573, %add3A_575 : vector<16xi32>
      %gather3A_577 = tpu.vector_load_idx %arg12[%add3A_576] : memref<512xi32, #tpu.memory_space<vmem>>[vector<16xi32>], vector<16xi32>,
      %add3A_578 = arith.constant 256 : i32
      %add3A_579 = vector.broadcast %add3A_578 : i32 to vector<16xi32>
      %add3A_580 = arith.addi %broadcast_in_dim3A_573, %add3A_579 : vector<16xi32>
      %gather3A_581 = tpu.vector_load_idx %arg13[%add3A_580] : memref<512xi32, #tpu.memory_space<vmem>>[vector<16xi32>], vector<16xi32>,
      %broadcast_in_dim3A_582 = arith.constant 0.000000e+00 : f32
      %broadcast_in_dim3A_583 = vector.broadcast %broadcast_in_dim3A_582 : f32 to vector<16xf32>
      %add3A_584 = arith.addi %gather3A_577, %iota3A : vector<16xi32>
      %gather3A_585 = tpu.vector_load_idx %arg14[%broadcast_in_dim3A_573, %add3A_584] : memref<256x128xf32, #tpu.memory_space<vmem>>[vector<16xi32>, vector<16xi32>], vector<16xf32>,
      %add3A_586 = arith.addi %gather3A_581, %iota3A : vector<16xi32>
      %gather3A_587 = tpu.vector_load_idx %arg15[%broadcast_in_dim3A_573, %add3A_586] : memref<256x128xf32, #tpu.memory_space<vmem>>[vector<16xi32>, vector<16xi32>], vector<16xf32>,
      %bitcast3A_588 = vector.bitcast %gather3A_585 : vector<16xf32> to vector<16xi32>
      %shift_left3A_589 = arith.constant 16 : i32
      %shift_left3A_590 = vector.broadcast %shift_left3A_589 : i32 to vector<16xi32>
      %shift_left3A_591 = arith.shli %bitcast3A_588, %shift_left3A_590 : vector<16xi32>
      %bitcast3A_592 = vector.bitcast %shift_left3A_591 : vector<16xi32> to vector<16xf32>
      %and3A_593 = arith.constant -65536 : i32
      %and3A_594 = vector.broadcast %and3A_593 : i32 to vector<16xi32>
      %and3A_595 = arith.andi %bitcast3A_588, %and3A_594 : vector<16xi32>
      %bitcast3A_596 = vector.bitcast %and3A_595 : vector<16xi32> to vector<16xf32>
      %bitcast3A_597 = vector.bitcast %gather3A_587 : vector<16xf32> to vector<16xi32>
      %shift_left3A_598 = arith.constant 16 : i32
      %shift_left3A_599 = vector.broadcast %shift_left3A_598 : i32 to vector<16xi32>
      %shift_left3A_600 = arith.shli %bitcast3A_597, %shift_left3A_599 : vector<16xi32>
      %bitcast3A_601 = vector.bitcast %shift_left3A_600 : vector<16xi32> to vector<16xf32>
      %and3A_602 = arith.constant -65536 : i32
      %and3A_603 = vector.broadcast %and3A_602 : i32 to vector<16xi32>
      %and3A_604 = arith.andi %bitcast3A_597, %and3A_603 : vector<16xi32>
      %bitcast3A_605 = vector.bitcast %and3A_604 : vector<16xi32> to vector<16xf32>
      %mul3A_606 = arith.mulf %bitcast3A_592, %bitcast3A_601 : vector<16xf32>
      %mul3A_607 = arith.mulf %mul3A_606, %get3A_30 : vector<16xf32>
      %add3A_608 = arith.addf %broadcast_in_dim3A_583, %mul3A_607 : vector<16xf32>
      %mul3A_609 = arith.mulf %bitcast3A_596, %bitcast3A_605 : vector<16xf32>
      %mul3A_610 = arith.mulf %mul3A_609, %get3A_34 : vector<16xf32>
      %add3A_611 = arith.addf %add3A_608, %mul3A_610 : vector<16xf32>
      %add3A_612 = arith.addi %gather3A_577, %add3A_42 : vector<16xi32>
      %gather3A_613 = tpu.vector_load_idx %arg14[%broadcast_in_dim3A_573, %add3A_612] : memref<256x128xf32, #tpu.memory_space<vmem>>[vector<16xi32>, vector<16xi32>], vector<16xf32>,
      %add3A_614 = arith.addi %gather3A_581, %add3A_42 : vector<16xi32>
      %gather3A_615 = tpu.vector_load_idx %arg15[%broadcast_in_dim3A_573, %add3A_614] : memref<256x128xf32, #tpu.memory_space<vmem>>[vector<16xi32>, vector<16xi32>], vector<16xf32>,
      %bitcast3A_616 = vector.bitcast %gather3A_613 : vector<16xf32> to vector<16xi32>
      %shift_left3A_617 = arith.constant 16 : i32
      %shift_left3A_618 = vector.broadcast %shift_left3A_617 : i32 to vector<16xi32>
      %shift_left3A_619 = arith.shli %bitcast3A_616, %shift_left3A_618 : vector<16xi32>
      %bitcast3A_620 = vector.bitcast %shift_left3A_619 : vector<16xi32> to vector<16xf32>
      %and3A_621 = arith.constant -65536 : i32
      %and3A_622 = vector.broadcast %and3A_621 : i32 to vector<16xi32>
      %and3A_623 = arith.andi %bitcast3A_616, %and3A_622 : vector<16xi32>
      %bitcast3A_624 = vector.bitcast %and3A_623 : vector<16xi32> to vector<16xf32>
      %bitcast3A_625 = vector.bitcast %gather3A_615 : vector<16xf32> to vector<16xi32>
      %shift_left3A_626 = arith.constant 16 : i32
      %shift_left3A_627 = vector.broadcast %shift_left3A_626 : i32 to vector<16xi32>
      %shift_left3A_628 = arith.shli %bitcast3A_625, %shift_left3A_627 : vector<16xi32>
      %bitcast3A_629 = vector.bitcast %shift_left3A_628 : vector<16xi32> to vector<16xf32>
      %and3A_630 = arith.constant -65536 : i32
      %and3A_631 = vector.broadcast %and3A_630 : i32 to vector<16xi32>
      %and3A_632 = arith.andi %bitcast3A_625, %and3A_631 : vector<16xi32>
      %bitcast3A_633 = vector.bitcast %and3A_632 : vector<16xi32> to vector<16xf32>
      %mul3A_634 = arith.mulf %bitcast3A_620, %bitcast3A_629 : vector<16xf32>
      %mul3A_635 = arith.mulf %mul3A_634, %get3A_32 : vector<16xf32>
      %add3A_636 = arith.addf %add3A_611, %mul3A_635 : vector<16xf32>
      %mul3A_637 = arith.mulf %bitcast3A_624, %bitcast3A_633 : vector<16xf32>
      %mul3A_638 = arith.mulf %mul3A_637, %get3A_36 : vector<16xf32>
      %add3A_639 = arith.addf %add3A_636, %mul3A_638 : vector<16xf32>
      %swap3A_640 = arith.constant 112 : index
      %swap3A_641 = tpu.vector_load %arg18[%swap3A_640] {strides = array<i32>} : memref<256xf32, #tpu.memory_space<vmem>>, vector<16xf32>,
      tpu.vector_store %arg18[%swap3A_640], %add3A_639 {strides = array<i32>} : memref<256xf32, #tpu.memory_space<vmem>>, vector<16xf32>,
      %add3A_642 = arith.constant 8 : i32
      %add3A_643 = arith.addi %mul3A_79, %add3A_642 : i32
      %broadcast_in_dim3A_644 = vector.broadcast %add3A_643 : i32 to vector<16xi32>
      %add3A_645 = arith.constant 256 : i32
      %add3A_646 = vector.broadcast %add3A_645 : i32 to vector<16xi32>
      %add3A_647 = arith.addi %broadcast_in_dim3A_644, %add3A_646 : vector<16xi32>
      %gather3A_648 = tpu.vector_load_idx %arg12[%add3A_647] : memref<512xi32, #tpu.memory_space<vmem>>[vector<16xi32>], vector<16xi32>,
      %add3A_649 = arith.constant 256 : i32
      %add3A_650 = vector.broadcast %add3A_649 : i32 to vector<16xi32>
      %add3A_651 = arith.addi %broadcast_in_dim3A_644, %add3A_650 : vector<16xi32>
      %gather3A_652 = tpu.vector_load_idx %arg13[%add3A_651] : memref<512xi32, #tpu.memory_space<vmem>>[vector<16xi32>], vector<16xi32>,
      %broadcast_in_dim3A_653 = arith.constant 0.000000e+00 : f32
      %broadcast_in_dim3A_654 = vector.broadcast %broadcast_in_dim3A_653 : f32 to vector<16xf32>
      %add3A_655 = arith.addi %gather3A_648, %iota3A : vector<16xi32>
      %gather3A_656 = tpu.vector_load_idx %arg14[%broadcast_in_dim3A_644, %add3A_655] : memref<256x128xf32, #tpu.memory_space<vmem>>[vector<16xi32>, vector<16xi32>], vector<16xf32>,
      %add3A_657 = arith.addi %gather3A_652, %iota3A : vector<16xi32>
      %gather3A_658 = tpu.vector_load_idx %arg15[%broadcast_in_dim3A_644, %add3A_657] : memref<256x128xf32, #tpu.memory_space<vmem>>[vector<16xi32>, vector<16xi32>], vector<16xf32>,
      %bitcast3A_659 = vector.bitcast %gather3A_656 : vector<16xf32> to vector<16xi32>
      %shift_left3A_660 = arith.constant 16 : i32
      %shift_left3A_661 = vector.broadcast %shift_left3A_660 : i32 to vector<16xi32>
      %shift_left3A_662 = arith.shli %bitcast3A_659, %shift_left3A_661 : vector<16xi32>
      %bitcast3A_663 = vector.bitcast %shift_left3A_662 : vector<16xi32> to vector<16xf32>
      %and3A_664 = arith.constant -65536 : i32
      %and3A_665 = vector.broadcast %and3A_664 : i32 to vector<16xi32>
      %and3A_666 = arith.andi %bitcast3A_659, %and3A_665 : vector<16xi32>
      %bitcast3A_667 = vector.bitcast %and3A_666 : vector<16xi32> to vector<16xf32>
      %bitcast3A_668 = vector.bitcast %gather3A_658 : vector<16xf32> to vector<16xi32>
      %shift_left3A_669 = arith.constant 16 : i32
      %shift_left3A_670 = vector.broadcast %shift_left3A_669 : i32 to vector<16xi32>
      %shift_left3A_671 = arith.shli %bitcast3A_668, %shift_left3A_670 : vector<16xi32>
      %bitcast3A_672 = vector.bitcast %shift_left3A_671 : vector<16xi32> to vector<16xf32>
      %and3A_673 = arith.constant -65536 : i32
      %and3A_674 = vector.broadcast %and3A_673 : i32 to vector<16xi32>
      %and3A_675 = arith.andi %bitcast3A_668, %and3A_674 : vector<16xi32>
      %bitcast3A_676 = vector.bitcast %and3A_675 : vector<16xi32> to vector<16xf32>
      %mul3A_677 = arith.mulf %bitcast3A_663, %bitcast3A_672 : vector<16xf32>
      %mul3A_678 = arith.mulf %mul3A_677, %get3A_30 : vector<16xf32>
      %add3A_679 = arith.addf %broadcast_in_dim3A_654, %mul3A_678 : vector<16xf32>
      %mul3A_680 = arith.mulf %bitcast3A_667, %bitcast3A_676 : vector<16xf32>
      %mul3A_681 = arith.mulf %mul3A_680, %get3A_34 : vector<16xf32>
      %add3A_682 = arith.addf %add3A_679, %mul3A_681 : vector<16xf32>
      %add3A_683 = arith.addi %gather3A_648, %add3A_42 : vector<16xi32>
      %gather3A_684 = tpu.vector_load_idx %arg14[%broadcast_in_dim3A_644, %add3A_683] : memref<256x128xf32, #tpu.memory_space<vmem>>[vector<16xi32>, vector<16xi32>], vector<16xf32>,
      %add3A_685 = arith.addi %gather3A_652, %add3A_42 : vector<16xi32>
      %gather3A_686 = tpu.vector_load_idx %arg15[%broadcast_in_dim3A_644, %add3A_685] : memref<256x128xf32, #tpu.memory_space<vmem>>[vector<16xi32>, vector<16xi32>], vector<16xf32>,
      %bitcast3A_687 = vector.bitcast %gather3A_684 : vector<16xf32> to vector<16xi32>
      %shift_left3A_688 = arith.constant 16 : i32
      %shift_left3A_689 = vector.broadcast %shift_left3A_688 : i32 to vector<16xi32>
      %shift_left3A_690 = arith.shli %bitcast3A_687, %shift_left3A_689 : vector<16xi32>
      %bitcast3A_691 = vector.bitcast %shift_left3A_690 : vector<16xi32> to vector<16xf32>
      %and3A_692 = arith.constant -65536 : i32
      %and3A_693 = vector.broadcast %and3A_692 : i32 to vector<16xi32>
      %and3A_694 = arith.andi %bitcast3A_687, %and3A_693 : vector<16xi32>
      %bitcast3A_695 = vector.bitcast %and3A_694 : vector<16xi32> to vector<16xf32>
      %bitcast3A_696 = vector.bitcast %gather3A_686 : vector<16xf32> to vector<16xi32>
      %shift_left3A_697 = arith.constant 16 : i32
      %shift_left3A_698 = vector.broadcast %shift_left3A_697 : i32 to vector<16xi32>
      %shift_left3A_699 = arith.shli %bitcast3A_696, %shift_left3A_698 : vector<16xi32>
      %bitcast3A_700 = vector.bitcast %shift_left3A_699 : vector<16xi32> to vector<16xf32>
      %and3A_701 = arith.constant -65536 : i32
      %and3A_702 = vector.broadcast %and3A_701 : i32 to vector<16xi32>
      %and3A_703 = arith.andi %bitcast3A_696, %and3A_702 : vector<16xi32>
      %bitcast3A_704 = vector.bitcast %and3A_703 : vector<16xi32> to vector<16xf32>
      %mul3A_705 = arith.mulf %bitcast3A_691, %bitcast3A_700 : vector<16xf32>
      %mul3A_706 = arith.mulf %mul3A_705, %get3A_32 : vector<16xf32>
      %add3A_707 = arith.addf %add3A_682, %mul3A_706 : vector<16xf32>
      %mul3A_708 = arith.mulf %bitcast3A_695, %bitcast3A_704 : vector<16xf32>
      %mul3A_709 = arith.mulf %mul3A_708, %get3A_36 : vector<16xf32>
      %add3A_710 = arith.addf %add3A_707, %mul3A_709 : vector<16xf32>
      %swap3A_711 = arith.constant 128 : index
      %swap3A_712 = tpu.vector_load %arg18[%swap3A_711] {strides = array<i32>} : memref<256xf32, #tpu.memory_space<vmem>>, vector<16xf32>,
      tpu.vector_store %arg18[%swap3A_711], %add3A_710 {strides = array<i32>} : memref<256xf32, #tpu.memory_space<vmem>>, vector<16xf32>,
      %add3A_713 = arith.constant 9 : i32
      %add3A_714 = arith.addi %mul3A_79, %add3A_713 : i32
      %broadcast_in_dim3A_715 = vector.broadcast %add3A_714 : i32 to vector<16xi32>
      %add3A_716 = arith.constant 256 : i32
      %add3A_717 = vector.broadcast %add3A_716 : i32 to vector<16xi32>
      %add3A_718 = arith.addi %broadcast_in_dim3A_715, %add3A_717 : vector<16xi32>
      %gather3A_719 = tpu.vector_load_idx %arg12[%add3A_718] : memref<512xi32, #tpu.memory_space<vmem>>[vector<16xi32>], vector<16xi32>,
      %add3A_720 = arith.constant 256 : i32
      %add3A_721 = vector.broadcast %add3A_720 : i32 to vector<16xi32>
      %add3A_722 = arith.addi %broadcast_in_dim3A_715, %add3A_721 : vector<16xi32>
      %gather3A_723 = tpu.vector_load_idx %arg13[%add3A_722] : memref<512xi32, #tpu.memory_space<vmem>>[vector<16xi32>], vector<16xi32>,
      %broadcast_in_dim3A_724 = arith.constant 0.000000e+00 : f32
      %broadcast_in_dim3A_725 = vector.broadcast %broadcast_in_dim3A_724 : f32 to vector<16xf32>
      %add3A_726 = arith.addi %gather3A_719, %iota3A : vector<16xi32>
      %gather3A_727 = tpu.vector_load_idx %arg14[%broadcast_in_dim3A_715, %add3A_726] : memref<256x128xf32, #tpu.memory_space<vmem>>[vector<16xi32>, vector<16xi32>], vector<16xf32>,
      %add3A_728 = arith.addi %gather3A_723, %iota3A : vector<16xi32>
      %gather3A_729 = tpu.vector_load_idx %arg15[%broadcast_in_dim3A_715, %add3A_728] : memref<256x128xf32, #tpu.memory_space<vmem>>[vector<16xi32>, vector<16xi32>], vector<16xf32>,
      %bitcast3A_730 = vector.bitcast %gather3A_727 : vector<16xf32> to vector<16xi32>
      %shift_left3A_731 = arith.constant 16 : i32
      %shift_left3A_732 = vector.broadcast %shift_left3A_731 : i32 to vector<16xi32>
      %shift_left3A_733 = arith.shli %bitcast3A_730, %shift_left3A_732 : vector<16xi32>
      %bitcast3A_734 = vector.bitcast %shift_left3A_733 : vector<16xi32> to vector<16xf32>
      %and3A_735 = arith.constant -65536 : i32
      %and3A_736 = vector.broadcast %and3A_735 : i32 to vector<16xi32>
      %and3A_737 = arith.andi %bitcast3A_730, %and3A_736 : vector<16xi32>
      %bitcast3A_738 = vector.bitcast %and3A_737 : vector<16xi32> to vector<16xf32>
      %bitcast3A_739 = vector.bitcast %gather3A_729 : vector<16xf32> to vector<16xi32>
      %shift_left3A_740 = arith.constant 16 : i32
      %shift_left3A_741 = vector.broadcast %shift_left3A_740 : i32 to vector<16xi32>
      %shift_left3A_742 = arith.shli %bitcast3A_739, %shift_left3A_741 : vector<16xi32>
      %bitcast3A_743 = vector.bitcast %shift_left3A_742 : vector<16xi32> to vector<16xf32>
      %and3A_744 = arith.constant -65536 : i32
      %and3A_745 = vector.broadcast %and3A_744 : i32 to vector<16xi32>
      %and3A_746 = arith.andi %bitcast3A_739, %and3A_745 : vector<16xi32>
      %bitcast3A_747 = vector.bitcast %and3A_746 : vector<16xi32> to vector<16xf32>
      %mul3A_748 = arith.mulf %bitcast3A_734, %bitcast3A_743 : vector<16xf32>
      %mul3A_749 = arith.mulf %mul3A_748, %get3A_30 : vector<16xf32>
      %add3A_750 = arith.addf %broadcast_in_dim3A_725, %mul3A_749 : vector<16xf32>
      %mul3A_751 = arith.mulf %bitcast3A_738, %bitcast3A_747 : vector<16xf32>
      %mul3A_752 = arith.mulf %mul3A_751, %get3A_34 : vector<16xf32>
      %add3A_753 = arith.addf %add3A_750, %mul3A_752 : vector<16xf32>
      %add3A_754 = arith.addi %gather3A_719, %add3A_42 : vector<16xi32>
      %gather3A_755 = tpu.vector_load_idx %arg14[%broadcast_in_dim3A_715, %add3A_754] : memref<256x128xf32, #tpu.memory_space<vmem>>[vector<16xi32>, vector<16xi32>], vector<16xf32>,
      %add3A_756 = arith.addi %gather3A_723, %add3A_42 : vector<16xi32>
      %gather3A_757 = tpu.vector_load_idx %arg15[%broadcast_in_dim3A_715, %add3A_756] : memref<256x128xf32, #tpu.memory_space<vmem>>[vector<16xi32>, vector<16xi32>], vector<16xf32>,
      %bitcast3A_758 = vector.bitcast %gather3A_755 : vector<16xf32> to vector<16xi32>
      %shift_left3A_759 = arith.constant 16 : i32
      %shift_left3A_760 = vector.broadcast %shift_left3A_759 : i32 to vector<16xi32>
      %shift_left3A_761 = arith.shli %bitcast3A_758, %shift_left3A_760 : vector<16xi32>
      %bitcast3A_762 = vector.bitcast %shift_left3A_761 : vector<16xi32> to vector<16xf32>
      %and3A_763 = arith.constant -65536 : i32
      %and3A_764 = vector.broadcast %and3A_763 : i32 to vector<16xi32>
      %and3A_765 = arith.andi %bitcast3A_758, %and3A_764 : vector<16xi32>
      %bitcast3A_766 = vector.bitcast %and3A_765 : vector<16xi32> to vector<16xf32>
      %bitcast3A_767 = vector.bitcast %gather3A_757 : vector<16xf32> to vector<16xi32>
      %shift_left3A_768 = arith.constant 16 : i32
      %shift_left3A_769 = vector.broadcast %shift_left3A_768 : i32 to vector<16xi32>
      %shift_left3A_770 = arith.shli %bitcast3A_767, %shift_left3A_769 : vector<16xi32>
      %bitcast3A_771 = vector.bitcast %shift_left3A_770 : vector<16xi32> to vector<16xf32>
      %and3A_772 = arith.constant -65536 : i32
      %and3A_773 = vector.broadcast %and3A_772 : i32 to vector<16xi32>
      %and3A_774 = arith.andi %bitcast3A_767, %and3A_773 : vector<16xi32>
      %bitcast3A_775 = vector.bitcast %and3A_774 : vector<16xi32> to vector<16xf32>
      %mul3A_776 = arith.mulf %bitcast3A_762, %bitcast3A_771 : vector<16xf32>
      %mul3A_777 = arith.mulf %mul3A_776, %get3A_32 : vector<16xf32>
      %add3A_778 = arith.addf %add3A_753, %mul3A_777 : vector<16xf32>
      %mul3A_779 = arith.mulf %bitcast3A_766, %bitcast3A_775 : vector<16xf32>
      %mul3A_780 = arith.mulf %mul3A_779, %get3A_36 : vector<16xf32>
      %add3A_781 = arith.addf %add3A_778, %mul3A_780 : vector<16xf32>
      %swap3A_782 = arith.constant 144 : index
      %swap3A_783 = tpu.vector_load %arg18[%swap3A_782] {strides = array<i32>} : memref<256xf32, #tpu.memory_space<vmem>>, vector<16xf32>,
      tpu.vector_store %arg18[%swap3A_782], %add3A_781 {strides = array<i32>} : memref<256xf32, #tpu.memory_space<vmem>>, vector<16xf32>,
      %add3A_784 = arith.constant 10 : i32
      %add3A_785 = arith.addi %mul3A_79, %add3A_784 : i32
      %broadcast_in_dim3A_786 = vector.broadcast %add3A_785 : i32 to vector<16xi32>
      %add3A_787 = arith.constant 256 : i32
      %add3A_788 = vector.broadcast %add3A_787 : i32 to vector<16xi32>
      %add3A_789 = arith.addi %broadcast_in_dim3A_786, %add3A_788 : vector<16xi32>
      %gather3A_790 = tpu.vector_load_idx %arg12[%add3A_789] : memref<512xi32, #tpu.memory_space<vmem>>[vector<16xi32>], vector<16xi32>,
      %add3A_791 = arith.constant 256 : i32
      %add3A_792 = vector.broadcast %add3A_791 : i32 to vector<16xi32>
      %add3A_793 = arith.addi %broadcast_in_dim3A_786, %add3A_792 : vector<16xi32>
      %gather3A_794 = tpu.vector_load_idx %arg13[%add3A_793] : memref<512xi32, #tpu.memory_space<vmem>>[vector<16xi32>], vector<16xi32>,
      %broadcast_in_dim3A_795 = arith.constant 0.000000e+00 : f32
      %broadcast_in_dim3A_796 = vector.broadcast %broadcast_in_dim3A_795 : f32 to vector<16xf32>
      %add3A_797 = arith.addi %gather3A_790, %iota3A : vector<16xi32>
      %gather3A_798 = tpu.vector_load_idx %arg14[%broadcast_in_dim3A_786, %add3A_797] : memref<256x128xf32, #tpu.memory_space<vmem>>[vector<16xi32>, vector<16xi32>], vector<16xf32>,
      %add3A_799 = arith.addi %gather3A_794, %iota3A : vector<16xi32>
      %gather3A_800 = tpu.vector_load_idx %arg15[%broadcast_in_dim3A_786, %add3A_799] : memref<256x128xf32, #tpu.memory_space<vmem>>[vector<16xi32>, vector<16xi32>], vector<16xf32>,
      %bitcast3A_801 = vector.bitcast %gather3A_798 : vector<16xf32> to vector<16xi32>
      %shift_left3A_802 = arith.constant 16 : i32
      %shift_left3A_803 = vector.broadcast %shift_left3A_802 : i32 to vector<16xi32>
      %shift_left3A_804 = arith.shli %bitcast3A_801, %shift_left3A_803 : vector<16xi32>
      %bitcast3A_805 = vector.bitcast %shift_left3A_804 : vector<16xi32> to vector<16xf32>
      %and3A_806 = arith.constant -65536 : i32
      %and3A_807 = vector.broadcast %and3A_806 : i32 to vector<16xi32>
      %and3A_808 = arith.andi %bitcast3A_801, %and3A_807 : vector<16xi32>
      %bitcast3A_809 = vector.bitcast %and3A_808 : vector<16xi32> to vector<16xf32>
      %bitcast3A_810 = vector.bitcast %gather3A_800 : vector<16xf32> to vector<16xi32>
      %shift_left3A_811 = arith.constant 16 : i32
      %shift_left3A_812 = vector.broadcast %shift_left3A_811 : i32 to vector<16xi32>
      %shift_left3A_813 = arith.shli %bitcast3A_810, %shift_left3A_812 : vector<16xi32>
      %bitcast3A_814 = vector.bitcast %shift_left3A_813 : vector<16xi32> to vector<16xf32>
      %and3A_815 = arith.constant -65536 : i32
      %and3A_816 = vector.broadcast %and3A_815 : i32 to vector<16xi32>
      %and3A_817 = arith.andi %bitcast3A_810, %and3A_816 : vector<16xi32>
      %bitcast3A_818 = vector.bitcast %and3A_817 : vector<16xi32> to vector<16xf32>
      %mul3A_819 = arith.mulf %bitcast3A_805, %bitcast3A_814 : vector<16xf32>
      %mul3A_820 = arith.mulf %mul3A_819, %get3A_30 : vector<16xf32>
      %add3A_821 = arith.addf %broadcast_in_dim3A_796, %mul3A_820 : vector<16xf32>
      %mul3A_822 = arith.mulf %bitcast3A_809, %bitcast3A_818 : vector<16xf32>
      %mul3A_823 = arith.mulf %mul3A_822, %get3A_34 : vector<16xf32>
      %add3A_824 = arith.addf %add3A_821, %mul3A_823 : vector<16xf32>
      %add3A_825 = arith.addi %gather3A_790, %add3A_42 : vector<16xi32>
      %gather3A_826 = tpu.vector_load_idx %arg14[%broadcast_in_dim3A_786, %add3A_825] : memref<256x128xf32, #tpu.memory_space<vmem>>[vector<16xi32>, vector<16xi32>], vector<16xf32>,
      %add3A_827 = arith.addi %gather3A_794, %add3A_42 : vector<16xi32>
      %gather3A_828 = tpu.vector_load_idx %arg15[%broadcast_in_dim3A_786, %add3A_827] : memref<256x128xf32, #tpu.memory_space<vmem>>[vector<16xi32>, vector<16xi32>], vector<16xf32>,
      %bitcast3A_829 = vector.bitcast %gather3A_826 : vector<16xf32> to vector<16xi32>
      %shift_left3A_830 = arith.constant 16 : i32
      %shift_left3A_831 = vector.broadcast %shift_left3A_830 : i32 to vector<16xi32>
      %shift_left3A_832 = arith.shli %bitcast3A_829, %shift_left3A_831 : vector<16xi32>
      %bitcast3A_833 = vector.bitcast %shift_left3A_832 : vector<16xi32> to vector<16xf32>
      %and3A_834 = arith.constant -65536 : i32
      %and3A_835 = vector.broadcast %and3A_834 : i32 to vector<16xi32>
      %and3A_836 = arith.andi %bitcast3A_829, %and3A_835 : vector<16xi32>
      %bitcast3A_837 = vector.bitcast %and3A_836 : vector<16xi32> to vector<16xf32>
      %bitcast3A_838 = vector.bitcast %gather3A_828 : vector<16xf32> to vector<16xi32>
      %shift_left3A_839 = arith.constant 16 : i32
      %shift_left3A_840 = vector.broadcast %shift_left3A_839 : i32 to vector<16xi32>
      %shift_left3A_841 = arith.shli %bitcast3A_838, %shift_left3A_840 : vector<16xi32>
      %bitcast3A_842 = vector.bitcast %shift_left3A_841 : vector<16xi32> to vector<16xf32>
      %and3A_843 = arith.constant -65536 : i32
      %and3A_844 = vector.broadcast %and3A_843 : i32 to vector<16xi32>
      %and3A_845 = arith.andi %bitcast3A_838, %and3A_844 : vector<16xi32>
      %bitcast3A_846 = vector.bitcast %and3A_845 : vector<16xi32> to vector<16xf32>
      %mul3A_847 = arith.mulf %bitcast3A_833, %bitcast3A_842 : vector<16xf32>
      %mul3A_848 = arith.mulf %mul3A_847, %get3A_32 : vector<16xf32>
      %add3A_849 = arith.addf %add3A_824, %mul3A_848 : vector<16xf32>
      %mul3A_850 = arith.mulf %bitcast3A_837, %bitcast3A_846 : vector<16xf32>
      %mul3A_851 = arith.mulf %mul3A_850, %get3A_36 : vector<16xf32>
      %add3A_852 = arith.addf %add3A_849, %mul3A_851 : vector<16xf32>
      %swap3A_853 = arith.constant 160 : index
      %swap3A_854 = tpu.vector_load %arg18[%swap3A_853] {strides = array<i32>} : memref<256xf32, #tpu.memory_space<vmem>>, vector<16xf32>,
      tpu.vector_store %arg18[%swap3A_853], %add3A_852 {strides = array<i32>} : memref<256xf32, #tpu.memory_space<vmem>>, vector<16xf32>,
      %add3A_855 = arith.constant 11 : i32
      %add3A_856 = arith.addi %mul3A_79, %add3A_855 : i32
      %broadcast_in_dim3A_857 = vector.broadcast %add3A_856 : i32 to vector<16xi32>
      %add3A_858 = arith.constant 256 : i32
      %add3A_859 = vector.broadcast %add3A_858 : i32 to vector<16xi32>
      %add3A_860 = arith.addi %broadcast_in_dim3A_857, %add3A_859 : vector<16xi32>
      %gather3A_861 = tpu.vector_load_idx %arg12[%add3A_860] : memref<512xi32, #tpu.memory_space<vmem>>[vector<16xi32>], vector<16xi32>,
      %add3A_862 = arith.constant 256 : i32
      %add3A_863 = vector.broadcast %add3A_862 : i32 to vector<16xi32>
      %add3A_864 = arith.addi %broadcast_in_dim3A_857, %add3A_863 : vector<16xi32>
      %gather3A_865 = tpu.vector_load_idx %arg13[%add3A_864] : memref<512xi32, #tpu.memory_space<vmem>>[vector<16xi32>], vector<16xi32>,
      %broadcast_in_dim3A_866 = arith.constant 0.000000e+00 : f32
      %broadcast_in_dim3A_867 = vector.broadcast %broadcast_in_dim3A_866 : f32 to vector<16xf32>
      %add3A_868 = arith.addi %gather3A_861, %iota3A : vector<16xi32>
      %gather3A_869 = tpu.vector_load_idx %arg14[%broadcast_in_dim3A_857, %add3A_868] : memref<256x128xf32, #tpu.memory_space<vmem>>[vector<16xi32>, vector<16xi32>], vector<16xf32>,
      %add3A_870 = arith.addi %gather3A_865, %iota3A : vector<16xi32>
      %gather3A_871 = tpu.vector_load_idx %arg15[%broadcast_in_dim3A_857, %add3A_870] : memref<256x128xf32, #tpu.memory_space<vmem>>[vector<16xi32>, vector<16xi32>], vector<16xf32>,
      %bitcast3A_872 = vector.bitcast %gather3A_869 : vector<16xf32> to vector<16xi32>
      %shift_left3A_873 = arith.constant 16 : i32
      %shift_left3A_874 = vector.broadcast %shift_left3A_873 : i32 to vector<16xi32>
      %shift_left3A_875 = arith.shli %bitcast3A_872, %shift_left3A_874 : vector<16xi32>
      %bitcast3A_876 = vector.bitcast %shift_left3A_875 : vector<16xi32> to vector<16xf32>
      %and3A_877 = arith.constant -65536 : i32
      %and3A_878 = vector.broadcast %and3A_877 : i32 to vector<16xi32>
      %and3A_879 = arith.andi %bitcast3A_872, %and3A_878 : vector<16xi32>
      %bitcast3A_880 = vector.bitcast %and3A_879 : vector<16xi32> to vector<16xf32>
      %bitcast3A_881 = vector.bitcast %gather3A_871 : vector<16xf32> to vector<16xi32>
      %shift_left3A_882 = arith.constant 16 : i32
      %shift_left3A_883 = vector.broadcast %shift_left3A_882 : i32 to vector<16xi32>
      %shift_left3A_884 = arith.shli %bitcast3A_881, %shift_left3A_883 : vector<16xi32>
      %bitcast3A_885 = vector.bitcast %shift_left3A_884 : vector<16xi32> to vector<16xf32>
      %and3A_886 = arith.constant -65536 : i32
      %and3A_887 = vector.broadcast %and3A_886 : i32 to vector<16xi32>
      %and3A_888 = arith.andi %bitcast3A_881, %and3A_887 : vector<16xi32>
      %bitcast3A_889 = vector.bitcast %and3A_888 : vector<16xi32> to vector<16xf32>
      %mul3A_890 = arith.mulf %bitcast3A_876, %bitcast3A_885 : vector<16xf32>
      %mul3A_891 = arith.mulf %mul3A_890, %get3A_30 : vector<16xf32>
      %add3A_892 = arith.addf %broadcast_in_dim3A_867, %mul3A_891 : vector<16xf32>
      %mul3A_893 = arith.mulf %bitcast3A_880, %bitcast3A_889 : vector<16xf32>
      %mul3A_894 = arith.mulf %mul3A_893, %get3A_34 : vector<16xf32>
      %add3A_895 = arith.addf %add3A_892, %mul3A_894 : vector<16xf32>
      %add3A_896 = arith.addi %gather3A_861, %add3A_42 : vector<16xi32>
      %gather3A_897 = tpu.vector_load_idx %arg14[%broadcast_in_dim3A_857, %add3A_896] : memref<256x128xf32, #tpu.memory_space<vmem>>[vector<16xi32>, vector<16xi32>], vector<16xf32>,
      %add3A_898 = arith.addi %gather3A_865, %add3A_42 : vector<16xi32>
      %gather3A_899 = tpu.vector_load_idx %arg15[%broadcast_in_dim3A_857, %add3A_898] : memref<256x128xf32, #tpu.memory_space<vmem>>[vector<16xi32>, vector<16xi32>], vector<16xf32>,
      %bitcast3A_900 = vector.bitcast %gather3A_897 : vector<16xf32> to vector<16xi32>
      %shift_left3A_901 = arith.constant 16 : i32
      %shift_left3A_902 = vector.broadcast %shift_left3A_901 : i32 to vector<16xi32>
      %shift_left3A_903 = arith.shli %bitcast3A_900, %shift_left3A_902 : vector<16xi32>
      %bitcast3A_904 = vector.bitcast %shift_left3A_903 : vector<16xi32> to vector<16xf32>
      %and3A_905 = arith.constant -65536 : i32
      %and3A_906 = vector.broadcast %and3A_905 : i32 to vector<16xi32>
      %and3A_907 = arith.andi %bitcast3A_900, %and3A_906 : vector<16xi32>
      %bitcast3A_908 = vector.bitcast %and3A_907 : vector<16xi32> to vector<16xf32>
      %bitcast3A_909 = vector.bitcast %gather3A_899 : vector<16xf32> to vector<16xi32>
      %shift_left3A_910 = arith.constant 16 : i32
      %shift_left3A_911 = vector.broadcast %shift_left3A_910 : i32 to vector<16xi32>
      %shift_left3A_912 = arith.shli %bitcast3A_909, %shift_left3A_911 : vector<16xi32>
      %bitcast3A_913 = vector.bitcast %shift_left3A_912 : vector<16xi32> to vector<16xf32>
      %and3A_914 = arith.constant -65536 : i32
      %and3A_915 = vector.broadcast %and3A_914 : i32 to vector<16xi32>
      %and3A_916 = arith.andi %bitcast3A_909, %and3A_915 : vector<16xi32>
      %bitcast3A_917 = vector.bitcast %and3A_916 : vector<16xi32> to vector<16xf32>
      %mul3A_918 = arith.mulf %bitcast3A_904, %bitcast3A_913 : vector<16xf32>
      %mul3A_919 = arith.mulf %mul3A_918, %get3A_32 : vector<16xf32>
      %add3A_920 = arith.addf %add3A_895, %mul3A_919 : vector<16xf32>
      %mul3A_921 = arith.mulf %bitcast3A_908, %bitcast3A_917 : vector<16xf32>
      %mul3A_922 = arith.mulf %mul3A_921, %get3A_36 : vector<16xf32>
      %add3A_923 = arith.addf %add3A_920, %mul3A_922 : vector<16xf32>
      %swap3A_924 = arith.constant 176 : index
      %swap3A_925 = tpu.vector_load %arg18[%swap3A_924] {strides = array<i32>} : memref<256xf32, #tpu.memory_space<vmem>>, vector<16xf32>,
      tpu.vector_store %arg18[%swap3A_924], %add3A_923 {strides = array<i32>} : memref<256xf32, #tpu.memory_space<vmem>>, vector<16xf32>,
      %add3A_926 = arith.constant 12 : i32
      %add3A_927 = arith.addi %mul3A_79, %add3A_926 : i32
      %broadcast_in_dim3A_928 = vector.broadcast %add3A_927 : i32 to vector<16xi32>
      %add3A_929 = arith.constant 256 : i32
      %add3A_930 = vector.broadcast %add3A_929 : i32 to vector<16xi32>
      %add3A_931 = arith.addi %broadcast_in_dim3A_928, %add3A_930 : vector<16xi32>
      %gather3A_932 = tpu.vector_load_idx %arg12[%add3A_931] : memref<512xi32, #tpu.memory_space<vmem>>[vector<16xi32>], vector<16xi32>,
      %add3A_933 = arith.constant 256 : i32
      %add3A_934 = vector.broadcast %add3A_933 : i32 to vector<16xi32>
      %add3A_935 = arith.addi %broadcast_in_dim3A_928, %add3A_934 : vector<16xi32>
      %gather3A_936 = tpu.vector_load_idx %arg13[%add3A_935] : memref<512xi32, #tpu.memory_space<vmem>>[vector<16xi32>], vector<16xi32>,
      %broadcast_in_dim3A_937 = arith.constant 0.000000e+00 : f32
      %broadcast_in_dim3A_938 = vector.broadcast %broadcast_in_dim3A_937 : f32 to vector<16xf32>
      %add3A_939 = arith.addi %gather3A_932, %iota3A : vector<16xi32>
      %gather3A_940 = tpu.vector_load_idx %arg14[%broadcast_in_dim3A_928, %add3A_939] : memref<256x128xf32, #tpu.memory_space<vmem>>[vector<16xi32>, vector<16xi32>], vector<16xf32>,
      %add3A_941 = arith.addi %gather3A_936, %iota3A : vector<16xi32>
      %gather3A_942 = tpu.vector_load_idx %arg15[%broadcast_in_dim3A_928, %add3A_941] : memref<256x128xf32, #tpu.memory_space<vmem>>[vector<16xi32>, vector<16xi32>], vector<16xf32>,
      %bitcast3A_943 = vector.bitcast %gather3A_940 : vector<16xf32> to vector<16xi32>
      %shift_left3A_944 = arith.constant 16 : i32
      %shift_left3A_945 = vector.broadcast %shift_left3A_944 : i32 to vector<16xi32>
      %shift_left3A_946 = arith.shli %bitcast3A_943, %shift_left3A_945 : vector<16xi32>
      %bitcast3A_947 = vector.bitcast %shift_left3A_946 : vector<16xi32> to vector<16xf32>
      %and3A_948 = arith.constant -65536 : i32
      %and3A_949 = vector.broadcast %and3A_948 : i32 to vector<16xi32>
      %and3A_950 = arith.andi %bitcast3A_943, %and3A_949 : vector<16xi32>
      %bitcast3A_951 = vector.bitcast %and3A_950 : vector<16xi32> to vector<16xf32>
      %bitcast3A_952 = vector.bitcast %gather3A_942 : vector<16xf32> to vector<16xi32>
      %shift_left3A_953 = arith.constant 16 : i32
      %shift_left3A_954 = vector.broadcast %shift_left3A_953 : i32 to vector<16xi32>
      %shift_left3A_955 = arith.shli %bitcast3A_952, %shift_left3A_954 : vector<16xi32>
      %bitcast3A_956 = vector.bitcast %shift_left3A_955 : vector<16xi32> to vector<16xf32>
      %and3A_957 = arith.constant -65536 : i32
      %and3A_958 = vector.broadcast %and3A_957 : i32 to vector<16xi32>
      %and3A_959 = arith.andi %bitcast3A_952, %and3A_958 : vector<16xi32>
      %bitcast3A_960 = vector.bitcast %and3A_959 : vector<16xi32> to vector<16xf32>
      %mul3A_961 = arith.mulf %bitcast3A_947, %bitcast3A_956 : vector<16xf32>
      %mul3A_962 = arith.mulf %mul3A_961, %get3A_30 : vector<16xf32>
      %add3A_963 = arith.addf %broadcast_in_dim3A_938, %mul3A_962 : vector<16xf32>
      %mul3A_964 = arith.mulf %bitcast3A_951, %bitcast3A_960 : vector<16xf32>
      %mul3A_965 = arith.mulf %mul3A_964, %get3A_34 : vector<16xf32>
      %add3A_966 = arith.addf %add3A_963, %mul3A_965 : vector<16xf32>
      %add3A_967 = arith.addi %gather3A_932, %add3A_42 : vector<16xi32>
      %gather3A_968 = tpu.vector_load_idx %arg14[%broadcast_in_dim3A_928, %add3A_967] : memref<256x128xf32, #tpu.memory_space<vmem>>[vector<16xi32>, vector<16xi32>], vector<16xf32>,
      %add3A_969 = arith.addi %gather3A_936, %add3A_42 : vector<16xi32>
      %gather3A_970 = tpu.vector_load_idx %arg15[%broadcast_in_dim3A_928, %add3A_969] : memref<256x128xf32, #tpu.memory_space<vmem>>[vector<16xi32>, vector<16xi32>], vector<16xf32>,
      %bitcast3A_971 = vector.bitcast %gather3A_968 : vector<16xf32> to vector<16xi32>
      %shift_left3A_972 = arith.constant 16 : i32
      %shift_left3A_973 = vector.broadcast %shift_left3A_972 : i32 to vector<16xi32>
      %shift_left3A_974 = arith.shli %bitcast3A_971, %shift_left3A_973 : vector<16xi32>
      %bitcast3A_975 = vector.bitcast %shift_left3A_974 : vector<16xi32> to vector<16xf32>
      %and3A_976 = arith.constant -65536 : i32
      %and3A_977 = vector.broadcast %and3A_976 : i32 to vector<16xi32>
      %and3A_978 = arith.andi %bitcast3A_971, %and3A_977 : vector<16xi32>
      %bitcast3A_979 = vector.bitcast %and3A_978 : vector<16xi32> to vector<16xf32>
      %bitcast3A_980 = vector.bitcast %gather3A_970 : vector<16xf32> to vector<16xi32>
      %shift_left3A_981 = arith.constant 16 : i32
      %shift_left3A_982 = vector.broadcast %shift_left3A_981 : i32 to vector<16xi32>
      %shift_left3A_983 = arith.shli %bitcast3A_980, %shift_left3A_982 : vector<16xi32>
      %bitcast3A_984 = vector.bitcast %shift_left3A_983 : vector<16xi32> to vector<16xf32>
      %and3A_985 = arith.constant -65536 : i32
      %and3A_986 = vector.broadcast %and3A_985 : i32 to vector<16xi32>
      %and3A_987 = arith.andi %bitcast3A_980, %and3A_986 : vector<16xi32>
      %bitcast3A_988 = vector.bitcast %and3A_987 : vector<16xi32> to vector<16xf32>
      %mul3A_989 = arith.mulf %bitcast3A_975, %bitcast3A_984 : vector<16xf32>
      %mul3A_990 = arith.mulf %mul3A_989, %get3A_32 : vector<16xf32>
      %add3A_991 = arith.addf %add3A_966, %mul3A_990 : vector<16xf32>
      %mul3A_992 = arith.mulf %bitcast3A_979, %bitcast3A_988 : vector<16xf32>
      %mul3A_993 = arith.mulf %mul3A_992, %get3A_36 : vector<16xf32>
      %add3A_994 = arith.addf %add3A_991, %mul3A_993 : vector<16xf32>
      %swap3A_995 = arith.constant 192 : index
      %swap3A_996 = tpu.vector_load %arg18[%swap3A_995] {strides = array<i32>} : memref<256xf32, #tpu.memory_space<vmem>>, vector<16xf32>,
      tpu.vector_store %arg18[%swap3A_995], %add3A_994 {strides = array<i32>} : memref<256xf32, #tpu.memory_space<vmem>>, vector<16xf32>,
      %add3A_997 = arith.constant 13 : i32
      %add3A_998 = arith.addi %mul3A_79, %add3A_997 : i32
      %broadcast_in_dim3A_999 = vector.broadcast %add3A_998 : i32 to vector<16xi32>
      %add3A_1000 = arith.constant 256 : i32
      %add3A_1001 = vector.broadcast %add3A_1000 : i32 to vector<16xi32>
      %add3A_1002 = arith.addi %broadcast_in_dim3A_999, %add3A_1001 : vector<16xi32>
      %gather3A_1003 = tpu.vector_load_idx %arg12[%add3A_1002] : memref<512xi32, #tpu.memory_space<vmem>>[vector<16xi32>], vector<16xi32>,
      %add3A_1004 = arith.constant 256 : i32
      %add3A_1005 = vector.broadcast %add3A_1004 : i32 to vector<16xi32>
      %add3A_1006 = arith.addi %broadcast_in_dim3A_999, %add3A_1005 : vector<16xi32>
      %gather3A_1007 = tpu.vector_load_idx %arg13[%add3A_1006] : memref<512xi32, #tpu.memory_space<vmem>>[vector<16xi32>], vector<16xi32>,
      %broadcast_in_dim3A_1008 = arith.constant 0.000000e+00 : f32
      %broadcast_in_dim3A_1009 = vector.broadcast %broadcast_in_dim3A_1008 : f32 to vector<16xf32>
      %add3A_1010 = arith.addi %gather3A_1003, %iota3A : vector<16xi32>
      %gather3A_1011 = tpu.vector_load_idx %arg14[%broadcast_in_dim3A_999, %add3A_1010] : memref<256x128xf32, #tpu.memory_space<vmem>>[vector<16xi32>, vector<16xi32>], vector<16xf32>,
      %add3A_1012 = arith.addi %gather3A_1007, %iota3A : vector<16xi32>
      %gather3A_1013 = tpu.vector_load_idx %arg15[%broadcast_in_dim3A_999, %add3A_1012] : memref<256x128xf32, #tpu.memory_space<vmem>>[vector<16xi32>, vector<16xi32>], vector<16xf32>,
      %bitcast3A_1014 = vector.bitcast %gather3A_1011 : vector<16xf32> to vector<16xi32>
      %shift_left3A_1015 = arith.constant 16 : i32
      %shift_left3A_1016 = vector.broadcast %shift_left3A_1015 : i32 to vector<16xi32>
      %shift_left3A_1017 = arith.shli %bitcast3A_1014, %shift_left3A_1016 : vector<16xi32>
      %bitcast3A_1018 = vector.bitcast %shift_left3A_1017 : vector<16xi32> to vector<16xf32>
      %and3A_1019 = arith.constant -65536 : i32
      %and3A_1020 = vector.broadcast %and3A_1019 : i32 to vector<16xi32>
      %and3A_1021 = arith.andi %bitcast3A_1014, %and3A_1020 : vector<16xi32>
      %bitcast3A_1022 = vector.bitcast %and3A_1021 : vector<16xi32> to vector<16xf32>
      %bitcast3A_1023 = vector.bitcast %gather3A_1013 : vector<16xf32> to vector<16xi32>
      %shift_left3A_1024 = arith.constant 16 : i32
      %shift_left3A_1025 = vector.broadcast %shift_left3A_1024 : i32 to vector<16xi32>
      %shift_left3A_1026 = arith.shli %bitcast3A_1023, %shift_left3A_1025 : vector<16xi32>
      %bitcast3A_1027 = vector.bitcast %shift_left3A_1026 : vector<16xi32> to vector<16xf32>
      %and3A_1028 = arith.constant -65536 : i32
      %and3A_1029 = vector.broadcast %and3A_1028 : i32 to vector<16xi32>
      %and3A_1030 = arith.andi %bitcast3A_1023, %and3A_1029 : vector<16xi32>
      %bitcast3A_1031 = vector.bitcast %and3A_1030 : vector<16xi32> to vector<16xf32>
      %mul3A_1032 = arith.mulf %bitcast3A_1018, %bitcast3A_1027 : vector<16xf32>
      %mul3A_1033 = arith.mulf %mul3A_1032, %get3A_30 : vector<16xf32>
      %add3A_1034 = arith.addf %broadcast_in_dim3A_1009, %mul3A_1033 : vector<16xf32>
      %mul3A_1035 = arith.mulf %bitcast3A_1022, %bitcast3A_1031 : vector<16xf32>
      %mul3A_1036 = arith.mulf %mul3A_1035, %get3A_34 : vector<16xf32>
      %add3A_1037 = arith.addf %add3A_1034, %mul3A_1036 : vector<16xf32>
      %add3A_1038 = arith.addi %gather3A_1003, %add3A_42 : vector<16xi32>
      %gather3A_1039 = tpu.vector_load_idx %arg14[%broadcast_in_dim3A_999, %add3A_1038] : memref<256x128xf32, #tpu.memory_space<vmem>>[vector<16xi32>, vector<16xi32>], vector<16xf32>,
      %add3A_1040 = arith.addi %gather3A_1007, %add3A_42 : vector<16xi32>
      %gather3A_1041 = tpu.vector_load_idx %arg15[%broadcast_in_dim3A_999, %add3A_1040] : memref<256x128xf32, #tpu.memory_space<vmem>>[vector<16xi32>, vector<16xi32>], vector<16xf32>,
      %bitcast3A_1042 = vector.bitcast %gather3A_1039 : vector<16xf32> to vector<16xi32>
      %shift_left3A_1043 = arith.constant 16 : i32
      %shift_left3A_1044 = vector.broadcast %shift_left3A_1043 : i32 to vector<16xi32>
      %shift_left3A_1045 = arith.shli %bitcast3A_1042, %shift_left3A_1044 : vector<16xi32>
      %bitcast3A_1046 = vector.bitcast %shift_left3A_1045 : vector<16xi32> to vector<16xf32>
      %and3A_1047 = arith.constant -65536 : i32
      %and3A_1048 = vector.broadcast %and3A_1047 : i32 to vector<16xi32>
      %and3A_1049 = arith.andi %bitcast3A_1042, %and3A_1048 : vector<16xi32>
      %bitcast3A_1050 = vector.bitcast %and3A_1049 : vector<16xi32> to vector<16xf32>
      %bitcast3A_1051 = vector.bitcast %gather3A_1041 : vector<16xf32> to vector<16xi32>
      %shift_left3A_1052 = arith.constant 16 : i32
      %shift_left3A_1053 = vector.broadcast %shift_left3A_1052 : i32 to vector<16xi32>
      %shift_left3A_1054 = arith.shli %bitcast3A_1051, %shift_left3A_1053 : vector<16xi32>
      %bitcast3A_1055 = vector.bitcast %shift_left3A_1054 : vector<16xi32> to vector<16xf32>
      %and3A_1056 = arith.constant -65536 : i32
      %and3A_1057 = vector.broadcast %and3A_1056 : i32 to vector<16xi32>
      %and3A_1058 = arith.andi %bitcast3A_1051, %and3A_1057 : vector<16xi32>
      %bitcast3A_1059 = vector.bitcast %and3A_1058 : vector<16xi32> to vector<16xf32>
      %mul3A_1060 = arith.mulf %bitcast3A_1046, %bitcast3A_1055 : vector<16xf32>
      %mul3A_1061 = arith.mulf %mul3A_1060, %get3A_32 : vector<16xf32>
      %add3A_1062 = arith.addf %add3A_1037, %mul3A_1061 : vector<16xf32>
      %mul3A_1063 = arith.mulf %bitcast3A_1050, %bitcast3A_1059 : vector<16xf32>
      %mul3A_1064 = arith.mulf %mul3A_1063, %get3A_36 : vector<16xf32>
      %add3A_1065 = arith.addf %add3A_1062, %mul3A_1064 : vector<16xf32>
      %swap3A_1066 = arith.constant 208 : index
      %swap3A_1067 = tpu.vector_load %arg18[%swap3A_1066] {strides = array<i32>} : memref<256xf32, #tpu.memory_space<vmem>>, vector<16xf32>,
      tpu.vector_store %arg18[%swap3A_1066], %add3A_1065 {strides = array<i32>} : memref<256xf32, #tpu.memory_space<vmem>>, vector<16xf32>,
      %add3A_1068 = arith.constant 14 : i32
      %add3A_1069 = arith.addi %mul3A_79, %add3A_1068 : i32
      %broadcast_in_dim3A_1070 = vector.broadcast %add3A_1069 : i32 to vector<16xi32>
      %add3A_1071 = arith.constant 256 : i32
      %add3A_1072 = vector.broadcast %add3A_1071 : i32 to vector<16xi32>
      %add3A_1073 = arith.addi %broadcast_in_dim3A_1070, %add3A_1072 : vector<16xi32>
      %gather3A_1074 = tpu.vector_load_idx %arg12[%add3A_1073] : memref<512xi32, #tpu.memory_space<vmem>>[vector<16xi32>], vector<16xi32>,
      %add3A_1075 = arith.constant 256 : i32
      %add3A_1076 = vector.broadcast %add3A_1075 : i32 to vector<16xi32>
      %add3A_1077 = arith.addi %broadcast_in_dim3A_1070, %add3A_1076 : vector<16xi32>
      %gather3A_1078 = tpu.vector_load_idx %arg13[%add3A_1077] : memref<512xi32, #tpu.memory_space<vmem>>[vector<16xi32>], vector<16xi32>,
      %broadcast_in_dim3A_1079 = arith.constant 0.000000e+00 : f32
      %broadcast_in_dim3A_1080 = vector.broadcast %broadcast_in_dim3A_1079 : f32 to vector<16xf32>
      %add3A_1081 = arith.addi %gather3A_1074, %iota3A : vector<16xi32>
      %gather3A_1082 = tpu.vector_load_idx %arg14[%broadcast_in_dim3A_1070, %add3A_1081] : memref<256x128xf32, #tpu.memory_space<vmem>>[vector<16xi32>, vector<16xi32>], vector<16xf32>,
      %add3A_1083 = arith.addi %gather3A_1078, %iota3A : vector<16xi32>
      %gather3A_1084 = tpu.vector_load_idx %arg15[%broadcast_in_dim3A_1070, %add3A_1083] : memref<256x128xf32, #tpu.memory_space<vmem>>[vector<16xi32>, vector<16xi32>], vector<16xf32>,
      %bitcast3A_1085 = vector.bitcast %gather3A_1082 : vector<16xf32> to vector<16xi32>
      %shift_left3A_1086 = arith.constant 16 : i32
      %shift_left3A_1087 = vector.broadcast %shift_left3A_1086 : i32 to vector<16xi32>
      %shift_left3A_1088 = arith.shli %bitcast3A_1085, %shift_left3A_1087 : vector<16xi32>
      %bitcast3A_1089 = vector.bitcast %shift_left3A_1088 : vector<16xi32> to vector<16xf32>
      %and3A_1090 = arith.constant -65536 : i32
      %and3A_1091 = vector.broadcast %and3A_1090 : i32 to vector<16xi32>
      %and3A_1092 = arith.andi %bitcast3A_1085, %and3A_1091 : vector<16xi32>
      %bitcast3A_1093 = vector.bitcast %and3A_1092 : vector<16xi32> to vector<16xf32>
      %bitcast3A_1094 = vector.bitcast %gather3A_1084 : vector<16xf32> to vector<16xi32>
      %shift_left3A_1095 = arith.constant 16 : i32
      %shift_left3A_1096 = vector.broadcast %shift_left3A_1095 : i32 to vector<16xi32>
      %shift_left3A_1097 = arith.shli %bitcast3A_1094, %shift_left3A_1096 : vector<16xi32>
      %bitcast3A_1098 = vector.bitcast %shift_left3A_1097 : vector<16xi32> to vector<16xf32>
      %and3A_1099 = arith.constant -65536 : i32
      %and3A_1100 = vector.broadcast %and3A_1099 : i32 to vector<16xi32>
      %and3A_1101 = arith.andi %bitcast3A_1094, %and3A_1100 : vector<16xi32>
      %bitcast3A_1102 = vector.bitcast %and3A_1101 : vector<16xi32> to vector<16xf32>
      %mul3A_1103 = arith.mulf %bitcast3A_1089, %bitcast3A_1098 : vector<16xf32>
      %mul3A_1104 = arith.mulf %mul3A_1103, %get3A_30 : vector<16xf32>
      %add3A_1105 = arith.addf %broadcast_in_dim3A_1080, %mul3A_1104 : vector<16xf32>
      %mul3A_1106 = arith.mulf %bitcast3A_1093, %bitcast3A_1102 : vector<16xf32>
      %mul3A_1107 = arith.mulf %mul3A_1106, %get3A_34 : vector<16xf32>
      %add3A_1108 = arith.addf %add3A_1105, %mul3A_1107 : vector<16xf32>
      %add3A_1109 = arith.addi %gather3A_1074, %add3A_42 : vector<16xi32>
      %gather3A_1110 = tpu.vector_load_idx %arg14[%broadcast_in_dim3A_1070, %add3A_1109] : memref<256x128xf32, #tpu.memory_space<vmem>>[vector<16xi32>, vector<16xi32>], vector<16xf32>,
      %add3A_1111 = arith.addi %gather3A_1078, %add3A_42 : vector<16xi32>
      %gather3A_1112 = tpu.vector_load_idx %arg15[%broadcast_in_dim3A_1070, %add3A_1111] : memref<256x128xf32, #tpu.memory_space<vmem>>[vector<16xi32>, vector<16xi32>], vector<16xf32>,
      %bitcast3A_1113 = vector.bitcast %gather3A_1110 : vector<16xf32> to vector<16xi32>
      %shift_left3A_1114 = arith.constant 16 : i32
      %shift_left3A_1115 = vector.broadcast %shift_left3A_1114 : i32 to vector<16xi32>
      %shift_left3A_1116 = arith.shli %bitcast3A_1113, %shift_left3A_1115 : vector<16xi32>
      %bitcast3A_1117 = vector.bitcast %shift_left3A_1116 : vector<16xi32> to vector<16xf32>
      %and3A_1118 = arith.constant -65536 : i32
      %and3A_1119 = vector.broadcast %and3A_1118 : i32 to vector<16xi32>
      %and3A_1120 = arith.andi %bitcast3A_1113, %and3A_1119 : vector<16xi32>
      %bitcast3A_1121 = vector.bitcast %and3A_1120 : vector<16xi32> to vector<16xf32>
      %bitcast3A_1122 = vector.bitcast %gather3A_1112 : vector<16xf32> to vector<16xi32>
      %shift_left3A_1123 = arith.constant 16 : i32
      %shift_left3A_1124 = vector.broadcast %shift_left3A_1123 : i32 to vector<16xi32>
      %shift_left3A_1125 = arith.shli %bitcast3A_1122, %shift_left3A_1124 : vector<16xi32>
      %bitcast3A_1126 = vector.bitcast %shift_left3A_1125 : vector<16xi32> to vector<16xf32>
      %and3A_1127 = arith.constant -65536 : i32
      %and3A_1128 = vector.broadcast %and3A_1127 : i32 to vector<16xi32>
      %and3A_1129 = arith.andi %bitcast3A_1122, %and3A_1128 : vector<16xi32>
      %bitcast3A_1130 = vector.bitcast %and3A_1129 : vector<16xi32> to vector<16xf32>
      %mul3A_1131 = arith.mulf %bitcast3A_1117, %bitcast3A_1126 : vector<16xf32>
      %mul3A_1132 = arith.mulf %mul3A_1131, %get3A_32 : vector<16xf32>
      %add3A_1133 = arith.addf %add3A_1108, %mul3A_1132 : vector<16xf32>
      %mul3A_1134 = arith.mulf %bitcast3A_1121, %bitcast3A_1130 : vector<16xf32>
      %mul3A_1135 = arith.mulf %mul3A_1134, %get3A_36 : vector<16xf32>
      %add3A_1136 = arith.addf %add3A_1133, %mul3A_1135 : vector<16xf32>
      %swap3A_1137 = arith.constant 224 : index
      %swap3A_1138 = tpu.vector_load %arg18[%swap3A_1137] {strides = array<i32>} : memref<256xf32, #tpu.memory_space<vmem>>, vector<16xf32>,
      tpu.vector_store %arg18[%swap3A_1137], %add3A_1136 {strides = array<i32>} : memref<256xf32, #tpu.memory_space<vmem>>, vector<16xf32>,
      %add3A_1139 = arith.constant 15 : i32
      %add3A_1140 = arith.addi %mul3A_79, %add3A_1139 : i32
      %broadcast_in_dim3A_1141 = vector.broadcast %add3A_1140 : i32 to vector<16xi32>
      %add3A_1142 = arith.constant 256 : i32
      %add3A_1143 = vector.broadcast %add3A_1142 : i32 to vector<16xi32>
      %add3A_1144 = arith.addi %broadcast_in_dim3A_1141, %add3A_1143 : vector<16xi32>
      %gather3A_1145 = tpu.vector_load_idx %arg12[%add3A_1144] : memref<512xi32, #tpu.memory_space<vmem>>[vector<16xi32>], vector<16xi32>,
      %add3A_1146 = arith.constant 256 : i32
      %add3A_1147 = vector.broadcast %add3A_1146 : i32 to vector<16xi32>
      %add3A_1148 = arith.addi %broadcast_in_dim3A_1141, %add3A_1147 : vector<16xi32>
      %gather3A_1149 = tpu.vector_load_idx %arg13[%add3A_1148] : memref<512xi32, #tpu.memory_space<vmem>>[vector<16xi32>], vector<16xi32>,
      %broadcast_in_dim3A_1150 = arith.constant 0.000000e+00 : f32
      %broadcast_in_dim3A_1151 = vector.broadcast %broadcast_in_dim3A_1150 : f32 to vector<16xf32>
      %add3A_1152 = arith.addi %gather3A_1145, %iota3A : vector<16xi32>
      %gather3A_1153 = tpu.vector_load_idx %arg14[%broadcast_in_dim3A_1141, %add3A_1152] : memref<256x128xf32, #tpu.memory_space<vmem>>[vector<16xi32>, vector<16xi32>], vector<16xf32>,
      %add3A_1154 = arith.addi %gather3A_1149, %iota3A : vector<16xi32>
      %gather3A_1155 = tpu.vector_load_idx %arg15[%broadcast_in_dim3A_1141, %add3A_1154] : memref<256x128xf32, #tpu.memory_space<vmem>>[vector<16xi32>, vector<16xi32>], vector<16xf32>,
      %bitcast3A_1156 = vector.bitcast %gather3A_1153 : vector<16xf32> to vector<16xi32>
      %shift_left3A_1157 = arith.constant 16 : i32
      %shift_left3A_1158 = vector.broadcast %shift_left3A_1157 : i32 to vector<16xi32>
      %shift_left3A_1159 = arith.shli %bitcast3A_1156, %shift_left3A_1158 : vector<16xi32>
      %bitcast3A_1160 = vector.bitcast %shift_left3A_1159 : vector<16xi32> to vector<16xf32>
      %and3A_1161 = arith.constant -65536 : i32
      %and3A_1162 = vector.broadcast %and3A_1161 : i32 to vector<16xi32>
      %and3A_1163 = arith.andi %bitcast3A_1156, %and3A_1162 : vector<16xi32>
      %bitcast3A_1164 = vector.bitcast %and3A_1163 : vector<16xi32> to vector<16xf32>
      %bitcast3A_1165 = vector.bitcast %gather3A_1155 : vector<16xf32> to vector<16xi32>
      %shift_left3A_1166 = arith.constant 16 : i32
      %shift_left3A_1167 = vector.broadcast %shift_left3A_1166 : i32 to vector<16xi32>
      %shift_left3A_1168 = arith.shli %bitcast3A_1165, %shift_left3A_1167 : vector<16xi32>
      %bitcast3A_1169 = vector.bitcast %shift_left3A_1168 : vector<16xi32> to vector<16xf32>
      %and3A_1170 = arith.constant -65536 : i32
      %and3A_1171 = vector.broadcast %and3A_1170 : i32 to vector<16xi32>
      %and3A_1172 = arith.andi %bitcast3A_1165, %and3A_1171 : vector<16xi32>
      %bitcast3A_1173 = vector.bitcast %and3A_1172 : vector<16xi32> to vector<16xf32>
      %mul3A_1174 = arith.mulf %bitcast3A_1160, %bitcast3A_1169 : vector<16xf32>
      %mul3A_1175 = arith.mulf %mul3A_1174, %get3A_30 : vector<16xf32>
      %add3A_1176 = arith.addf %broadcast_in_dim3A_1151, %mul3A_1175 : vector<16xf32>
      %mul3A_1177 = arith.mulf %bitcast3A_1164, %bitcast3A_1173 : vector<16xf32>
      %mul3A_1178 = arith.mulf %mul3A_1177, %get3A_34 : vector<16xf32>
      %add3A_1179 = arith.addf %add3A_1176, %mul3A_1178 : vector<16xf32>
      %add3A_1180 = arith.addi %gather3A_1145, %add3A_42 : vector<16xi32>
      %gather3A_1181 = tpu.vector_load_idx %arg14[%broadcast_in_dim3A_1141, %add3A_1180] : memref<256x128xf32, #tpu.memory_space<vmem>>[vector<16xi32>, vector<16xi32>], vector<16xf32>,
      %add3A_1182 = arith.addi %gather3A_1149, %add3A_42 : vector<16xi32>
      %gather3A_1183 = tpu.vector_load_idx %arg15[%broadcast_in_dim3A_1141, %add3A_1182] : memref<256x128xf32, #tpu.memory_space<vmem>>[vector<16xi32>, vector<16xi32>], vector<16xf32>,
      %bitcast3A_1184 = vector.bitcast %gather3A_1181 : vector<16xf32> to vector<16xi32>
      %shift_left3A_1185 = arith.constant 16 : i32
      %shift_left3A_1186 = vector.broadcast %shift_left3A_1185 : i32 to vector<16xi32>
      %shift_left3A_1187 = arith.shli %bitcast3A_1184, %shift_left3A_1186 : vector<16xi32>
      %bitcast3A_1188 = vector.bitcast %shift_left3A_1187 : vector<16xi32> to vector<16xf32>
      %and3A_1189 = arith.constant -65536 : i32
      %and3A_1190 = vector.broadcast %and3A_1189 : i32 to vector<16xi32>
      %and3A_1191 = arith.andi %bitcast3A_1184, %and3A_1190 : vector<16xi32>
      %bitcast3A_1192 = vector.bitcast %and3A_1191 : vector<16xi32> to vector<16xf32>
      %bitcast3A_1193 = vector.bitcast %gather3A_1183 : vector<16xf32> to vector<16xi32>
      %shift_left3A_1194 = arith.constant 16 : i32
      %shift_left3A_1195 = vector.broadcast %shift_left3A_1194 : i32 to vector<16xi32>
      %shift_left3A_1196 = arith.shli %bitcast3A_1193, %shift_left3A_1195 : vector<16xi32>
      %bitcast3A_1197 = vector.bitcast %shift_left3A_1196 : vector<16xi32> to vector<16xf32>
      %and3A_1198 = arith.constant -65536 : i32
      %and3A_1199 = vector.broadcast %and3A_1198 : i32 to vector<16xi32>
      %and3A_1200 = arith.andi %bitcast3A_1193, %and3A_1199 : vector<16xi32>
      %bitcast3A_1201 = vector.bitcast %and3A_1200 : vector<16xi32> to vector<16xf32>
      %mul3A_1202 = arith.mulf %bitcast3A_1188, %bitcast3A_1197 : vector<16xf32>
      %mul3A_1203 = arith.mulf %mul3A_1202, %get3A_32 : vector<16xf32>
      %add3A_1204 = arith.addf %add3A_1179, %mul3A_1203 : vector<16xf32>
      %mul3A_1205 = arith.mulf %bitcast3A_1192, %bitcast3A_1201 : vector<16xf32>
      %mul3A_1206 = arith.mulf %mul3A_1205, %get3A_36 : vector<16xf32>
      %add3A_1207 = arith.addf %add3A_1204, %mul3A_1206 : vector<16xf32>
      %swap3A_1208 = arith.constant 240 : index
      %swap3A_1209 = tpu.vector_load %arg18[%swap3A_1208] {strides = array<i32>} : memref<256xf32, #tpu.memory_space<vmem>>, vector<16xf32>,
      tpu.vector_store %arg18[%swap3A_1208], %add3A_1207 {strides = array<i32>} : memref<256xf32, #tpu.memory_space<vmem>>, vector<16xf32>,
      %gather3A_1210 = tpu.vector_load_idx %arg18[%mul3A_39] : memref<256xf32, #tpu.memory_space<vmem>>[vector<16xi32>], vector<16xf32>,
      %add3A_1211 = arith.constant 1 : i32
      %add3A_1212 = vector.broadcast %add3A_1211 : i32 to vector<16xi32>
      %add3A_1213 = arith.addi %mul3A_39, %add3A_1212 : vector<16xi32>
      %gather3A_1214 = tpu.vector_load_idx %arg18[%add3A_1213] : memref<256xf32, #tpu.memory_space<vmem>>[vector<16xi32>], vector<16xf32>,
      %add3A_1215 = arith.addf %gather3A_1210, %gather3A_1214 : vector<16xf32>
      %add3A_1216 = arith.constant 2 : i32
      %add3A_1217 = vector.broadcast %add3A_1216 : i32 to vector<16xi32>
      %add3A_1218 = arith.addi %mul3A_39, %add3A_1217 : vector<16xi32>
      %gather3A_1219 = tpu.vector_load_idx %arg18[%add3A_1218] : memref<256xf32, #tpu.memory_space<vmem>>[vector<16xi32>], vector<16xf32>,
      %add3A_1220 = arith.addf %add3A_1215, %gather3A_1219 : vector<16xf32>
      %add3A_1221 = arith.constant 3 : i32
      %add3A_1222 = vector.broadcast %add3A_1221 : i32 to vector<16xi32>
      %add3A_1223 = arith.addi %mul3A_39, %add3A_1222 : vector<16xi32>
      %gather3A_1224 = tpu.vector_load_idx %arg18[%add3A_1223] : memref<256xf32, #tpu.memory_space<vmem>>[vector<16xi32>], vector<16xf32>,
      %add3A_1225 = arith.addf %add3A_1220, %gather3A_1224 : vector<16xf32>
      %add3A_1226 = arith.constant 4 : i32
      %add3A_1227 = vector.broadcast %add3A_1226 : i32 to vector<16xi32>
      %add3A_1228 = arith.addi %mul3A_39, %add3A_1227 : vector<16xi32>
      %gather3A_1229 = tpu.vector_load_idx %arg18[%add3A_1228] : memref<256xf32, #tpu.memory_space<vmem>>[vector<16xi32>], vector<16xf32>,
      %add3A_1230 = arith.addf %add3A_1225, %gather3A_1229 : vector<16xf32>
      %add3A_1231 = arith.constant 5 : i32
      %add3A_1232 = vector.broadcast %add3A_1231 : i32 to vector<16xi32>
      %add3A_1233 = arith.addi %mul3A_39, %add3A_1232 : vector<16xi32>
      %gather3A_1234 = tpu.vector_load_idx %arg18[%add3A_1233] : memref<256xf32, #tpu.memory_space<vmem>>[vector<16xi32>], vector<16xf32>,
      %add3A_1235 = arith.addf %add3A_1230, %gather3A_1234 : vector<16xf32>
      %add3A_1236 = arith.constant 6 : i32
      %add3A_1237 = vector.broadcast %add3A_1236 : i32 to vector<16xi32>
      %add3A_1238 = arith.addi %mul3A_39, %add3A_1237 : vector<16xi32>
      %gather3A_1239 = tpu.vector_load_idx %arg18[%add3A_1238] : memref<256xf32, #tpu.memory_space<vmem>>[vector<16xi32>], vector<16xf32>,
      %add3A_1240 = arith.addf %add3A_1235, %gather3A_1239 : vector<16xf32>
      %add3A_1241 = arith.constant 7 : i32
      %add3A_1242 = vector.broadcast %add3A_1241 : i32 to vector<16xi32>
      %add3A_1243 = arith.addi %mul3A_39, %add3A_1242 : vector<16xi32>
      %gather3A_1244 = tpu.vector_load_idx %arg18[%add3A_1243] : memref<256xf32, #tpu.memory_space<vmem>>[vector<16xi32>], vector<16xf32>,
      %add3A_1245 = arith.addf %add3A_1240, %gather3A_1244 : vector<16xf32>
      %add3A_1246 = arith.constant 8 : i32
      %add3A_1247 = vector.broadcast %add3A_1246 : i32 to vector<16xi32>
      %add3A_1248 = arith.addi %mul3A_39, %add3A_1247 : vector<16xi32>
      %gather3A_1249 = tpu.vector_load_idx %arg18[%add3A_1248] : memref<256xf32, #tpu.memory_space<vmem>>[vector<16xi32>], vector<16xf32>,
      %add3A_1250 = arith.addf %add3A_1245, %gather3A_1249 : vector<16xf32>
      %add3A_1251 = arith.constant 9 : i32
      %add3A_1252 = vector.broadcast %add3A_1251 : i32 to vector<16xi32>
      %add3A_1253 = arith.addi %mul3A_39, %add3A_1252 : vector<16xi32>
      %gather3A_1254 = tpu.vector_load_idx %arg18[%add3A_1253] : memref<256xf32, #tpu.memory_space<vmem>>[vector<16xi32>], vector<16xf32>,
      %add3A_1255 = arith.addf %add3A_1250, %gather3A_1254 : vector<16xf32>
      %add3A_1256 = arith.constant 10 : i32
      %add3A_1257 = vector.broadcast %add3A_1256 : i32 to vector<16xi32>
      %add3A_1258 = arith.addi %mul3A_39, %add3A_1257 : vector<16xi32>
      %gather3A_1259 = tpu.vector_load_idx %arg18[%add3A_1258] : memref<256xf32, #tpu.memory_space<vmem>>[vector<16xi32>], vector<16xf32>,
      %add3A_1260 = arith.addf %add3A_1255, %gather3A_1259 : vector<16xf32>
      %add3A_1261 = arith.constant 11 : i32
      %add3A_1262 = vector.broadcast %add3A_1261 : i32 to vector<16xi32>
      %add3A_1263 = arith.addi %mul3A_39, %add3A_1262 : vector<16xi32>
      %gather3A_1264 = tpu.vector_load_idx %arg18[%add3A_1263] : memref<256xf32, #tpu.memory_space<vmem>>[vector<16xi32>], vector<16xf32>,
      %add3A_1265 = arith.addf %add3A_1260, %gather3A_1264 : vector<16xf32>
      %add3A_1266 = arith.constant 12 : i32
      %add3A_1267 = vector.broadcast %add3A_1266 : i32 to vector<16xi32>
      %add3A_1268 = arith.addi %mul3A_39, %add3A_1267 : vector<16xi32>
      %gather3A_1269 = tpu.vector_load_idx %arg18[%add3A_1268] : memref<256xf32, #tpu.memory_space<vmem>>[vector<16xi32>], vector<16xf32>,
      %add3A_1270 = arith.addf %add3A_1265, %gather3A_1269 : vector<16xf32>
      %add3A_1271 = arith.constant 13 : i32
      %add3A_1272 = vector.broadcast %add3A_1271 : i32 to vector<16xi32>
      %add3A_1273 = arith.addi %mul3A_39, %add3A_1272 : vector<16xi32>
      %gather3A_1274 = tpu.vector_load_idx %arg18[%add3A_1273] : memref<256xf32, #tpu.memory_space<vmem>>[vector<16xi32>], vector<16xf32>,
      %add3A_1275 = arith.addf %add3A_1270, %gather3A_1274 : vector<16xf32>
      %add3A_1276 = arith.constant 14 : i32
      %add3A_1277 = vector.broadcast %add3A_1276 : i32 to vector<16xi32>
      %add3A_1278 = arith.addi %mul3A_39, %add3A_1277 : vector<16xi32>
      %gather3A_1279 = tpu.vector_load_idx %arg18[%add3A_1278] : memref<256xf32, #tpu.memory_space<vmem>>[vector<16xi32>], vector<16xf32>,
      %add3A_1280 = arith.addf %add3A_1275, %gather3A_1279 : vector<16xf32>
      %add3A_1281 = arith.constant 15 : i32
      %add3A_1282 = vector.broadcast %add3A_1281 : i32 to vector<16xi32>
      %add3A_1283 = arith.addi %mul3A_39, %add3A_1282 : vector<16xi32>
      %gather3A_1284 = tpu.vector_load_idx %arg18[%add3A_1283] : memref<256xf32, #tpu.memory_space<vmem>>[vector<16xi32>], vector<16xf32>,
      %add3A_1285 = arith.addf %add3A_1280, %gather3A_1284 : vector<16xf32>
      %add3A_1286 = arith.constant 256 : i32
      %add3A_1287 = arith.addi %add3A_1286, %mul3A_79 : i32
      %swap3A_1288 = arith.index_cast %add3A_1287 : i32 to index
      %swap3A_1289 = tpu.vector_load %arg17[%swap3A_1288] {strides = array<i32>} : memref<512xf32, #tpu.memory_space<vmem>>, vector<16xf32>,
      tpu.vector_store %arg17[%swap3A_1288], %add3A_1285 {strides = array<i32>} : memref<512xf32, #tpu.memory_space<vmem>>, vector<16xf32>,
    }
    %scan3A_76 = arith.constant 16 : i32
    "tpu.region"() ({
      %run_scoped3A = tpu.sem_alloc : memref<!tpu.dma_semaphore, #tpu.memory_space<semaphore_mem>>
      %dma_start3A_77 = tpu.memref_slice %arg7[%mul3A_2] : memref<16384xf32, #tpu.memory_space<hbm>> -> memref<512xf32, #tpu.memory_space<hbm>>
      %dma_start3A_78 = tpu.memref_slice %arg7[%mul3A_2] : memref<16384xf32, #tpu.memory_space<hbm>> -> memref<512xf32, #tpu.memory_space<hbm>>
      tpu.enqueue_dma source(%arg17 : memref<512xf32, #tpu.memory_space<vmem>>) target(%dma_start3A_78 : memref<512xf32, #tpu.memory_space<hbm>>) target_semaphore(%run_scoped3A : memref<!tpu.dma_semaphore, #tpu.memory_space<semaphore_mem>>)
      %dma_wait3A_79 = tpu.memref_slice %arg7[%mul3A_2] : memref<16384xf32, #tpu.memory_space<hbm>> -> memref<512xf32, #tpu.memory_space<hbm>>
      %dma_wait3A_80 = tpu.memref_slice %arg7[%mul3A_2] : memref<16384xf32, #tpu.memory_space<hbm>> -> memref<512xf32, #tpu.memory_space<hbm>>
      tpu.wait_dma2 semaphore(%run_scoped3A : memref<!tpu.dma_semaphore, #tpu.memory_space<semaphore_mem>>) src(%arg17 : memref<512xf32, #tpu.memory_space<vmem>>) dst(%dma_wait3A_80 : memref<512xf32, #tpu.memory_space<hbm>>)
      tpu.yield
    }) : () -> ()
    return
  }
}

module attributes {stable_mosaic.version = 14 : i64} {
  func.func @_pack_body(%arg0: i32, %arg1: memref<64x32768xf32, #tpu.memory_space<vmem>>, %arg2: memref<8192x128xf32, #tpu.memory_space<vmem>>) attributes {dimension_semantics = [#tpu.dimension_semantics<arbitrary>], iteration_bounds = array<i64: 4>, scalar_prefetch = 0 : i64, scratch_operands = 0 : i64, tpu.core_type = #tpu.core_type<tc>, window_params = [{transform_indices = @transform_0, window_bounds = array<i64: 64, 32768>}, {transform_indices = @transform_1, window_bounds = array<i64: 8192, 128>}]} {
    %get3A = arith.constant 0 : index
    %get3A_0 = arith.constant 0 : index
    %get3A_1 = vector.load %arg1[%get3A, %get3A_0] : memref<64x32768xf32, #tpu.memory_space<vmem>>, vector<64x32768xf32>
    %bitcast_convert_type3A = tpu.bitcast %get3A_1 : vector<64x32768xf32> -> vector<64x32768xi32>
    %add3A = arith.constant 32768 : i32
    %add3A_2 = vector.broadcast %add3A : i32 to vector<64x32768xi32>
    %add3A_3 = arith.addi %bitcast_convert_type3A, %add3A_2 : vector<64x32768xi32>
    %slice3A = vector.extract_strided_slice %add3A_3 {offsets = [0, 0], sizes = [32, 32768], strides = [1, 1]} : vector<64x32768xi32> to vector<32x32768xi32>
    %shift_right_arithmetic3A = arith.constant 16 : i32
    %shift_right_arithmetic3A_4 = vector.broadcast %shift_right_arithmetic3A : i32 to vector<32x32768xi32>
    %shift_right_arithmetic3A_5 = arith.shrsi %slice3A, %shift_right_arithmetic3A_4 : vector<32x32768xi32>
    %and3A = arith.constant 65535 : i32
    %and3A_6 = vector.broadcast %and3A : i32 to vector<32x32768xi32>
    %and3A_7 = arith.andi %shift_right_arithmetic3A_5, %and3A_6 : vector<32x32768xi32>
    %slice3A_8 = vector.extract_strided_slice %add3A_3 {offsets = [32, 0], sizes = [32, 32768], strides = [1, 1]} : vector<64x32768xi32> to vector<32x32768xi32>
    %and3A_9 = arith.constant -65536 : i32
    %and3A_10 = vector.broadcast %and3A_9 : i32 to vector<32x32768xi32>
    %and3A_11 = arith.andi %slice3A_8, %and3A_10 : vector<32x32768xi32>
    %or3A = arith.ori %and3A_7, %and3A_11 : vector<32x32768xi32>
    %bitcast_convert_type3A_12 = tpu.bitcast %or3A : vector<32x32768xi32> -> vector<32x32768xf32>
    %slice3A_13 = vector.extract_strided_slice %bitcast_convert_type3A_12 {offsets = [0, 0], sizes = [32, 8192], strides = [1, 1]} : vector<32x32768xf32> to vector<32x8192xf32>
    %slice3A_14 = vector.extract_strided_slice %bitcast_convert_type3A_12 {offsets = [0, 8192], sizes = [32, 8192], strides = [1, 1]} : vector<32x32768xf32> to vector<32x8192xf32>
    %slice3A_15 = vector.extract_strided_slice %bitcast_convert_type3A_12 {offsets = [0, 16384], sizes = [32, 8192], strides = [1, 1]} : vector<32x32768xf32> to vector<32x8192xf32>
    %slice3A_16 = vector.extract_strided_slice %bitcast_convert_type3A_12 {offsets = [0, 24576], sizes = [32, 8192], strides = [1, 1]} : vector<32x32768xf32> to vector<32x8192xf32>
    %concatenate3A = tpu.concatenate %slice3A_13, %slice3A_14, %slice3A_15, %slice3A_16 in 0 : vector<32x8192xf32>, vector<32x8192xf32>, vector<32x8192xf32>, vector<32x8192xf32> -> vector<128x8192xf32>
    %transpose3A = tpu.transpose %concatenate3A, [1, 0] : vector<128x8192xf32> -> vector<8192x128xf32>
    %swap3A = arith.constant 0 : index
    %swap3A_17 = arith.constant 0 : index
    %swap3A_18 = vector.load %arg2[%swap3A, %swap3A_17] : memref<8192x128xf32, #tpu.memory_space<vmem>>, vector<8192x128xf32>
    tpu.vector_store %arg2[%swap3A, %swap3A_17], %transpose3A {strides = array<i32>} : memref<8192x128xf32, #tpu.memory_space<vmem>>, vector<8192x128xf32>,
    return
  }
  func.func @transform_0(%arg0: i32) -> (i32, i32) {
    %c0_i32 = arith.constant 0 : i32
    %c0_i32_0 = arith.constant 0 : i32
    return %c0_i32, %arg0 : i32, i32
  }
  func.func @transform_1(%arg0: i32) -> (i32, i32) {
    %c0_i32 = arith.constant 0 : i32
    %c0_i32_0 = arith.constant 0 : i32
    return %arg0, %c0_i32 : i32, i32
  }
}

module attributes {stable_mosaic.version = 14 : i64} {
  func.func @_pack_body(%arg0: i32, %arg1: memref<64x32768xf32, #tpu.memory_space<vmem>>, %arg2: memref<8192x128xf32, #tpu.memory_space<vmem>>) attributes {dimension_semantics = [#tpu.dimension_semantics<arbitrary>], iteration_bounds = array<i64: 31>, scalar_prefetch = 0 : i64, scratch_operands = 0 : i64, tpu.core_type = #tpu.core_type<tc>, window_params = [{transform_indices = @transform_0, window_bounds = array<i64: 64, 32768>}, {transform_indices = @transform_1, window_bounds = array<i64: 8192, 128>}]} {
    %get3A = arith.constant 0 : index
    %get3A_0 = arith.constant 0 : index
    %get3A_1 = vector.load %arg1[%get3A, %get3A_0] : memref<64x32768xf32, #tpu.memory_space<vmem>>, vector<64x32768xf32>
    %bitcast_convert_type3A = tpu.bitcast %get3A_1 : vector<64x32768xf32> -> vector<64x32768xi32>
    %add3A = arith.constant 32768 : i32
    %add3A_2 = vector.broadcast %add3A : i32 to vector<64x32768xi32>
    %add3A_3 = arith.addi %bitcast_convert_type3A, %add3A_2 : vector<64x32768xi32>
    %slice3A = vector.extract_strided_slice %add3A_3 {offsets = [0, 0], sizes = [32, 32768], strides = [1, 1]} : vector<64x32768xi32> to vector<32x32768xi32>
    %shift_right_arithmetic3A = arith.constant 16 : i32
    %shift_right_arithmetic3A_4 = vector.broadcast %shift_right_arithmetic3A : i32 to vector<32x32768xi32>
    %shift_right_arithmetic3A_5 = arith.shrsi %slice3A, %shift_right_arithmetic3A_4 : vector<32x32768xi32>
    %and3A = arith.constant 65535 : i32
    %and3A_6 = vector.broadcast %and3A : i32 to vector<32x32768xi32>
    %and3A_7 = arith.andi %shift_right_arithmetic3A_5, %and3A_6 : vector<32x32768xi32>
    %slice3A_8 = vector.extract_strided_slice %add3A_3 {offsets = [32, 0], sizes = [32, 32768], strides = [1, 1]} : vector<64x32768xi32> to vector<32x32768xi32>
    %and3A_9 = arith.constant -65536 : i32
    %and3A_10 = vector.broadcast %and3A_9 : i32 to vector<32x32768xi32>
    %and3A_11 = arith.andi %slice3A_8, %and3A_10 : vector<32x32768xi32>
    %or3A = arith.ori %and3A_7, %and3A_11 : vector<32x32768xi32>
    %bitcast_convert_type3A_12 = tpu.bitcast %or3A : vector<32x32768xi32> -> vector<32x32768xf32>
    %slice3A_13 = vector.extract_strided_slice %bitcast_convert_type3A_12 {offsets = [0, 0], sizes = [32, 8192], strides = [1, 1]} : vector<32x32768xf32> to vector<32x8192xf32>
    %slice3A_14 = vector.extract_strided_slice %bitcast_convert_type3A_12 {offsets = [0, 8192], sizes = [32, 8192], strides = [1, 1]} : vector<32x32768xf32> to vector<32x8192xf32>
    %slice3A_15 = vector.extract_strided_slice %bitcast_convert_type3A_12 {offsets = [0, 16384], sizes = [32, 8192], strides = [1, 1]} : vector<32x32768xf32> to vector<32x8192xf32>
    %slice3A_16 = vector.extract_strided_slice %bitcast_convert_type3A_12 {offsets = [0, 24576], sizes = [32, 8192], strides = [1, 1]} : vector<32x32768xf32> to vector<32x8192xf32>
    %concatenate3A = tpu.concatenate %slice3A_13, %slice3A_14, %slice3A_15, %slice3A_16 in 0 : vector<32x8192xf32>, vector<32x8192xf32>, vector<32x8192xf32>, vector<32x8192xf32> -> vector<128x8192xf32>
    %transpose3A = tpu.transpose %concatenate3A, [1, 0] : vector<128x8192xf32> -> vector<8192x128xf32>
    %swap3A = arith.constant 0 : index
    %swap3A_17 = arith.constant 0 : index
    %swap3A_18 = vector.load %arg2[%swap3A, %swap3A_17] : memref<8192x128xf32, #tpu.memory_space<vmem>>, vector<8192x128xf32>
    tpu.vector_store %arg2[%swap3A, %swap3A_17], %transpose3A {strides = array<i32>} : memref<8192x128xf32, #tpu.memory_space<vmem>>, vector<8192x128xf32>,
    return
  }
  func.func @transform_0(%arg0: i32) -> (i32, i32) {
    %c0_i32 = arith.constant 0 : i32
    %c0_i32_0 = arith.constant 0 : i32
    return %c0_i32, %arg0 : i32, i32
  }
  func.func @transform_1(%arg0: i32) -> (i32, i32) {
    %c0_i32 = arith.constant 0 : i32
    %c0_i32_0 = arith.constant 0 : i32
    return %arg0, %c0_i32 : i32, i32
  }
}

</mosaic_0001>

<sc_bundles>
// kernel: kernel.5.cloned.1.call-start
scs
__scs_entry_jumppad:
0x0: {  	(pc) =	sbr.rel $0x88, $3  }
0x1: {  	(tag) =	ssettag $0x0;
	lr =	simm.s32 $0x1  }
0x2: {  	[smem:$0x3F9C] =	sst lr;
	_ =	strace $0xD0000000  }
0x3: {  	_ = 	snop  }
0x4: {  	_ = 	snop  }
0x5: {  	_ = 	snop  }
0x6: {  	_ = 	snop  }
0x7: {  	_ = 	snop  }
__scs_overlays_trampoline_lowered:
0x8: {  	[smem:$0x3FAB] =	sst s0  }
0x9: {  	[smem:$0x3FAC] =	sst s1  }
0xa: {  	[smem:$0x3FAD] =	sst s2  }
0xb: {  	[smem:$0x3FAE] =	sst s3  }
0xc: {  	[smem:$0x3FAF] =	sst s4  }
0xd: {  	[smem:$0x3FB0] =	sst s5  }
0xe: {  	[smem:$0x3FB1] =	sst s6  }
0xf: {  	[smem:$0x3FB2] =	sst s7  }
0x10: {  	[smem:$0x3FB3] =	sst s8  }
0x11: {  	[smem:$0x3FB4] =	sst s9;
	s0 =	simm.s32 @!p0 $0x0  }
0x12: {  	s1 =	sld [smem:$0x3F9A];
	s0 =	simm.s32 @p0 $0x1  }
0x13: {  	[smem:$0x3FB5] =	sst s0;
	s0 =	simm.s32 @!p1 $0x0  }
0x14: {  	s2 =	sld [smem:$0x3F99];
	s0 =	simm.s32 @p1 $0x1  }
0x15: {  	[smem:$0x3FB6] =	sst s0;
	s0 =	simm.s32 @!p2 $0x0  }
0x16: {  	s3 =	sld [smem:$0x3FDB];
	s0 =	simm.s32 @p2 $0x1  }
0x17: {  	s4 =	simm.s32 $0x1BF5;
	[smem:$0x3FB8] =	sst s0  }
0x18: {  	s0 =	sld [smem:$0x3F9B];
	_ =	swait.ge [sflag:s4], $0x0  }
0x19: {  	s7 =	sld [smem:$0x3F9C]  }
0x1a: {  	s8 =	sadd.s32 $0xFFFFE003, lr  }
0x1b: {  	s9 =	sadd.s32 $0xFFFFFEF7, lr;
	s5 =	simm.s32 $0xFFFFFFFF;
	p2 =	slt.u32 s8, $0xFFFFF086  }
0x1c: {  	p1 =	slt.u32 s9, $0xF7A;
	s5 =	simm.s32 @!p2 $0x0  }
0x1d: {  	s5 =	simm.s32 @p1 $0x1;
	p0 =	seq.s32 s7, s2  }
0x1e: {  	s7 =	smul.u32 @!p0 $0xF7A, s2;
	p2 =	seq.s32 @!p0 s5, $0x0  }
0x1f: {  	s9 =	smul.u32 $0xF7A, s1;
	s8 =	simm.s32 @!p0 $0x1BF5;
	p2 =	por !p2, p0  }
0x20: {  	[sflag:s8] =	ssyncset.s32 @!p0 $0xFFFFF086;
	s6 =	sadd.s32 @!p0 s3, s7;
	s7 =	simm.s32 @!p0 $0x108  }
0x21: {  	s3 =	sadd.s32 s3, s9;
	s6 =	sadd.s32 @!p0 $0x88, s6;
	s7 =	simm.s32 @p2 $0x1082  }
0x22: {  	[simem:s7], [sflag:s8] =	dma.local @!p0 [hbm:s6], $0xF7A  }
0x23: {  	s9 =	sor.u32 $0xD0000000, s2;
	s6 =	simm.s32 $0x108;
	_ =	swait.ge @!p0 [sflag:s8], $0x0  }
0x24: {  	s3 =	sadd.s32 $0x88, s3;
	s6 =	simm.s32 @!p1 $0x1082;
	[sflag:s4] =	ssyncset.s32 $0xFFFFF086  }
0x25: {  	[simem:s6], [sflag:s4] =	dma.local [hbm:s3], $0xF7A  }
0x26: {  	[smem:$0x3F9C] =	sst s1;
	(tag) =	ssettag s2;
	_ =	strace s9  }
0x27: {  	s1 =	sld [smem:$0x3FAC]  }
0x28: {  	s2 =	sld [smem:$0x3FAD]  }
0x29: {  	s4 =	sld [smem:$0x3FAF]  }
0x2a: {  	p0 =	seq.s32 s5, $0x0;
	s5 =	sld [smem:$0x3FB0]  }
0x2b: {  	s6 =	sld [smem:$0x3FB1]  }
0x2c: {  	s7 =	sld [smem:$0x3FB2]  }
0x2d: {  	s3 =	simm.s32 $0x108;
	s8 =	sld [smem:$0x3FB3]  }
0x2e: {  	s3 =	simm.s32 @!p0 $0x1082;
	s9 =	sld [smem:$0x3FB4]  }
0x2f: {  	lr =	sadd.s32 s0, s3;
	s0 =	sld [smem:$0x3FAB]  }
0x30: {  	s3 =	sld [smem:$0x3FAE]  }
0x31: {  	[smem:$0x3FB7] =	sst s10  }
0x32: {  	s10 =	sld [smem:$0x3FB5];
	_ =	sdelay $0x3  }
0x33: {  	p0 =	seq.s32 s10, $0x1;
	s10 =	sld [smem:$0x3FB7];
	_ =	sdelay $0x3  }
0x34: {  	[smem:$0x3FB7] =	sst s10  }
0x35: {  	s10 =	sld [smem:$0x3FB6];
	_ =	sdelay $0x3  }
0x36: {  	p1 =	seq.s32 s10, $0x1;
	s10 =	sld [smem:$0x3FB7];
	_ =	sdelay $0x3  }
0x37: {  	[smem:$0x3FB7] =	sst s10  }
0x38: {  	s10 =	sld [smem:$0x3FB8]  }
0x39: {  	_ = 	snop;
	(pc) =	sbr.ind lr, $3  }
0x3a: {  	_ = 	snop  }
0x3b: {  	_ = 	snop  }
0x3c: {  	p2 =	seq.s32 s10, $0x1;
	s10 =	sld [smem:$0x3FB7]  }
0x3d: {  	_ =	shalt  }
0x3e: {  	_ =	shalt  }
0x3f: {  	_ =	shalt  }
0x40: {  	_ =	shalt  }
0x41: {  	_ =	shalt  }
0x42: {  	_ =	shalt  }
0x43: {  	_ =	shalt  }
0x44: {  	_ =	shalt  }
0x45: {  	_ =	shalt  }
0x46: {  	_ =	shalt  }
0x47: {  	_ =	shalt  }
0x48: {  	_ =	shalt  }
0x49: {  	_ =	shalt  }
0x4a: {  	_ =	shalt  }
0x4b: {  	_ =	shalt  }
0x4c: {  	_ =	shalt  }
0x4d: {  	_ =	shalt  }
0x4e: {  	_ =	shalt  }
0x4f: {  	_ =	shalt  }
0x50: {  	_ =	shalt  }
0x51: {  	_ =	shalt  }
0x52: {  	_ =	shalt  }
0x53: {  	_ =	shalt  }
0x54: {  	_ =	shalt  }
0x55: {  	_ =	shalt  }
0x56: {  	_ =	shalt  }
0x57: {  	_ =	shalt  }
0x58: {  	_ =	shalt  }
0x59: {  	_ =	shalt  }
0x5a: {  	_ =	shalt  }
0x5b: {  	_ =	shalt  }
0x5c: {  	_ =	shalt  }
0x5d: {  	_ =	shalt  }
0x5e: {  	_ =	shalt  }
0x5f: {  	_ =	shalt  }
0x60: {  	_ =	shalt  }
0x61: {  	_ =	shalt  }
0x62: {  	_ =	shalt  }
0x63: {  	_ =	shalt  }
0x64: {  	_ =	shalt  }
0x65: {  	_ =	shalt  }
0x66: {  	_ =	shalt  }
0x67: {  	_ =	shalt  }
0x68: {  	_ =	shalt  }
0x69: {  	_ =	shalt  }
0x6a: {  	_ =	shalt  }
0x6b: {  	_ =	shalt  }
0x6c: {  	_ =	shalt  }
0x6d: {  	_ =	shalt  }
0x6e: {  	_ =	shalt  }
0x6f: {  	_ =	shalt  }
0x70: {  	_ =	shalt  }
0x71: {  	_ =	shalt  }
0x72: {  	_ =	shalt  }
0x73: {  	_ =	shalt  }
0x74: {  	_ =	shalt  }
0x75: {  	_ =	shalt  }
0x76: {  	_ =	shalt  }
0x77: {  	_ =	shalt  }
0x78: {  	_ =	shalt  }
0x79: {  	_ =	shalt  }
0x7a: {  	_ =	shalt  }
0x7b: {  	_ =	shalt  }
0x7c: {  	_ =	shalt  }
0x7d: {  	_ =	shalt  }
0x7e: {  	_ =	shalt  }
0x7f: {  	_ =	shalt  }
0x80: {  	_ =	shalt  }
0x81: {  	_ =	shalt  }
0x82: {  	_ =	shalt  }
0x83: {  	_ =	shalt  }
0x84: {  	_ =	shalt  }
0x85: {  	_ =	shalt  }
0x86: {  	_ =	shalt  }
0x87: {  	_ =	shalt  }
.Lfunc_end0:
.L_simem_size_0:
called_computation_lowered:
.L_overlay_start_0:
0x88: {  	s2 =	sld [smem:$0x3FD9]  }
0x89: {  	s3 =	sld [smem:$0x3FFE];
	_ =	sdelay $0x1  }
0x8a: {  	s1 =	srdreg.scid  }
0x8b: {  	s0 =	sand.u32 $0x1, s1  }
0x8c: {  	s17 =	sshll.u32 s0, $0xA;
	s2 =	sadd.s32 s3, s2  }
0x8d: {  	s2 =	sadd.s32 s2, s17  }
0x8e: {  	[smem:$0x3FC3] =	sst s2  }
0x8f: {  	_ = 	snop  }
0x90: {  	s2 =	sld [smem:$0x3FC9]  }
0x91: {  	s18 =	sld [smem:$0x3FC8]  }
0x92: {  	s4 =	sld [smem:$0x3FC5]  }
0x93: {  	s5 =	sld [smem:$0x3FD0];
	(tm) =	ssettm $0x1  }
0x94: {  	s6 =	sld [smem:$0x3FFB];
	_ =	sdelay $0x3  }
0x95: {  	_ =	strace s6  }
0x96: {  	s6 =	sld [smem:$0x3FFC];
	_ =	sdelay $0x3  }
0x97: {  	_ =	strace s6  }
0x98: {  	s6 =	sld [smem:$0x3FFD];
	_ =	sdelay $0x3  }
0x99: {  	_ =	strace s6  }
0x9a: {  	_ =	strace $0x8FFFFFFF  }
0x9b: {  	s19 =	sld [smem:$0x3FDB];
	_ =	sdelay $0x1  }
0x9c: {  	s7 =	simm.s32 $_scs_section_size  }
0x9d: {  	s8 =	simm.s32 $_size__tile_overlayer_lowered;
	s9 =	simm.s32 $_tile_overlayer_lowered  }
0x9e: {  	s22 =	simm.s32 $0x1BFF;
	s21 =	sshll.u32 s9, $0x1;
	s6 =	sadd.s32 s7, s19  }
0x9f: {  	s10 =	simm.s32 $0x0;
	s20 =	sshll.u32 s8, $0x1;
	s8 =	sadd.s32 s21, s6  }
0xa0: {  	[timem:s10], [sflag:s22] =	dma.local [hbm:s8], s20  }
0xa1: {  	_ =	swait.ge [sflag:s22], s20  }
0xa2: {  	s7 =	ssub.s32 $0x0, s20;
	[sflag:s22] =	ssyncset.done $0x0  }
0xa3: {  	[sflag:s22] =	ssyncadd.s32 s7;
	_ =	sdelay $0x1  }
0xa4: {  	s23 =	simm.s32 $0x1B8B  }
0xa5: {  	_ =	swait.ge [sflag:s23], $0x1  }
0xa6: {  	[sflag:s23] =	ssyncset.done $0x0  }
0xa7: {  	s25 =	simm.s32 $0x1B8E;
	s24 =	sld [smem:$0x3FFE];
	[sflag:s23] =	ssyncadd.s32 $0xFFFFFFFF  }
0xa8: {  	s26 =	simm.s32 $execute0_lowered;
	[smem:$0x3FD2] =	sst s25  }
0xa9: {  	s8 =	sshll.u32 s26, $0x1;
	_ =	strace $0x80000046;
	[dreg:$0x1] =	wrdreg $0xFFFFFFFF  }
0xaa: {  	s28 =	simm.s32 $_size_execute0_lowered;
	s6 =	sadd.s32 s6, s8;
	[dreg:$0x0] =	wrdreg $0x0  }
0xab: {  	s8 =	sshll.u32 s28, $0x1;
	[dreg:$0x2] =	wrdreg s6  }
0xac: {  	[dreg:$0x3] =	wrdreg s8  }
0xad: {  	[dreg:$0x4] =	wrdreg $0xC0  }
0xae: {  	_ =	task [dreg:s10], $0x5FFFF  }
0xaf: {  	[dreg:$0x1] =	wrdreg $0xFFFFFFFF  }
0xb0: {  	[dreg:$0x0] =	wrdreg $0x60  }
0xb1: {  	[dreg:$0x2] =	wrdreg s2  }
0xb2: {  	[dreg:$0x3] =	wrdreg s18  }
0xb3: {  	[dreg:$0x4] =	wrdreg s4  }
0xb4: {  	[dreg:$0x5] =	wrdreg s24  }
0xb5: {  	[dreg:$0x6] =	wrdreg s5  }
0xb6: {  	[dreg:$0x7] =	wrdreg $0x9  }
0xb7: {  	_ =	task.clear_ibuf [dreg:s10], $0x8FFFF;
	_ =	strace $0x90000046  }
0xb8: {  	s29 =	simm.s32 $0x9;
	_ =	strace $0x80000048  }
0xb9: {  	_ =	swait.ge [sflag:s29], $0x1  }
0xba: {  	[sflag:s29] =	ssyncadd.s32 $0xFFFFFFFF  }
0xbb: {  	_ =	strace $0x90000048  }
0xbc: {  	_ =	sfence  }
0xbd: {  	s30 =	sld [smem:$0x0];
	_ =	sdelay $0x2  }
0xbe: {  	s31 =	sshll.u32 s1, $0xD;
	s1 =	sshrl.u32 s1, $0x2  }
0xbf: {  	s3 =	sand.u32 $0x4000, s31;
	s1 =	sadd.s32 s1, s30  }
0xc0: {  	s0 =	sor.u32 s3, s0;
	s1 =	sshll.u32 s1, $0x11  }
0xc1: {  	s0 =	sor.u32 s1, s0  }
0xc2: {  	s0 =	sadd.s32 $0x8F2B, s0  }
0xc3: {  	[sflag:s0] =	ssyncadd.remote.s32 $0x1  }
0xc4: {  	_ =	sfence.sel $0xFFFF  }
0xc5: {  	[dreg:$0x0] =	wrdreg $0xFFFFFFFF;
	(pc) =	sbr.abs _section_cstart, $3  }
0xc6: {  	[dreg:$0x1] =	wrdreg $0xFFFFFFFF  }
0xc7: {  	_ =	task.clear_ibuf [dreg:s10], $0x2FFFF;
	_ =	strace $0x9FFFFFFF  }
0xc8: {  	(tm) =	ssettm $0x7FFFFFFF  }
0xc9: {  	_ =	shalt  }
tec
execute0_lowered:
.L_overlay_start_1:
0x0: {  	(tag) =	ssettag $0x1  }
0x1: {  	s7 =	rddreg [dreg:$0x0]  }
0x2: {  	s9 =	rddreg [dreg:$0x1]  }
0x3: {  	s1 =	rddreg [dreg:$0x2]  }
0x4: {  	s5 =	rddreg [dreg:$0x3]  }
0x5: {  	s10 =	rddreg [dreg:$0x4]  }
0x6: {  	s0 =	rddreg [dreg:$0x5];
	s3 =	simm.s32 $0x0;
	s4 =	srdreg.scid  }
0x7: {  	s2 =	stileid.u32;
	s14 =	simm.s32 $0x200;
	s15 =	simm.s32 $0x300  }
0x8: {  	s16 =	simm.s32 $0x10800;
	s17 =	simm.s32 $0x800;
	s18 =	simm.s32 $0x8800  }
0x9: {  	s19 =	simm.s32 $0x1;
	s20 =	simm.s32 $0x2;
	s21 =	simm.s32 $0x400  }
0xa: {  	v0 =	vlaneseq.u32;
	s22 =	simm.s32 $0x600;
	s23 =	simm.s32 $0x10A80;
	s24 =	simm.s32 $0x10880  }
0xb: {  	s25 =	simm.s32 $0x0;
	[smem:$0x7FF] =	sst s3;
	s6 =	sand.u32 $0x1, s4;
	v1 =	vmul.u32 $0x10, v0  }
0xc: {  	s8 =	sshll.u32 s2, $0x7;
	s4 =	sadd.s32 $0x600, s5;
	v2 =	vor.u32 $0x10, v0;
	s11 =	sshll.u32 s6, $0x6  }
0xd: {  	s5 =	sadd.s32 $0x80600, s5;
	s6 =	ssub.s32 $0x2, s6;
	s11 =	sor.u32 s11, s8;
	v3 =	vor.u32 $0x1, v1;
	v4 =	vor.u32 $0x2, v1;
	v5 =	vor.u32 $0x3, v1  }
0xe: {  	_ =	strace $0x80000047;
	s31 =	sshrl.u32 s6, $0x1;
	v6 =	vor.u32 $0x4, v1;
	v7 =	vor.u32 $0x5, v1;
	v8 =	vor.u32 $0x6, v1;
	s12 =	sor.u32 $0x20, s11  }
0xf: {  	v9 =	vor.u32 $0x7, v1;
	v10 =	vor.u32 $0x8, v1;
	v11 =	vor.u32 $0x9, v1;
	s13 =	ssub.s32 s6, s31;
	s6 =	sadd.s32 s7, s11;
	s8 =	sadd.s32 s9, s11  }
0x10: {  	v12 =	vor.u32 $0xA, v1;
	v13 =	vor.u32 $0xB, v1;
	v14 =	vor.u32 $0xC, v1;
	s10 =	sadd.s32 s10, s11;
	s7 =	sadd.s32 s7, s12;
	s9 =	sadd.s32 s9, s12  }
0x11: {  	v15 =	vor.u32 $0xD, v1;
	v16 =	vor.u32 $0xE, v1;
	v17 =	vor.u32 $0xF, v1;
	s11 =	smax.u32 s13, $0x1;
	s12 =	simm.s32 $0x3;
	s13 =	simm.s32 $0x100  }
.LBB2_1:
0x12: {  	[tilespmem:s3], [sflag:$0x3] =	stream.linear.gather [hbm4b:s6+s3], $0x100, $0x38;
	[tilespmem:$0x10B80] =	vst v63  }
0x13: {  	_ =	swait.ge [sflag:s12], $0x100  }
0x14: {  	[sflag:s12] =	ssyncset.done $0x0  }
0x15: {  	[sflag:s12] =	ssyncadd.s32 $0xFFFFFF00  }
0x16: {  	[tilespmem:s13], [sflag:$0x3] =	stream.linear.gather [hbm4b:s7+s3], $0x100, $0x38;
	[tilespmem:$0x10B80] =	vst v63  }
0x17: {  	_ =	swait.ge [sflag:s12], $0x100  }
0x18: {  	[sflag:s12] =	ssyncset.done $0x0  }
0x19: {  	[sflag:s12] =	ssyncadd.s32 $0xFFFFFF00  }
0x1a: {  	[tilespmem:s14], [sflag:$0x3] =	stream.linear.gather [hbm4b:s8+s3], $0x100, $0x38;
	[tilespmem:$0x10B80] =	vst v63  }
0x1b: {  	_ =	swait.ge [sflag:s12], $0x100  }
0x1c: {  	[sflag:s12] =	ssyncset.done $0x0  }
0x1d: {  	[sflag:s12] =	ssyncadd.s32 $0xFFFFFF00  }
0x1e: {  	[tilespmem:s15], [sflag:$0x3] =	stream.linear.gather [hbm4b:s9+s3], $0x100, $0x38;
	[tilespmem:$0x10B80] =	vst v63  }
0x1f: {  	_ =	swait.ge [sflag:s12], $0x100  }
0x20: {  	[sflag:s12] =	ssyncset.done $0x0  }
0x21: {  	[sflag:s12] =	ssyncadd.s32 $0xFFFFFF00  }
0x22: {  	[tilespmem:s16], [sflag:$0x3] =	stream.linear.gather [hbm4b:s1+s3], $0x80, $0x38;
	[tilespmem:$0x10B80] =	vst v63  }
0x23: {  	_ =	swait.ge [sflag:s12], $0x80  }
0x24: {  	[sflag:s12] =	ssyncset.done $0x0  }
0x25: {  	s26 =	simm.s32 $0x0;
	s28 =	simm.s32 $0x40;
	[sflag:s12] =	ssyncadd.s32 $0xFFFFFF80  }
.LBB2_2:
0x26: {  	p0 =	sne.s32 s28, $0x3C0;
	v18 =	vld [tilespmem:s26+$0x0];
	_ =	sdelay $0x3  }
.Ltmp0:
0x27: {  	(pc) =	sbr.rel @p0 .LBB2_2-.Ltmp0, $4  }
0x28: {  	v19 =	vshra.s32 v18, $0x2;
	v20 =	vshrl.u32 v18, $0x8  }
0x29: {  	v18 =	vand.u32 $0x1FFF, v18;
	v19 =	vand.u32 $0xFFFFE000, v19;
	v20 =	vand.u32 $0x60, v20  }
0x2a: {  	v18 =	vor.u32 v18, v19;
	[tilespmem:s26+$0x400] =	vst v20  }
0x2b: {  	[tilespmem:s26+$0x0] =	vst v18;
	s26 =	sshra.s32 s28, $0x2;
	s28 =	sadd.s32 $0x40, s28  }
0x2c: {  	v18 =	vld [tilespmem:s26+$0x0];
	_ =	sdelay $0x4  }
0x2d: {  	v19 =	vshra.s32 v18, $0x2;
	v20 =	vshrl.u32 v18, $0x8  }
0x2e: {  	v18 =	vand.u32 $0x1FFF, v18;
	v19 =	vand.u32 $0xFFFFE000, v19;
	v20 =	vand.u32 $0x60, v20  }
0x2f: {  	v18 =	vor.u32 v18, v19;
	[tilespmem:s26+$0x400] =	vst v20  }
0x30: {  	s28 =	simm.s32 $0x100;
	[tilespmem:s26+$0x0] =	vst v18  }
0x31: {  	v18 =	vld [tilespmem:s28+$0x0]  }
0x32: {  	s29 =	simm.s32 $0x10;
	s26 =	simm.s32 $0x0  }
.LBB2_4:
0x33: {  	p0 =	sne.s32 s29, $0xF0;
	_ =	sdelay $0x2  }
0x34: {  	v19 =	vshra.s32 v18, $0x2;
	v20 =	vshrl.u32 v18, $0x8  }
0x35: {  	v18 =	vand.u32 $0x1FFF, v18;
	v19 =	vand.u32 $0xFFFFE000, v19  }
.Ltmp1:
0x36: {  	v18 =	vor.u32 v18, v19;
	(pc) =	sbr.rel @p0 .LBB2_4-.Ltmp1, $4  }
0x37: {  	s30 =	sand.u32 $0xF0, s26;
	s26 =	smov.u32 s29;
	[tilespmem:s28+$0x0] =	vst v18;
	v18 =	vand.u32 $0x60, v20  }
0x38: {  	s28 =	sadd.s32 $0x10, s28;
	[tilespmem:s30+$0x500] =	vst v18  }
0x39: {  	v18 =	vld [tilespmem:s28+$0x0]  }
0x3a: {  	s29 =	sadd.s32 $0x10, s29  }
0x3b: {  	_ =	sdelay $0x2  }
0x3c: {  	v19 =	vshra.s32 v18, $0x2  }
0x3d: {  	v20 =	vand.u32 $0x1FFF, v18;
	v19 =	vand.u32 $0xFFFFE000, v19  }
0x3e: {  	v18 =	vshrl.u32 v18, $0x8;
	v19 =	vor.u32 v20, v19  }
0x3f: {  	s26 =	sand.u32 $0xF0, s26;
	v18 =	vand.u32 $0x60, v18;
	[tilespmem:s28+$0x0] =	vst v19  }
0x40: {  	s28 =	simm.s32 $0x40;
	[tilespmem:s26+$0x500] =	vst v18;
	s26 =	simm.s32 $0x0  }
.LBB2_6:
0x41: {  	p0 =	sne.s32 s28, $0x3C0;
	v18 =	vld [tilespmem:s26+$0x200];
	_ =	sdelay $0x3  }
.Ltmp2:
0x42: {  	(pc) =	sbr.rel @p0 .LBB2_6-.Ltmp2, $4  }
0x43: {  	v19 =	vshra.s32 v18, $0x2;
	v20 =	vshrl.u32 v18, $0x8  }
0x44: {  	v18 =	vand.u32 $0x1FFF, v18;
	v19 =	vand.u32 $0xFFFFE000, v19;
	v20 =	vand.u32 $0x60, v20  }
0x45: {  	v18 =	vor.u32 v18, v19;
	[tilespmem:s26+$0x600] =	vst v20  }
0x46: {  	[tilespmem:s26+$0x200] =	vst v18;
	s26 =	sshra.s32 s28, $0x2;
	s28 =	sadd.s32 $0x40, s28  }
0x47: {  	v18 =	vld [tilespmem:s26+$0x200];
	_ =	sdelay $0x4  }
0x48: {  	v19 =	vshra.s32 v18, $0x2;
	v20 =	vshrl.u32 v18, $0x8  }
0x49: {  	v18 =	vand.u32 $0x1FFF, v18;
	v19 =	vand.u32 $0xFFFFE000, v19;
	v20 =	vand.u32 $0x60, v20  }
0x4a: {  	v18 =	vor.u32 v18, v19;
	[tilespmem:s26+$0x600] =	vst v20  }
0x4b: {  	s28 =	simm.s32 $0x300;
	[tilespmem:s26+$0x200] =	vst v18  }
0x4c: {  	v18 =	vld [tilespmem:s28+$0x0]  }
0x4d: {  	s29 =	simm.s32 $0x10;
	s26 =	simm.s32 $0x0  }
.LBB2_8:
0x4e: {  	p0 =	sne.s32 s29, $0xF0;
	_ =	sdelay $0x2  }
0x4f: {  	v19 =	vshra.s32 v18, $0x2;
	v20 =	vshrl.u32 v18, $0x8  }
0x50: {  	v18 =	vand.u32 $0x1FFF, v18;
	v19 =	vand.u32 $0xFFFFE000, v19  }
.Ltmp3:
0x51: {  	v18 =	vor.u32 v18, v19;
	(pc) =	sbr.rel @p0 .LBB2_8-.Ltmp3, $4  }
0x52: {  	s30 =	sand.u32 $0xF0, s26;
	s26 =	smov.u32 s29;
	[tilespmem:s28+$0x0] =	vst v18;
	v18 =	vand.u32 $0x60, v20  }
0x53: {  	s28 =	sadd.s32 $0x10, s28;
	[tilespmem:s30+$0x700] =	vst v18  }
0x54: {  	v18 =	vld [tilespmem:s28+$0x0]  }
0x55: {  	s29 =	sadd.s32 $0x10, s29  }
0x56: {  	_ =	sdelay $0x2  }
0x57: {  	v19 =	vshra.s32 v18, $0x2  }
0x58: {  	v20 =	vand.u32 $0x1FFF, v18;
	v19 =	vand.u32 $0xFFFFE000, v19  }
0x59: {  	v18 =	vshrl.u32 v18, $0x8;
	v19 =	vor.u32 v20, v19  }
0x5a: {  	s26 =	sand.u32 $0xF0, s26;
	v18 =	vand.u32 $0x60, v18;
	[tilespmem:s28+$0x0] =	vst v19  }
0x5b: {  	[tilespmem:s26+$0x700] =	vst v18  }
0x5c: {  	v18 =	vld [tilespmem:$0x10800]  }
0x5d: {  	v19 =	vld [tilespmem:$0x10810]  }
0x5e: {  	v20 =	vld [tilespmem:$0x10820]  }
0x5f: {  	v21 =	vld [tilespmem:$0x10830];
	[tilespmem:s17], [sflag:$0x1] =	stream.indirect.gather [hbm4b:s4+s13], $0x80, s3, s13, $0xb8  }
0x60: {  	_ = 	snop  }
0x61: {  	[tilespmem:s18], [sflag:$0x2] =	stream.indirect.gather [hbm4b:s5+s13], $0x80, s14, s13, $0xb8;
	[tilespmem:$0x10B80] =	vst v63  }
0x62: {  	_ =	swait.ge [sflag:s19], $0x8000  }
0x63: {  	[sflag:s19] =	ssyncset.done $0x0  }
0x64: {  	[sflag:s19] =	ssyncadd.s32 $0xFFFF8000  }
0x65: {  	_ =	swait.ge [sflag:s20], $0x8000  }
0x66: {  	[sflag:s20] =	ssyncset.done $0x0  }
0x67: {  	s28 =	simm.s32 $0x10880;
	s26 =	simm.s32 $0xF;
	[sflag:s20] =	ssyncadd.s32 $0xFFFF8000  }
.LBB2_10:
0x68: {  	s29 =	sadd.s32 $0xFFFFFFF1, s26  }
0x69: {  	v22 =	vmov s29;
	_ =	sdelay $0x4  }
0x6a: {  	v23 =	vld.idx.msk [tilespmem:v22+s21+$0x0], $0xffff  }
0x6b: {  	v24 =	vld.idx.msk [tilespmem:v22+s22+$0x0], $0xffff;
	_ =	sdelay $0x3  }
0x6c: {  	v25 =	vadd.s32 v0, v23  }
0x6d: {  	v22 =	vshll.u32 v22, $0x7;
	v27 =	vadd.s32 v0, v24;
	v26 =	vand.u32 $0xFFFFFF80, v25  }
0x6e: {  	v25 =	vand.u32 $0x7F, v25;
	v28 =	vand.u32 $0xFFFFFF80, v27;
	v26 =	vadd.s32 v22, v26  }
0x6f: {  	v32 =	vand.u32 $0x7F, v27;
	v33 =	vadd.s32 v22, v28;
	v25 =	vor.u32 v25, v26  }
0x70: {  	v23 =	vadd.s32 v2, v23;
	v26 =	vor.u32 v32, v33  }
0x71: {  	v24 =	vadd.s32 v2, v24;
	v34 =	vand.u32 $0xFFFFFF80, v23  }
0x72: {  	v23 =	vand.u32 $0x7F, v23;
	v35 =	vand.u32 $0xFFFFFF80, v24;
	v27 =	vadd.s32 v22, v34  }
0x73: {  	v24 =	vand.u32 $0x7F, v24;
	v22 =	vadd.s32 v22, v35;
	v23 =	vor.u32 v23, v27  }
0x74: {  	v22 =	vor.u32 v24, v22;
	v25 =	vld.idx.msk [tilespmem:v25+s17+$0x0], $0xffff  }
0x75: {  	v36 =	vld.idx.msk [tilespmem:v26+s18+$0x0], $0xffff;
	_ =	sdelay $0x2  }
0x76: {  	v23 =	vld.idx.msk [tilespmem:v23+s17+$0x0], $0xffff  }
0x77: {  	v22 =	vld.idx.msk [tilespmem:v22+s18+$0x0], $0xffff  }
0x78: {  	v37 =	vshll.u32 v25, $0x10;
	v38 =	vshll.u32 v36, $0x10  }
0x79: {  	v26 =	vmul.f32 v38, v37  }
0x7a: {  	v25 =	vand.u32 $0xFFFF0000, v25;
	v24 =	vand.u32 $0xFFFF0000, v36  }
0x7b: {  	v24 =	vmul.f32 v24, v25;
	v26 =	vmul.f32 v26, v18  }
0x7c: {  	v39 =	vshll.u32 v23, $0x10;
	v40 =	vshll.u32 v22, $0x10  }
0x7d: {  	v25 =	vmul.f32 v40, v39;
	v24 =	vmul.f32 v24, v20;
	v26 =	vadd.f32 $0.0e+00, v26  }
0x7e: {  	v23 =	vand.u32 $0xFFFF0000, v23;
	v22 =	vand.u32 $0xFFFF0000, v22  }
0x7f: {  	v22 =	vmul.f32 v22, v23;
	v25 =	vmul.f32 v25, v19;
	v24 =	vadd.f32 v26, v24  }
0x80: {  	s30 =	sadd.s32 $0xFFFFFFF2, s26  }
0x81: {  	v41 =	vmov s30;
	v22 =	vmul.f32 v22, v21;
	v23 =	vadd.f32 v25, v24;
	_ =	sdelay $0x1  }
0x82: {  	v22 =	vadd.f32 v23, v22;
	_ =	sdelay $0x1  }
0x83: {  	[tilespmem:$0x10A80] =	vst v22  }
0x84: {  	v22 =	vld.idx.msk [tilespmem:v41+s21+$0x0], $0xffff  }
0x85: {  	v23 =	vld.idx.msk [tilespmem:v41+s22+$0x0], $0xffff;
	_ =	sdelay $0x3  }
0x86: {  	v42 =	vadd.s32 v0, v22  }
0x87: {  	v24 =	vshll.u32 v41, $0x7;
	v44 =	vadd.s32 v0, v23;
	v43 =	vand.u32 $0xFFFFFF80, v42  }
0x88: {  	v25 =	vand.u32 $0x7F, v42;
	v45 =	vand.u32 $0xFFFFFF80, v44;
	v26 =	vadd.s32 v24, v43  }
0x89: {  	v46 =	vand.u32 $0x7F, v44;
	v47 =	vadd.s32 v24, v45;
	v25 =	vor.u32 v25, v26  }
0x8a: {  	v22 =	vadd.s32 v2, v22;
	v26 =	vor.u32 v46, v47  }
0x8b: {  	v23 =	vadd.s32 v2, v23;
	v48 =	vand.u32 $0xFFFFFF80, v22  }
0x8c: {  	v22 =	vand.u32 $0x7F, v22;
	v49 =	vand.u32 $0xFFFFFF80, v23;
	v27 =	vadd.s32 v24, v48  }
0x8d: {  	v23 =	vand.u32 $0x7F, v23;
	v24 =	vadd.s32 v24, v49;
	v22 =	vor.u32 v22, v27  }
0x8e: {  	v23 =	vor.u32 v23, v24;
	v25 =	vld.idx.msk [tilespmem:v25+s17+$0x0], $0xffff  }
0x8f: {  	v50 =	vld.idx.msk [tilespmem:v26+s18+$0x0], $0xffff;
	_ =	sdelay $0x2  }
0x90: {  	v22 =	vld.idx.msk [tilespmem:v22+s17+$0x0], $0xffff  }
0x91: {  	v23 =	vld.idx.msk [tilespmem:v23+s18+$0x0], $0xffff  }
0x92: {  	v51 =	vshll.u32 v25, $0x10;
	v52 =	vshll.u32 v50, $0x10  }
0x93: {  	v26 =	vmul.f32 v52, v51  }
0x94: {  	v25 =	vand.u32 $0xFFFF0000, v25;
	v24 =	vand.u32 $0xFFFF0000, v50  }
0x95: {  	v24 =	vmul.f32 v24, v25;
	v26 =	vmul.f32 v26, v18  }
0x96: {  	v53 =	vshll.u32 v22, $0x10;
	v54 =	vshll.u32 v23, $0x10  }
0x97: {  	v25 =	vmul.f32 v54, v53;
	v24 =	vmul.f32 v24, v20;
	v26 =	vadd.f32 $0.0e+00, v26  }
0x98: {  	v22 =	vand.u32 $0xFFFF0000, v22;
	v23 =	vand.u32 $0xFFFF0000, v23  }
0x99: {  	v22 =	vmul.f32 v23, v22;
	v25 =	vmul.f32 v25, v19;
	v24 =	vadd.f32 v26, v24  }
0x9a: {  	s31 =	sadd.s32 $0xFFFFFFF3, s26  }
0x9b: {  	v55 =	vmov s31;
	v22 =	vmul.f32 v22, v21;
	v23 =	vadd.f32 v25, v24;
	_ =	sdelay $0x1  }
0x9c: {  	v22 =	vadd.f32 v23, v22;
	_ =	sdelay $0x1  }
0x9d: {  	[tilespmem:$0x10A90] =	vst v22  }
0x9e: {  	v22 =	vld.idx.msk [tilespmem:v55+s21+$0x0], $0xffff  }
0x9f: {  	v23 =	vld.idx.msk [tilespmem:v55+s22+$0x0], $0xffff;
	_ =	sdelay $0x3  }
0xa0: {  	v56 =	vadd.s32 v0, v22  }
0xa1: {  	v24 =	vshll.u32 v55, $0x7;
	v58 =	vadd.s32 v0, v23;
	v57 =	vand.u32 $0xFFFFFF80, v56  }
0xa2: {  	v25 =	vand.u32 $0x7F, v56;
	v59 =	vand.u32 $0xFFFFFF80, v58;
	v26 =	vadd.s32 v24, v57  }
0xa3: {  	v60 =	vand.u32 $0x7F, v58;
	v61 =	vadd.s32 v24, v59;
	v25 =	vor.u32 v25, v26  }
0xa4: {  	v22 =	vadd.s32 v2, v22;
	v26 =	vor.u32 v60, v61  }
0xa5: {  	v23 =	vadd.s32 v2, v23;
	v62 =	vand.u32 $0xFFFFFF80, v22  }
0xa6: {  	v22 =	vand.u32 $0x7F, v22;
	v63 =	vand.u32 $0xFFFFFF80, v23;
	v27 =	vadd.s32 v24, v62  }
0xa7: {  	v23 =	vand.u32 $0x7F, v23;
	v24 =	vadd.s32 v24, v63;
	v22 =	vor.u32 v22, v27  }
0xa8: {  	v23 =	vor.u32 v23, v24;
	v25 =	vld.idx.msk [tilespmem:v25+s17+$0x0], $0xffff  }
0xa9: {  	v32 =	vld.idx.msk [tilespmem:v26+s18+$0x0], $0xffff;
	_ =	sdelay $0x2  }
0xaa: {  	v22 =	vld.idx.msk [tilespmem:v22+s17+$0x0], $0xffff  }
0xab: {  	v23 =	vld.idx.msk [tilespmem:v23+s18+$0x0], $0xffff  }
0xac: {  	v33 =	vshll.u32 v25, $0x10;
	v34 =	vshll.u32 v32, $0x10  }
0xad: {  	v26 =	vmul.f32 v34, v33  }
0xae: {  	v25 =	vand.u32 $0xFFFF0000, v25;
	v24 =	vand.u32 $0xFFFF0000, v32  }
0xaf: {  	v24 =	vmul.f32 v24, v25;
	v26 =	vmul.f32 v26, v18  }
0xb0: {  	v35 =	vshll.u32 v22, $0x10;
	v36 =	vshll.u32 v23, $0x10  }
0xb1: {  	v25 =	vmul.f32 v36, v35;
	v24 =	vmul.f32 v24, v20;
	v26 =	vadd.f32 $0.0e+00, v26  }
0xb2: {  	v22 =	vand.u32 $0xFFFF0000, v22;
	v23 =	vand.u32 $0xFFFF0000, v23  }
0xb3: {  	v22 =	vmul.f32 v23, v22;
	v25 =	vmul.f32 v25, v19;
	v24 =	vadd.f32 v26, v24  }
0xb4: {  	s30 =	sadd.s32 $0xFFFFFFF4, s26  }
0xb5: {  	v37 =	vmov s30;
	v22 =	vmul.f32 v22, v21;
	v23 =	vadd.f32 v25, v24;
	_ =	sdelay $0x1  }
0xb6: {  	v22 =	vadd.f32 v23, v22;
	_ =	sdelay $0x1  }
0xb7: {  	[tilespmem:$0x10AA0] =	vst v22  }
0xb8: {  	v22 =	vld.idx.msk [tilespmem:v37+s21+$0x0], $0xffff  }
0xb9: {  	v23 =	vld.idx.msk [tilespmem:v37+s22+$0x0], $0xffff;
	_ =	sdelay $0x3  }
0xba: {  	v38 =	vadd.s32 v0, v22  }
0xbb: {  	v24 =	vshll.u32 v37, $0x7;
	v40 =	vadd.s32 v0, v23;
	v39 =	vand.u32 $0xFFFFFF80, v38  }
0xbc: {  	v25 =	vand.u32 $0x7F, v38;
	v41 =	vand.u32 $0xFFFFFF80, v40;
	v26 =	vadd.s32 v24, v39  }
0xbd: {  	v42 =	vand.u32 $0x7F, v40;
	v43 =	vadd.s32 v24, v41;
	v25 =	vor.u32 v25, v26  }
0xbe: {  	v22 =	vadd.s32 v2, v22;
	v26 =	vor.u32 v42, v43  }
0xbf: {  	v23 =	vadd.s32 v2, v23;
	v44 =	vand.u32 $0xFFFFFF80, v22  }
0xc0: {  	v22 =	vand.u32 $0x7F, v22;
	v45 =	vand.u32 $0xFFFFFF80, v23;
	v27 =	vadd.s32 v24, v44  }
0xc1: {  	v23 =	vand.u32 $0x7F, v23;
	v24 =	vadd.s32 v24, v45;
	v22 =	vor.u32 v22, v27  }
0xc2: {  	v23 =	vor.u32 v23, v24;
	v25 =	vld.idx.msk [tilespmem:v25+s17+$0x0], $0xffff  }
0xc3: {  	v46 =	vld.idx.msk [tilespmem:v26+s18+$0x0], $0xffff;
	_ =	sdelay $0x2  }
0xc4: {  	v22 =	vld.idx.msk [tilespmem:v22+s17+$0x0], $0xffff  }
0xc5: {  	v23 =	vld.idx.msk [tilespmem:v23+s18+$0x0], $0xffff  }
0xc6: {  	v47 =	vshll.u32 v25, $0x10;
	v48 =	vshll.u32 v46, $0x10  }
0xc7: {  	v26 =	vmul.f32 v48, v47  }
0xc8: {  	v25 =	vand.u32 $0xFFFF0000, v25;
	v24 =	vand.u32 $0xFFFF0000, v46  }
0xc9: {  	v24 =	vmul.f32 v24, v25;
	v26 =	vmul.f32 v26, v18  }
0xca: {  	v49 =	vshll.u32 v22, $0x10;
	v50 =	vshll.u32 v23, $0x10  }
0xcb: {  	v25 =	vmul.f32 v50, v49;
	v24 =	vmul.f32 v24, v20;
	v26 =	vadd.f32 $0.0e+00, v26  }
0xcc: {  	v22 =	vand.u32 $0xFFFF0000, v22;
	v23 =	vand.u32 $0xFFFF0000, v23  }
0xcd: {  	v22 =	vmul.f32 v23, v22;
	v25 =	vmul.f32 v25, v19;
	v24 =	vadd.f32 v26, v24  }
0xce: {  	s31 =	sadd.s32 $0xFFFFFFF5, s26  }
0xcf: {  	v51 =	vmov s31;
	v22 =	vmul.f32 v22, v21;
	v23 =	vadd.f32 v25, v24;
	_ =	sdelay $0x1  }
0xd0: {  	v22 =	vadd.f32 v23, v22;
	_ =	sdelay $0x1  }
0xd1: {  	[tilespmem:$0x10AB0] =	vst v22  }
0xd2: {  	v22 =	vld.idx.msk [tilespmem:v51+s21+$0x0], $0xffff  }
0xd3: {  	v23 =	vld.idx.msk [tilespmem:v51+s22+$0x0], $0xffff;
	_ =	sdelay $0x3  }
0xd4: {  	v52 =	vadd.s32 v0, v22  }
0xd5: {  	v24 =	vshll.u32 v51, $0x7;
	v54 =	vadd.s32 v0, v23;
	v53 =	vand.u32 $0xFFFFFF80, v52  }
0xd6: {  	v25 =	vand.u32 $0x7F, v52;
	v55 =	vand.u32 $0xFFFFFF80, v54;
	v26 =	vadd.s32 v24, v53  }
0xd7: {  	v56 =	vand.u32 $0x7F, v54;
	v57 =	vadd.s32 v24, v55;
	v25 =	vor.u32 v25, v26  }
0xd8: {  	v22 =	vadd.s32 v2, v22;
	v26 =	vor.u32 v56, v57  }
0xd9: {  	v23 =	vadd.s32 v2, v23;
	v58 =	vand.u32 $0xFFFFFF80, v22  }
0xda: {  	v22 =	vand.u32 $0x7F, v22;
	v59 =	vand.u32 $0xFFFFFF80, v23;
	v27 =	vadd.s32 v24, v58  }
0xdb: {  	v23 =	vand.u32 $0x7F, v23;
	v24 =	vadd.s32 v24, v59;
	v22 =	vor.u32 v22, v27  }
0xdc: {  	v23 =	vor.u32 v23, v24;
	v25 =	vld.idx.msk [tilespmem:v25+s17+$0x0], $0xffff  }
0xdd: {  	v60 =	vld.idx.msk [tilespmem:v26+s18+$0x0], $0xffff;
	_ =	sdelay $0x2  }
0xde: {  	v22 =	vld.idx.msk [tilespmem:v22+s17+$0x0], $0xffff  }
0xdf: {  	v23 =	vld.idx.msk [tilespmem:v23+s18+$0x0], $0xffff  }
0xe0: {  	v61 =	vshll.u32 v25, $0x10;
	v62 =	vshll.u32 v60, $0x10  }
0xe1: {  	v26 =	vmul.f32 v62, v61  }
0xe2: {  	v25 =	vand.u32 $0xFFFF0000, v25;
	v24 =	vand.u32 $0xFFFF0000, v60  }
0xe3: {  	v24 =	vmul.f32 v24, v25;
	v26 =	vmul.f32 v26, v18  }
0xe4: {  	v63 =	vshll.u32 v22, $0x10;
	v30 =	vshll.u32 v23, $0x10  }
0xe5: {  	v25 =	vmul.f32 v30, v63;
	v24 =	vmul.f32 v24, v20;
	v26 =	vadd.f32 $0.0e+00, v26  }
0xe6: {  	v22 =	vand.u32 $0xFFFF0000, v22;
	v23 =	vand.u32 $0xFFFF0000, v23  }
0xe7: {  	v22 =	vmul.f32 v23, v22;
	v25 =	vmul.f32 v25, v19;
	v24 =	vadd.f32 v26, v24  }
0xe8: {  	s30 =	sadd.s32 $0xFFFFFFF6, s26  }
0xe9: {  	v31 =	vmov s30;
	v22 =	vmul.f32 v22, v21;
	v23 =	vadd.f32 v25, v24;
	_ =	sdelay $0x1  }
0xea: {  	v22 =	vadd.f32 v23, v22;
	_ =	sdelay $0x1  }
0xeb: {  	[tilespmem:$0x10AC0] =	vst v22  }
0xec: {  	v22 =	vld.idx.msk [tilespmem:v31+s21+$0x0], $0xffff  }
0xed: {  	v23 =	vld.idx.msk [tilespmem:v31+s22+$0x0], $0xffff;
	_ =	sdelay $0x3  }
0xee: {  	v32 =	vadd.s32 v0, v22  }
0xef: {  	v24 =	vshll.u32 v31, $0x7;
	v34 =	vadd.s32 v0, v23;
	v33 =	vand.u32 $0xFFFFFF80, v32  }
0xf0: {  	v25 =	vand.u32 $0x7F, v32;
	v35 =	vand.u32 $0xFFFFFF80, v34;
	v26 =	vadd.s32 v24, v33  }
0xf1: {  	v36 =	vand.u32 $0x7F, v34;
	v37 =	vadd.s32 v24, v35;
	v25 =	vor.u32 v25, v26  }
0xf2: {  	v22 =	vadd.s32 v2, v22;
	v26 =	vor.u32 v36, v37  }
0xf3: {  	v23 =	vadd.s32 v2, v23;
	v38 =	vand.u32 $0xFFFFFF80, v22  }
0xf4: {  	v22 =	vand.u32 $0x7F, v22;
	v39 =	vand.u32 $0xFFFFFF80, v23;
	v27 =	vadd.s32 v24, v38  }
0xf5: {  	v23 =	vand.u32 $0x7F, v23;
	v24 =	vadd.s32 v24, v39;
	v22 =	vor.u32 v22, v27  }
0xf6: {  	v23 =	vor.u32 v23, v24;
	v25 =	vld.idx.msk [tilespmem:v25+s17+$0x0], $0xffff  }
0xf7: {  	v40 =	vld.idx.msk [tilespmem:v26+s18+$0x0], $0xffff;
	_ =	sdelay $0x2  }
0xf8: {  	v22 =	vld.idx.msk [tilespmem:v22+s17+$0x0], $0xffff  }
0xf9: {  	v23 =	vld.idx.msk [tilespmem:v23+s18+$0x0], $0xffff  }
0xfa: {  	v41 =	vshll.u32 v25, $0x10;
	v42 =	vshll.u32 v40, $0x10  }
0xfb: {  	v26 =	vmul.f32 v42, v41  }
0xfc: {  	v25 =	vand.u32 $0xFFFF0000, v25;
	v24 =	vand.u32 $0xFFFF0000, v40  }
0xfd: {  	v24 =	vmul.f32 v24, v25;
	v26 =	vmul.f32 v26, v18  }
0xfe: {  	v43 =	vshll.u32 v22, $0x10;
	v44 =	vshll.u32 v23, $0x10  }
0xff: {  	v25 =	vmul.f32 v44, v43;
	v24 =	vmul.f32 v24, v20;
	v26 =	vadd.f32 $0.0e+00, v26  }
0x100: {  	v22 =	vand.u32 $0xFFFF0000, v22;
	v23 =	vand.u32 $0xFFFF0000, v23  }
0x101: {  	v22 =	vmul.f32 v23, v22;
	v25 =	vmul.f32 v25, v19;
	v24 =	vadd.f32 v26, v24  }
0x102: {  	s31 =	sadd.s32 $0xFFFFFFF7, s26  }
0x103: {  	v45 =	vmov s31;
	v22 =	vmul.f32 v22, v21;
	v23 =	vadd.f32 v25, v24;
	_ =	sdelay $0x1  }
0x104: {  	v22 =	vadd.f32 v23, v22;
	_ =	sdelay $0x1  }
0x105: {  	[tilespmem:$0x10AD0] =	vst v22  }
0x106: {  	v22 =	vld.idx.msk [tilespmem:v45+s21+$0x0], $0xffff  }
0x107: {  	v23 =	vld.idx.msk [tilespmem:v45+s22+$0x0], $0xffff;
	_ =	sdelay $0x3  }
0x108: {  	v46 =	vadd.s32 v0, v22  }
0x109: {  	v24 =	vshll.u32 v45, $0x7;
	v48 =	vadd.s32 v0, v23;
	v47 =	vand.u32 $0xFFFFFF80, v46  }
0x10a: {  	v25 =	vand.u32 $0x7F, v46;
	v49 =	vand.u32 $0xFFFFFF80, v48;
	v26 =	vadd.s32 v24, v47  }
0x10b: {  	v50 =	vand.u32 $0x7F, v48;
	v51 =	vadd.s32 v24, v49;
	v25 =	vor.u32 v25, v26  }
0x10c: {  	v22 =	vadd.s32 v2, v22;
	v26 =	vor.u32 v50, v51  }
0x10d: {  	v23 =	vadd.s32 v2, v23;
	v52 =	vand.u32 $0xFFFFFF80, v22  }
0x10e: {  	v22 =	vand.u32 $0x7F, v22;
	v53 =	vand.u32 $0xFFFFFF80, v23;
	v27 =	vadd.s32 v24, v52  }
0x10f: {  	v23 =	vand.u32 $0x7F, v23;
	v24 =	vadd.s32 v24, v53;
	v22 =	vor.u32 v22, v27  }
0x110: {  	v23 =	vor.u32 v23, v24;
	v25 =	vld.idx.msk [tilespmem:v25+s17+$0x0], $0xffff  }
0x111: {  	v54 =	vld.idx.msk [tilespmem:v26+s18+$0x0], $0xffff;
	_ =	sdelay $0x2  }
0x112: {  	v22 =	vld.idx.msk [tilespmem:v22+s17+$0x0], $0xffff  }
0x113: {  	v23 =	vld.idx.msk [tilespmem:v23+s18+$0x0], $0xffff  }
0x114: {  	v55 =	vshll.u32 v25, $0x10;
	v56 =	vshll.u32 v54, $0x10  }
0x115: {  	v26 =	vmul.f32 v56, v55  }
0x116: {  	v25 =	vand.u32 $0xFFFF0000, v25;
	v24 =	vand.u32 $0xFFFF0000, v54  }
0x117: {  	v24 =	vmul.f32 v24, v25;
	v26 =	vmul.f32 v26, v18  }
0x118: {  	v57 =	vshll.u32 v22, $0x10;
	v58 =	vshll.u32 v23, $0x10  }
0x119: {  	v25 =	vmul.f32 v58, v57;
	v24 =	vmul.f32 v24, v20;
	v26 =	vadd.f32 $0.0e+00, v26  }
0x11a: {  	v22 =	vand.u32 $0xFFFF0000, v22;
	v23 =	vand.u32 $0xFFFF0000, v23  }
0x11b: {  	v22 =	vmul.f32 v23, v22;
	v25 =	vmul.f32 v25, v19;
	v24 =	vadd.f32 v26, v24  }
0x11c: {  	s30 =	sadd.s32 $0xFFFFFFF8, s26  }
0x11d: {  	v59 =	vmov s30;
	v22 =	vmul.f32 v22, v21;
	v23 =	vadd.f32 v25, v24;
	_ =	sdelay $0x1  }
0x11e: {  	v22 =	vadd.f32 v23, v22;
	_ =	sdelay $0x1  }
0x11f: {  	[tilespmem:$0x10AE0] =	vst v22  }
0x120: {  	v22 =	vld.idx.msk [tilespmem:v59+s21+$0x0], $0xffff  }
0x121: {  	v23 =	vld.idx.msk [tilespmem:v59+s22+$0x0], $0xffff;
	_ =	sdelay $0x3  }
0x122: {  	v60 =	vadd.s32 v0, v22  }
0x123: {  	v24 =	vshll.u32 v59, $0x7;
	v62 =	vadd.s32 v0, v23;
	v61 =	vand.u32 $0xFFFFFF80, v60  }
0x124: {  	v25 =	vand.u32 $0x7F, v60;
	v63 =	vand.u32 $0xFFFFFF80, v62;
	v26 =	vadd.s32 v24, v61  }
0x125: {  	v32 =	vand.u32 $0x7F, v62;
	v33 =	vadd.s32 v24, v63;
	v25 =	vor.u32 v25, v26  }
0x126: {  	v22 =	vadd.s32 v2, v22;
	v26 =	vor.u32 v32, v33  }
0x127: {  	v23 =	vadd.s32 v2, v23;
	v34 =	vand.u32 $0xFFFFFF80, v22  }
0x128: {  	v22 =	vand.u32 $0x7F, v22;
	v35 =	vand.u32 $0xFFFFFF80, v23;
	v27 =	vadd.s32 v24, v34  }
0x129: {  	v23 =	vand.u32 $0x7F, v23;
	v24 =	vadd.s32 v24, v35;
	v22 =	vor.u32 v22, v27  }
0x12a: {  	v23 =	vor.u32 v23, v24;
	v25 =	vld.idx.msk [tilespmem:v25+s17+$0x0], $0xffff  }
0x12b: {  	v36 =	vld.idx.msk [tilespmem:v26+s18+$0x0], $0xffff;
	_ =	sdelay $0x2  }
0x12c: {  	v22 =	vld.idx.msk [tilespmem:v22+s17+$0x0], $0xffff  }
0x12d: {  	v23 =	vld.idx.msk [tilespmem:v23+s18+$0x0], $0xffff  }
0x12e: {  	v37 =	vshll.u32 v25, $0x10;
	v38 =	vshll.u32 v36, $0x10  }
0x12f: {  	v26 =	vmul.f32 v38, v37  }
0x130: {  	v25 =	vand.u32 $0xFFFF0000, v25;
	v24 =	vand.u32 $0xFFFF0000, v36  }
0x131: {  	v24 =	vmul.f32 v24, v25;
	v26 =	vmul.f32 v26, v18  }
0x132: {  	v39 =	vshll.u32 v22, $0x10;
	v40 =	vshll.u32 v23, $0x10  }
0x133: {  	v25 =	vmul.f32 v40, v39;
	v24 =	vmul.f32 v24, v20;
	v26 =	vadd.f32 $0.0e+00, v26  }
0x134: {  	v22 =	vand.u32 $0xFFFF0000, v22;
	v23 =	vand.u32 $0xFFFF0000, v23  }
0x135: {  	v22 =	vmul.f32 v23, v22;
	v25 =	vmul.f32 v25, v19;
	v24 =	vadd.f32 v26, v24  }
0x136: {  	s31 =	sadd.s32 $0xFFFFFFF9, s26  }
0x137: {  	v41 =	vmov s31;
	v22 =	vmul.f32 v22, v21;
	v23 =	vadd.f32 v25, v24;
	_ =	sdelay $0x1  }
0x138: {  	v22 =	vadd.f32 v23, v22;
	_ =	sdelay $0x1  }
0x139: {  	[tilespmem:$0x10AF0] =	vst v22  }
0x13a: {  	v22 =	vld.idx.msk [tilespmem:v41+s21+$0x0], $0xffff  }
0x13b: {  	v23 =	vld.idx.msk [tilespmem:v41+s22+$0x0], $0xffff;
	_ =	sdelay $0x3  }
0x13c: {  	v42 =	vadd.s32 v0, v22  }
0x13d: {  	v24 =	vshll.u32 v41, $0x7;
	v44 =	vadd.s32 v0, v23;
	v43 =	vand.u32 $0xFFFFFF80, v42  }
0x13e: {  	v25 =	vand.u32 $0x7F, v42;
	v45 =	vand.u32 $0xFFFFFF80, v44;
	v26 =	vadd.s32 v24, v43  }
0x13f: {  	v46 =	vand.u32 $0x7F, v44;
	v47 =	vadd.s32 v24, v45;
	v25 =	vor.u32 v25, v26  }
0x140: {  	v22 =	vadd.s32 v2, v22;
	v26 =	vor.u32 v46, v47  }
0x141: {  	v23 =	vadd.s32 v2, v23;
	v48 =	vand.u32 $0xFFFFFF80, v22  }
0x142: {  	v22 =	vand.u32 $0x7F, v22;
	v49 =	vand.u32 $0xFFFFFF80, v23;
	v27 =	vadd.s32 v24, v48  }
0x143: {  	v23 =	vand.u32 $0x7F, v23;
	v24 =	vadd.s32 v24, v49;
	v22 =	vor.u32 v22, v27  }
0x144: {  	v23 =	vor.u32 v23, v24;
	v25 =	vld.idx.msk [tilespmem:v25+s17+$0x0], $0xffff  }
0x145: {  	v50 =	vld.idx.msk [tilespmem:v26+s18+$0x0], $0xffff;
	_ =	sdelay $0x2  }
0x146: {  	v22 =	vld.idx.msk [tilespmem:v22+s17+$0x0], $0xffff  }
0x147: {  	v23 =	vld.idx.msk [tilespmem:v23+s18+$0x0], $0xffff  }
0x148: {  	v51 =	vshll.u32 v25, $0x10;
	v52 =	vshll.u32 v50, $0x10  }
0x149: {  	v26 =	vmul.f32 v52, v51  }
0x14a: {  	v25 =	vand.u32 $0xFFFF0000, v25;
	v24 =	vand.u32 $0xFFFF0000, v50  }
0x14b: {  	v24 =	vmul.f32 v24, v25;
	v26 =	vmul.f32 v26, v18  }
0x14c: {  	v53 =	vshll.u32 v22, $0x10;
	v54 =	vshll.u32 v23, $0x10  }
0x14d: {  	v25 =	vmul.f32 v54, v53;
	v24 =	vmul.f32 v24, v20;
	v26 =	vadd.f32 $0.0e+00, v26  }
0x14e: {  	v22 =	vand.u32 $0xFFFF0000, v22;
	v23 =	vand.u32 $0xFFFF0000, v23  }
0x14f: {  	v22 =	vmul.f32 v23, v22;
	v25 =	vmul.f32 v25, v19;
	v24 =	vadd.f32 v26, v24  }
0x150: {  	s30 =	sadd.s32 $0xFFFFFFFA, s26  }
0x151: {  	v55 =	vmov s30;
	v22 =	vmul.f32 v22, v21;
	v23 =	vadd.f32 v25, v24;
	_ =	sdelay $0x1  }
0x152: {  	v22 =	vadd.f32 v23, v22;
	_ =	sdelay $0x1  }
0x153: {  	[tilespmem:$0x10B00] =	vst v22  }
0x154: {  	v22 =	vld.idx.msk [tilespmem:v55+s21+$0x0], $0xffff  }
0x155: {  	v23 =	vld.idx.msk [tilespmem:v55+s22+$0x0], $0xffff;
	_ =	sdelay $0x3  }
0x156: {  	v56 =	vadd.s32 v0, v22  }
0x157: {  	v24 =	vshll.u32 v55, $0x7;
	v58 =	vadd.s32 v0, v23;
	v57 =	vand.u32 $0xFFFFFF80, v56  }
0x158: {  	v25 =	vand.u32 $0x7F, v56;
	v59 =	vand.u32 $0xFFFFFF80, v58;
	v26 =	vadd.s32 v24, v57  }
0x159: {  	v60 =	vand.u32 $0x7F, v58;
	v61 =	vadd.s32 v24, v59;
	v25 =	vor.u32 v25, v26  }
0x15a: {  	v22 =	vadd.s32 v2, v22;
	v26 =	vor.u32 v60, v61  }
0x15b: {  	v23 =	vadd.s32 v2, v23;
	v62 =	vand.u32 $0xFFFFFF80, v22  }
0x15c: {  	v22 =	vand.u32 $0x7F, v22;
	v63 =	vand.u32 $0xFFFFFF80, v23;
	v27 =	vadd.s32 v24, v62  }
0x15d: {  	v23 =	vand.u32 $0x7F, v23;
	v24 =	vadd.s32 v24, v63;
	v22 =	vor.u32 v22, v27  }
0x15e: {  	v23 =	vor.u32 v23, v24;
	v25 =	vld.idx.msk [tilespmem:v25+s17+$0x0], $0xffff  }
0x15f: {  	v32 =	vld.idx.msk [tilespmem:v26+s18+$0x0], $0xffff;
	_ =	sdelay $0x2  }
0x160: {  	v22 =	vld.idx.msk [tilespmem:v22+s17+$0x0], $0xffff  }
0x161: {  	v23 =	vld.idx.msk [tilespmem:v23+s18+$0x0], $0xffff  }
0x162: {  	v33 =	vshll.u32 v25, $0x10;
	v34 =	vshll.u32 v32, $0x10  }
0x163: {  	v26 =	vmul.f32 v34, v33  }
0x164: {  	v25 =	vand.u32 $0xFFFF0000, v25;
	v24 =	vand.u32 $0xFFFF0000, v32  }
0x165: {  	v24 =	vmul.f32 v24, v25;
	v26 =	vmul.f32 v26, v18  }
0x166: {  	v35 =	vshll.u32 v22, $0x10;
	v36 =	vshll.u32 v23, $0x10  }
0x167: {  	v25 =	vmul.f32 v36, v35;
	v24 =	vmul.f32 v24, v20;
	v26 =	vadd.f32 $0.0e+00, v26  }
0x168: {  	v22 =	vand.u32 $0xFFFF0000, v22;
	v23 =	vand.u32 $0xFFFF0000, v23  }
0x169: {  	v22 =	vmul.f32 v23, v22;
	v25 =	vmul.f32 v25, v19;
	v24 =	vadd.f32 v26, v24  }
0x16a: {  	s31 =	sadd.s32 $0xFFFFFFFB, s26  }
0x16b: {  	v37 =	vmov s31;
	v22 =	vmul.f32 v22, v21;
	v23 =	vadd.f32 v25, v24;
	_ =	sdelay $0x1  }
0x16c: {  	v22 =	vadd.f32 v23, v22;
	_ =	sdelay $0x1  }
0x16d: {  	[tilespmem:$0x10B10] =	vst v22  }
0x16e: {  	v22 =	vld.idx.msk [tilespmem:v37+s21+$0x0], $0xffff  }
0x16f: {  	v23 =	vld.idx.msk [tilespmem:v37+s22+$0x0], $0xffff;
	_ =	sdelay $0x3  }
0x170: {  	v38 =	vadd.s32 v0, v22  }
0x171: {  	v24 =	vshll.u32 v37, $0x7;
	v40 =	vadd.s32 v0, v23;
	v39 =	vand.u32 $0xFFFFFF80, v38  }
0x172: {  	v25 =	vand.u32 $0x7F, v38;
	v41 =	vand.u32 $0xFFFFFF80, v40;
	v26 =	vadd.s32 v24, v39  }
0x173: {  	v42 =	vand.u32 $0x7F, v40;
	v43 =	vadd.s32 v24, v41;
	v25 =	vor.u32 v25, v26  }
0x174: {  	v22 =	vadd.s32 v2, v22;
	v26 =	vor.u32 v42, v43  }
0x175: {  	v23 =	vadd.s32 v2, v23;
	v44 =	vand.u32 $0xFFFFFF80, v22  }
0x176: {  	v22 =	vand.u32 $0x7F, v22;
	v45 =	vand.u32 $0xFFFFFF80, v23;
	v27 =	vadd.s32 v24, v44  }
0x177: {  	v23 =	vand.u32 $0x7F, v23;
	v24 =	vadd.s32 v24, v45;
	v22 =	vor.u32 v22, v27  }
0x178: {  	v23 =	vor.u32 v23, v24;
	v25 =	vld.idx.msk [tilespmem:v25+s17+$0x0], $0xffff  }
0x179: {  	v46 =	vld.idx.msk [tilespmem:v26+s18+$0x0], $0xffff;
	_ =	sdelay $0x2  }
0x17a: {  	v22 =	vld.idx.msk [tilespmem:v22+s17+$0x0], $0xffff  }
0x17b: {  	v23 =	vld.idx.msk [tilespmem:v23+s18+$0x0], $0xffff  }
0x17c: {  	v47 =	vshll.u32 v25, $0x10;
	v48 =	vshll.u32 v46, $0x10  }
0x17d: {  	v26 =	vmul.f32 v48, v47  }
0x17e: {  	v25 =	vand.u32 $0xFFFF0000, v25;
	v24 =	vand.u32 $0xFFFF0000, v46  }
0x17f: {  	v24 =	vmul.f32 v24, v25;
	v26 =	vmul.f32 v26, v18  }
0x180: {  	v49 =	vshll.u32 v22, $0x10;
	v50 =	vshll.u32 v23, $0x10  }
0x181: {  	v25 =	vmul.f32 v50, v49;
	v24 =	vmul.f32 v24, v20;
	v26 =	vadd.f32 $0.0e+00, v26  }
0x182: {  	v22 =	vand.u32 $0xFFFF0000, v22;
	v23 =	vand.u32 $0xFFFF0000, v23  }
0x183: {  	v22 =	vmul.f32 v23, v22;
	v25 =	vmul.f32 v25, v19;
	v24 =	vadd.f32 v26, v24  }
0x184: {  	s30 =	sadd.s32 $0xFFFFFFFC, s26  }
0x185: {  	v51 =	vmov s30;
	v22 =	vmul.f32 v22, v21;
	v23 =	vadd.f32 v25, v24;
	_ =	sdelay $0x1  }
0x186: {  	v22 =	vadd.f32 v23, v22;
	_ =	sdelay $0x1  }
0x187: {  	[tilespmem:$0x10B20] =	vst v22  }
0x188: {  	v22 =	vld.idx.msk [tilespmem:v51+s21+$0x0], $0xffff  }
0x189: {  	v23 =	vld.idx.msk [tilespmem:v51+s22+$0x0], $0xffff;
	_ =	sdelay $0x3  }
0x18a: {  	v52 =	vadd.s32 v0, v22  }
0x18b: {  	v24 =	vshll.u32 v51, $0x7;
	v54 =	vadd.s32 v0, v23;
	v53 =	vand.u32 $0xFFFFFF80, v52  }
0x18c: {  	v25 =	vand.u32 $0x7F, v52;
	v55 =	vand.u32 $0xFFFFFF80, v54;
	v26 =	vadd.s32 v24, v53  }
0x18d: {  	v56 =	vand.u32 $0x7F, v54;
	v57 =	vadd.s32 v24, v55;
	v25 =	vor.u32 v25, v26  }
0x18e: {  	v22 =	vadd.s32 v2, v22;
	v26 =	vor.u32 v56, v57  }
0x18f: {  	v23 =	vadd.s32 v2, v23;
	v58 =	vand.u32 $0xFFFFFF80, v22  }
0x190: {  	v22 =	vand.u32 $0x7F, v22;
	v59 =	vand.u32 $0xFFFFFF80, v23;
	v27 =	vadd.s32 v24, v58  }
0x191: {  	v23 =	vand.u32 $0x7F, v23;
	v24 =	vadd.s32 v24, v59;
	v22 =	vor.u32 v22, v27  }
0x192: {  	v23 =	vor.u32 v23, v24;
	v25 =	vld.idx.msk [tilespmem:v25+s17+$0x0], $0xffff  }
0x193: {  	v60 =	vld.idx.msk [tilespmem:v26+s18+$0x0], $0xffff;
	_ =	sdelay $0x2  }
0x194: {  	v22 =	vld.idx.msk [tilespmem:v22+s17+$0x0], $0xffff  }
0x195: {  	v23 =	vld.idx.msk [tilespmem:v23+s18+$0x0], $0xffff  }
0x196: {  	v61 =	vshll.u32 v25, $0x10;
	v62 =	vshll.u32 v60, $0x10  }
0x197: {  	v26 =	vmul.f32 v62, v61  }
0x198: {  	v25 =	vand.u32 $0xFFFF0000, v25;
	v24 =	vand.u32 $0xFFFF0000, v60  }
0x199: {  	v24 =	vmul.f32 v24, v25;
	v26 =	vmul.f32 v26, v18  }
0x19a: {  	v63 =	vshll.u32 v22, $0x10;
	v30 =	vshll.u32 v23, $0x10  }
0x19b: {  	v25 =	vmul.f32 v30, v63;
	v24 =	vmul.f32 v24, v20;
	v26 =	vadd.f32 $0.0e+00, v26  }
0x19c: {  	v22 =	vand.u32 $0xFFFF0000, v22;
	v23 =	vand.u32 $0xFFFF0000, v23  }
0x19d: {  	v22 =	vmul.f32 v23, v22;
	v25 =	vmul.f32 v25, v19;
	v24 =	vadd.f32 v26, v24  }
0x19e: {  	s31 =	sadd.s32 $0xFFFFFFFD, s26  }
0x19f: {  	v31 =	vmov s31;
	v22 =	vmul.f32 v22, v21;
	v23 =	vadd.f32 v25, v24;
	_ =	sdelay $0x1  }
0x1a0: {  	v22 =	vadd.f32 v23, v22;
	_ =	sdelay $0x1  }
0x1a1: {  	[tilespmem:$0x10B30] =	vst v22  }
0x1a2: {  	v22 =	vld.idx.msk [tilespmem:v31+s21+$0x0], $0xffff  }
0x1a3: {  	v23 =	vld.idx.msk [tilespmem:v31+s22+$0x0], $0xffff;
	_ =	sdelay $0x3  }
0x1a4: {  	v32 =	vadd.s32 v0, v22  }
0x1a5: {  	v24 =	vshll.u32 v31, $0x7;
	v34 =	vadd.s32 v0, v23;
	v33 =	vand.u32 $0xFFFFFF80, v32  }
0x1a6: {  	v25 =	vand.u32 $0x7F, v32;
	v35 =	vand.u32 $0xFFFFFF80, v34;
	v26 =	vadd.s32 v24, v33  }
0x1a7: {  	v36 =	vand.u32 $0x7F, v34;
	v37 =	vadd.s32 v24, v35;
	v25 =	vor.u32 v25, v26  }
0x1a8: {  	v22 =	vadd.s32 v2, v22;
	v26 =	vor.u32 v36, v37  }
0x1a9: {  	v23 =	vadd.s32 v2, v23;
	v38 =	vand.u32 $0xFFFFFF80, v22  }
0x1aa: {  	v22 =	vand.u32 $0x7F, v22;
	v39 =	vand.u32 $0xFFFFFF80, v23;
	v27 =	vadd.s32 v24, v38  }
0x1ab: {  	v23 =	vand.u32 $0x7F, v23;
	v24 =	vadd.s32 v24, v39;
	v22 =	vor.u32 v22, v27  }
0x1ac: {  	v23 =	vor.u32 v23, v24;
	v25 =	vld.idx.msk [tilespmem:v25+s17+$0x0], $0xffff  }
0x1ad: {  	v40 =	vld.idx.msk [tilespmem:v26+s18+$0x0], $0xffff;
	_ =	sdelay $0x2  }
0x1ae: {  	v22 =	vld.idx.msk [tilespmem:v22+s17+$0x0], $0xffff  }
0x1af: {  	v23 =	vld.idx.msk [tilespmem:v23+s18+$0x0], $0xffff  }
0x1b0: {  	v41 =	vshll.u32 v25, $0x10;
	v42 =	vshll.u32 v40, $0x10  }
0x1b1: {  	v26 =	vmul.f32 v42, v41  }
0x1b2: {  	v25 =	vand.u32 $0xFFFF0000, v25;
	v24 =	vand.u32 $0xFFFF0000, v40  }
0x1b3: {  	v24 =	vmul.f32 v24, v25;
	v26 =	vmul.f32 v26, v18  }
0x1b4: {  	v43 =	vshll.u32 v22, $0x10;
	v44 =	vshll.u32 v23, $0x10  }
0x1b5: {  	v25 =	vmul.f32 v44, v43;
	v24 =	vmul.f32 v24, v20;
	v26 =	vadd.f32 $0.0e+00, v26  }
0x1b6: {  	v22 =	vand.u32 $0xFFFF0000, v22;
	v23 =	vand.u32 $0xFFFF0000, v23  }
0x1b7: {  	v22 =	vmul.f32 v23, v22;
	v25 =	vmul.f32 v25, v19;
	v24 =	vadd.f32 v26, v24  }
0x1b8: {  	s30 =	sadd.s32 $0xFFFFFFFE, s26  }
0x1b9: {  	v45 =	vmov s30;
	v22 =	vmul.f32 v22, v21;
	v23 =	vadd.f32 v25, v24;
	_ =	sdelay $0x1  }
0x1ba: {  	v22 =	vadd.f32 v23, v22;
	_ =	sdelay $0x1  }
0x1bb: {  	[tilespmem:$0x10B40] =	vst v22  }
0x1bc: {  	v22 =	vld.idx.msk [tilespmem:v45+s21+$0x0], $0xffff  }
0x1bd: {  	v23 =	vld.idx.msk [tilespmem:v45+s22+$0x0], $0xffff;
	_ =	sdelay $0x3  }
0x1be: {  	v46 =	vadd.s32 v0, v22  }
0x1bf: {  	v24 =	vshll.u32 v45, $0x7;
	v48 =	vadd.s32 v0, v23;
	v47 =	vand.u32 $0xFFFFFF80, v46  }
0x1c0: {  	v25 =	vand.u32 $0x7F, v46;
	v49 =	vand.u32 $0xFFFFFF80, v48;
	v26 =	vadd.s32 v24, v47  }
0x1c1: {  	v50 =	vand.u32 $0x7F, v48;
	v51 =	vadd.s32 v24, v49;
	v25 =	vor.u32 v25, v26  }
0x1c2: {  	v22 =	vadd.s32 v2, v22;
	v26 =	vor.u32 v50, v51  }
0x1c3: {  	v23 =	vadd.s32 v2, v23;
	v52 =	vand.u32 $0xFFFFFF80, v22  }
0x1c4: {  	v22 =	vand.u32 $0x7F, v22;
	v53 =	vand.u32 $0xFFFFFF80, v23;
	v27 =	vadd.s32 v24, v52  }
0x1c5: {  	v23 =	vand.u32 $0x7F, v23;
	v24 =	vadd.s32 v24, v53;
	v22 =	vor.u32 v22, v27  }
0x1c6: {  	v23 =	vor.u32 v23, v24;
	v25 =	vld.idx.msk [tilespmem:v25+s17+$0x0], $0xffff  }
0x1c7: {  	v54 =	vld.idx.msk [tilespmem:v26+s18+$0x0], $0xffff;
	_ =	sdelay $0x2  }
0x1c8: {  	v22 =	vld.idx.msk [tilespmem:v22+s17+$0x0], $0xffff  }
0x1c9: {  	v23 =	vld.idx.msk [tilespmem:v23+s18+$0x0], $0xffff  }
0x1ca: {  	v55 =	vshll.u32 v25, $0x10;
	v56 =	vshll.u32 v54, $0x10  }
0x1cb: {  	v26 =	vmul.f32 v56, v55  }
0x1cc: {  	v25 =	vand.u32 $0xFFFF0000, v25;
	v24 =	vand.u32 $0xFFFF0000, v54  }
0x1cd: {  	v24 =	vmul.f32 v24, v25;
	v26 =	vmul.f32 v26, v18  }
0x1ce: {  	v57 =	vshll.u32 v22, $0x10;
	v58 =	vshll.u32 v23, $0x10  }
0x1cf: {  	v25 =	vmul.f32 v58, v57;
	v24 =	vmul.f32 v24, v20;
	v26 =	vadd.f32 $0.0e+00, v26  }
0x1d0: {  	v22 =	vand.u32 $0xFFFF0000, v22;
	v23 =	vand.u32 $0xFFFF0000, v23  }
0x1d1: {  	v22 =	vmul.f32 v23, v22;
	v25 =	vmul.f32 v25, v19;
	v24 =	vadd.f32 v26, v24  }
0x1d2: {  	s31 =	sadd.s32 $0xFFFFFFFF, s26  }
0x1d3: {  	v59 =	vmov s31;
	v22 =	vmul.f32 v22, v21;
	v23 =	vadd.f32 v25, v24;
	_ =	sdelay $0x1  }
0x1d4: {  	v22 =	vadd.f32 v23, v22;
	_ =	sdelay $0x1  }
0x1d5: {  	[tilespmem:$0x10B50] =	vst v22  }
0x1d6: {  	v22 =	vld.idx.msk [tilespmem:v59+s21+$0x0], $0xffff  }
0x1d7: {  	v23 =	vld.idx.msk [tilespmem:v59+s22+$0x0], $0xffff;
	_ =	sdelay $0x3  }
0x1d8: {  	v60 =	vadd.s32 v0, v22  }
0x1d9: {  	v24 =	vshll.u32 v59, $0x7;
	v62 =	vadd.s32 v0, v23;
	v61 =	vand.u32 $0xFFFFFF80, v60  }
0x1da: {  	v25 =	vand.u32 $0x7F, v60;
	v63 =	vand.u32 $0xFFFFFF80, v62;
	v26 =	vadd.s32 v24, v61  }
0x1db: {  	v31 =	vand.u32 $0x7F, v62;
	v32 =	vadd.s32 v24, v63;
	v25 =	vor.u32 v25, v26  }
0x1dc: {  	v22 =	vadd.s32 v2, v22;
	v26 =	vor.u32 v31, v32  }
0x1dd: {  	v23 =	vadd.s32 v2, v23;
	v33 =	vand.u32 $0xFFFFFF80, v22  }
0x1de: {  	v22 =	vand.u32 $0x7F, v22;
	v34 =	vand.u32 $0xFFFFFF80, v23;
	v27 =	vadd.s32 v24, v33  }
0x1df: {  	v23 =	vand.u32 $0x7F, v23;
	v24 =	vadd.s32 v24, v34;
	v22 =	vor.u32 v22, v27  }
0x1e0: {  	v23 =	vor.u32 v23, v24;
	v25 =	vld.idx.msk [tilespmem:v25+s17+$0x0], $0xffff  }
0x1e1: {  	v35 =	vld.idx.msk [tilespmem:v26+s18+$0x0], $0xffff;
	_ =	sdelay $0x2  }
0x1e2: {  	v22 =	vld.idx.msk [tilespmem:v22+s17+$0x0], $0xffff  }
0x1e3: {  	v23 =	vld.idx.msk [tilespmem:v23+s18+$0x0], $0xffff  }
0x1e4: {  	v36 =	vshll.u32 v25, $0x10;
	v37 =	vshll.u32 v35, $0x10  }
0x1e5: {  	v26 =	vmul.f32 v37, v36  }
0x1e6: {  	v25 =	vand.u32 $0xFFFF0000, v25;
	v24 =	vand.u32 $0xFFFF0000, v35  }
0x1e7: {  	v24 =	vmul.f32 v24, v25;
	v26 =	vmul.f32 v26, v18  }
0x1e8: {  	v38 =	vshll.u32 v22, $0x10;
	v39 =	vshll.u32 v23, $0x10  }
0x1e9: {  	v25 =	vmul.f32 v39, v38;
	v24 =	vmul.f32 v24, v20;
	v26 =	vadd.f32 $0.0e+00, v26  }
0x1ea: {  	v22 =	vand.u32 $0xFFFF0000, v22;
	v23 =	vand.u32 $0xFFFF0000, v23  }
0x1eb: {  	v22 =	vmul.f32 v23, v22;
	v25 =	vmul.f32 v25, v19;
	v24 =	vadd.f32 v26, v24;
	_ =	sdelay $0x1  }
0x1ec: {  	v40 =	vmov s26;
	v22 =	vmul.f32 v22, v21;
	v23 =	vadd.f32 v25, v24;
	_ =	sdelay $0x1  }
0x1ed: {  	v22 =	vadd.f32 v23, v22;
	_ =	sdelay $0x1  }
0x1ee: {  	[tilespmem:$0x10B60] =	vst v22  }
0x1ef: {  	v22 =	vld.idx.msk [tilespmem:v40+s21+$0x0], $0xffff  }
0x1f0: {  	v23 =	vld.idx.msk [tilespmem:v40+s22+$0x0], $0xffff;
	_ =	sdelay $0x3  }
0x1f1: {  	v41 =	vadd.s32 v0, v22  }
0x1f2: {  	v24 =	vshll.u32 v40, $0x7;
	v43 =	vadd.s32 v0, v23;
	v42 =	vand.u32 $0xFFFFFF80, v41  }
0x1f3: {  	v25 =	vand.u32 $0x7F, v41;
	v44 =	vand.u32 $0xFFFFFF80, v43;
	v26 =	vadd.s32 v24, v42  }
0x1f4: {  	v45 =	vand.u32 $0x7F, v43;
	v46 =	vadd.s32 v24, v44;
	v25 =	vor.u32 v25, v26  }
0x1f5: {  	v22 =	vadd.s32 v2, v22;
	v26 =	vor.u32 v45, v46  }
0x1f6: {  	v23 =	vadd.s32 v2, v23;
	v47 =	vand.u32 $0xFFFFFF80, v22  }
0x1f7: {  	v22 =	vand.u32 $0x7F, v22;
	v48 =	vand.u32 $0xFFFFFF80, v23;
	v27 =	vadd.s32 v24, v47  }
0x1f8: {  	v23 =	vand.u32 $0x7F, v23;
	v24 =	vadd.s32 v24, v48;
	v22 =	vor.u32 v22, v27  }
0x1f9: {  	v23 =	vor.u32 v23, v24;
	v25 =	vld.idx.msk [tilespmem:v25+s17+$0x0], $0xffff  }
0x1fa: {  	v49 =	vld.idx.msk [tilespmem:v26+s18+$0x0], $0xffff;
	_ =	sdelay $0x2  }
0x1fb: {  	v22 =	vld.idx.msk [tilespmem:v22+s17+$0x0], $0xffff  }
0x1fc: {  	v23 =	vld.idx.msk [tilespmem:v23+s18+$0x0], $0xffff  }
0x1fd: {  	v50 =	vshll.u32 v25, $0x10;
	v51 =	vshll.u32 v49, $0x10  }
0x1fe: {  	v26 =	vmul.f32 v51, v50  }
0x1ff: {  	v25 =	vand.u32 $0xFFFF0000, v25;
	v24 =	vand.u32 $0xFFFF0000, v49  }
0x200: {  	v24 =	vmul.f32 v24, v25;
	v26 =	vmul.f32 v26, v18  }
0x201: {  	v52 =	vshll.u32 v22, $0x10;
	v53 =	vshll.u32 v23, $0x10  }
0x202: {  	v25 =	vmul.f32 v53, v52;
	v24 =	vmul.f32 v24, v20;
	v26 =	vadd.f32 $0.0e+00, v26  }
0x203: {  	v22 =	vand.u32 $0xFFFF0000, v22;
	v23 =	vand.u32 $0xFFFF0000, v23  }
0x204: {  	v22 =	vmul.f32 v23, v22;
	v25 =	vmul.f32 v25, v19;
	v24 =	vadd.f32 v26, v24;
	_ =	sdelay $0x1  }
0x205: {  	v22 =	vmul.f32 v22, v21;
	v23 =	vadd.f32 v25, v24;
	_ =	sdelay $0x1  }
0x206: {  	v22 =	vadd.f32 v23, v22;
	_ =	sdelay $0x1  }
0x207: {  	[tilespmem:$0x10B70] =	vst v22  }
0x208: {  	v22 =	vld.idx.msk [tilespmem:v1+s23+$0x0], $0xffff  }
0x209: {  	v23 =	vld.idx.msk [tilespmem:v3+s23+$0x0], $0xffff;
	_ =	sdelay $0x1  }
0x20a: {  	v54 =	vld.idx.msk [tilespmem:v4+s23+$0x0], $0xffff;
	_ =	sdelay $0x1  }
0x20b: {  	v55 =	vld.idx.msk [tilespmem:v5+s23+$0x0], $0xffff  }
0x20c: {  	v22 =	vadd.f32 v23, v22  }
0x20d: {  	v23 =	vld.idx.msk [tilespmem:v6+s23+$0x0], $0xffff  }
0x20e: {  	v22 =	vadd.f32 v54, v22  }
0x20f: {  	v56 =	vld.idx.msk [tilespmem:v7+s23+$0x0], $0xffff  }
0x210: {  	v22 =	vadd.f32 v55, v22  }
0x211: {  	v57 =	vld.idx.msk [tilespmem:v8+s23+$0x0], $0xffff  }
0x212: {  	v22 =	vadd.f32 v23, v22  }
0x213: {  	v23 =	vld.idx.msk [tilespmem:v9+s23+$0x0], $0xffff  }
0x214: {  	v22 =	vadd.f32 v56, v22  }
0x215: {  	v58 =	vld.idx.msk [tilespmem:v10+s23+$0x0], $0xffff  }
0x216: {  	v22 =	vadd.f32 v57, v22  }
0x217: {  	v59 =	vld.idx.msk [tilespmem:v11+s23+$0x0], $0xffff  }
0x218: {  	v22 =	vadd.f32 v23, v22  }
0x219: {  	v23 =	vld.idx.msk [tilespmem:v12+s23+$0x0], $0xffff  }
0x21a: {  	v22 =	vadd.f32 v58, v22  }
0x21b: {  	v60 =	vld.idx.msk [tilespmem:v13+s23+$0x0], $0xffff  }
0x21c: {  	v22 =	vadd.f32 v59, v22  }
0x21d: {  	v61 =	vld.idx.msk [tilespmem:v14+s23+$0x0], $0xffff  }
0x21e: {  	v22 =	vadd.f32 v23, v22  }
0x21f: {  	v23 =	vld.idx.msk [tilespmem:v15+s23+$0x0], $0xffff  }
0x220: {  	v22 =	vadd.f32 v60, v22  }
0x221: {  	v62 =	vld.idx.msk [tilespmem:v16+s23+$0x0], $0xffff  }
0x222: {  	v22 =	vadd.f32 v61, v22  }
0x223: {  	v63 =	vld.idx.msk [tilespmem:v17+s23+$0x0], $0xffff  }
0x224: {  	v22 =	vadd.f32 v23, v22  }
0x225: {  	p0 =	sne.s32 s26, $0xFF  }
.Ltmp4:
0x226: {  	v22 =	vadd.f32 v62, v22;
	(pc) =	sbr.rel @p0 .LBB2_10-.Ltmp4, $3  }
0x227: {  	_ = 	snop  }
0x228: {  	v22 =	vadd.f32 v63, v22;
	_ =	sdelay $0x1  }
0x229: {  	s26 =	sadd.s32 $0x10, s26;
	[tilespmem:s28+$0x0] =	vst v22;
	s28 =	sadd.s32 $0x10, s28  }
0x22a: {  	[tilespmem:s17], [sflag:$0x1] =	stream.indirect.gather [hbm4b:s4+s13], $0x80, s13, s13, $0xb8;
	[tilespmem:$0x10B80] =	vst v63  }
0x22b: {  	_ = 	snop  }
0x22c: {  	[tilespmem:s18], [sflag:$0x2] =	stream.indirect.gather [hbm4b:s5+s13], $0x80, s15, s13, $0xb8;
	[tilespmem:$0x10B80] =	vst v63  }
0x22d: {  	_ =	swait.ge [sflag:s19], $0x8000  }
0x22e: {  	[sflag:s19] =	ssyncset.done $0x0  }
0x22f: {  	[sflag:s19] =	ssyncadd.s32 $0xFFFF8000  }
0x230: {  	_ =	swait.ge [sflag:s20], $0x8000  }
0x231: {  	[sflag:s20] =	ssyncset.done $0x0  }
0x232: {  	s26 =	simm.s32 $0x0;
	[sflag:s20] =	ssyncadd.s32 $0xFFFF8000  }
.LBB2_12:
0x233: {  	v22 =	vmov s26  }
0x234: {  	v23 =	vor.u32 $0x100, v22;
	_ =	sdelay $0x4  }
0x235: {  	v24 =	vld.idx.msk [tilespmem:v23+s21+$0x0], $0xffff  }
0x236: {  	v23 =	vld.idx.msk [tilespmem:v23+s22+$0x0], $0xffff;
	_ =	sdelay $0x3  }
0x237: {  	v25 =	vadd.s32 v0, v24  }
0x238: {  	v22 =	vshll.u32 v22, $0x7;
	v27 =	vadd.s32 v0, v23;
	v26 =	vand.u32 $0xFFFFFF80, v25  }
0x239: {  	v25 =	vand.u32 $0x7F, v25;
	v28 =	vand.u32 $0xFFFFFF80, v27;
	v26 =	vadd.s32 v22, v26  }
0x23a: {  	v58 =	vand.u32 $0x7F, v27;
	v59 =	vadd.s32 v22, v28;
	v25 =	vor.u32 v25, v26  }
0x23b: {  	v24 =	vadd.s32 v2, v24;
	v26 =	vor.u32 v58, v59  }
0x23c: {  	v23 =	vadd.s32 v2, v23;
	v60 =	vand.u32 $0xFFFFFF80, v24  }
0x23d: {  	v24 =	vand.u32 $0x7F, v24;
	v61 =	vand.u32 $0xFFFFFF80, v23;
	v27 =	vadd.s32 v22, v60  }
0x23e: {  	v23 =	vand.u32 $0x7F, v23;
	v22 =	vadd.s32 v22, v61;
	v24 =	vor.u32 v24, v27  }
0x23f: {  	v22 =	vor.u32 v23, v22;
	v25 =	vld.idx.msk [tilespmem:v25+s17+$0x0], $0xffff  }
0x240: {  	v23 =	vld.idx.msk [tilespmem:v26+s18+$0x0], $0xffff;
	_ =	sdelay $0x2  }
0x241: {  	v24 =	vld.idx.msk [tilespmem:v24+s17+$0x0], $0xffff  }
0x242: {  	v22 =	vld.idx.msk [tilespmem:v22+s18+$0x0], $0xffff  }
0x243: {  	v62 =	vshll.u32 v25, $0x10;
	v63 =	vshll.u32 v23, $0x10  }
0x244: {  	v26 =	vmul.f32 v63, v62  }
0x245: {  	v25 =	vand.u32 $0xFFFF0000, v25;
	v23 =	vand.u32 $0xFFFF0000, v23  }
0x246: {  	v23 =	vmul.f32 v23, v25;
	v26 =	vmul.f32 v26, v18  }
0x247: {  	v30 =	vshll.u32 v24, $0x10;
	v31 =	vshll.u32 v22, $0x10  }
0x248: {  	v25 =	vmul.f32 v31, v30;
	v23 =	vmul.f32 v23, v20;
	v26 =	vadd.f32 $0.0e+00, v26  }
0x249: {  	v24 =	vand.u32 $0xFFFF0000, v24;
	v22 =	vand.u32 $0xFFFF0000, v22  }
0x24a: {  	s28 =	sadd.s32 $0x1, s26;
	v22 =	vmul.f32 v22, v24;
	v25 =	vmul.f32 v25, v19;
	v23 =	vadd.f32 v26, v23  }
0x24b: {  	v32 =	vmov s28  }
0x24c: {  	v33 =	vor.u32 $0x100, v32;
	v22 =	vmul.f32 v22, v21;
	v23 =	vadd.f32 v25, v23;
	_ =	sdelay $0x1  }
0x24d: {  	v22 =	vadd.f32 v23, v22;
	_ =	sdelay $0x1  }
0x24e: {  	[tilespmem:$0x10A80] =	vst v22  }
0x24f: {  	v22 =	vld.idx.msk [tilespmem:v33+s21+$0x0], $0xffff  }
0x250: {  	v23 =	vld.idx.msk [tilespmem:v33+s22+$0x0], $0xffff;
	_ =	sdelay $0x3  }
0x251: {  	v34 =	vadd.s32 v0, v22  }
0x252: {  	v24 =	vshll.u32 v32, $0x7;
	v36 =	vadd.s32 v0, v23;
	v35 =	vand.u32 $0xFFFFFF80, v34  }
0x253: {  	v25 =	vand.u32 $0x7F, v34;
	v37 =	vand.u32 $0xFFFFFF80, v36;
	v26 =	vadd.s32 v24, v35  }
0x254: {  	v38 =	vand.u32 $0x7F, v36;
	v39 =	vadd.s32 v24, v37;
	v25 =	vor.u32 v25, v26  }
0x255: {  	v22 =	vadd.s32 v2, v22;
	v26 =	vor.u32 v38, v39  }
0x256: {  	v23 =	vadd.s32 v2, v23;
	v40 =	vand.u32 $0xFFFFFF80, v22  }
0x257: {  	v22 =	vand.u32 $0x7F, v22;
	v41 =	vand.u32 $0xFFFFFF80, v23;
	v27 =	vadd.s32 v24, v40  }
0x258: {  	v23 =	vand.u32 $0x7F, v23;
	v24 =	vadd.s32 v24, v41;
	v22 =	vor.u32 v22, v27  }
0x259: {  	v23 =	vor.u32 v23, v24;
	v25 =	vld.idx.msk [tilespmem:v25+s17+$0x0], $0xffff  }
0x25a: {  	v42 =	vld.idx.msk [tilespmem:v26+s18+$0x0], $0xffff;
	_ =	sdelay $0x2  }
0x25b: {  	v22 =	vld.idx.msk [tilespmem:v22+s17+$0x0], $0xffff  }
0x25c: {  	v23 =	vld.idx.msk [tilespmem:v23+s18+$0x0], $0xffff  }
0x25d: {  	v43 =	vshll.u32 v25, $0x10;
	v44 =	vshll.u32 v42, $0x10  }
0x25e: {  	v26 =	vmul.f32 v44, v43  }
0x25f: {  	v25 =	vand.u32 $0xFFFF0000, v25;
	v24 =	vand.u32 $0xFFFF0000, v42  }
0x260: {  	v24 =	vmul.f32 v24, v25;
	v26 =	vmul.f32 v26, v18  }
0x261: {  	v45 =	vshll.u32 v22, $0x10;
	v46 =	vshll.u32 v23, $0x10  }
0x262: {  	v25 =	vmul.f32 v46, v45;
	v24 =	vmul.f32 v24, v20;
	v26 =	vadd.f32 $0.0e+00, v26  }
0x263: {  	v22 =	vand.u32 $0xFFFF0000, v22;
	v23 =	vand.u32 $0xFFFF0000, v23  }
0x264: {  	s29 =	sadd.s32 $0x2, s26;
	v22 =	vmul.f32 v23, v22;
	v25 =	vmul.f32 v25, v19;
	v24 =	vadd.f32 v26, v24  }
0x265: {  	v23 =	vmov s29  }
0x266: {  	v47 =	vor.u32 $0x100, v23;
	v22 =	vmul.f32 v22, v21;
	v24 =	vadd.f32 v25, v24;
	_ =	sdelay $0x1  }
0x267: {  	v22 =	vadd.f32 v24, v22;
	_ =	sdelay $0x1  }
0x268: {  	[tilespmem:$0x10A90] =	vst v22  }
0x269: {  	v22 =	vld.idx.msk [tilespmem:v47+s21+$0x0], $0xffff  }
0x26a: {  	v48 =	vld.idx.msk [tilespmem:v47+s22+$0x0], $0xffff;
	_ =	sdelay $0x3  }
0x26b: {  	v49 =	vadd.s32 v0, v22  }
0x26c: {  	v23 =	vshll.u32 v23, $0x7;
	v51 =	vadd.s32 v0, v48;
	v50 =	vand.u32 $0xFFFFFF80, v49  }
0x26d: {  	v25 =	vand.u32 $0x7F, v49;
	v52 =	vand.u32 $0xFFFFFF80, v51;
	v26 =	vadd.s32 v23, v50  }
0x26e: {  	v53 =	vand.u32 $0x7F, v51;
	v54 =	vadd.s32 v23, v52;
	v25 =	vor.u32 v25, v26  }
0x26f: {  	v22 =	vadd.s32 v2, v22;
	v26 =	vor.u32 v53, v54  }
0x270: {  	v24 =	vadd.s32 v2, v48;
	v55 =	vand.u32 $0xFFFFFF80, v22  }
0x271: {  	v22 =	vand.u32 $0x7F, v22;
	v56 =	vand.u32 $0xFFFFFF80, v24;
	v27 =	vadd.s32 v23, v55  }
0x272: {  	v24 =	vand.u32 $0x7F, v24;
	v23 =	vadd.s32 v23, v56;
	v22 =	vor.u32 v22, v27  }
0x273: {  	v23 =	vor.u32 v24, v23;
	v25 =	vld.idx.msk [tilespmem:v25+s17+$0x0], $0xffff  }
0x274: {  	v57 =	vld.idx.msk [tilespmem:v26+s18+$0x0], $0xffff;
	_ =	sdelay $0x2  }
0x275: {  	v22 =	vld.idx.msk [tilespmem:v22+s17+$0x0], $0xffff  }
0x276: {  	v23 =	vld.idx.msk [tilespmem:v23+s18+$0x0], $0xffff  }
0x277: {  	v58 =	vshll.u32 v25, $0x10;
	v59 =	vshll.u32 v57, $0x10  }
0x278: {  	v26 =	vmul.f32 v59, v58  }
0x279: {  	v25 =	vand.u32 $0xFFFF0000, v25;
	v24 =	vand.u32 $0xFFFF0000, v57  }
0x27a: {  	v24 =	vmul.f32 v24, v25;
	v26 =	vmul.f32 v26, v18  }
0x27b: {  	v60 =	vshll.u32 v22, $0x10;
	v61 =	vshll.u32 v23, $0x10  }
0x27c: {  	v25 =	vmul.f32 v61, v60;
	v24 =	vmul.f32 v24, v20;
	v26 =	vadd.f32 $0.0e+00, v26  }
0x27d: {  	v22 =	vand.u32 $0xFFFF0000, v22;
	v23 =	vand.u32 $0xFFFF0000, v23  }
0x27e: {  	s30 =	sadd.s32 $0x3, s26;
	v22 =	vmul.f32 v23, v22;
	v25 =	vmul.f32 v25, v19;
	v24 =	vadd.f32 v26, v24  }
0x27f: {  	v23 =	vmov s30  }
0x280: {  	v62 =	vor.u32 $0x100, v23;
	v22 =	vmul.f32 v22, v21;
	v24 =	vadd.f32 v25, v24;
	_ =	sdelay $0x1  }
0x281: {  	v22 =	vadd.f32 v24, v22;
	_ =	sdelay $0x1  }
0x282: {  	[tilespmem:$0x10AA0] =	vst v22  }
0x283: {  	v22 =	vld.idx.msk [tilespmem:v62+s21+$0x0], $0xffff  }
0x284: {  	v63 =	vld.idx.msk [tilespmem:v62+s22+$0x0], $0xffff;
	_ =	sdelay $0x3  }
0x285: {  	v30 =	vadd.s32 v0, v22  }
0x286: {  	v23 =	vshll.u32 v23, $0x7;
	v32 =	vadd.s32 v0, v63;
	v31 =	vand.u32 $0xFFFFFF80, v30  }
0x287: {  	v25 =	vand.u32 $0x7F, v30;
	v33 =	vand.u32 $0xFFFFFF80, v32;
	v26 =	vadd.s32 v23, v31  }
0x288: {  	v34 =	vand.u32 $0x7F, v32;
	v35 =	vadd.s32 v23, v33;
	v25 =	vor.u32 v25, v26  }
0x289: {  	v22 =	vadd.s32 v2, v22;
	v26 =	vor.u32 v34, v35  }
0x28a: {  	v24 =	vadd.s32 v2, v63;
	v36 =	vand.u32 $0xFFFFFF80, v22  }
0x28b: {  	v22 =	vand.u32 $0x7F, v22;
	v37 =	vand.u32 $0xFFFFFF80, v24;
	v27 =	vadd.s32 v23, v36  }
0x28c: {  	v24 =	vand.u32 $0x7F, v24;
	v23 =	vadd.s32 v23, v37;
	v22 =	vor.u32 v22, v27  }
0x28d: {  	v23 =	vor.u32 v24, v23;
	v25 =	vld.idx.msk [tilespmem:v25+s17+$0x0], $0xffff  }
0x28e: {  	v38 =	vld.idx.msk [tilespmem:v26+s18+$0x0], $0xffff;
	_ =	sdelay $0x2  }
0x28f: {  	v22 =	vld.idx.msk [tilespmem:v22+s17+$0x0], $0xffff  }
0x290: {  	v23 =	vld.idx.msk [tilespmem:v23+s18+$0x0], $0xffff  }
0x291: {  	v39 =	vshll.u32 v25, $0x10;
	v40 =	vshll.u32 v38, $0x10  }
0x292: {  	v26 =	vmul.f32 v40, v39  }
0x293: {  	v25 =	vand.u32 $0xFFFF0000, v25;
	v24 =	vand.u32 $0xFFFF0000, v38  }
0x294: {  	v24 =	vmul.f32 v24, v25;
	v26 =	vmul.f32 v26, v18  }
0x295: {  	v41 =	vshll.u32 v22, $0x10;
	v42 =	vshll.u32 v23, $0x10  }
0x296: {  	v25 =	vmul.f32 v42, v41;
	v24 =	vmul.f32 v24, v20;
	v26 =	vadd.f32 $0.0e+00, v26  }
0x297: {  	v22 =	vand.u32 $0xFFFF0000, v22;
	v23 =	vand.u32 $0xFFFF0000, v23  }
0x298: {  	s31 =	sadd.s32 $0x4, s26;
	v22 =	vmul.f32 v23, v22;
	v25 =	vmul.f32 v25, v19;
	v24 =	vadd.f32 v26, v24  }
0x299: {  	v23 =	vmov s31  }
0x29a: {  	v43 =	vor.u32 $0x100, v23;
	v22 =	vmul.f32 v22, v21;
	v24 =	vadd.f32 v25, v24;
	_ =	sdelay $0x1  }
0x29b: {  	v22 =	vadd.f32 v24, v22;
	_ =	sdelay $0x1  }
0x29c: {  	[tilespmem:$0x10AB0] =	vst v22  }
0x29d: {  	v22 =	vld.idx.msk [tilespmem:v43+s21+$0x0], $0xffff  }
0x29e: {  	v44 =	vld.idx.msk [tilespmem:v43+s22+$0x0], $0xffff;
	_ =	sdelay $0x3  }
0x29f: {  	v45 =	vadd.s32 v0, v22  }
0x2a0: {  	v23 =	vshll.u32 v23, $0x7;
	v47 =	vadd.s32 v0, v44;
	v46 =	vand.u32 $0xFFFFFF80, v45  }
0x2a1: {  	v25 =	vand.u32 $0x7F, v45;
	v48 =	vand.u32 $0xFFFFFF80, v47;
	v26 =	vadd.s32 v23, v46  }
0x2a2: {  	v49 =	vand.u32 $0x7F, v47;
	v50 =	vadd.s32 v23, v48;
	v25 =	vor.u32 v25, v26  }
0x2a3: {  	v22 =	vadd.s32 v2, v22;
	v26 =	vor.u32 v49, v50  }
0x2a4: {  	v24 =	vadd.s32 v2, v44;
	v51 =	vand.u32 $0xFFFFFF80, v22  }
0x2a5: {  	v22 =	vand.u32 $0x7F, v22;
	v52 =	vand.u32 $0xFFFFFF80, v24;
	v27 =	vadd.s32 v23, v51  }
0x2a6: {  	v24 =	vand.u32 $0x7F, v24;
	v23 =	vadd.s32 v23, v52;
	v22 =	vor.u32 v22, v27  }
0x2a7: {  	v23 =	vor.u32 v24, v23;
	v25 =	vld.idx.msk [tilespmem:v25+s17+$0x0], $0xffff  }
0x2a8: {  	v53 =	vld.idx.msk [tilespmem:v26+s18+$0x0], $0xffff;
	_ =	sdelay $0x2  }
0x2a9: {  	v22 =	vld.idx.msk [tilespmem:v22+s17+$0x0], $0xffff  }
0x2aa: {  	v23 =	vld.idx.msk [tilespmem:v23+s18+$0x0], $0xffff  }
0x2ab: {  	v54 =	vshll.u32 v25, $0x10;
	v55 =	vshll.u32 v53, $0x10  }
0x2ac: {  	v26 =	vmul.f32 v55, v54  }
0x2ad: {  	v25 =	vand.u32 $0xFFFF0000, v25;
	v24 =	vand.u32 $0xFFFF0000, v53  }
0x2ae: {  	v24 =	vmul.f32 v24, v25;
	v26 =	vmul.f32 v26, v18  }
0x2af: {  	v56 =	vshll.u32 v22, $0x10;
	v57 =	vshll.u32 v23, $0x10  }
0x2b0: {  	v25 =	vmul.f32 v57, v56;
	v24 =	vmul.f32 v24, v20;
	v26 =	vadd.f32 $0.0e+00, v26  }
0x2b1: {  	v22 =	vand.u32 $0xFFFF0000, v22;
	v23 =	vand.u32 $0xFFFF0000, v23  }
0x2b2: {  	s29 =	sadd.s32 $0x5, s26;
	v22 =	vmul.f32 v23, v22;
	v25 =	vmul.f32 v25, v19;
	v24 =	vadd.f32 v26, v24  }
0x2b3: {  	v23 =	vmov s29  }
0x2b4: {  	v58 =	vor.u32 $0x100, v23;
	v22 =	vmul.f32 v22, v21;
	v24 =	vadd.f32 v25, v24;
	_ =	sdelay $0x1  }
0x2b5: {  	v22 =	vadd.f32 v24, v22;
	_ =	sdelay $0x1  }
0x2b6: {  	[tilespmem:$0x10AC0] =	vst v22  }
0x2b7: {  	v22 =	vld.idx.msk [tilespmem:v58+s21+$0x0], $0xffff  }
0x2b8: {  	v59 =	vld.idx.msk [tilespmem:v58+s22+$0x0], $0xffff;
	_ =	sdelay $0x3  }
0x2b9: {  	v60 =	vadd.s32 v0, v22  }
0x2ba: {  	v23 =	vshll.u32 v23, $0x7;
	v62 =	vadd.s32 v0, v59;
	v61 =	vand.u32 $0xFFFFFF80, v60  }
0x2bb: {  	v25 =	vand.u32 $0x7F, v60;
	v63 =	vand.u32 $0xFFFFFF80, v62;
	v26 =	vadd.s32 v23, v61  }
0x2bc: {  	v30 =	vand.u32 $0x7F, v62;
	v31 =	vadd.s32 v23, v63;
	v25 =	vor.u32 v25, v26  }
0x2bd: {  	v22 =	vadd.s32 v2, v22;
	v26 =	vor.u32 v30, v31  }
0x2be: {  	v24 =	vadd.s32 v2, v59;
	v32 =	vand.u32 $0xFFFFFF80, v22  }
0x2bf: {  	v22 =	vand.u32 $0x7F, v22;
	v33 =	vand.u32 $0xFFFFFF80, v24;
	v27 =	vadd.s32 v23, v32  }
0x2c0: {  	v24 =	vand.u32 $0x7F, v24;
	v23 =	vadd.s32 v23, v33;
	v22 =	vor.u32 v22, v27  }
0x2c1: {  	v23 =	vor.u32 v24, v23;
	v25 =	vld.idx.msk [tilespmem:v25+s17+$0x0], $0xffff  }
0x2c2: {  	v34 =	vld.idx.msk [tilespmem:v26+s18+$0x0], $0xffff;
	_ =	sdelay $0x2  }
0x2c3: {  	v22 =	vld.idx.msk [tilespmem:v22+s17+$0x0], $0xffff  }
0x2c4: {  	v23 =	vld.idx.msk [tilespmem:v23+s18+$0x0], $0xffff  }
0x2c5: {  	v35 =	vshll.u32 v25, $0x10;
	v36 =	vshll.u32 v34, $0x10  }
0x2c6: {  	v26 =	vmul.f32 v36, v35  }
0x2c7: {  	v25 =	vand.u32 $0xFFFF0000, v25;
	v24 =	vand.u32 $0xFFFF0000, v34  }
0x2c8: {  	v24 =	vmul.f32 v24, v25;
	v26 =	vmul.f32 v26, v18  }
0x2c9: {  	v37 =	vshll.u32 v22, $0x10;
	v38 =	vshll.u32 v23, $0x10  }
0x2ca: {  	v25 =	vmul.f32 v38, v37;
	v24 =	vmul.f32 v24, v20;
	v26 =	vadd.f32 $0.0e+00, v26  }
0x2cb: {  	v22 =	vand.u32 $0xFFFF0000, v22;
	v23 =	vand.u32 $0xFFFF0000, v23  }
0x2cc: {  	s30 =	sadd.s32 $0x6, s26;
	v22 =	vmul.f32 v23, v22;
	v25 =	vmul.f32 v25, v19;
	v24 =	vadd.f32 v26, v24  }
0x2cd: {  	v23 =	vmov s30  }
0x2ce: {  	v39 =	vor.u32 $0x100, v23;
	v22 =	vmul.f32 v22, v21;
	v24 =	vadd.f32 v25, v24;
	_ =	sdelay $0x1  }
0x2cf: {  	v22 =	vadd.f32 v24, v22;
	_ =	sdelay $0x1  }
0x2d0: {  	[tilespmem:$0x10AD0] =	vst v22  }
0x2d1: {  	v22 =	vld.idx.msk [tilespmem:v39+s21+$0x0], $0xffff  }
0x2d2: {  	v40 =	vld.idx.msk [tilespmem:v39+s22+$0x0], $0xffff;
	_ =	sdelay $0x3  }
0x2d3: {  	v41 =	vadd.s32 v0, v22  }
0x2d4: {  	v23 =	vshll.u32 v23, $0x7;
	v43 =	vadd.s32 v0, v40;
	v42 =	vand.u32 $0xFFFFFF80, v41  }
0x2d5: {  	v25 =	vand.u32 $0x7F, v41;
	v44 =	vand.u32 $0xFFFFFF80, v43;
	v26 =	vadd.s32 v23, v42  }
0x2d6: {  	v45 =	vand.u32 $0x7F, v43;
	v46 =	vadd.s32 v23, v44;
	v25 =	vor.u32 v25, v26  }
0x2d7: {  	v22 =	vadd.s32 v2, v22;
	v26 =	vor.u32 v45, v46  }
0x2d8: {  	v24 =	vadd.s32 v2, v40;
	v47 =	vand.u32 $0xFFFFFF80, v22  }
0x2d9: {  	v22 =	vand.u32 $0x7F, v22;
	v48 =	vand.u32 $0xFFFFFF80, v24;
	v27 =	vadd.s32 v23, v47  }
0x2da: {  	v24 =	vand.u32 $0x7F, v24;
	v23 =	vadd.s32 v23, v48;
	v22 =	vor.u32 v22, v27  }
0x2db: {  	v23 =	vor.u32 v24, v23;
	v25 =	vld.idx.msk [tilespmem:v25+s17+$0x0], $0xffff  }
0x2dc: {  	v49 =	vld.idx.msk [tilespmem:v26+s18+$0x0], $0xffff;
	_ =	sdelay $0x2  }
0x2dd: {  	v22 =	vld.idx.msk [tilespmem:v22+s17+$0x0], $0xffff  }
0x2de: {  	v23 =	vld.idx.msk [tilespmem:v23+s18+$0x0], $0xffff  }
0x2df: {  	v50 =	vshll.u32 v25, $0x10;
	v51 =	vshll.u32 v49, $0x10  }
0x2e0: {  	v26 =	vmul.f32 v51, v50  }
0x2e1: {  	v25 =	vand.u32 $0xFFFF0000, v25;
	v24 =	vand.u32 $0xFFFF0000, v49  }
0x2e2: {  	v24 =	vmul.f32 v24, v25;
	v26 =	vmul.f32 v26, v18  }
0x2e3: {  	v52 =	vshll.u32 v22, $0x10;
	v53 =	vshll.u32 v23, $0x10  }
0x2e4: {  	v25 =	vmul.f32 v53, v52;
	v24 =	vmul.f32 v24, v20;
	v26 =	vadd.f32 $0.0e+00, v26  }
0x2e5: {  	v22 =	vand.u32 $0xFFFF0000, v22;
	v23 =	vand.u32 $0xFFFF0000, v23  }
0x2e6: {  	s31 =	sadd.s32 $0x7, s26;
	v22 =	vmul.f32 v23, v22;
	v25 =	vmul.f32 v25, v19;
	v24 =	vadd.f32 v26, v24  }
0x2e7: {  	v23 =	vmov s31  }
0x2e8: {  	v54 =	vor.u32 $0x100, v23;
	v22 =	vmul.f32 v22, v21;
	v24 =	vadd.f32 v25, v24;
	_ =	sdelay $0x1  }
0x2e9: {  	v22 =	vadd.f32 v24, v22;
	_ =	sdelay $0x1  }
0x2ea: {  	[tilespmem:$0x10AE0] =	vst v22  }
0x2eb: {  	v22 =	vld.idx.msk [tilespmem:v54+s21+$0x0], $0xffff  }
0x2ec: {  	v55 =	vld.idx.msk [tilespmem:v54+s22+$0x0], $0xffff;
	_ =	sdelay $0x3  }
0x2ed: {  	v56 =	vadd.s32 v0, v22  }
0x2ee: {  	v23 =	vshll.u32 v23, $0x7;
	v58 =	vadd.s32 v0, v55;
	v57 =	vand.u32 $0xFFFFFF80, v56  }
0x2ef: {  	v25 =	vand.u32 $0x7F, v56;
	v59 =	vand.u32 $0xFFFFFF80, v58;
	v26 =	vadd.s32 v23, v57  }
0x2f0: {  	v60 =	vand.u32 $0x7F, v58;
	v61 =	vadd.s32 v23, v59;
	v25 =	vor.u32 v25, v26  }
0x2f1: {  	v22 =	vadd.s32 v2, v22;
	v26 =	vor.u32 v60, v61  }
0x2f2: {  	v24 =	vadd.s32 v2, v55;
	v62 =	vand.u32 $0xFFFFFF80, v22  }
0x2f3: {  	v22 =	vand.u32 $0x7F, v22;
	v63 =	vand.u32 $0xFFFFFF80, v24;
	v27 =	vadd.s32 v23, v62  }
0x2f4: {  	v24 =	vand.u32 $0x7F, v24;
	v23 =	vadd.s32 v23, v63;
	v22 =	vor.u32 v22, v27  }
0x2f5: {  	v23 =	vor.u32 v24, v23;
	v25 =	vld.idx.msk [tilespmem:v25+s17+$0x0], $0xffff  }
0x2f6: {  	v31 =	vld.idx.msk [tilespmem:v26+s18+$0x0], $0xffff;
	_ =	sdelay $0x2  }
0x2f7: {  	v22 =	vld.idx.msk [tilespmem:v22+s17+$0x0], $0xffff  }
0x2f8: {  	v23 =	vld.idx.msk [tilespmem:v23+s18+$0x0], $0xffff  }
0x2f9: {  	v32 =	vshll.u32 v25, $0x10;
	v33 =	vshll.u32 v31, $0x10  }
0x2fa: {  	v26 =	vmul.f32 v33, v32  }
0x2fb: {  	v25 =	vand.u32 $0xFFFF0000, v25;
	v24 =	vand.u32 $0xFFFF0000, v31  }
0x2fc: {  	v24 =	vmul.f32 v24, v25;
	v26 =	vmul.f32 v26, v18  }
0x2fd: {  	v34 =	vshll.u32 v22, $0x10;
	v35 =	vshll.u32 v23, $0x10  }
0x2fe: {  	v25 =	vmul.f32 v35, v34;
	v24 =	vmul.f32 v24, v20;
	v26 =	vadd.f32 $0.0e+00, v26  }
0x2ff: {  	v22 =	vand.u32 $0xFFFF0000, v22;
	v23 =	vand.u32 $0xFFFF0000, v23  }
0x300: {  	s29 =	sadd.s32 $0x8, s26;
	v22 =	vmul.f32 v23, v22;
	v25 =	vmul.f32 v25, v19;
	v24 =	vadd.f32 v26, v24  }
0x301: {  	v23 =	vmov s29  }
0x302: {  	v36 =	vor.u32 $0x100, v23;
	v22 =	vmul.f32 v22, v21;
	v24 =	vadd.f32 v25, v24;
	_ =	sdelay $0x1  }
0x303: {  	v22 =	vadd.f32 v24, v22;
	_ =	sdelay $0x1  }
0x304: {  	[tilespmem:$0x10AF0] =	vst v22  }
0x305: {  	v22 =	vld.idx.msk [tilespmem:v36+s21+$0x0], $0xffff  }
0x306: {  	v37 =	vld.idx.msk [tilespmem:v36+s22+$0x0], $0xffff;
	_ =	sdelay $0x3  }
0x307: {  	v38 =	vadd.s32 v0, v22  }
0x308: {  	v23 =	vshll.u32 v23, $0x7;
	v40 =	vadd.s32 v0, v37;
	v39 =	vand.u32 $0xFFFFFF80, v38  }
0x309: {  	v25 =	vand.u32 $0x7F, v38;
	v41 =	vand.u32 $0xFFFFFF80, v40;
	v26 =	vadd.s32 v23, v39  }
0x30a: {  	v42 =	vand.u32 $0x7F, v40;
	v43 =	vadd.s32 v23, v41;
	v25 =	vor.u32 v25, v26  }
0x30b: {  	v22 =	vadd.s32 v2, v22;
	v26 =	vor.u32 v42, v43  }
0x30c: {  	v24 =	vadd.s32 v2, v37;
	v44 =	vand.u32 $0xFFFFFF80, v22  }
0x30d: {  	v22 =	vand.u32 $0x7F, v22;
	v45 =	vand.u32 $0xFFFFFF80, v24;
	v27 =	vadd.s32 v23, v44  }
0x30e: {  	v24 =	vand.u32 $0x7F, v24;
	v23 =	vadd.s32 v23, v45;
	v22 =	vor.u32 v22, v27  }
0x30f: {  	v23 =	vor.u32 v24, v23;
	v25 =	vld.idx.msk [tilespmem:v25+s17+$0x0], $0xffff  }
0x310: {  	v46 =	vld.idx.msk [tilespmem:v26+s18+$0x0], $0xffff;
	_ =	sdelay $0x2  }
0x311: {  	v22 =	vld.idx.msk [tilespmem:v22+s17+$0x0], $0xffff  }
0x312: {  	v23 =	vld.idx.msk [tilespmem:v23+s18+$0x0], $0xffff  }
0x313: {  	v47 =	vshll.u32 v25, $0x10;
	v48 =	vshll.u32 v46, $0x10  }
0x314: {  	v26 =	vmul.f32 v48, v47  }
0x315: {  	v25 =	vand.u32 $0xFFFF0000, v25;
	v24 =	vand.u32 $0xFFFF0000, v46  }
0x316: {  	v24 =	vmul.f32 v24, v25;
	v26 =	vmul.f32 v26, v18  }
0x317: {  	v49 =	vshll.u32 v22, $0x10;
	v50 =	vshll.u32 v23, $0x10  }
0x318: {  	v25 =	vmul.f32 v50, v49;
	v24 =	vmul.f32 v24, v20;
	v26 =	vadd.f32 $0.0e+00, v26  }
0x319: {  	v22 =	vand.u32 $0xFFFF0000, v22;
	v23 =	vand.u32 $0xFFFF0000, v23  }
0x31a: {  	s30 =	sadd.s32 $0x9, s26;
	v22 =	vmul.f32 v23, v22;
	v25 =	vmul.f32 v25, v19;
	v24 =	vadd.f32 v26, v24  }
0x31b: {  	v23 =	vmov s30  }
0x31c: {  	v51 =	vor.u32 $0x100, v23;
	v22 =	vmul.f32 v22, v21;
	v24 =	vadd.f32 v25, v24;
	_ =	sdelay $0x1  }
0x31d: {  	v22 =	vadd.f32 v24, v22;
	_ =	sdelay $0x1  }
0x31e: {  	[tilespmem:$0x10B00] =	vst v22  }
0x31f: {  	v22 =	vld.idx.msk [tilespmem:v51+s21+$0x0], $0xffff  }
0x320: {  	v52 =	vld.idx.msk [tilespmem:v51+s22+$0x0], $0xffff;
	_ =	sdelay $0x3  }
0x321: {  	v53 =	vadd.s32 v0, v22  }
0x322: {  	v23 =	vshll.u32 v23, $0x7;
	v55 =	vadd.s32 v0, v52;
	v54 =	vand.u32 $0xFFFFFF80, v53  }
0x323: {  	v25 =	vand.u32 $0x7F, v53;
	v56 =	vand.u32 $0xFFFFFF80, v55;
	v26 =	vadd.s32 v23, v54  }
0x324: {  	v57 =	vand.u32 $0x7F, v55;
	v58 =	vadd.s32 v23, v56;
	v25 =	vor.u32 v25, v26  }
0x325: {  	v22 =	vadd.s32 v2, v22;
	v26 =	vor.u32 v57, v58  }
0x326: {  	v24 =	vadd.s32 v2, v52;
	v59 =	vand.u32 $0xFFFFFF80, v22  }
0x327: {  	v22 =	vand.u32 $0x7F, v22;
	v60 =	vand.u32 $0xFFFFFF80, v24;
	v27 =	vadd.s32 v23, v59  }
0x328: {  	v24 =	vand.u32 $0x7F, v24;
	v23 =	vadd.s32 v23, v60;
	v22 =	vor.u32 v22, v27  }
0x329: {  	v23 =	vor.u32 v24, v23;
	v25 =	vld.idx.msk [tilespmem:v25+s17+$0x0], $0xffff  }
0x32a: {  	v61 =	vld.idx.msk [tilespmem:v26+s18+$0x0], $0xffff;
	_ =	sdelay $0x2  }
0x32b: {  	v22 =	vld.idx.msk [tilespmem:v22+s17+$0x0], $0xffff  }
0x32c: {  	v23 =	vld.idx.msk [tilespmem:v23+s18+$0x0], $0xffff  }
0x32d: {  	v62 =	vshll.u32 v25, $0x10;
	v63 =	vshll.u32 v61, $0x10  }
0x32e: {  	v26 =	vmul.f32 v63, v62  }
0x32f: {  	v25 =	vand.u32 $0xFFFF0000, v25;
	v24 =	vand.u32 $0xFFFF0000, v61  }
0x330: {  	v24 =	vmul.f32 v24, v25;
	v26 =	vmul.f32 v26, v18  }
0x331: {  	v30 =	vshll.u32 v22, $0x10;
	v31 =	vshll.u32 v23, $0x10  }
0x332: {  	v25 =	vmul.f32 v31, v30;
	v24 =	vmul.f32 v24, v20;
	v26 =	vadd.f32 $0.0e+00, v26  }
0x333: {  	v22 =	vand.u32 $0xFFFF0000, v22;
	v23 =	vand.u32 $0xFFFF0000, v23  }
0x334: {  	s31 =	sadd.s32 $0xA, s26;
	v22 =	vmul.f32 v23, v22;
	v25 =	vmul.f32 v25, v19;
	v24 =	vadd.f32 v26, v24  }
0x335: {  	v23 =	vmov s31  }
0x336: {  	v32 =	vor.u32 $0x100, v23;
	v22 =	vmul.f32 v22, v21;
	v24 =	vadd.f32 v25, v24;
	_ =	sdelay $0x1  }
0x337: {  	v22 =	vadd.f32 v24, v22;
	_ =	sdelay $0x1  }
0x338: {  	[tilespmem:$0x10B10] =	vst v22  }
0x339: {  	v22 =	vld.idx.msk [tilespmem:v32+s21+$0x0], $0xffff  }
0x33a: {  	v33 =	vld.idx.msk [tilespmem:v32+s22+$0x0], $0xffff;
	_ =	sdelay $0x3  }
0x33b: {  	v34 =	vadd.s32 v0, v22  }
0x33c: {  	v23 =	vshll.u32 v23, $0x7;
	v36 =	vadd.s32 v0, v33;
	v35 =	vand.u32 $0xFFFFFF80, v34  }
0x33d: {  	v25 =	vand.u32 $0x7F, v34;
	v37 =	vand.u32 $0xFFFFFF80, v36;
	v26 =	vadd.s32 v23, v35  }
0x33e: {  	v38 =	vand.u32 $0x7F, v36;
	v39 =	vadd.s32 v23, v37;
	v25 =	vor.u32 v25, v26  }
0x33f: {  	v22 =	vadd.s32 v2, v22;
	v26 =	vor.u32 v38, v39  }
0x340: {  	v24 =	vadd.s32 v2, v33;
	v40 =	vand.u32 $0xFFFFFF80, v22  }
0x341: {  	v22 =	vand.u32 $0x7F, v22;
	v41 =	vand.u32 $0xFFFFFF80, v24;
	v27 =	vadd.s32 v23, v40  }
0x342: {  	v24 =	vand.u32 $0x7F, v24;
	v23 =	vadd.s32 v23, v41;
	v22 =	vor.u32 v22, v27  }
0x343: {  	v23 =	vor.u32 v24, v23;
	v25 =	vld.idx.msk [tilespmem:v25+s17+$0x0], $0xffff  }
0x344: {  	v42 =	vld.idx.msk [tilespmem:v26+s18+$0x0], $0xffff;
	_ =	sdelay $0x2  }
0x345: {  	v22 =	vld.idx.msk [tilespmem:v22+s17+$0x0], $0xffff  }
0x346: {  	v23 =	vld.idx.msk [tilespmem:v23+s18+$0x0], $0xffff  }
0x347: {  	v43 =	vshll.u32 v25, $0x10;
	v44 =	vshll.u32 v42, $0x10  }
0x348: {  	v26 =	vmul.f32 v44, v43  }
0x349: {  	v25 =	vand.u32 $0xFFFF0000, v25;
	v24 =	vand.u32 $0xFFFF0000, v42  }
0x34a: {  	v24 =	vmul.f32 v24, v25;
	v26 =	vmul.f32 v26, v18  }
0x34b: {  	v45 =	vshll.u32 v22, $0x10;
	v46 =	vshll.u32 v23, $0x10  }
0x34c: {  	v25 =	vmul.f32 v46, v45;
	v24 =	vmul.f32 v24, v20;
	v26 =	vadd.f32 $0.0e+00, v26  }
0x34d: {  	v22 =	vand.u32 $0xFFFF0000, v22;
	v23 =	vand.u32 $0xFFFF0000, v23  }
0x34e: {  	s29 =	sadd.s32 $0xB, s26;
	v22 =	vmul.f32 v23, v22;
	v25 =	vmul.f32 v25, v19;
	v24 =	vadd.f32 v26, v24  }
0x34f: {  	v23 =	vmov s29  }
0x350: {  	v47 =	vor.u32 $0x100, v23;
	v22 =	vmul.f32 v22, v21;
	v24 =	vadd.f32 v25, v24;
	_ =	sdelay $0x1  }
0x351: {  	v22 =	vadd.f32 v24, v22;
	_ =	sdelay $0x1  }
0x352: {  	[tilespmem:$0x10B20] =	vst v22  }
0x353: {  	v22 =	vld.idx.msk [tilespmem:v47+s21+$0x0], $0xffff  }
0x354: {  	v48 =	vld.idx.msk [tilespmem:v47+s22+$0x0], $0xffff;
	_ =	sdelay $0x3  }
0x355: {  	v49 =	vadd.s32 v0, v22  }
0x356: {  	v23 =	vshll.u32 v23, $0x7;
	v51 =	vadd.s32 v0, v48;
	v50 =	vand.u32 $0xFFFFFF80, v49  }
0x357: {  	v25 =	vand.u32 $0x7F, v49;
	v52 =	vand.u32 $0xFFFFFF80, v51;
	v26 =	vadd.s32 v23, v50  }
0x358: {  	v53 =	vand.u32 $0x7F, v51;
	v54 =	vadd.s32 v23, v52;
	v25 =	vor.u32 v25, v26  }
0x359: {  	v22 =	vadd.s32 v2, v22;
	v26 =	vor.u32 v53, v54  }
0x35a: {  	v24 =	vadd.s32 v2, v48;
	v55 =	vand.u32 $0xFFFFFF80, v22  }
0x35b: {  	v22 =	vand.u32 $0x7F, v22;
	v56 =	vand.u32 $0xFFFFFF80, v24;
	v27 =	vadd.s32 v23, v55  }
0x35c: {  	v24 =	vand.u32 $0x7F, v24;
	v23 =	vadd.s32 v23, v56;
	v22 =	vor.u32 v22, v27  }
0x35d: {  	v23 =	vor.u32 v24, v23;
	v25 =	vld.idx.msk [tilespmem:v25+s17+$0x0], $0xffff  }
0x35e: {  	v57 =	vld.idx.msk [tilespmem:v26+s18+$0x0], $0xffff;
	_ =	sdelay $0x2  }
0x35f: {  	v22 =	vld.idx.msk [tilespmem:v22+s17+$0x0], $0xffff  }
0x360: {  	v23 =	vld.idx.msk [tilespmem:v23+s18+$0x0], $0xffff  }
0x361: {  	v58 =	vshll.u32 v25, $0x10;
	v59 =	vshll.u32 v57, $0x10  }
0x362: {  	v26 =	vmul.f32 v59, v58  }
0x363: {  	v25 =	vand.u32 $0xFFFF0000, v25;
	v24 =	vand.u32 $0xFFFF0000, v57  }
0x364: {  	v24 =	vmul.f32 v24, v25;
	v26 =	vmul.f32 v26, v18  }
0x365: {  	v60 =	vshll.u32 v22, $0x10;
	v61 =	vshll.u32 v23, $0x10  }
0x366: {  	v25 =	vmul.f32 v61, v60;
	v24 =	vmul.f32 v24, v20;
	v26 =	vadd.f32 $0.0e+00, v26  }
0x367: {  	v22 =	vand.u32 $0xFFFF0000, v22;
	v23 =	vand.u32 $0xFFFF0000, v23  }
0x368: {  	s30 =	sadd.s32 $0xC, s26;
	v22 =	vmul.f32 v23, v22;
	v25 =	vmul.f32 v25, v19;
	v24 =	vadd.f32 v26, v24  }
0x369: {  	v23 =	vmov s30  }
0x36a: {  	v62 =	vor.u32 $0x100, v23;
	v22 =	vmul.f32 v22, v21;
	v24 =	vadd.f32 v25, v24;
	_ =	sdelay $0x1  }
0x36b: {  	v22 =	vadd.f32 v24, v22;
	_ =	sdelay $0x1  }
0x36c: {  	[tilespmem:$0x10B30] =	vst v22  }
0x36d: {  	v22 =	vld.idx.msk [tilespmem:v62+s21+$0x0], $0xffff  }
0x36e: {  	v63 =	vld.idx.msk [tilespmem:v62+s22+$0x0], $0xffff;
	_ =	sdelay $0x3  }
0x36f: {  	v30 =	vadd.s32 v0, v22  }
0x370: {  	v23 =	vshll.u32 v23, $0x7;
	v32 =	vadd.s32 v0, v63;
	v31 =	vand.u32 $0xFFFFFF80, v30  }
0x371: {  	v25 =	vand.u32 $0x7F, v30;
	v33 =	vand.u32 $0xFFFFFF80, v32;
	v26 =	vadd.s32 v23, v31  }
0x372: {  	v34 =	vand.u32 $0x7F, v32;
	v35 =	vadd.s32 v23, v33;
	v25 =	vor.u32 v25, v26  }
0x373: {  	v22 =	vadd.s32 v2, v22;
	v26 =	vor.u32 v34, v35  }
0x374: {  	v24 =	vadd.s32 v2, v63;
	v36 =	vand.u32 $0xFFFFFF80, v22  }
0x375: {  	v22 =	vand.u32 $0x7F, v22;
	v37 =	vand.u32 $0xFFFFFF80, v24;
	v27 =	vadd.s32 v23, v36  }
0x376: {  	v24 =	vand.u32 $0x7F, v24;
	v23 =	vadd.s32 v23, v37;
	v22 =	vor.u32 v22, v27  }
0x377: {  	v23 =	vor.u32 v24, v23;
	v25 =	vld.idx.msk [tilespmem:v25+s17+$0x0], $0xffff  }
0x378: {  	v38 =	vld.idx.msk [tilespmem:v26+s18+$0x0], $0xffff;
	_ =	sdelay $0x2  }
0x379: {  	v22 =	vld.idx.msk [tilespmem:v22+s17+$0x0], $0xffff  }
0x37a: {  	v23 =	vld.idx.msk [tilespmem:v23+s18+$0x0], $0xffff  }
0x37b: {  	v39 =	vshll.u32 v25, $0x10;
	v40 =	vshll.u32 v38, $0x10  }
0x37c: {  	v26 =	vmul.f32 v40, v39  }
0x37d: {  	v25 =	vand.u32 $0xFFFF0000, v25;
	v24 =	vand.u32 $0xFFFF0000, v38  }
0x37e: {  	v24 =	vmul.f32 v24, v25;
	v26 =	vmul.f32 v26, v18  }
0x37f: {  	v41 =	vshll.u32 v22, $0x10;
	v42 =	vshll.u32 v23, $0x10  }
0x380: {  	v25 =	vmul.f32 v42, v41;
	v24 =	vmul.f32 v24, v20;
	v26 =	vadd.f32 $0.0e+00, v26  }
0x381: {  	v22 =	vand.u32 $0xFFFF0000, v22;
	v23 =	vand.u32 $0xFFFF0000, v23  }
0x382: {  	s31 =	sadd.s32 $0xD, s26;
	v22 =	vmul.f32 v23, v22;
	v25 =	vmul.f32 v25, v19;
	v24 =	vadd.f32 v26, v24  }
0x383: {  	v23 =	vmov s31  }
0x384: {  	v43 =	vor.u32 $0x100, v23;
	v22 =	vmul.f32 v22, v21;
	v24 =	vadd.f32 v25, v24;
	_ =	sdelay $0x1  }
0x385: {  	v22 =	vadd.f32 v24, v22;
	_ =	sdelay $0x1  }
0x386: {  	[tilespmem:$0x10B40] =	vst v22  }
0x387: {  	v22 =	vld.idx.msk [tilespmem:v43+s21+$0x0], $0xffff  }
0x388: {  	v44 =	vld.idx.msk [tilespmem:v43+s22+$0x0], $0xffff;
	_ =	sdelay $0x3  }
0x389: {  	v45 =	vadd.s32 v0, v22  }
0x38a: {  	v23 =	vshll.u32 v23, $0x7;
	v47 =	vadd.s32 v0, v44;
	v46 =	vand.u32 $0xFFFFFF80, v45  }
0x38b: {  	v25 =	vand.u32 $0x7F, v45;
	v48 =	vand.u32 $0xFFFFFF80, v47;
	v26 =	vadd.s32 v23, v46  }
0x38c: {  	v49 =	vand.u32 $0x7F, v47;
	v50 =	vadd.s32 v23, v48;
	v25 =	vor.u32 v25, v26  }
0x38d: {  	v22 =	vadd.s32 v2, v22;
	v26 =	vor.u32 v49, v50  }
0x38e: {  	v24 =	vadd.s32 v2, v44;
	v51 =	vand.u32 $0xFFFFFF80, v22  }
0x38f: {  	v22 =	vand.u32 $0x7F, v22;
	v52 =	vand.u32 $0xFFFFFF80, v24;
	v27 =	vadd.s32 v23, v51  }
0x390: {  	v24 =	vand.u32 $0x7F, v24;
	v23 =	vadd.s32 v23, v52;
	v22 =	vor.u32 v22, v27  }
0x391: {  	v23 =	vor.u32 v24, v23;
	v25 =	vld.idx.msk [tilespmem:v25+s17+$0x0], $0xffff  }
0x392: {  	v53 =	vld.idx.msk [tilespmem:v26+s18+$0x0], $0xffff;
	_ =	sdelay $0x2  }
0x393: {  	v22 =	vld.idx.msk [tilespmem:v22+s17+$0x0], $0xffff  }
0x394: {  	v23 =	vld.idx.msk [tilespmem:v23+s18+$0x0], $0xffff  }
0x395: {  	v54 =	vshll.u32 v25, $0x10;
	v55 =	vshll.u32 v53, $0x10  }
0x396: {  	v26 =	vmul.f32 v55, v54  }
0x397: {  	v25 =	vand.u32 $0xFFFF0000, v25;
	v24 =	vand.u32 $0xFFFF0000, v53  }
0x398: {  	v24 =	vmul.f32 v24, v25;
	v26 =	vmul.f32 v26, v18  }
0x399: {  	v56 =	vshll.u32 v22, $0x10;
	v57 =	vshll.u32 v23, $0x10  }
0x39a: {  	v25 =	vmul.f32 v57, v56;
	v24 =	vmul.f32 v24, v20;
	v26 =	vadd.f32 $0.0e+00, v26  }
0x39b: {  	v22 =	vand.u32 $0xFFFF0000, v22;
	v23 =	vand.u32 $0xFFFF0000, v23  }
0x39c: {  	s29 =	sadd.s32 $0xE, s26;
	v22 =	vmul.f32 v23, v22;
	v25 =	vmul.f32 v25, v19;
	v24 =	vadd.f32 v26, v24  }
0x39d: {  	v23 =	vmov s29  }
0x39e: {  	v58 =	vor.u32 $0x100, v23;
	v22 =	vmul.f32 v22, v21;
	v24 =	vadd.f32 v25, v24;
	_ =	sdelay $0x1  }
0x39f: {  	v22 =	vadd.f32 v24, v22;
	_ =	sdelay $0x1  }
0x3a0: {  	[tilespmem:$0x10B50] =	vst v22  }
0x3a1: {  	v22 =	vld.idx.msk [tilespmem:v58+s21+$0x0], $0xffff  }
0x3a2: {  	v59 =	vld.idx.msk [tilespmem:v58+s22+$0x0], $0xffff;
	_ =	sdelay $0x3  }
0x3a3: {  	v60 =	vadd.s32 v0, v22  }
0x3a4: {  	v23 =	vshll.u32 v23, $0x7;
	v62 =	vadd.s32 v0, v59;
	v61 =	vand.u32 $0xFFFFFF80, v60  }
0x3a5: {  	v25 =	vand.u32 $0x7F, v60;
	v63 =	vand.u32 $0xFFFFFF80, v62;
	v26 =	vadd.s32 v23, v61  }
0x3a6: {  	v30 =	vand.u32 $0x7F, v62;
	v31 =	vadd.s32 v23, v63;
	v25 =	vor.u32 v25, v26  }
0x3a7: {  	v22 =	vadd.s32 v2, v22;
	v26 =	vor.u32 v30, v31  }
0x3a8: {  	v24 =	vadd.s32 v2, v59;
	v32 =	vand.u32 $0xFFFFFF80, v22  }
0x3a9: {  	v22 =	vand.u32 $0x7F, v22;
	v33 =	vand.u32 $0xFFFFFF80, v24;
	v27 =	vadd.s32 v23, v32  }
0x3aa: {  	v24 =	vand.u32 $0x7F, v24;
	v23 =	vadd.s32 v23, v33;
	v22 =	vor.u32 v22, v27  }
0x3ab: {  	v23 =	vor.u32 v24, v23;
	v25 =	vld.idx.msk [tilespmem:v25+s17+$0x0], $0xffff  }
0x3ac: {  	v34 =	vld.idx.msk [tilespmem:v26+s18+$0x0], $0xffff;
	_ =	sdelay $0x2  }
0x3ad: {  	v22 =	vld.idx.msk [tilespmem:v22+s17+$0x0], $0xffff  }
0x3ae: {  	v23 =	vld.idx.msk [tilespmem:v23+s18+$0x0], $0xffff  }
0x3af: {  	v35 =	vshll.u32 v25, $0x10;
	v36 =	vshll.u32 v34, $0x10  }
0x3b0: {  	v26 =	vmul.f32 v36, v35  }
0x3b1: {  	v25 =	vand.u32 $0xFFFF0000, v25;
	v24 =	vand.u32 $0xFFFF0000, v34  }
0x3b2: {  	v24 =	vmul.f32 v24, v25;
	v26 =	vmul.f32 v26, v18  }
0x3b3: {  	v37 =	vshll.u32 v22, $0x10;
	v38 =	vshll.u32 v23, $0x10  }
0x3b4: {  	v25 =	vmul.f32 v38, v37;
	v24 =	vmul.f32 v24, v20;
	v26 =	vadd.f32 $0.0e+00, v26  }
0x3b5: {  	v22 =	vand.u32 $0xFFFF0000, v22;
	v23 =	vand.u32 $0xFFFF0000, v23  }
0x3b6: {  	s30 =	sadd.s32 $0xF, s26;
	v22 =	vmul.f32 v23, v22;
	v25 =	vmul.f32 v25, v19;
	v24 =	vadd.f32 v26, v24  }
0x3b7: {  	v23 =	vmov s30  }
0x3b8: {  	v39 =	vor.u32 $0x100, v23;
	v22 =	vmul.f32 v22, v21;
	v24 =	vadd.f32 v25, v24;
	_ =	sdelay $0x1  }
0x3b9: {  	v22 =	vadd.f32 v24, v22;
	_ =	sdelay $0x1  }
0x3ba: {  	[tilespmem:$0x10B60] =	vst v22  }
0x3bb: {  	v22 =	vld.idx.msk [tilespmem:v39+s21+$0x0], $0xffff  }
0x3bc: {  	v40 =	vld.idx.msk [tilespmem:v39+s22+$0x0], $0xffff;
	_ =	sdelay $0x3  }
0x3bd: {  	v41 =	vadd.s32 v0, v22  }
0x3be: {  	v23 =	vshll.u32 v23, $0x7;
	v43 =	vadd.s32 v0, v40;
	v42 =	vand.u32 $0xFFFFFF80, v41  }
0x3bf: {  	v25 =	vand.u32 $0x7F, v41;
	v44 =	vand.u32 $0xFFFFFF80, v43;
	v26 =	vadd.s32 v23, v42  }
0x3c0: {  	v45 =	vand.u32 $0x7F, v43;
	v46 =	vadd.s32 v23, v44;
	v25 =	vor.u32 v25, v26  }
0x3c1: {  	v22 =	vadd.s32 v2, v22;
	v26 =	vor.u32 v45, v46  }
0x3c2: {  	v24 =	vadd.s32 v2, v40;
	v47 =	vand.u32 $0xFFFFFF80, v22  }
0x3c3: {  	v22 =	vand.u32 $0x7F, v22;
	v48 =	vand.u32 $0xFFFFFF80, v24;
	v27 =	vadd.s32 v23, v47  }
0x3c4: {  	v24 =	vand.u32 $0x7F, v24;
	v23 =	vadd.s32 v23, v48;
	v22 =	vor.u32 v22, v27  }
0x3c5: {  	v23 =	vor.u32 v24, v23;
	v25 =	vld.idx.msk [tilespmem:v25+s17+$0x0], $0xffff  }
0x3c6: {  	v49 =	vld.idx.msk [tilespmem:v26+s18+$0x0], $0xffff;
	_ =	sdelay $0x2  }
0x3c7: {  	v22 =	vld.idx.msk [tilespmem:v22+s17+$0x0], $0xffff  }
0x3c8: {  	v23 =	vld.idx.msk [tilespmem:v23+s18+$0x0], $0xffff  }
0x3c9: {  	v50 =	vshll.u32 v25, $0x10;
	v51 =	vshll.u32 v49, $0x10  }
0x3ca: {  	v26 =	vmul.f32 v51, v50  }
0x3cb: {  	v25 =	vand.u32 $0xFFFF0000, v25;
	v24 =	vand.u32 $0xFFFF0000, v49  }
0x3cc: {  	v24 =	vmul.f32 v24, v25;
	v26 =	vmul.f32 v26, v18  }
0x3cd: {  	v52 =	vshll.u32 v22, $0x10;
	v53 =	vshll.u32 v23, $0x10  }
0x3ce: {  	v25 =	vmul.f32 v53, v52;
	v24 =	vmul.f32 v24, v20;
	v26 =	vadd.f32 $0.0e+00, v26  }
0x3cf: {  	v22 =	vand.u32 $0xFFFF0000, v22;
	v23 =	vand.u32 $0xFFFF0000, v23  }
0x3d0: {  	v22 =	vmul.f32 v23, v22;
	v25 =	vmul.f32 v25, v19;
	v24 =	vadd.f32 v26, v24;
	_ =	sdelay $0x1  }
0x3d1: {  	v22 =	vmul.f32 v22, v21;
	v23 =	vadd.f32 v25, v24;
	_ =	sdelay $0x1  }
0x3d2: {  	v22 =	vadd.f32 v23, v22;
	_ =	sdelay $0x1  }
0x3d3: {  	[tilespmem:$0x10B70] =	vst v22  }
0x3d4: {  	v22 =	vld.idx.msk [tilespmem:v1+s23+$0x0], $0xffff  }
0x3d5: {  	v23 =	vld.idx.msk [tilespmem:v3+s23+$0x0], $0xffff;
	_ =	sdelay $0x1  }
0x3d6: {  	v54 =	vld.idx.msk [tilespmem:v4+s23+$0x0], $0xffff;
	_ =	sdelay $0x1  }
0x3d7: {  	v55 =	vld.idx.msk [tilespmem:v5+s23+$0x0], $0xffff  }
0x3d8: {  	v22 =	vadd.f32 v23, v22  }
0x3d9: {  	v23 =	vld.idx.msk [tilespmem:v6+s23+$0x0], $0xffff  }
0x3da: {  	v22 =	vadd.f32 v54, v22  }
0x3db: {  	v56 =	vld.idx.msk [tilespmem:v7+s23+$0x0], $0xffff  }
0x3dc: {  	v22 =	vadd.f32 v55, v22  }
0x3dd: {  	v57 =	vld.idx.msk [tilespmem:v8+s23+$0x0], $0xffff  }
0x3de: {  	v22 =	vadd.f32 v23, v22  }
0x3df: {  	v23 =	vld.idx.msk [tilespmem:v9+s23+$0x0], $0xffff  }
0x3e0: {  	v22 =	vadd.f32 v56, v22  }
0x3e1: {  	v58 =	vld.idx.msk [tilespmem:v10+s23+$0x0], $0xffff  }
0x3e2: {  	v22 =	vadd.f32 v57, v22  }
0x3e3: {  	v59 =	vld.idx.msk [tilespmem:v11+s23+$0x0], $0xffff  }
0x3e4: {  	v22 =	vadd.f32 v23, v22  }
0x3e5: {  	v23 =	vld.idx.msk [tilespmem:v12+s23+$0x0], $0xffff  }
0x3e6: {  	v22 =	vadd.f32 v58, v22  }
0x3e7: {  	v60 =	vld.idx.msk [tilespmem:v13+s23+$0x0], $0xffff  }
0x3e8: {  	v22 =	vadd.f32 v59, v22  }
0x3e9: {  	v61 =	vld.idx.msk [tilespmem:v14+s23+$0x0], $0xffff  }
0x3ea: {  	v22 =	vadd.f32 v23, v22  }
0x3eb: {  	v23 =	vld.idx.msk [tilespmem:v15+s23+$0x0], $0xffff  }
0x3ec: {  	v22 =	vadd.f32 v60, v22  }
0x3ed: {  	v62 =	vld.idx.msk [tilespmem:v16+s23+$0x0], $0xffff  }
0x3ee: {  	v22 =	vadd.f32 v61, v22  }
0x3ef: {  	v63 =	vld.idx.msk [tilespmem:v17+s23+$0x0], $0xffff  }
0x3f0: {  	v22 =	vadd.f32 v23, v22  }
0x3f1: {  	p0 =	sne.s32 s26, $0xF0  }
.Ltmp5:
0x3f2: {  	v22 =	vadd.f32 v62, v22;
	(pc) =	sbr.rel @p0 .LBB2_12-.Ltmp5, $4  }
0x3f3: {  	_ = 	snop  }
0x3f4: {  	v22 =	vadd.f32 v63, v22  }
0x3f5: {  	s31 =	sand.u32 $0xF0, s26  }
0x3f6: {  	s26 =	sadd.s32 $0x10, s26;
	[tilespmem:s31+$0x10980] =	vst v22  }
0x3f7: {  	s25 =	sadd.s32 $0x1, s25  }
0x3f8: {  	p0 =	sne.s32 s25, s11  }
.Ltmp6:
0x3f9: {  	_ = 	snop;
	(pc) =	sbr.rel @p0 .LBB2_1-.Ltmp6, $4  }
0x3fa: {  	[hbm4b:s10+s3] =	stream.linear.scatter [tilespmem:s24], [sflag:$0x3], $0x200, $0x38;
	[tilespmem:$0x10B80] =	vst v63  }
0x3fb: {  	_ =	swait.ge [sflag:s12], $0x200  }
0x3fc: {  	[sflag:s12] =	ssyncset.done $0x0  }
0x3fd: {  	[sflag:s12] =	ssyncadd.s32 $0xFFFFFE00  }
0x3fe: {  	_ =	sfence.sel $0x180000  }
0x3ff: {  	[bflag:$0x0] =	sbarrier.arrive $0xFFFF  }
0x400: {  	p0 =	sne.s32 s2, $0x0;
	_ =	strace $0x90000047  }
0x401: {  	s0 =	sadd.s32 @!p0 $0x100000, s0;
	[bflag:$0x2] =	sbarrier.arrive $0xFFFF  }
0x402: {  	[sflag:s0] =	ssyncadd.tile.s32 @!p0 $0x1;
	_ =	shalt  }
.Lfunc_end2:
_tile_overlayer_lowered:
.L_overlay_start_2:
0x403: {  	(tag) =	ssettag $0x2  }
0x404: {  	s0 =	rddreg [dreg:$0x0];
	s2 =	stileid.u32  }
0x405: {  	s1 =	rddreg [dreg:$0x1];
	p0 =	sne.s32 s2, $0x0  }
0x406: {  	s3 =	rddreg [dreg:$0x2];
	[bflag:$0x3] =	sbarrier.arrive $0xFFFF;
	s2 =	simm.s32 @!p0 $0x1C03  }
0x407: {  	[timem:s3], [sflag:s2] =	dma.local @!p0 [hbm:s0], s1  }
0x408: {  	s0 =	simm.s32 @!p0 $0x3  }
0x409: {  	_ =	swait.ge @!p0 [sflag:s0], s1  }
0x40a: {  	s1 =	ssub.s32 @!p0 $0x0, s1;
	[sflag:s0] =	ssyncset.done @!p0 $0x0  }
0x40b: {  	[sflag:s0] =	ssyncadd.s32 @!p0 s1  }
0x40c: {  	[bflag:$0x3] =	sbarrier.arrive $0xFFFF  }
0x40d: {  	_ =	shalt  }

</sc_bundles>
